<compile_context>
chip_gen: v7x
topology: tpu7x:2x2x1
jax: 0.10.2.dev20260603
libtpu: 0.0.44.dev20260713+nightly
codegen_flags: <defaults>
</compile_context>

<pallas_src>
import functools

import jax
import jax.numpy as jnp
from jax import lax
from jax.experimental import pallas as pl
from jax.experimental.pallas import tpu as pltpu
from jax.experimental.pallas import tpu_sc as plsc

N = 10000
E = 320000
G = 256
D = 128
NC = 2
NS = 16
NW = NC * NS
EPW = E // NW
CHUNK = 125
NCH = EPW // CHUNK
W = 8
NWIN = NCH // W
N_PAD = 10112
RPW = N_PAD // NS
CNT_PAD = 10240
CPW = CNT_PAD // NS
GPW = G // NW
RB = 128
RB1 = 2000

_mesh = plsc.VectorSubcoreMesh(core_axis_name="c", subcore_axis_name="s")


def _agg_body(with_cnt, *refs):
    if with_cnt:
        (x_hbm, src_hbm, dst_hbm, zrow_hbm, zcnt_hbm, ones_hbm,
         s_out, cnt_out, s_sh, cnt_sh, stg_src, stg_dst, g_a, g_b, ones_v,
         sem_a, sem_b, sem_i, sem_sa, sem_sb, sem_c) = refs
    else:
        (x_hbm, src_hbm, dst_hbm, zrow_hbm,
         s_out, s_sh, stg_src, stg_dst, g_a, g_b,
         sem_a, sem_b, sem_i, sem_sa, sem_sb) = refs
    cid = lax.axis_index("c")
    sid = lax.axis_index("s")
    wid = cid * NS + sid

    pltpu.sync_copy(zrow_hbm.at[pl.ds(sid * RPW, RPW)],
                    s_sh.at[pl.ds(sid * RPW, RPW)])
    if with_cnt:
        pltpu.sync_copy(zcnt_hbm.at[pl.ds(sid * CPW, CPW)],
                        cnt_sh.at[pl.ds(sid * CPW, CPW)])
        pltpu.sync_copy(ones_hbm, ones_v)
    plsc.subcore_barrier()

    def gather(p, c, buf, sem):
        pltpu.async_copy(x_hbm.at[stg_src.at[p, c]], buf, sem)

    def gwait(p, c, buf, sem):
        pltpu.make_async_copy(x_hbm.at[stg_src.at[p, c]], buf, sem).wait()

    def scatter(p, c, buf):
        pltpu.sync_copy(buf, s_sh.at[stg_dst.at[p, c]], add=True)
        if with_cnt:
            pltpu.async_copy(ones_v, cnt_sh.at[stg_dst.at[p, c]], sem_c,
                             add=True)

    pltpu.sync_copy(src_hbm.at[pl.ds(wid * NCH, W)], stg_src.at[0])
    pltpu.sync_copy(dst_hbm.at[pl.ds(wid * NCH, W)], stg_dst.at[0])
    gather(0, 0, g_a, sem_a)

    def window(win, _):
        p = win % 2
        nxt = jnp.minimum(win + 1, NWIN - 1)
        nbase = wid * NCH + nxt * W
        pltpu.async_copy(src_hbm.at[pl.ds(nbase, W)], stg_src.at[1 - p], sem_i)
        pltpu.async_copy(dst_hbm.at[pl.ds(nbase, W)], stg_dst.at[1 - p], sem_i)
        for t in range(W // 2 - 1):
            c0 = 2 * t
            gwait(p, c0, g_a, sem_a)
            gather(p, c0 + 1, g_b, sem_b)
            scatter(p, c0, g_a)
            gwait(p, c0 + 1, g_b, sem_b)
            gather(p, c0 + 2, g_a, sem_a)
            scatter(p, c0 + 1, g_b)
        gwait(p, W - 2, g_a, sem_a)
        gather(p, W - 1, g_b, sem_b)
        scatter(p, W - 2, g_a)
        gwait(p, W - 1, g_b, sem_b)
        pltpu.make_async_copy(src_hbm.at[pl.ds(nbase, W)], stg_src.at[1 - p],
                              sem_i).wait()
        pltpu.make_async_copy(dst_hbm.at[pl.ds(nbase, W)], stg_dst.at[1 - p],
                              sem_i).wait()
        gather(1 - p, 0, g_a, sem_a)
        scatter(p, W - 1, g_b)
        return 0

    lax.fori_loop(0, NWIN, window, 0)
    gwait(0, 0, g_a, sem_a)
    if with_cnt:
        def drain(c, _):
            pltpu.make_async_copy(ones_v, cnt_sh.at[stg_dst.at[0, 0]],
                                  sem_c).wait()
            return 0

        lax.fori_loop(0, NCH, drain, 0)
    plsc.subcore_barrier()

    r = sid * RPW
    pltpu.sync_copy(s_sh.at[pl.ds(r, RPW)], s_out.at[pl.ds(cid * N_PAD + r, RPW)])
    if with_cnt:
        pltpu.sync_copy(cnt_sh.at[pl.ds(sid * CPW, CPW)],
                        cnt_out.at[pl.ds(cid * CNT_PAD + sid * CPW, CPW)])


def _make_agg(with_cnt):
    out_type = [jax.ShapeDtypeStruct((NC * N_PAD, D), jnp.float32)]
    scratch = [
        pltpu.VMEM_SHARED((N_PAD, D), jnp.float32),
        pltpu.VMEM((2, W, CHUNK), jnp.int32),
        pltpu.VMEM((2, W, CHUNK), jnp.int32),
        pltpu.VMEM((CHUNK, D), jnp.float32),
        pltpu.VMEM((CHUNK, D), jnp.float32),
        pltpu.SemaphoreType.DMA,
        pltpu.SemaphoreType.DMA,
        pltpu.SemaphoreType.DMA,
        pltpu.SemaphoreType.DMA,
        pltpu.SemaphoreType.DMA,
    ]
    if with_cnt:
        out_type.append(jax.ShapeDtypeStruct((NC * CNT_PAD,), jnp.float32))
        scratch = ([scratch[0], pltpu.VMEM_SHARED((CNT_PAD,), jnp.float32)]
                   + scratch[1:-5]
                   + [pltpu.VMEM((CHUNK,), jnp.float32)]
                   + [pltpu.SemaphoreType.DMA] * 6)
    return pl.kernel(
        functools.partial(_agg_body, with_cnt),
        out_type=out_type,
        mesh=_mesh,
        scratch_types=scratch,
    )


def _sload(ref, idx):
    return ref[pl.ds(idx, 16)][0]


NCOARSE = (N + 15) // 16


def _pool_body(h_hbm, batch_hbm, coarse_hbm, ninf_hbm, out_hbm,
               coarse_v, bwin, rbuf, acc, sem):
    cid = lax.axis_index("c")
    sid = lax.axis_index("s")
    wid = cid * NS + sid
    g0 = wid * GPW
    pltpu.sync_copy(coarse_hbm, coarse_v.at[pl.ds(0, NCOARSE)])
    pltpu.sync_copy(ninf_hbm, acc)

    def lower_bound(tgt):
        pos = jnp.int32(0)
        w = 1024
        while w:
            cand = pos + w
            v = _sload(coarse_v, jnp.minimum(cand, NCOARSE) - 1)
            pos = jnp.where((cand <= NCOARSE) & (v < tgt), cand, pos)
            w //= 2
        return pos

    lo = jnp.maximum(lower_bound(g0) - 1, 0) * 16
    hi = jnp.minimum(lower_bound(g0 + GPW) * 16, N)

    nwin = (hi - lo + RB - 1) // RB

    def step(k, _):
        rc = pl.multiple_of(jnp.minimum(lo + k * RB, N - RB), 8)
        pltpu.sync_copy(h_hbm.at[pl.ds(rc, RB)], rbuf)
        pltpu.sync_copy(batch_hbm.at[pl.ds(rc, RB)], bwin.at[pl.ds(0, RB)])

        def row(i, _):
            g = _sload(bwin, i)
            gl = g - g0
            valid = (gl >= 0) & (gl < GPW)
            glc = jnp.where(valid, gl, GPW)
            for j in range(D // 16):
                cur = acc[glc, pl.ds(j * 16, 16)]
                new = jnp.maximum(cur, rbuf[i, pl.ds(j * 16, 16)])
                acc[glc, pl.ds(j * 16, 16)] = new
            return 0

        lax.fori_loop(0, RB, row, 0)
        return 0

    lax.fori_loop(0, nwin, step, 0)
    pltpu.sync_copy(acc.at[pl.ds(0, GPW)], out_hbm.at[pl.ds(g0, GPW)])


_pool = pl.kernel(
    _pool_body,
    out_type=jax.ShapeDtypeStruct((G, D), jnp.float32),
    mesh=_mesh,
    scratch_types=[
        pltpu.VMEM((NCOARSE + 31, ), jnp.int32),
        pltpu.VMEM((RB + 16,), jnp.int32),
        pltpu.VMEM((RB, D), jnp.float32),
        pltpu.VMEM((GPW + 1, D), jnp.float32),
        pltpu.SemaphoreType.DMA,
    ],
)

_CONTRACT_T = (((1,), (1,)), ((), ()))


def _dense_block(apply_ln, s_ref, cnt_ref, x_ref, wl_ref, wr_ref, b_ref,
                 g_ref, bb_ref, o_ref):
    s = s_ref[0] + s_ref[1]
    cnt = cnt_ref[0] + cnt_ref[1]
    mean = s / jnp.maximum(cnt, 1.0)
    h = (lax.dot_general(mean, wl_ref[...], _CONTRACT_T,
                         preferred_element_type=jnp.float32)
         + lax.dot_general(x_ref[...], wr_ref[...], _CONTRACT_T,
                           preferred_element_type=jnp.float32)
         + b_ref[...])
    if apply_ln:
        mu = jnp.mean(h, axis=-1, keepdims=True)
        var = jnp.mean((h - mu) ** 2, axis=-1, keepdims=True)
        h = (h - mu) * lax.rsqrt(var + 1e-5) * g_ref[...] + bb_ref[...]
        h = jnp.maximum(h, 0.0)
    o_ref[...] = h


def _make_dense(apply_ln):
    return pl.pallas_call(
        functools.partial(_dense_block, apply_ln),
        grid=(N // RB1,),
        in_specs=[
            pl.BlockSpec((NC, RB1, D), lambda i: (0, i, 0)),
            pl.BlockSpec((NC, RB1, 1), lambda i: (0, i, 0)),
            pl.BlockSpec((RB1, D), lambda i: (i, 0)),
            pl.BlockSpec((D, D), lambda i: (0, 0)),
            pl.BlockSpec((D, D), lambda i: (0, 0)),
            pl.BlockSpec((1, D), lambda i: (0, 0)),
            pl.BlockSpec((1, D), lambda i: (0, 0)),
            pl.BlockSpec((1, D), lambda i: (0, 0)),
        ],
        out_specs=pl.BlockSpec((RB1, D), lambda i: (i, 0)),
        out_shape=jax.ShapeDtypeStruct((N, D), jnp.float32),
    )


def _head_block(p_ref, w_ref, b_ref, g_ref, bb_ref, o_ref):
    y = lax.dot_general(p_ref[...], w_ref[...], _CONTRACT_T,
                        preferred_element_type=jnp.float32) + b_ref[...]
    y = jnp.maximum(y, 0.0)
    mu = jnp.mean(y, axis=-1, keepdims=True)
    var = jnp.mean((y - mu) ** 2, axis=-1, keepdims=True)
    o_ref[...] = (y - mu) * lax.rsqrt(var + 1e-5) * g_ref[...] + bb_ref[...]


_head = pl.pallas_call(
    _head_block,
    out_shape=jax.ShapeDtypeStruct((G, D), jnp.float32),
)

_agg1 = _make_agg(True)
_agg2 = _make_agg(False)
_dense1 = _make_dense(True)
_dense2 = _make_dense(False)


def kernel(atom_features, edge_index, batch, W1l, b1, W1r, gn1, bn1,
           W2l, b2, W2r, Wout, bout, g_ln, b_ln):
    src2 = edge_index[0].reshape(E // CHUNK, CHUNK)
    dst2 = edge_index[1].reshape(E // CHUNK, CHUNK)
    zrow = jnp.zeros((N_PAD, D), jnp.float32)
    zcnt = jnp.zeros((CNT_PAD,), jnp.float32)
    ones = jnp.ones((CHUNK,), jnp.float32)
    ninf = jnp.full((GPW + 1, D), float("-inf"), jnp.float32)

    s1, cnt = _agg1(atom_features, src2, dst2, zrow, zcnt, ones)
    s1 = s1.reshape(NC, N_PAD, D)
    cnt3 = cnt.reshape(NC, CNT_PAD, 1)
    b1r = b1.reshape(1, D)
    h1 = _dense1(s1, cnt3, atom_features, W1l, W1r, b1r,
                 gn1.reshape(1, D), bn1.reshape(1, D))
    (s2,) = _agg2(h1, src2, dst2, zrow)
    s2 = s2.reshape(NC, N_PAD, D)
    h2 = _dense2(s2, cnt3, h1, W2l, W2r, b2.reshape(1, D),
                 gn1.reshape(1, D), bn1.reshape(1, D))
    coarse = batch[::16]
    pooled = _pool(h2, batch, coarse, ninf)
    return _head(pooled, Wout, bout.reshape(1, D),
                 g_ln.reshape(1, D), b_ln.reshape(1, D))

# --- scband reference (transcript-rebuilt; emitter-appended) ---
"""Pipeline reference for scband-drug-embed-35734127903524 (READ-ONLY COPY).

The authoritative reference and input builder live on the scoring server;
editing this copy changes nothing except your own understanding.
"""

import jax, jax.numpy as jnp
import numpy as np

N_NODES = 10000
N_EDGES = 320000
N_GRAPHS = 256
D = 128


def layer_norm(x, g, b, eps=1e-5):
    mu = jnp.mean(x, axis=-1, keepdims=True)
    var = jnp.var(x, axis=-1, keepdims=True)
    return (x - mu) / jnp.sqrt(var + eps) * g + b


def sage_conv(x, src, dst, Wl, bl, Wr):
    # PyG SAGEConv: out = lin_l(mean_{j in N(i)} x_j) + lin_r(x_i)
    msg = jnp.take(x, src, axis=0)
    s = jax.ops.segment_sum(msg, dst, num_segments=N_NODES)
    cnt = jax.ops.segment_sum(jnp.ones((src.shape[0],), x.dtype), dst, num_segments=N_NODES)
    mean = s / jnp.maximum(cnt, 1.0)[:, None]
    return mean @ Wl.T + bl + x @ Wr.T


def setup_inputs(seed: int = 0):
    key = jax.random.key(seed)
    ks = jax.random.split(key, 12)
    s = 1.0 / np.sqrt(D)
    inp = {}
    inp["atom_features"] = jax.random.normal(ks[0], (N_NODES, D), dtype=jnp.float32)
    inp["edge_index"] = jax.random.randint(ks[1], (2, N_EDGES), 0, N_NODES, dtype=jnp.int32)
    inp["batch"] = jnp.sort(jax.random.randint(ks[2], (N_NODES,), 0, N_GRAPHS, dtype=jnp.int32))
    inp["W1l"] = jax.random.uniform(ks[3], (D, D), jnp.float32, -s, s)
    inp["b1"] = jax.random.uniform(ks[4], (D,), jnp.float32, -s, s)
    inp["W1r"] = jax.random.uniform(ks[5], (D, D), jnp.float32, -s, s)
    inp["gn1"] = jnp.ones((D,), jnp.float32)
    inp["bn1"] = jnp.zeros((D,), jnp.float32)
    inp["W2l"] = jax.random.uniform(ks[6], (D, D), jnp.float32, -s, s)
    inp["b2"] = jax.random.uniform(ks[7], (D,), jnp.float32, -s, s)
    inp["W2r"] = jax.random.uniform(ks[8], (D, D), jnp.float32, -s, s)
    inp["Wout"] = jax.random.uniform(ks[9], (D, D), jnp.float32, -s, s)
    inp["bout"] = jax.random.uniform(ks[10], (D,), jnp.float32, -s, s)
    inp["g_ln"] = jnp.ones((D,), jnp.float32)
    inp["b_ln"] = jnp.zeros((D,), jnp.float32)
    return inp


def reference(atom_features, edge_index, batch, W1l, b1, W1r, gn1, bn1, W2l, b2, W2r, Wout, bout, g_ln, b_ln):
    src = edge_index[0]
    dst = edge_index[1]
    # GraphSAGE (num_layers=2, norm='layer_norm', dropout inactive at eval)
    x = sage_conv(atom_features, src, dst, W1l, b1, W1r)
    x = layer_norm(x, gn1, bn1)
    x = jax.nn.relu(x)
    x = sage_conv(x, src, dst, W2l, b2, W2r)
    # global_max_pool over batch segment ids
    pooled = jax.ops.segment_max(x, batch, num_segments=N_GRAPHS)
    # out linear -> ReLU -> LayerNorm
    y = pooled @ Wout.T + bout
    y = jax.nn.relu(y)
    y = layer_norm(y, g_ln, b_ln)
    return y

if __name__ == "__main__":
    import jax
    _d = setup_inputs()
    print(jax.jit(kernel)(*tuple(_d.values())))

</pallas_src>

<mosaic_0001>
#map = affine_map<(d0, d1) -> (0, 0)>
module attributes {stable_mosaic.version = 14 : i64} {
  func.func @_agg_body(%arg0: i32, %arg1: i32, %arg2: memref<10000x128xf32, #tpu.memory_space<hbm>>, %arg3: memref<2560x125xi32, #tpu.memory_space<hbm>>, %arg4: memref<2560x125xi32, #tpu.memory_space<hbm>>, %arg5: memref<10112x128xf32, #tpu.memory_space<hbm>>, %arg6: memref<20224x128xf32, #tpu.memory_space<hbm>>, %arg7: memref<10112x128xf32, #tpu.memory_space<vmem_shared>>, %arg8: memref<2x8x125xi32, #tpu.memory_space<vmem>>, %arg9: memref<2x8x125xi32, #tpu.memory_space<vmem>>, %arg10: memref<125x128xf32, #tpu.memory_space<vmem>>, %arg11: memref<125x128xf32, #tpu.memory_space<vmem>>, %arg12: memref<!tpu.dma_semaphore, #tpu.memory_space<semaphore_mem>>, %arg13: memref<!tpu.dma_semaphore, #tpu.memory_space<semaphore_mem>>, %arg14: memref<!tpu.dma_semaphore, #tpu.memory_space<semaphore_mem>>, %arg15: memref<!tpu.dma_semaphore, #tpu.memory_space<semaphore_mem>>, %arg16: memref<!tpu.dma_semaphore, #tpu.memory_space<semaphore_mem>>) attributes {dimension_semantics = [#tpu.dimension_semantics<core_parallel>, #tpu.dimension_semantics<subcore_parallel>], iteration_bounds = array<i64: 2, 16>, scalar_prefetch = 0 : i64, scratch_operands = 10 : i64, tpu.core_type = #tpu.core_type<sc_vector_subcore>, window_params = [{transform_indices = #map}, {transform_indices = #map}, {transform_indices = #map}, {transform_indices = #map}, {transform_indices = #map}]} {
    %mul3A = arith.constant 16 : i32
    %mul3A_0 = arith.muli %arg0, %mul3A : i32
    %add3A = arith.addi %mul3A_0, %arg1 : i32
    %mul3A_1 = arith.constant 632 : i32
    %mul3A_2 = arith.muli %arg1, %mul3A_1 : i32
    %mul3A_3 = arith.constant 632 : i32
    %mul3A_4 = arith.muli %arg1, %mul3A_3 : i32
    "tpu.region"() ({
      %run_scoped3A_36 = tpu.sem_alloc : memref<!tpu.dma_semaphore, #tpu.memory_space<semaphore_mem>>
      %dma_start3A_37 = arith.constant 0 : i32
      %dma_start3A_38 = tpu.memref_slice %arg7[%mul3A_4, %dma_start3A_37] : memref<10112x128xf32, #tpu.memory_space<vmem_shared>> -> memref<632x128xf32, #tpu.memory_space<vmem_shared>>
      %dma_start3A_39 = arith.constant 0 : i32
      %dma_start3A_40 = tpu.memref_slice %arg5[%mul3A_2, %dma_start3A_39] : memref<10112x128xf32, #tpu.memory_space<hbm>> -> memref<632x128xf32, #tpu.memory_space<hbm>>
      tpu.enqueue_dma source(%dma_start3A_40 : memref<632x128xf32, #tpu.memory_space<hbm>>) target(%dma_start3A_38 : memref<632x128xf32, #tpu.memory_space<vmem_shared>>) target_semaphore(%run_scoped3A_36 : memref<!tpu.dma_semaphore, #tpu.memory_space<semaphore_mem>>)
      %dma_wait3A_41 = arith.constant 0 : i32
      %dma_wait3A_42 = tpu.memref_slice %arg7[%mul3A_4, %dma_wait3A_41] : memref<10112x128xf32, #tpu.memory_space<vmem_shared>> -> memref<632x128xf32, #tpu.memory_space<vmem_shared>>
      %dma_wait3A_43 = arith.constant 0 : i32
      %dma_wait3A_44 = tpu.memref_slice %arg5[%mul3A_2, %dma_wait3A_43] : memref<10112x128xf32, #tpu.memory_space<hbm>> -> memref<632x128xf32, #tpu.memory_space<hbm>>
      tpu.wait_dma2 semaphore(%run_scoped3A_36 : memref<!tpu.dma_semaphore, #tpu.memory_space<semaphore_mem>>) src(%dma_wait3A_44 : memref<632x128xf32, #tpu.memory_space<hbm>>) dst(%dma_wait3A_42 : memref<632x128xf32, #tpu.memory_space<vmem_shared>>)
      tpu.yield
    }) : () -> ()
    %barrier3A = arith.constant 0 : index
    tpu.barrier barrier_id(%barrier3A)
    %mul3A_5 = arith.constant 80 : i32
    %mul3A_6 = arith.muli %add3A, %mul3A_5 : i32
    %run_scoped3A = arith.constant 0 : i32
    "tpu.region"() ({
      %run_scoped3A_36 = tpu.sem_alloc : memref<!tpu.dma_semaphore, #tpu.memory_space<semaphore_mem>>
      %dma_start3A_37 = arith.constant 0 : i32
      %dma_start3A_38 = arith.constant 0 : i32
      %dma_start3A_39 = tpu.memref_slice %arg8[%run_scoped3A, %dma_start3A_37, %dma_start3A_38] : memref<2x8x125xi32, #tpu.memory_space<vmem>> -> memref<1x8x125xi32, #tpu.memory_space<vmem>>
      %dma_start3A_40 = tpu.memref_squeeze %dma_start3A_39 : memref<1x8x125xi32, #tpu.memory_space<vmem>> -> memref<8x125xi32, #tpu.memory_space<vmem>>
      %dma_start3A_41 = arith.constant 0 : i32
      %dma_start3A_42 = tpu.memref_slice %arg3[%mul3A_6, %dma_start3A_41] : memref<2560x125xi32, #tpu.memory_space<hbm>> -> memref<8x125xi32, #tpu.memory_space<hbm>>
      %dma_start3A_43 = arith.constant 0 : i32
      %dma_start3A_44 = arith.constant 0 : i32
      %dma_start3A_45 = tpu.memref_slice %arg8[%run_scoped3A, %dma_start3A_43, %dma_start3A_44] : memref<2x8x125xi32, #tpu.memory_space<vmem>> -> memref<1x8x125xi32, #tpu.memory_space<vmem>>
      %dma_start3A_46 = tpu.memref_squeeze %dma_start3A_45 : memref<1x8x125xi32, #tpu.memory_space<vmem>> -> memref<8x125xi32, #tpu.memory_space<vmem>>
      %dma_start3A_47 = arith.constant 0 : i32
      %dma_start3A_48 = tpu.memref_slice %arg3[%mul3A_6, %dma_start3A_47] : memref<2560x125xi32, #tpu.memory_space<hbm>> -> memref<8x125xi32, #tpu.memory_space<hbm>>
      tpu.enqueue_dma source(%dma_start3A_48 : memref<8x125xi32, #tpu.memory_space<hbm>>) target(%dma_start3A_46 : memref<8x125xi32, #tpu.memory_space<vmem>>) target_semaphore(%run_scoped3A_36 : memref<!tpu.dma_semaphore, #tpu.memory_space<semaphore_mem>>)
      %dma_wait3A_49 = arith.constant 0 : i32
      %dma_wait3A_50 = arith.constant 0 : i32
      %dma_wait3A_51 = tpu.memref_slice %arg8[%run_scoped3A, %dma_wait3A_49, %dma_wait3A_50] : memref<2x8x125xi32, #tpu.memory_space<vmem>> -> memref<1x8x125xi32, #tpu.memory_space<vmem>>
      %dma_wait3A_52 = tpu.memref_squeeze %dma_wait3A_51 : memref<1x8x125xi32, #tpu.memory_space<vmem>> -> memref<8x125xi32, #tpu.memory_space<vmem>>
      %dma_wait3A_53 = arith.constant 0 : i32
      %dma_wait3A_54 = tpu.memref_slice %arg3[%mul3A_6, %dma_wait3A_53] : memref<2560x125xi32, #tpu.memory_space<hbm>> -> memref<8x125xi32, #tpu.memory_space<hbm>>
      %dma_wait3A_55 = arith.constant 0 : i32
      %dma_wait3A_56 = arith.constant 0 : i32
      %dma_wait3A_57 = tpu.memref_slice %arg8[%run_scoped3A, %dma_wait3A_55, %dma_wait3A_56] : memref<2x8x125xi32, #tpu.memory_space<vmem>> -> memref<1x8x125xi32, #tpu.memory_space<vmem>>
      %dma_wait3A_58 = tpu.memref_squeeze %dma_wait3A_57 : memref<1x8x125xi32, #tpu.memory_space<vmem>> -> memref<8x125xi32, #tpu.memory_space<vmem>>
      %dma_wait3A_59 = arith.constant 0 : i32
      %dma_wait3A_60 = tpu.memref_slice %arg3[%mul3A_6, %dma_wait3A_59] : memref<2560x125xi32, #tpu.memory_space<hbm>> -> memref<8x125xi32, #tpu.memory_space<hbm>>
      tpu.wait_dma2 semaphore(%run_scoped3A_36 : memref<!tpu.dma_semaphore, #tpu.memory_space<semaphore_mem>>) src(%dma_wait3A_60 : memref<8x125xi32, #tpu.memory_space<hbm>>) dst(%dma_wait3A_58 : memref<8x125xi32, #tpu.memory_space<vmem>>)
      tpu.yield
    }) : () -> ()
    %mul3A_7 = arith.constant 80 : i32
    %mul3A_8 = arith.muli %add3A, %mul3A_7 : i32
    %run_scoped3A_9 = arith.constant 0 : i32
    "tpu.region"() ({
      %run_scoped3A_36 = tpu.sem_alloc : memref<!tpu.dma_semaphore, #tpu.memory_space<semaphore_mem>>
      %dma_start3A_37 = arith.constant 0 : i32
      %dma_start3A_38 = arith.constant 0 : i32
      %dma_start3A_39 = tpu.memref_slice %arg9[%run_scoped3A_9, %dma_start3A_37, %dma_start3A_38] : memref<2x8x125xi32, #tpu.memory_space<vmem>> -> memref<1x8x125xi32, #tpu.memory_space<vmem>>
      %dma_start3A_40 = tpu.memref_squeeze %dma_start3A_39 : memref<1x8x125xi32, #tpu.memory_space<vmem>> -> memref<8x125xi32, #tpu.memory_space<vmem>>
      %dma_start3A_41 = arith.constant 0 : i32
      %dma_start3A_42 = tpu.memref_slice %arg4[%mul3A_8, %dma_start3A_41] : memref<2560x125xi32, #tpu.memory_space<hbm>> -> memref<8x125xi32, #tpu.memory_space<hbm>>
      %dma_start3A_43 = arith.constant 0 : i32
      %dma_start3A_44 = arith.constant 0 : i32
      %dma_start3A_45 = tpu.memref_slice %arg9[%run_scoped3A_9, %dma_start3A_43, %dma_start3A_44] : memref<2x8x125xi32, #tpu.memory_space<vmem>> -> memref<1x8x125xi32, #tpu.memory_space<vmem>>
      %dma_start3A_46 = tpu.memref_squeeze %dma_start3A_45 : memref<1x8x125xi32, #tpu.memory_space<vmem>> -> memref<8x125xi32, #tpu.memory_space<vmem>>
      %dma_start3A_47 = arith.constant 0 : i32
      %dma_start3A_48 = tpu.memref_slice %arg4[%mul3A_8, %dma_start3A_47] : memref<2560x125xi32, #tpu.memory_space<hbm>> -> memref<8x125xi32, #tpu.memory_space<hbm>>
      tpu.enqueue_dma source(%dma_start3A_48 : memref<8x125xi32, #tpu.memory_space<hbm>>) target(%dma_start3A_46 : memref<8x125xi32, #tpu.memory_space<vmem>>) target_semaphore(%run_scoped3A_36 : memref<!tpu.dma_semaphore, #tpu.memory_space<semaphore_mem>>)
      %dma_wait3A_49 = arith.constant 0 : i32
      %dma_wait3A_50 = arith.constant 0 : i32
      %dma_wait3A_51 = tpu.memref_slice %arg9[%run_scoped3A_9, %dma_wait3A_49, %dma_wait3A_50] : memref<2x8x125xi32, #tpu.memory_space<vmem>> -> memref<1x8x125xi32, #tpu.memory_space<vmem>>
      %dma_wait3A_52 = tpu.memref_squeeze %dma_wait3A_51 : memref<1x8x125xi32, #tpu.memory_space<vmem>> -> memref<8x125xi32, #tpu.memory_space<vmem>>
      %dma_wait3A_53 = arith.constant 0 : i32
      %dma_wait3A_54 = tpu.memref_slice %arg4[%mul3A_8, %dma_wait3A_53] : memref<2560x125xi32, #tpu.memory_space<hbm>> -> memref<8x125xi32, #tpu.memory_space<hbm>>
      %dma_wait3A_55 = arith.constant 0 : i32
      %dma_wait3A_56 = arith.constant 0 : i32
      %dma_wait3A_57 = tpu.memref_slice %arg9[%run_scoped3A_9, %dma_wait3A_55, %dma_wait3A_56] : memref<2x8x125xi32, #tpu.memory_space<vmem>> -> memref<1x8x125xi32, #tpu.memory_space<vmem>>
      %dma_wait3A_58 = tpu.memref_squeeze %dma_wait3A_57 : memref<1x8x125xi32, #tpu.memory_space<vmem>> -> memref<8x125xi32, #tpu.memory_space<vmem>>
      %dma_wait3A_59 = arith.constant 0 : i32
      %dma_wait3A_60 = tpu.memref_slice %arg4[%mul3A_8, %dma_wait3A_59] : memref<2560x125xi32, #tpu.memory_space<hbm>> -> memref<8x125xi32, #tpu.memory_space<hbm>>
      tpu.wait_dma2 semaphore(%run_scoped3A_36 : memref<!tpu.dma_semaphore, #tpu.memory_space<semaphore_mem>>) src(%dma_wait3A_60 : memref<8x125xi32, #tpu.memory_space<hbm>>) dst(%dma_wait3A_58 : memref<8x125xi32, #tpu.memory_space<vmem>>)
      tpu.yield
    }) : () -> ()
    %dma_start3A = arith.constant 0 : i32
    %dma_start3A_10 = arith.constant 0 : i32
    %dma_start3A_11 = arith.constant 0 : i32
    %dma_start3A_12 = tpu.memref_slice %arg8[%dma_start3A, %dma_start3A_10, %dma_start3A_11] : memref<2x8x125xi32, #tpu.memory_space<vmem>> -> memref<1x1x125xi32, #tpu.memory_space<vmem>>
    %dma_start3A_13 = tpu.memref_squeeze %dma_start3A_12 : memref<1x1x125xi32, #tpu.memory_space<vmem>> -> memref<125xi32, #tpu.memory_space<vmem>>
    %dma_start3A_14 = arith.constant 0 : i32
    %dma_start3A_15 = arith.constant 0 : i32
    %dma_start3A_16 = tpu.memref_slice %arg2[%dma_start3A_14, %dma_start3A_15] : memref<10000x128xf32, #tpu.memory_space<hbm>> -> memref<10000x128xf32, #tpu.memory_space<hbm>>
    tpu.enqueue_indirect_dma source(%dma_start3A_16 : memref<10000x128xf32, #tpu.memory_space<hbm>>) target(%arg10 : memref<125x128xf32, #tpu.memory_space<vmem>>) offsets(%dma_start3A_13 : memref<125xi32, #tpu.memory_space<vmem>>) semaphore(%arg12 : memref<!tpu.dma_semaphore, #tpu.memory_space<semaphore_mem>>)
    %scan3A = arith.constant 0 : i32
    %scan3A_17 = arith.constant 0 : i32
    %scan3A_18 = arith.constant 10 : i32
    %scan3A_19 = arith.addi %scan3A_17, %scan3A_18 : i32
    %scan3A_20 = arith.constant 1 : i32
    %scan3A_21 = scf.for %scan3A_36 = %scan3A_17 to %scan3A_19 step %scan3A_20 iter_args(%scan3A_37 = %scan3A) -> (i32)  : i32 {
      %jit3A = arith.constant 2 : i32
      %eq3A = arith.constant 0 : i32
      %eq3A_38 = arith.cmpi eq, %jit3A, %eq3A : i32
      %jit3A_39 = arith.constant 1 : i32
      %select_n3A = arith.select %eq3A_38, %jit3A_39, %jit3A : i32
      %rem3A = arith.remsi %scan3A_36, %select_n3A : i32
      %ne3A = arith.constant 0 : i32
      %ne3A_40 = arith.cmpi ne, %rem3A, %ne3A : i32
      %lt3A = arith.constant 0 : i32
      %lt3A_41 = arith.cmpi slt, %rem3A, %lt3A : i32
      %lt3A_42 = arith.constant 0 : i32
      %lt3A_43 = arith.cmpi slt, %select_n3A, %lt3A_42 : i32
      %ne3A_44 = arith.xori %lt3A_41, %lt3A_43 : i1
      %and3A = arith.andi %ne3A_44, %ne3A_40 : i1
      %add3A_45 = arith.addi %rem3A, %select_n3A : i32
      %select_n3A_46 = arith.select %and3A, %add3A_45, %rem3A : i32
      %add3A_47 = arith.constant 1 : i32
      %add3A_48 = arith.addi %scan3A_36, %add3A_47 : i32
      %min3A = arith.constant 9 : i32
      %min3A_49 = arith.minsi %add3A_48, %min3A : i32
      %mul3A_50 = arith.constant 80 : i32
      %mul3A_51 = arith.muli %add3A, %mul3A_50 : i32
      %mul3A_52 = arith.constant 8 : i32
      %mul3A_53 = arith.muli %min3A_49, %mul3A_52 : i32
      %add3A_54 = arith.addi %mul3A_51, %mul3A_53 : i32
      %sub3A = arith.constant 1 : i32
      %sub3A_55 = arith.subi %sub3A, %select_n3A_46 : i32
      %dma_start3A_56 = arith.constant 0 : i32
      %dma_start3A_57 = arith.constant 0 : i32
      %dma_start3A_58 = tpu.memref_slice %arg8[%sub3A_55, %dma_start3A_56, %dma_start3A_57] : memref<2x8x125xi32, #tpu.memory_space<vmem>> -> memref<1x8x125xi32, #tpu.memory_space<vmem>>
      %dma_start3A_59 = tpu.memref_squeeze %dma_start3A_58 : memref<1x8x125xi32, #tpu.memory_space<vmem>> -> memref<8x125xi32, #tpu.memory_space<vmem>>
      %dma_start3A_60 = arith.constant 0 : i32
      %dma_start3A_61 = tpu.memref_slice %arg3[%add3A_54, %dma_start3A_60] : memref<2560x125xi32, #tpu.memory_space<hbm>> -> memref<8x125xi32, #tpu.memory_space<hbm>>
      %dma_start3A_62 = arith.constant 0 : i32
      %dma_start3A_63 = arith.constant 0 : i32
      %dma_start3A_64 = tpu.memref_slice %arg8[%sub3A_55, %dma_start3A_62, %dma_start3A_63] : memref<2x8x125xi32, #tpu.memory_space<vmem>> -> memref<1x8x125xi32, #tpu.memory_space<vmem>>
      %dma_start3A_65 = tpu.memref_squeeze %dma_start3A_64 : memref<1x8x125xi32, #tpu.memory_space<vmem>> -> memref<8x125xi32, #tpu.memory_space<vmem>>
      %dma_start3A_66 = arith.constant 0 : i32
      %dma_start3A_67 = tpu.memref_slice %arg3[%add3A_54, %dma_start3A_66] : memref<2560x125xi32, #tpu.memory_space<hbm>> -> memref<8x125xi32, #tpu.memory_space<hbm>>
      tpu.enqueue_dma source(%dma_start3A_67 : memref<8x125xi32, #tpu.memory_space<hbm>>) target(%dma_start3A_65 : memref<8x125xi32, #tpu.memory_space<vmem>>) target_semaphore(%arg14 : memref<!tpu.dma_semaphore, #tpu.memory_space<semaphore_mem>>)
      %sub3A_68 = arith.constant 1 : i32
      %sub3A_69 = arith.subi %sub3A_68, %select_n3A_46 : i32
      %dma_start3A_70 = arith.constant 0 : i32
      %dma_start3A_71 = arith.constant 0 : i32
      %dma_start3A_72 = tpu.memref_slice %arg9[%sub3A_69, %dma_start3A_70, %dma_start3A_71] : memref<2x8x125xi32, #tpu.memory_space<vmem>> -> memref<1x8x125xi32, #tpu.memory_space<vmem>>
      %dma_start3A_73 = tpu.memref_squeeze %dma_start3A_72 : memref<1x8x125xi32, #tpu.memory_space<vmem>> -> memref<8x125xi32, #tpu.memory_space<vmem>>
      %dma_start3A_74 = arith.constant 0 : i32
      %dma_start3A_75 = tpu.memref_slice %arg4[%add3A_54, %dma_start3A_74] : memref<2560x125xi32, #tpu.memory_space<hbm>> -> memref<8x125xi32, #tpu.memory_space<hbm>>
      %dma_start3A_76 = arith.constant 0 : i32
      %dma_start3A_77 = arith.constant 0 : i32
      %dma_start3A_78 = tpu.memref_slice %arg9[%sub3A_69, %dma_start3A_76, %dma_start3A_77] : memref<2x8x125xi32, #tpu.memory_space<vmem>> -> memref<1x8x125xi32, #tpu.memory_space<vmem>>
      %dma_start3A_79 = tpu.memref_squeeze %dma_start3A_78 : memref<1x8x125xi32, #tpu.memory_space<vmem>> -> memref<8x125xi32, #tpu.memory_space<vmem>>
      %dma_start3A_80 = arith.constant 0 : i32
      %dma_start3A_81 = tpu.memref_slice %arg4[%add3A_54, %dma_start3A_80] : memref<2560x125xi32, #tpu.memory_space<hbm>> -> memref<8x125xi32, #tpu.memory_space<hbm>>
      tpu.enqueue_dma source(%dma_start3A_81 : memref<8x125xi32, #tpu.memory_space<hbm>>) target(%dma_start3A_79 : memref<8x125xi32, #tpu.memory_space<vmem>>) target_semaphore(%arg14 : memref<!tpu.dma_semaphore, #tpu.memory_space<semaphore_mem>>)
      %dma_wait3A_82 = arith.constant 0 : i32
      %dma_wait3A_83 = arith.constant 0 : i32
      %dma_wait3A_84 = tpu.memref_slice %arg8[%select_n3A_46, %dma_wait3A_82, %dma_wait3A_83] : memref<2x8x125xi32, #tpu.memory_space<vmem>> -> memref<1x1x125xi32, #tpu.memory_space<vmem>>
      %dma_wait3A_85 = tpu.memref_squeeze %dma_wait3A_84 : memref<1x1x125xi32, #tpu.memory_space<vmem>> -> memref<125xi32, #tpu.memory_space<vmem>>
      %dma_wait3A_86 = arith.constant 0 : i32
      %dma_wait3A_87 = arith.constant 0 : i32
      %dma_wait3A_88 = tpu.memref_slice %arg2[%dma_wait3A_86, %dma_wait3A_87] : memref<10000x128xf32, #tpu.memory_space<hbm>> -> memref<10000x128xf32, #tpu.memory_space<hbm>>
      tpu.wait_indirect_dma semaphore(%arg12 : memref<!tpu.dma_semaphore, #tpu.memory_space<semaphore_mem>>) src(%dma_wait3A_88 : memref<10000x128xf32, #tpu.memory_space<hbm>>) dst(%arg10 : memref<125x128xf32, #tpu.memory_space<vmem>>)
      %dma_start3A_89 = arith.constant 1 : i32
      %dma_start3A_90 = arith.constant 0 : i32
      %dma_start3A_91 = tpu.memref_slice %arg8[%select_n3A_46, %dma_start3A_89, %dma_start3A_90] : memref<2x8x125xi32, #tpu.memory_space<vmem>> -> memref<1x1x125xi32, #tpu.memory_space<vmem>>
      %dma_start3A_92 = tpu.memref_squeeze %dma_start3A_91 : memref<1x1x125xi32, #tpu.memory_space<vmem>> -> memref<125xi32, #tpu.memory_space<vmem>>
      %dma_start3A_93 = arith.constant 0 : i32
      %dma_start3A_94 = arith.constant 0 : i32
      %dma_start3A_95 = tpu.memref_slice %arg2[%dma_start3A_93, %dma_start3A_94] : memref<10000x128xf32, #tpu.memory_space<hbm>> -> memref<10000x128xf32, #tpu.memory_space<hbm>>
      tpu.enqueue_indirect_dma source(%dma_start3A_95 : memref<10000x128xf32, #tpu.memory_space<hbm>>) target(%arg11 : memref<125x128xf32, #tpu.memory_space<vmem>>) offsets(%dma_start3A_92 : memref<125xi32, #tpu.memory_space<vmem>>) semaphore(%arg13 : memref<!tpu.dma_semaphore, #tpu.memory_space<semaphore_mem>>)
      %run_scoped3A_96 = arith.constant 0 : i32
      "tpu.region"() ({
        %run_scoped3A_233 = tpu.sem_alloc : memref<!tpu.dma_semaphore, #tpu.memory_space<semaphore_mem>>
        %dma_start3A_234 = arith.constant 0 : i32
        %dma_start3A_235 = tpu.memref_slice %arg9[%select_n3A_46, %run_scoped3A_96, %dma_start3A_234] : memref<2x8x125xi32, #tpu.memory_space<vmem>> -> memref<1x1x125xi32, #tpu.memory_space<vmem>>
        %dma_start3A_236 = tpu.memref_squeeze %dma_start3A_235 : memref<1x1x125xi32, #tpu.memory_space<vmem>> -> memref<125xi32, #tpu.memory_space<vmem>>
        %dma_start3A_237 = arith.constant 0 : i32
        %dma_start3A_238 = arith.constant 0 : i32
        %dma_start3A_239 = tpu.memref_slice %arg7[%dma_start3A_237, %dma_start3A_238] : memref<10112x128xf32, #tpu.memory_space<vmem_shared>> -> memref<10112x128xf32, #tpu.memory_space<vmem_shared>>
        tpu.enqueue_indirect_dma source(%arg10 : memref<125x128xf32, #tpu.memory_space<vmem>>) target(%dma_start3A_239 : memref<10112x128xf32, #tpu.memory_space<vmem_shared>>) offsets(%dma_start3A_236 : memref<125xi32, #tpu.memory_space<vmem>>) semaphore(%run_scoped3A_233 : memref<!tpu.dma_semaphore, #tpu.memory_space<semaphore_mem>>) {add = true}
        %dma_wait3A_240 = arith.constant 0 : i32
        %dma_wait3A_241 = tpu.memref_slice %arg9[%select_n3A_46, %run_scoped3A_96, %dma_wait3A_240] : memref<2x8x125xi32, #tpu.memory_space<vmem>> -> memref<1x1x125xi32, #tpu.memory_space<vmem>>
        %dma_wait3A_242 = tpu.memref_squeeze %dma_wait3A_241 : memref<1x1x125xi32, #tpu.memory_space<vmem>> -> memref<125xi32, #tpu.memory_space<vmem>>
        %dma_wait3A_243 = arith.constant 0 : i32
        %dma_wait3A_244 = arith.constant 0 : i32
        %dma_wait3A_245 = tpu.memref_slice %arg7[%dma_wait3A_243, %dma_wait3A_244] : memref<10112x128xf32, #tpu.memory_space<vmem_shared>> -> memref<10112x128xf32, #tpu.memory_space<vmem_shared>>
        tpu.wait_indirect_dma semaphore(%run_scoped3A_233 : memref<!tpu.dma_semaphore, #tpu.memory_space<semaphore_mem>>) src(%arg10 : memref<125x128xf32, #tpu.memory_space<vmem>>) dst(%dma_wait3A_245 : memref<10112x128xf32, #tpu.memory_space<vmem_shared>>)
        tpu.yield
      }) : () -> ()
      %dma_wait3A_97 = arith.constant 1 : i32
      %dma_wait3A_98 = arith.constant 0 : i32
      %dma_wait3A_99 = tpu.memref_slice %arg8[%select_n3A_46, %dma_wait3A_97, %dma_wait3A_98] : memref<2x8x125xi32, #tpu.memory_space<vmem>> -> memref<1x1x125xi32, #tpu.memory_space<vmem>>
      %dma_wait3A_100 = tpu.memref_squeeze %dma_wait3A_99 : memref<1x1x125xi32, #tpu.memory_space<vmem>> -> memref<125xi32, #tpu.memory_space<vmem>>
      %dma_wait3A_101 = arith.constant 0 : i32
      %dma_wait3A_102 = arith.constant 0 : i32
      %dma_wait3A_103 = tpu.memref_slice %arg2[%dma_wait3A_101, %dma_wait3A_102] : memref<10000x128xf32, #tpu.memory_space<hbm>> -> memref<10000x128xf32, #tpu.memory_space<hbm>>
      tpu.wait_indirect_dma semaphore(%arg13 : memref<!tpu.dma_semaphore, #tpu.memory_space<semaphore_mem>>) src(%dma_wait3A_103 : memref<10000x128xf32, #tpu.memory_space<hbm>>) dst(%arg11 : memref<125x128xf32, #tpu.memory_space<vmem>>)
      %dma_start3A_104 = arith.constant 2 : i32
      %dma_start3A_105 = arith.constant 0 : i32
      %dma_start3A_106 = tpu.memref_slice %arg8[%select_n3A_46, %dma_start3A_104, %dma_start3A_105] : memref<2x8x125xi32, #tpu.memory_space<vmem>> -> memref<1x1x125xi32, #tpu.memory_space<vmem>>
      %dma_start3A_107 = tpu.memref_squeeze %dma_start3A_106 : memref<1x1x125xi32, #tpu.memory_space<vmem>> -> memref<125xi32, #tpu.memory_space<vmem>>
      %dma_start3A_108 = arith.constant 0 : i32
      %dma_start3A_109 = arith.constant 0 : i32
      %dma_start3A_110 = tpu.memref_slice %arg2[%dma_start3A_108, %dma_start3A_109] : memref<10000x128xf32, #tpu.memory_space<hbm>> -> memref<10000x128xf32, #tpu.memory_space<hbm>>
      tpu.enqueue_indirect_dma source(%dma_start3A_110 : memref<10000x128xf32, #tpu.memory_space<hbm>>) target(%arg10 : memref<125x128xf32, #tpu.memory_space<vmem>>) offsets(%dma_start3A_107 : memref<125xi32, #tpu.memory_space<vmem>>) semaphore(%arg12 : memref<!tpu.dma_semaphore, #tpu.memory_space<semaphore_mem>>)
      %run_scoped3A_111 = arith.constant 1 : i32
      "tpu.region"() ({
        %run_scoped3A_233 = tpu.sem_alloc : memref<!tpu.dma_semaphore, #tpu.memory_space<semaphore_mem>>
        %dma_start3A_234 = arith.constant 0 : i32
        %dma_start3A_235 = tpu.memref_slice %arg9[%select_n3A_46, %run_scoped3A_111, %dma_start3A_234] : memref<2x8x125xi32, #tpu.memory_space<vmem>> -> memref<1x1x125xi32, #tpu.memory_space<vmem>>
        %dma_start3A_236 = tpu.memref_squeeze %dma_start3A_235 : memref<1x1x125xi32, #tpu.memory_space<vmem>> -> memref<125xi32, #tpu.memory_space<vmem>>
        %dma_start3A_237 = arith.constant 0 : i32
        %dma_start3A_238 = arith.constant 0 : i32
        %dma_start3A_239 = tpu.memref_slice %arg7[%dma_start3A_237, %dma_start3A_238] : memref<10112x128xf32, #tpu.memory_space<vmem_shared>> -> memref<10112x128xf32, #tpu.memory_space<vmem_shared>>
        tpu.enqueue_indirect_dma source(%arg11 : memref<125x128xf32, #tpu.memory_space<vmem>>) target(%dma_start3A_239 : memref<10112x128xf32, #tpu.memory_space<vmem_shared>>) offsets(%dma_start3A_236 : memref<125xi32, #tpu.memory_space<vmem>>) semaphore(%run_scoped3A_233 : memref<!tpu.dma_semaphore, #tpu.memory_space<semaphore_mem>>) {add = true}
        %dma_wait3A_240 = arith.constant 0 : i32
        %dma_wait3A_241 = tpu.memref_slice %arg9[%select_n3A_46, %run_scoped3A_111, %dma_wait3A_240] : memref<2x8x125xi32, #tpu.memory_space<vmem>> -> memref<1x1x125xi32, #tpu.memory_space<vmem>>
        %dma_wait3A_242 = tpu.memref_squeeze %dma_wait3A_241 : memref<1x1x125xi32, #tpu.memory_space<vmem>> -> memref<125xi32, #tpu.memory_space<vmem>>
        %dma_wait3A_243 = arith.constant 0 : i32
        %dma_wait3A_244 = arith.constant 0 : i32
        %dma_wait3A_245 = tpu.memref_slice %arg7[%dma_wait3A_243, %dma_wait3A_244] : memref<10112x128xf32, #tpu.memory_space<vmem_shared>> -> memref<10112x128xf32, #tpu.memory_space<vmem_shared>>
        tpu.wait_indirect_dma semaphore(%run_scoped3A_233 : memref<!tpu.dma_semaphore, #tpu.memory_space<semaphore_mem>>) src(%arg11 : memref<125x128xf32, #tpu.memory_space<vmem>>) dst(%dma_wait3A_245 : memref<10112x128xf32, #tpu.memory_space<vmem_shared>>)
        tpu.yield
      }) : () -> ()
      %dma_wait3A_112 = arith.constant 2 : i32
      %dma_wait3A_113 = arith.constant 0 : i32
      %dma_wait3A_114 = tpu.memref_slice %arg8[%select_n3A_46, %dma_wait3A_112, %dma_wait3A_113] : memref<2x8x125xi32, #tpu.memory_space<vmem>> -> memref<1x1x125xi32, #tpu.memory_space<vmem>>
      %dma_wait3A_115 = tpu.memref_squeeze %dma_wait3A_114 : memref<1x1x125xi32, #tpu.memory_space<vmem>> -> memref<125xi32, #tpu.memory_space<vmem>>
      %dma_wait3A_116 = arith.constant 0 : i32
      %dma_wait3A_117 = arith.constant 0 : i32
      %dma_wait3A_118 = tpu.memref_slice %arg2[%dma_wait3A_116, %dma_wait3A_117] : memref<10000x128xf32, #tpu.memory_space<hbm>> -> memref<10000x128xf32, #tpu.memory_space<hbm>>
      tpu.wait_indirect_dma semaphore(%arg12 : memref<!tpu.dma_semaphore, #tpu.memory_space<semaphore_mem>>) src(%dma_wait3A_118 : memref<10000x128xf32, #tpu.memory_space<hbm>>) dst(%arg10 : memref<125x128xf32, #tpu.memory_space<vmem>>)
      %dma_start3A_119 = arith.constant 3 : i32
      %dma_start3A_120 = arith.constant 0 : i32
      %dma_start3A_121 = tpu.memref_slice %arg8[%select_n3A_46, %dma_start3A_119, %dma_start3A_120] : memref<2x8x125xi32, #tpu.memory_space<vmem>> -> memref<1x1x125xi32, #tpu.memory_space<vmem>>
      %dma_start3A_122 = tpu.memref_squeeze %dma_start3A_121 : memref<1x1x125xi32, #tpu.memory_space<vmem>> -> memref<125xi32, #tpu.memory_space<vmem>>
      %dma_start3A_123 = arith.constant 0 : i32
      %dma_start3A_124 = arith.constant 0 : i32
      %dma_start3A_125 = tpu.memref_slice %arg2[%dma_start3A_123, %dma_start3A_124] : memref<10000x128xf32, #tpu.memory_space<hbm>> -> memref<10000x128xf32, #tpu.memory_space<hbm>>
      tpu.enqueue_indirect_dma source(%dma_start3A_125 : memref<10000x128xf32, #tpu.memory_space<hbm>>) target(%arg11 : memref<125x128xf32, #tpu.memory_space<vmem>>) offsets(%dma_start3A_122 : memref<125xi32, #tpu.memory_space<vmem>>) semaphore(%arg13 : memref<!tpu.dma_semaphore, #tpu.memory_space<semaphore_mem>>)
      %run_scoped3A_126 = arith.constant 2 : i32
      "tpu.region"() ({
        %run_scoped3A_233 = tpu.sem_alloc : memref<!tpu.dma_semaphore, #tpu.memory_space<semaphore_mem>>
        %dma_start3A_234 = arith.constant 0 : i32
        %dma_start3A_235 = tpu.memref_slice %arg9[%select_n3A_46, %run_scoped3A_126, %dma_start3A_234] : memref<2x8x125xi32, #tpu.memory_space<vmem>> -> memref<1x1x125xi32, #tpu.memory_space<vmem>>
        %dma_start3A_236 = tpu.memref_squeeze %dma_start3A_235 : memref<1x1x125xi32, #tpu.memory_space<vmem>> -> memref<125xi32, #tpu.memory_space<vmem>>
        %dma_start3A_237 = arith.constant 0 : i32
        %dma_start3A_238 = arith.constant 0 : i32
        %dma_start3A_239 = tpu.memref_slice %arg7[%dma_start3A_237, %dma_start3A_238] : memref<10112x128xf32, #tpu.memory_space<vmem_shared>> -> memref<10112x128xf32, #tpu.memory_space<vmem_shared>>
        tpu.enqueue_indirect_dma source(%arg10 : memref<125x128xf32, #tpu.memory_space<vmem>>) target(%dma_start3A_239 : memref<10112x128xf32, #tpu.memory_space<vmem_shared>>) offsets(%dma_start3A_236 : memref<125xi32, #tpu.memory_space<vmem>>) semaphore(%run_scoped3A_233 : memref<!tpu.dma_semaphore, #tpu.memory_space<semaphore_mem>>) {add = true}
        %dma_wait3A_240 = arith.constant 0 : i32
        %dma_wait3A_241 = tpu.memref_slice %arg9[%select_n3A_46, %run_scoped3A_126, %dma_wait3A_240] : memref<2x8x125xi32, #tpu.memory_space<vmem>> -> memref<1x1x125xi32, #tpu.memory_space<vmem>>
        %dma_wait3A_242 = tpu.memref_squeeze %dma_wait3A_241 : memref<1x1x125xi32, #tpu.memory_space<vmem>> -> memref<125xi32, #tpu.memory_space<vmem>>
        %dma_wait3A_243 = arith.constant 0 : i32
        %dma_wait3A_244 = arith.constant 0 : i32
        %dma_wait3A_245 = tpu.memref_slice %arg7[%dma_wait3A_243, %dma_wait3A_244] : memref<10112x128xf32, #tpu.memory_space<vmem_shared>> -> memref<10112x128xf32, #tpu.memory_space<vmem_shared>>
        tpu.wait_indirect_dma semaphore(%run_scoped3A_233 : memref<!tpu.dma_semaphore, #tpu.memory_space<semaphore_mem>>) src(%arg10 : memref<125x128xf32, #tpu.memory_space<vmem>>) dst(%dma_wait3A_245 : memref<10112x128xf32, #tpu.memory_space<vmem_shared>>)
        tpu.yield
      }) : () -> ()
      %dma_wait3A_127 = arith.constant 3 : i32
      %dma_wait3A_128 = arith.constant 0 : i32
      %dma_wait3A_129 = tpu.memref_slice %arg8[%select_n3A_46, %dma_wait3A_127, %dma_wait3A_128] : memref<2x8x125xi32, #tpu.memory_space<vmem>> -> memref<1x1x125xi32, #tpu.memory_space<vmem>>
      %dma_wait3A_130 = tpu.memref_squeeze %dma_wait3A_129 : memref<1x1x125xi32, #tpu.memory_space<vmem>> -> memref<125xi32, #tpu.memory_space<vmem>>
      %dma_wait3A_131 = arith.constant 0 : i32
      %dma_wait3A_132 = arith.constant 0 : i32
      %dma_wait3A_133 = tpu.memref_slice %arg2[%dma_wait3A_131, %dma_wait3A_132] : memref<10000x128xf32, #tpu.memory_space<hbm>> -> memref<10000x128xf32, #tpu.memory_space<hbm>>
      tpu.wait_indirect_dma semaphore(%arg13 : memref<!tpu.dma_semaphore, #tpu.memory_space<semaphore_mem>>) src(%dma_wait3A_133 : memref<10000x128xf32, #tpu.memory_space<hbm>>) dst(%arg11 : memref<125x128xf32, #tpu.memory_space<vmem>>)
      %dma_start3A_134 = arith.constant 4 : i32
      %dma_start3A_135 = arith.constant 0 : i32
      %dma_start3A_136 = tpu.memref_slice %arg8[%select_n3A_46, %dma_start3A_134, %dma_start3A_135] : memref<2x8x125xi32, #tpu.memory_space<vmem>> -> memref<1x1x125xi32, #tpu.memory_space<vmem>>
      %dma_start3A_137 = tpu.memref_squeeze %dma_start3A_136 : memref<1x1x125xi32, #tpu.memory_space<vmem>> -> memref<125xi32, #tpu.memory_space<vmem>>
      %dma_start3A_138 = arith.constant 0 : i32
      %dma_start3A_139 = arith.constant 0 : i32
      %dma_start3A_140 = tpu.memref_slice %arg2[%dma_start3A_138, %dma_start3A_139] : memref<10000x128xf32, #tpu.memory_space<hbm>> -> memref<10000x128xf32, #tpu.memory_space<hbm>>
      tpu.enqueue_indirect_dma source(%dma_start3A_140 : memref<10000x128xf32, #tpu.memory_space<hbm>>) target(%arg10 : memref<125x128xf32, #tpu.memory_space<vmem>>) offsets(%dma_start3A_137 : memref<125xi32, #tpu.memory_space<vmem>>) semaphore(%arg12 : memref<!tpu.dma_semaphore, #tpu.memory_space<semaphore_mem>>)
      %run_scoped3A_141 = arith.constant 3 : i32
      "tpu.region"() ({
        %run_scoped3A_233 = tpu.sem_alloc : memref<!tpu.dma_semaphore, #tpu.memory_space<semaphore_mem>>
        %dma_start3A_234 = arith.constant 0 : i32
        %dma_start3A_235 = tpu.memref_slice %arg9[%select_n3A_46, %run_scoped3A_141, %dma_start3A_234] : memref<2x8x125xi32, #tpu.memory_space<vmem>> -> memref<1x1x125xi32, #tpu.memory_space<vmem>>
        %dma_start3A_236 = tpu.memref_squeeze %dma_start3A_235 : memref<1x1x125xi32, #tpu.memory_space<vmem>> -> memref<125xi32, #tpu.memory_space<vmem>>
        %dma_start3A_237 = arith.constant 0 : i32
        %dma_start3A_238 = arith.constant 0 : i32
        %dma_start3A_239 = tpu.memref_slice %arg7[%dma_start3A_237, %dma_start3A_238] : memref<10112x128xf32, #tpu.memory_space<vmem_shared>> -> memref<10112x128xf32, #tpu.memory_space<vmem_shared>>
        tpu.enqueue_indirect_dma source(%arg11 : memref<125x128xf32, #tpu.memory_space<vmem>>) target(%dma_start3A_239 : memref<10112x128xf32, #tpu.memory_space<vmem_shared>>) offsets(%dma_start3A_236 : memref<125xi32, #tpu.memory_space<vmem>>) semaphore(%run_scoped3A_233 : memref<!tpu.dma_semaphore, #tpu.memory_space<semaphore_mem>>) {add = true}
        %dma_wait3A_240 = arith.constant 0 : i32
        %dma_wait3A_241 = tpu.memref_slice %arg9[%select_n3A_46, %run_scoped3A_141, %dma_wait3A_240] : memref<2x8x125xi32, #tpu.memory_space<vmem>> -> memref<1x1x125xi32, #tpu.memory_space<vmem>>
        %dma_wait3A_242 = tpu.memref_squeeze %dma_wait3A_241 : memref<1x1x125xi32, #tpu.memory_space<vmem>> -> memref<125xi32, #tpu.memory_space<vmem>>
        %dma_wait3A_243 = arith.constant 0 : i32
        %dma_wait3A_244 = arith.constant 0 : i32
        %dma_wait3A_245 = tpu.memref_slice %arg7[%dma_wait3A_243, %dma_wait3A_244] : memref<10112x128xf32, #tpu.memory_space<vmem_shared>> -> memref<10112x128xf32, #tpu.memory_space<vmem_shared>>
        tpu.wait_indirect_dma semaphore(%run_scoped3A_233 : memref<!tpu.dma_semaphore, #tpu.memory_space<semaphore_mem>>) src(%arg11 : memref<125x128xf32, #tpu.memory_space<vmem>>) dst(%dma_wait3A_245 : memref<10112x128xf32, #tpu.memory_space<vmem_shared>>)
        tpu.yield
      }) : () -> ()
      %dma_wait3A_142 = arith.constant 4 : i32
      %dma_wait3A_143 = arith.constant 0 : i32
      %dma_wait3A_144 = tpu.memref_slice %arg8[%select_n3A_46, %dma_wait3A_142, %dma_wait3A_143] : memref<2x8x125xi32, #tpu.memory_space<vmem>> -> memref<1x1x125xi32, #tpu.memory_space<vmem>>
      %dma_wait3A_145 = tpu.memref_squeeze %dma_wait3A_144 : memref<1x1x125xi32, #tpu.memory_space<vmem>> -> memref<125xi32, #tpu.memory_space<vmem>>
      %dma_wait3A_146 = arith.constant 0 : i32
      %dma_wait3A_147 = arith.constant 0 : i32
      %dma_wait3A_148 = tpu.memref_slice %arg2[%dma_wait3A_146, %dma_wait3A_147] : memref<10000x128xf32, #tpu.memory_space<hbm>> -> memref<10000x128xf32, #tpu.memory_space<hbm>>
      tpu.wait_indirect_dma semaphore(%arg12 : memref<!tpu.dma_semaphore, #tpu.memory_space<semaphore_mem>>) src(%dma_wait3A_148 : memref<10000x128xf32, #tpu.memory_space<hbm>>) dst(%arg10 : memref<125x128xf32, #tpu.memory_space<vmem>>)
      %dma_start3A_149 = arith.constant 5 : i32
      %dma_start3A_150 = arith.constant 0 : i32
      %dma_start3A_151 = tpu.memref_slice %arg8[%select_n3A_46, %dma_start3A_149, %dma_start3A_150] : memref<2x8x125xi32, #tpu.memory_space<vmem>> -> memref<1x1x125xi32, #tpu.memory_space<vmem>>
      %dma_start3A_152 = tpu.memref_squeeze %dma_start3A_151 : memref<1x1x125xi32, #tpu.memory_space<vmem>> -> memref<125xi32, #tpu.memory_space<vmem>>
      %dma_start3A_153 = arith.constant 0 : i32
      %dma_start3A_154 = arith.constant 0 : i32
      %dma_start3A_155 = tpu.memref_slice %arg2[%dma_start3A_153, %dma_start3A_154] : memref<10000x128xf32, #tpu.memory_space<hbm>> -> memref<10000x128xf32, #tpu.memory_space<hbm>>
      tpu.enqueue_indirect_dma source(%dma_start3A_155 : memref<10000x128xf32, #tpu.memory_space<hbm>>) target(%arg11 : memref<125x128xf32, #tpu.memory_space<vmem>>) offsets(%dma_start3A_152 : memref<125xi32, #tpu.memory_space<vmem>>) semaphore(%arg13 : memref<!tpu.dma_semaphore, #tpu.memory_space<semaphore_mem>>)
      %run_scoped3A_156 = arith.constant 4 : i32
      "tpu.region"() ({
        %run_scoped3A_233 = tpu.sem_alloc : memref<!tpu.dma_semaphore, #tpu.memory_space<semaphore_mem>>
        %dma_start3A_234 = arith.constant 0 : i32
        %dma_start3A_235 = tpu.memref_slice %arg9[%select_n3A_46, %run_scoped3A_156, %dma_start3A_234] : memref<2x8x125xi32, #tpu.memory_space<vmem>> -> memref<1x1x125xi32, #tpu.memory_space<vmem>>
        %dma_start3A_236 = tpu.memref_squeeze %dma_start3A_235 : memref<1x1x125xi32, #tpu.memory_space<vmem>> -> memref<125xi32, #tpu.memory_space<vmem>>
        %dma_start3A_237 = arith.constant 0 : i32
        %dma_start3A_238 = arith.constant 0 : i32
        %dma_start3A_239 = tpu.memref_slice %arg7[%dma_start3A_237, %dma_start3A_238] : memref<10112x128xf32, #tpu.memory_space<vmem_shared>> -> memref<10112x128xf32, #tpu.memory_space<vmem_shared>>
        tpu.enqueue_indirect_dma source(%arg10 : memref<125x128xf32, #tpu.memory_space<vmem>>) target(%dma_start3A_239 : memref<10112x128xf32, #tpu.memory_space<vmem_shared>>) offsets(%dma_start3A_236 : memref<125xi32, #tpu.memory_space<vmem>>) semaphore(%run_scoped3A_233 : memref<!tpu.dma_semaphore, #tpu.memory_space<semaphore_mem>>) {add = true}
        %dma_wait3A_240 = arith.constant 0 : i32
        %dma_wait3A_241 = tpu.memref_slice %arg9[%select_n3A_46, %run_scoped3A_156, %dma_wait3A_240] : memref<2x8x125xi32, #tpu.memory_space<vmem>> -> memref<1x1x125xi32, #tpu.memory_space<vmem>>
        %dma_wait3A_242 = tpu.memref_squeeze %dma_wait3A_241 : memref<1x1x125xi32, #tpu.memory_space<vmem>> -> memref<125xi32, #tpu.memory_space<vmem>>
        %dma_wait3A_243 = arith.constant 0 : i32
        %dma_wait3A_244 = arith.constant 0 : i32
        %dma_wait3A_245 = tpu.memref_slice %arg7[%dma_wait3A_243, %dma_wait3A_244] : memref<10112x128xf32, #tpu.memory_space<vmem_shared>> -> memref<10112x128xf32, #tpu.memory_space<vmem_shared>>
        tpu.wait_indirect_dma semaphore(%run_scoped3A_233 : memref<!tpu.dma_semaphore, #tpu.memory_space<semaphore_mem>>) src(%arg10 : memref<125x128xf32, #tpu.memory_space<vmem>>) dst(%dma_wait3A_245 : memref<10112x128xf32, #tpu.memory_space<vmem_shared>>)
        tpu.yield
      }) : () -> ()
      %dma_wait3A_157 = arith.constant 5 : i32
      %dma_wait3A_158 = arith.constant 0 : i32
      %dma_wait3A_159 = tpu.memref_slice %arg8[%select_n3A_46, %dma_wait3A_157, %dma_wait3A_158] : memref<2x8x125xi32, #tpu.memory_space<vmem>> -> memref<1x1x125xi32, #tpu.memory_space<vmem>>
      %dma_wait3A_160 = tpu.memref_squeeze %dma_wait3A_159 : memref<1x1x125xi32, #tpu.memory_space<vmem>> -> memref<125xi32, #tpu.memory_space<vmem>>
      %dma_wait3A_161 = arith.constant 0 : i32
      %dma_wait3A_162 = arith.constant 0 : i32
      %dma_wait3A_163 = tpu.memref_slice %arg2[%dma_wait3A_161, %dma_wait3A_162] : memref<10000x128xf32, #tpu.memory_space<hbm>> -> memref<10000x128xf32, #tpu.memory_space<hbm>>
      tpu.wait_indirect_dma semaphore(%arg13 : memref<!tpu.dma_semaphore, #tpu.memory_space<semaphore_mem>>) src(%dma_wait3A_163 : memref<10000x128xf32, #tpu.memory_space<hbm>>) dst(%arg11 : memref<125x128xf32, #tpu.memory_space<vmem>>)
      %dma_start3A_164 = arith.constant 6 : i32
      %dma_start3A_165 = arith.constant 0 : i32
      %dma_start3A_166 = tpu.memref_slice %arg8[%select_n3A_46, %dma_start3A_164, %dma_start3A_165] : memref<2x8x125xi32, #tpu.memory_space<vmem>> -> memref<1x1x125xi32, #tpu.memory_space<vmem>>
      %dma_start3A_167 = tpu.memref_squeeze %dma_start3A_166 : memref<1x1x125xi32, #tpu.memory_space<vmem>> -> memref<125xi32, #tpu.memory_space<vmem>>
      %dma_start3A_168 = arith.constant 0 : i32
      %dma_start3A_169 = arith.constant 0 : i32
      %dma_start3A_170 = tpu.memref_slice %arg2[%dma_start3A_168, %dma_start3A_169] : memref<10000x128xf32, #tpu.memory_space<hbm>> -> memref<10000x128xf32, #tpu.memory_space<hbm>>
      tpu.enqueue_indirect_dma source(%dma_start3A_170 : memref<10000x128xf32, #tpu.memory_space<hbm>>) target(%arg10 : memref<125x128xf32, #tpu.memory_space<vmem>>) offsets(%dma_start3A_167 : memref<125xi32, #tpu.memory_space<vmem>>) semaphore(%arg12 : memref<!tpu.dma_semaphore, #tpu.memory_space<semaphore_mem>>)
      %run_scoped3A_171 = arith.constant 5 : i32
      "tpu.region"() ({
        %run_scoped3A_233 = tpu.sem_alloc : memref<!tpu.dma_semaphore, #tpu.memory_space<semaphore_mem>>
        %dma_start3A_234 = arith.constant 0 : i32
        %dma_start3A_235 = tpu.memref_slice %arg9[%select_n3A_46, %run_scoped3A_171, %dma_start3A_234] : memref<2x8x125xi32, #tpu.memory_space<vmem>> -> memref<1x1x125xi32, #tpu.memory_space<vmem>>
        %dma_start3A_236 = tpu.memref_squeeze %dma_start3A_235 : memref<1x1x125xi32, #tpu.memory_space<vmem>> -> memref<125xi32, #tpu.memory_space<vmem>>
        %dma_start3A_237 = arith.constant 0 : i32
        %dma_start3A_238 = arith.constant 0 : i32
        %dma_start3A_239 = tpu.memref_slice %arg7[%dma_start3A_237, %dma_start3A_238] : memref<10112x128xf32, #tpu.memory_space<vmem_shared>> -> memref<10112x128xf32, #tpu.memory_space<vmem_shared>>
        tpu.enqueue_indirect_dma source(%arg11 : memref<125x128xf32, #tpu.memory_space<vmem>>) target(%dma_start3A_239 : memref<10112x128xf32, #tpu.memory_space<vmem_shared>>) offsets(%dma_start3A_236 : memref<125xi32, #tpu.memory_space<vmem>>) semaphore(%run_scoped3A_233 : memref<!tpu.dma_semaphore, #tpu.memory_space<semaphore_mem>>) {add = true}
        %dma_wait3A_240 = arith.constant 0 : i32
        %dma_wait3A_241 = tpu.memref_slice %arg9[%select_n3A_46, %run_scoped3A_171, %dma_wait3A_240] : memref<2x8x125xi32, #tpu.memory_space<vmem>> -> memref<1x1x125xi32, #tpu.memory_space<vmem>>
        %dma_wait3A_242 = tpu.memref_squeeze %dma_wait3A_241 : memref<1x1x125xi32, #tpu.memory_space<vmem>> -> memref<125xi32, #tpu.memory_space<vmem>>
        %dma_wait3A_243 = arith.constant 0 : i32
        %dma_wait3A_244 = arith.constant 0 : i32
        %dma_wait3A_245 = tpu.memref_slice %arg7[%dma_wait3A_243, %dma_wait3A_244] : memref<10112x128xf32, #tpu.memory_space<vmem_shared>> -> memref<10112x128xf32, #tpu.memory_space<vmem_shared>>
        tpu.wait_indirect_dma semaphore(%run_scoped3A_233 : memref<!tpu.dma_semaphore, #tpu.memory_space<semaphore_mem>>) src(%arg11 : memref<125x128xf32, #tpu.memory_space<vmem>>) dst(%dma_wait3A_245 : memref<10112x128xf32, #tpu.memory_space<vmem_shared>>)
        tpu.yield
      }) : () -> ()
      %dma_wait3A_172 = arith.constant 6 : i32
      %dma_wait3A_173 = arith.constant 0 : i32
      %dma_wait3A_174 = tpu.memref_slice %arg8[%select_n3A_46, %dma_wait3A_172, %dma_wait3A_173] : memref<2x8x125xi32, #tpu.memory_space<vmem>> -> memref<1x1x125xi32, #tpu.memory_space<vmem>>
      %dma_wait3A_175 = tpu.memref_squeeze %dma_wait3A_174 : memref<1x1x125xi32, #tpu.memory_space<vmem>> -> memref<125xi32, #tpu.memory_space<vmem>>
      %dma_wait3A_176 = arith.constant 0 : i32
      %dma_wait3A_177 = arith.constant 0 : i32
      %dma_wait3A_178 = tpu.memref_slice %arg2[%dma_wait3A_176, %dma_wait3A_177] : memref<10000x128xf32, #tpu.memory_space<hbm>> -> memref<10000x128xf32, #tpu.memory_space<hbm>>
      tpu.wait_indirect_dma semaphore(%arg12 : memref<!tpu.dma_semaphore, #tpu.memory_space<semaphore_mem>>) src(%dma_wait3A_178 : memref<10000x128xf32, #tpu.memory_space<hbm>>) dst(%arg10 : memref<125x128xf32, #tpu.memory_space<vmem>>)
      %dma_start3A_179 = arith.constant 7 : i32
      %dma_start3A_180 = arith.constant 0 : i32
      %dma_start3A_181 = tpu.memref_slice %arg8[%select_n3A_46, %dma_start3A_179, %dma_start3A_180] : memref<2x8x125xi32, #tpu.memory_space<vmem>> -> memref<1x1x125xi32, #tpu.memory_space<vmem>>
      %dma_start3A_182 = tpu.memref_squeeze %dma_start3A_181 : memref<1x1x125xi32, #tpu.memory_space<vmem>> -> memref<125xi32, #tpu.memory_space<vmem>>
      %dma_start3A_183 = arith.constant 0 : i32
      %dma_start3A_184 = arith.constant 0 : i32
      %dma_start3A_185 = tpu.memref_slice %arg2[%dma_start3A_183, %dma_start3A_184] : memref<10000x128xf32, #tpu.memory_space<hbm>> -> memref<10000x128xf32, #tpu.memory_space<hbm>>
      tpu.enqueue_indirect_dma source(%dma_start3A_185 : memref<10000x128xf32, #tpu.memory_space<hbm>>) target(%arg11 : memref<125x128xf32, #tpu.memory_space<vmem>>) offsets(%dma_start3A_182 : memref<125xi32, #tpu.memory_space<vmem>>) semaphore(%arg13 : memref<!tpu.dma_semaphore, #tpu.memory_space<semaphore_mem>>)
      %run_scoped3A_186 = arith.constant 6 : i32
      "tpu.region"() ({
        %run_scoped3A_233 = tpu.sem_alloc : memref<!tpu.dma_semaphore, #tpu.memory_space<semaphore_mem>>
        %dma_start3A_234 = arith.constant 0 : i32
        %dma_start3A_235 = tpu.memref_slice %arg9[%select_n3A_46, %run_scoped3A_186, %dma_start3A_234] : memref<2x8x125xi32, #tpu.memory_space<vmem>> -> memref<1x1x125xi32, #tpu.memory_space<vmem>>
        %dma_start3A_236 = tpu.memref_squeeze %dma_start3A_235 : memref<1x1x125xi32, #tpu.memory_space<vmem>> -> memref<125xi32, #tpu.memory_space<vmem>>
        %dma_start3A_237 = arith.constant 0 : i32
        %dma_start3A_238 = arith.constant 0 : i32
        %dma_start3A_239 = tpu.memref_slice %arg7[%dma_start3A_237, %dma_start3A_238] : memref<10112x128xf32, #tpu.memory_space<vmem_shared>> -> memref<10112x128xf32, #tpu.memory_space<vmem_shared>>
        tpu.enqueue_indirect_dma source(%arg10 : memref<125x128xf32, #tpu.memory_space<vmem>>) target(%dma_start3A_239 : memref<10112x128xf32, #tpu.memory_space<vmem_shared>>) offsets(%dma_start3A_236 : memref<125xi32, #tpu.memory_space<vmem>>) semaphore(%run_scoped3A_233 : memref<!tpu.dma_semaphore, #tpu.memory_space<semaphore_mem>>) {add = true}
        %dma_wait3A_240 = arith.constant 0 : i32
        %dma_wait3A_241 = tpu.memref_slice %arg9[%select_n3A_46, %run_scoped3A_186, %dma_wait3A_240] : memref<2x8x125xi32, #tpu.memory_space<vmem>> -> memref<1x1x125xi32, #tpu.memory_space<vmem>>
        %dma_wait3A_242 = tpu.memref_squeeze %dma_wait3A_241 : memref<1x1x125xi32, #tpu.memory_space<vmem>> -> memref<125xi32, #tpu.memory_space<vmem>>
        %dma_wait3A_243 = arith.constant 0 : i32
        %dma_wait3A_244 = arith.constant 0 : i32
        %dma_wait3A_245 = tpu.memref_slice %arg7[%dma_wait3A_243, %dma_wait3A_244] : memref<10112x128xf32, #tpu.memory_space<vmem_shared>> -> memref<10112x128xf32, #tpu.memory_space<vmem_shared>>
        tpu.wait_indirect_dma semaphore(%run_scoped3A_233 : memref<!tpu.dma_semaphore, #tpu.memory_space<semaphore_mem>>) src(%arg10 : memref<125x128xf32, #tpu.memory_space<vmem>>) dst(%dma_wait3A_245 : memref<10112x128xf32, #tpu.memory_space<vmem_shared>>)
        tpu.yield
      }) : () -> ()
      %dma_wait3A_187 = arith.constant 7 : i32
      %dma_wait3A_188 = arith.constant 0 : i32
      %dma_wait3A_189 = tpu.memref_slice %arg8[%select_n3A_46, %dma_wait3A_187, %dma_wait3A_188] : memref<2x8x125xi32, #tpu.memory_space<vmem>> -> memref<1x1x125xi32, #tpu.memory_space<vmem>>
      %dma_wait3A_190 = tpu.memref_squeeze %dma_wait3A_189 : memref<1x1x125xi32, #tpu.memory_space<vmem>> -> memref<125xi32, #tpu.memory_space<vmem>>
      %dma_wait3A_191 = arith.constant 0 : i32
      %dma_wait3A_192 = arith.constant 0 : i32
      %dma_wait3A_193 = tpu.memref_slice %arg2[%dma_wait3A_191, %dma_wait3A_192] : memref<10000x128xf32, #tpu.memory_space<hbm>> -> memref<10000x128xf32, #tpu.memory_space<hbm>>
      tpu.wait_indirect_dma semaphore(%arg13 : memref<!tpu.dma_semaphore, #tpu.memory_space<semaphore_mem>>) src(%dma_wait3A_193 : memref<10000x128xf32, #tpu.memory_space<hbm>>) dst(%arg11 : memref<125x128xf32, #tpu.memory_space<vmem>>)
      %sub3A_194 = arith.constant 1 : i32
      %sub3A_195 = arith.subi %sub3A_194, %select_n3A_46 : i32
      %dma_wait3A_196 = arith.constant 0 : i32
      %dma_wait3A_197 = arith.constant 0 : i32
      %dma_wait3A_198 = tpu.memref_slice %arg8[%sub3A_195, %dma_wait3A_196, %dma_wait3A_197] : memref<2x8x125xi32, #tpu.memory_space<vmem>> -> memref<1x8x125xi32, #tpu.memory_space<vmem>>
      %dma_wait3A_199 = tpu.memref_squeeze %dma_wait3A_198 : memref<1x8x125xi32, #tpu.memory_space<vmem>> -> memref<8x125xi32, #tpu.memory_space<vmem>>
      %dma_wait3A_200 = arith.constant 0 : i32
      %dma_wait3A_201 = tpu.memref_slice %arg3[%add3A_54, %dma_wait3A_200] : memref<2560x125xi32, #tpu.memory_space<hbm>> -> memref<8x125xi32, #tpu.memory_space<hbm>>
      %dma_wait3A_202 = arith.constant 0 : i32
      %dma_wait3A_203 = arith.constant 0 : i32
      %dma_wait3A_204 = tpu.memref_slice %arg8[%sub3A_195, %dma_wait3A_202, %dma_wait3A_203] : memref<2x8x125xi32, #tpu.memory_space<vmem>> -> memref<1x8x125xi32, #tpu.memory_space<vmem>>
      %dma_wait3A_205 = tpu.memref_squeeze %dma_wait3A_204 : memref<1x8x125xi32, #tpu.memory_space<vmem>> -> memref<8x125xi32, #tpu.memory_space<vmem>>
      %dma_wait3A_206 = arith.constant 0 : i32
      %dma_wait3A_207 = tpu.memref_slice %arg3[%add3A_54, %dma_wait3A_206] : memref<2560x125xi32, #tpu.memory_space<hbm>> -> memref<8x125xi32, #tpu.memory_space<hbm>>
      tpu.wait_dma2 semaphore(%arg14 : memref<!tpu.dma_semaphore, #tpu.memory_space<semaphore_mem>>) src(%dma_wait3A_207 : memref<8x125xi32, #tpu.memory_space<hbm>>) dst(%dma_wait3A_205 : memref<8x125xi32, #tpu.memory_space<vmem>>)
      %sub3A_208 = arith.constant 1 : i32
      %sub3A_209 = arith.subi %sub3A_208, %select_n3A_46 : i32
      %dma_wait3A_210 = arith.constant 0 : i32
      %dma_wait3A_211 = arith.constant 0 : i32
      %dma_wait3A_212 = tpu.memref_slice %arg9[%sub3A_209, %dma_wait3A_210, %dma_wait3A_211] : memref<2x8x125xi32, #tpu.memory_space<vmem>> -> memref<1x8x125xi32, #tpu.memory_space<vmem>>
      %dma_wait3A_213 = tpu.memref_squeeze %dma_wait3A_212 : memref<1x8x125xi32, #tpu.memory_space<vmem>> -> memref<8x125xi32, #tpu.memory_space<vmem>>
      %dma_wait3A_214 = arith.constant 0 : i32
      %dma_wait3A_215 = tpu.memref_slice %arg4[%add3A_54, %dma_wait3A_214] : memref<2560x125xi32, #tpu.memory_space<hbm>> -> memref<8x125xi32, #tpu.memory_space<hbm>>
      %dma_wait3A_216 = arith.constant 0 : i32
      %dma_wait3A_217 = arith.constant 0 : i32
      %dma_wait3A_218 = tpu.memref_slice %arg9[%sub3A_209, %dma_wait3A_216, %dma_wait3A_217] : memref<2x8x125xi32, #tpu.memory_space<vmem>> -> memref<1x8x125xi32, #tpu.memory_space<vmem>>
      %dma_wait3A_219 = tpu.memref_squeeze %dma_wait3A_218 : memref<1x8x125xi32, #tpu.memory_space<vmem>> -> memref<8x125xi32, #tpu.memory_space<vmem>>
      %dma_wait3A_220 = arith.constant 0 : i32
      %dma_wait3A_221 = tpu.memref_slice %arg4[%add3A_54, %dma_wait3A_220] : memref<2560x125xi32, #tpu.memory_space<hbm>> -> memref<8x125xi32, #tpu.memory_space<hbm>>
      tpu.wait_dma2 semaphore(%arg14 : memref<!tpu.dma_semaphore, #tpu.memory_space<semaphore_mem>>) src(%dma_wait3A_221 : memref<8x125xi32, #tpu.memory_space<hbm>>) dst(%dma_wait3A_219 : memref<8x125xi32, #tpu.memory_space<vmem>>)
      %sub3A_222 = arith.constant 1 : i32
      %sub3A_223 = arith.subi %sub3A_222, %select_n3A_46 : i32
      %dma_start3A_224 = arith.constant 0 : i32
      %dma_start3A_225 = arith.constant 0 : i32
      %dma_start3A_226 = tpu.memref_slice %arg8[%sub3A_223, %dma_start3A_224, %dma_start3A_225] : memref<2x8x125xi32, #tpu.memory_space<vmem>> -> memref<1x1x125xi32, #tpu.memory_space<vmem>>
      %dma_start3A_227 = tpu.memref_squeeze %dma_start3A_226 : memref<1x1x125xi32, #tpu.memory_space<vmem>> -> memref<125xi32, #tpu.memory_space<vmem>>
      %dma_start3A_228 = arith.constant 0 : i32
      %dma_start3A_229 = arith.constant 0 : i32
      %dma_start3A_230 = tpu.memref_slice %arg2[%dma_start3A_228, %dma_start3A_229] : memref<10000x128xf32, #tpu.memory_space<hbm>> -> memref<10000x128xf32, #tpu.memory_space<hbm>>
      tpu.enqueue_indirect_dma source(%dma_start3A_230 : memref<10000x128xf32, #tpu.memory_space<hbm>>) target(%arg10 : memref<125x128xf32, #tpu.memory_space<vmem>>) offsets(%dma_start3A_227 : memref<125xi32, #tpu.memory_space<vmem>>) semaphore(%arg12 : memref<!tpu.dma_semaphore, #tpu.memory_space<semaphore_mem>>)
      %run_scoped3A_231 = arith.constant 7 : i32
      "tpu.region"() ({
        %run_scoped3A_233 = tpu.sem_alloc : memref<!tpu.dma_semaphore, #tpu.memory_space<semaphore_mem>>
        %dma_start3A_234 = arith.constant 0 : i32
        %dma_start3A_235 = tpu.memref_slice %arg9[%select_n3A_46, %run_scoped3A_231, %dma_start3A_234] : memref<2x8x125xi32, #tpu.memory_space<vmem>> -> memref<1x1x125xi32, #tpu.memory_space<vmem>>
        %dma_start3A_236 = tpu.memref_squeeze %dma_start3A_235 : memref<1x1x125xi32, #tpu.memory_space<vmem>> -> memref<125xi32, #tpu.memory_space<vmem>>
        %dma_start3A_237 = arith.constant 0 : i32
        %dma_start3A_238 = arith.constant 0 : i32
        %dma_start3A_239 = tpu.memref_slice %arg7[%dma_start3A_237, %dma_start3A_238] : memref<10112x128xf32, #tpu.memory_space<vmem_shared>> -> memref<10112x128xf32, #tpu.memory_space<vmem_shared>>
        tpu.enqueue_indirect_dma source(%arg11 : memref<125x128xf32, #tpu.memory_space<vmem>>) target(%dma_start3A_239 : memref<10112x128xf32, #tpu.memory_space<vmem_shared>>) offsets(%dma_start3A_236 : memref<125xi32, #tpu.memory_space<vmem>>) semaphore(%run_scoped3A_233 : memref<!tpu.dma_semaphore, #tpu.memory_space<semaphore_mem>>) {add = true}
        %dma_wait3A_240 = arith.constant 0 : i32
        %dma_wait3A_241 = tpu.memref_slice %arg9[%select_n3A_46, %run_scoped3A_231, %dma_wait3A_240] : memref<2x8x125xi32, #tpu.memory_space<vmem>> -> memref<1x1x125xi32, #tpu.memory_space<vmem>>
        %dma_wait3A_242 = tpu.memref_squeeze %dma_wait3A_241 : memref<1x1x125xi32, #tpu.memory_space<vmem>> -> memref<125xi32, #tpu.memory_space<vmem>>
        %dma_wait3A_243 = arith.constant 0 : i32
        %dma_wait3A_244 = arith.constant 0 : i32
        %dma_wait3A_245 = tpu.memref_slice %arg7[%dma_wait3A_243, %dma_wait3A_244] : memref<10112x128xf32, #tpu.memory_space<vmem_shared>> -> memref<10112x128xf32, #tpu.memory_space<vmem_shared>>
        tpu.wait_indirect_dma semaphore(%run_scoped3A_233 : memref<!tpu.dma_semaphore, #tpu.memory_space<semaphore_mem>>) src(%arg11 : memref<125x128xf32, #tpu.memory_space<vmem>>) dst(%dma_wait3A_245 : memref<10112x128xf32, #tpu.memory_space<vmem_shared>>)
        tpu.yield
      }) : () -> ()
      %scan3A_232 = arith.constant 0 : i32
      scf.yield %scan3A_232 : i32
    }
    %scan3A_22 = arith.constant 10 : i32
    %dma_wait3A = arith.constant 0 : i32
    %dma_wait3A_23 = arith.constant 0 : i32
    %dma_wait3A_24 = arith.constant 0 : i32
    %dma_wait3A_25 = tpu.memref_slice %arg8[%dma_wait3A, %dma_wait3A_23, %dma_wait3A_24] : memref<2x8x125xi32, #tpu.memory_space<vmem>> -> memref<1x1x125xi32, #tpu.memory_space<vmem>>
    %dma_wait3A_26 = tpu.memref_squeeze %dma_wait3A_25 : memref<1x1x125xi32, #tpu.memory_space<vmem>> -> memref<125xi32, #tpu.memory_space<vmem>>
    %dma_wait3A_27 = arith.constant 0 : i32
    %dma_wait3A_28 = arith.constant 0 : i32
    %dma_wait3A_29 = tpu.memref_slice %arg2[%dma_wait3A_27, %dma_wait3A_28] : memref<10000x128xf32, #tpu.memory_space<hbm>> -> memref<10000x128xf32, #tpu.memory_space<hbm>>
    tpu.wait_indirect_dma semaphore(%arg12 : memref<!tpu.dma_semaphore, #tpu.memory_space<semaphore_mem>>) src(%dma_wait3A_29 : memref<10000x128xf32, #tpu.memory_space<hbm>>) dst(%arg10 : memref<125x128xf32, #tpu.memory_space<vmem>>)
    %barrier3A_30 = arith.constant 0 : index
    tpu.barrier barrier_id(%barrier3A_30)
    %mul3A_31 = arith.constant 632 : i32
    %mul3A_32 = arith.muli %arg1, %mul3A_31 : i32
    %mul3A_33 = arith.constant 10112 : i32
    %mul3A_34 = arith.muli %arg0, %mul3A_33 : i32
    %add3A_35 = arith.addi %mul3A_34, %mul3A_32 : i32
    "tpu.region"() ({
      %run_scoped3A_36 = tpu.sem_alloc : memref<!tpu.dma_semaphore, #tpu.memory_space<semaphore_mem>>
      %dma_start3A_37 = arith.constant 0 : i32
      %dma_start3A_38 = tpu.memref_slice %arg6[%add3A_35, %dma_start3A_37] : memref<20224x128xf32, #tpu.memory_space<hbm>> -> memref<632x128xf32, #tpu.memory_space<hbm>>
      %dma_start3A_39 = arith.constant 0 : i32
      %dma_start3A_40 = tpu.memref_slice %arg7[%mul3A_32, %dma_start3A_39] : memref<10112x128xf32, #tpu.memory_space<vmem_shared>> -> memref<632x128xf32, #tpu.memory_space<vmem_shared>>
      tpu.enqueue_dma source(%dma_start3A_40 : memref<632x128xf32, #tpu.memory_space<vmem_shared>>) target(%dma_start3A_38 : memref<632x128xf32, #tpu.memory_space<hbm>>) target_semaphore(%run_scoped3A_36 : memref<!tpu.dma_semaphore, #tpu.memory_space<semaphore_mem>>)
      %dma_wait3A_41 = arith.constant 0 : i32
      %dma_wait3A_42 = tpu.memref_slice %arg6[%add3A_35, %dma_wait3A_41] : memref<20224x128xf32, #tpu.memory_space<hbm>> -> memref<632x128xf32, #tpu.memory_space<hbm>>
      %dma_wait3A_43 = arith.constant 0 : i32
      %dma_wait3A_44 = tpu.memref_slice %arg7[%mul3A_32, %dma_wait3A_43] : memref<10112x128xf32, #tpu.memory_space<vmem_shared>> -> memref<632x128xf32, #tpu.memory_space<vmem_shared>>
      tpu.wait_dma2 semaphore(%run_scoped3A_36 : memref<!tpu.dma_semaphore, #tpu.memory_space<semaphore_mem>>) src(%dma_wait3A_44 : memref<632x128xf32, #tpu.memory_space<vmem_shared>>) dst(%dma_wait3A_42 : memref<632x128xf32, #tpu.memory_space<hbm>>)
      tpu.yield
    }) : () -> ()
    return
  }
}

#map = affine_map<(d0, d1) -> (0, 0)>
#map1 = affine_map<(d0, d1) -> (0)>
module attributes {stable_mosaic.version = 14 : i64} {
  func.func @_pool_body(%arg0: i32, %arg1: i32, %arg2: memref<10000x128xf32, #tpu.memory_space<hbm>>, %arg3: memref<10000xi32, #tpu.memory_space<hbm>>, %arg4: memref<625xi32, #tpu.memory_space<hbm>>, %arg5: memref<9x128xf32, #tpu.memory_space<hbm>>, %arg6: memref<256x128xf32, #tpu.memory_space<hbm>>, %arg7: memref<656xi32, #tpu.memory_space<vmem>>, %arg8: memref<144xi32, #tpu.memory_space<vmem>>, %arg9: memref<128x128xf32, #tpu.memory_space<vmem>>, %arg10: memref<9x128xf32, #tpu.memory_space<vmem>>, %arg11: memref<!tpu.dma_semaphore, #tpu.memory_space<semaphore_mem>>) attributes {dimension_semantics = [#tpu.dimension_semantics<core_parallel>, #tpu.dimension_semantics<subcore_parallel>], iteration_bounds = array<i64: 2, 16>, scalar_prefetch = 0 : i64, scratch_operands = 5 : i64, tpu.core_type = #tpu.core_type<sc_vector_subcore>, window_params = [{transform_indices = #map}, {transform_indices = #map1}, {transform_indices = #map1}, {transform_indices = #map}, {transform_indices = #map}]} {
    %mul3A = arith.constant 16 : i32
    %mul3A_0 = arith.muli %arg0, %mul3A : i32
    %add3A = arith.addi %mul3A_0, %arg1 : i32
    %mul3A_1 = arith.constant 8 : i32
    %mul3A_2 = arith.muli %add3A, %mul3A_1 : i32
    "tpu.region"() ({
      %run_scoped3A = tpu.sem_alloc : memref<!tpu.dma_semaphore, #tpu.memory_space<semaphore_mem>>
      %dma_start3A = arith.constant 0 : i32
      %dma_start3A_396 = tpu.memref_slice %arg7[%dma_start3A] : memref<656xi32, #tpu.memory_space<vmem>> -> memref<625xi32, #tpu.memory_space<vmem>>
      %dma_start3A_397 = arith.constant 0 : i32
      %dma_start3A_398 = tpu.memref_slice %arg7[%dma_start3A_397] : memref<656xi32, #tpu.memory_space<vmem>> -> memref<625xi32, #tpu.memory_space<vmem>>
      tpu.enqueue_dma source(%arg4 : memref<625xi32, #tpu.memory_space<hbm>>) target(%dma_start3A_398 : memref<625xi32, #tpu.memory_space<vmem>>) target_semaphore(%run_scoped3A : memref<!tpu.dma_semaphore, #tpu.memory_space<semaphore_mem>>)
      %dma_wait3A = arith.constant 0 : i32
      %dma_wait3A_399 = tpu.memref_slice %arg7[%dma_wait3A] : memref<656xi32, #tpu.memory_space<vmem>> -> memref<625xi32, #tpu.memory_space<vmem>>
      %dma_wait3A_400 = arith.constant 0 : i32
      %dma_wait3A_401 = tpu.memref_slice %arg7[%dma_wait3A_400] : memref<656xi32, #tpu.memory_space<vmem>> -> memref<625xi32, #tpu.memory_space<vmem>>
      tpu.wait_dma2 semaphore(%run_scoped3A : memref<!tpu.dma_semaphore, #tpu.memory_space<semaphore_mem>>) src(%arg4 : memref<625xi32, #tpu.memory_space<hbm>>) dst(%dma_wait3A_401 : memref<625xi32, #tpu.memory_space<vmem>>)
      tpu.yield
    }) : () -> ()
    "tpu.region"() ({
      %run_scoped3A = tpu.sem_alloc : memref<!tpu.dma_semaphore, #tpu.memory_space<semaphore_mem>>
      tpu.enqueue_dma source(%arg5 : memref<9x128xf32, #tpu.memory_space<hbm>>) target(%arg10 : memref<9x128xf32, #tpu.memory_space<vmem>>) target_semaphore(%run_scoped3A : memref<!tpu.dma_semaphore, #tpu.memory_space<semaphore_mem>>)
      tpu.wait_dma2 semaphore(%run_scoped3A : memref<!tpu.dma_semaphore, #tpu.memory_space<semaphore_mem>>) src(%arg5 : memref<9x128xf32, #tpu.memory_space<hbm>>) dst(%arg10 : memref<9x128xf32, #tpu.memory_space<vmem>>)
      tpu.yield
    }) : () -> ()
    %add3A_3 = arith.constant 0 : i32
    %add3A_4 = arith.constant 1024 : i32
    %add3A_5 = arith.addi %add3A_3, %add3A_4 : i32
    %min3A = arith.constant 625 : i32
    %min3A_6 = arith.minsi %add3A_5, %min3A : i32
    %sub3A = arith.constant 1 : i32
    %sub3A_7 = arith.subi %min3A_6, %sub3A : i32
    %get3A = arith.index_cast %sub3A_7 : i32 to index
    %get3A_8 = tpu.vector_load %arg7[%get3A] {strides = array<i32>} : memref<656xi32, #tpu.memory_space<vmem>>, vector<16xi32>,
    %get3A_9 = vector.shape_cast %get3A_8 : vector<16xi32> to vector<16xi32>
    %slice3A = vector.extract_strided_slice %get3A_9 {offsets = [0], sizes = [1], strides = [1]} : vector<16xi32> to vector<1xi32>
    %squeeze3A = vector.extract %slice3A[0] : i32 from vector<1xi32>
    %le3A = arith.constant 625 : i32
    %le3A_10 = arith.cmpi sle, %add3A_5, %le3A : i32
    %lt3A = arith.cmpi slt, %squeeze3A, %mul3A_2 : i32
    %and3A = arith.andi %le3A_10, %lt3A : i1
    %jit3A = arith.constant 0 : i32
    %select_n3A = arith.select %and3A, %add3A_5, %jit3A : i32
    %add3A_11 = arith.constant 512 : i32
    %add3A_12 = arith.addi %select_n3A, %add3A_11 : i32
    %min3A_13 = arith.constant 625 : i32
    %min3A_14 = arith.minsi %add3A_12, %min3A_13 : i32
    %sub3A_15 = arith.constant 1 : i32
    %sub3A_16 = arith.subi %min3A_14, %sub3A_15 : i32
    %get3A_17 = arith.index_cast %sub3A_16 : i32 to index
    %get3A_18 = tpu.vector_load %arg7[%get3A_17] {strides = array<i32>} : memref<656xi32, #tpu.memory_space<vmem>>, vector<16xi32>,
    %get3A_19 = vector.shape_cast %get3A_18 : vector<16xi32> to vector<16xi32>
    %slice3A_20 = vector.extract_strided_slice %get3A_19 {offsets = [0], sizes = [1], strides = [1]} : vector<16xi32> to vector<1xi32>
    %squeeze3A_21 = vector.extract %slice3A_20[0] : i32 from vector<1xi32>
    %le3A_22 = arith.constant 625 : i32
    %le3A_23 = arith.cmpi sle, %add3A_12, %le3A_22 : i32
    %lt3A_24 = arith.cmpi slt, %squeeze3A_21, %mul3A_2 : i32
    %and3A_25 = arith.andi %le3A_23, %lt3A_24 : i1
    %select_n3A_26 = arith.select %and3A_25, %add3A_12, %select_n3A : i32
    %add3A_27 = arith.constant 256 : i32
    %add3A_28 = arith.addi %select_n3A_26, %add3A_27 : i32
    %min3A_29 = arith.constant 625 : i32
    %min3A_30 = arith.minsi %add3A_28, %min3A_29 : i32
    %sub3A_31 = arith.constant 1 : i32
    %sub3A_32 = arith.subi %min3A_30, %sub3A_31 : i32
    %get3A_33 = arith.index_cast %sub3A_32 : i32 to index
    %get3A_34 = tpu.vector_load %arg7[%get3A_33] {strides = array<i32>} : memref<656xi32, #tpu.memory_space<vmem>>, vector<16xi32>,
    %get3A_35 = vector.shape_cast %get3A_34 : vector<16xi32> to vector<16xi32>
    %slice3A_36 = vector.extract_strided_slice %get3A_35 {offsets = [0], sizes = [1], strides = [1]} : vector<16xi32> to vector<1xi32>
    %squeeze3A_37 = vector.extract %slice3A_36[0] : i32 from vector<1xi32>
    %le3A_38 = arith.constant 625 : i32
    %le3A_39 = arith.cmpi sle, %add3A_28, %le3A_38 : i32
    %lt3A_40 = arith.cmpi slt, %squeeze3A_37, %mul3A_2 : i32
    %and3A_41 = arith.andi %le3A_39, %lt3A_40 : i1
    %select_n3A_42 = arith.select %and3A_41, %add3A_28, %select_n3A_26 : i32
    %add3A_43 = arith.constant 128 : i32
    %add3A_44 = arith.addi %select_n3A_42, %add3A_43 : i32
    %min3A_45 = arith.constant 625 : i32
    %min3A_46 = arith.minsi %add3A_44, %min3A_45 : i32
    %sub3A_47 = arith.constant 1 : i32
    %sub3A_48 = arith.subi %min3A_46, %sub3A_47 : i32
    %get3A_49 = arith.index_cast %sub3A_48 : i32 to index
    %get3A_50 = tpu.vector_load %arg7[%get3A_49] {strides = array<i32>} : memref<656xi32, #tpu.memory_space<vmem>>, vector<16xi32>,
    %get3A_51 = vector.shape_cast %get3A_50 : vector<16xi32> to vector<16xi32>
    %slice3A_52 = vector.extract_strided_slice %get3A_51 {offsets = [0], sizes = [1], strides = [1]} : vector<16xi32> to vector<1xi32>
    %squeeze3A_53 = vector.extract %slice3A_52[0] : i32 from vector<1xi32>
    %le3A_54 = arith.constant 625 : i32
    %le3A_55 = arith.cmpi sle, %add3A_44, %le3A_54 : i32
    %lt3A_56 = arith.cmpi slt, %squeeze3A_53, %mul3A_2 : i32
    %and3A_57 = arith.andi %le3A_55, %lt3A_56 : i1
    %select_n3A_58 = arith.select %and3A_57, %add3A_44, %select_n3A_42 : i32
    %add3A_59 = arith.constant 64 : i32
    %add3A_60 = arith.addi %select_n3A_58, %add3A_59 : i32
    %min3A_61 = arith.constant 625 : i32
    %min3A_62 = arith.minsi %add3A_60, %min3A_61 : i32
    %sub3A_63 = arith.constant 1 : i32
    %sub3A_64 = arith.subi %min3A_62, %sub3A_63 : i32
    %get3A_65 = arith.index_cast %sub3A_64 : i32 to index
    %get3A_66 = tpu.vector_load %arg7[%get3A_65] {strides = array<i32>} : memref<656xi32, #tpu.memory_space<vmem>>, vector<16xi32>,
    %get3A_67 = vector.shape_cast %get3A_66 : vector<16xi32> to vector<16xi32>
    %slice3A_68 = vector.extract_strided_slice %get3A_67 {offsets = [0], sizes = [1], strides = [1]} : vector<16xi32> to vector<1xi32>
    %squeeze3A_69 = vector.extract %slice3A_68[0] : i32 from vector<1xi32>
    %le3A_70 = arith.constant 625 : i32
    %le3A_71 = arith.cmpi sle, %add3A_60, %le3A_70 : i32
    %lt3A_72 = arith.cmpi slt, %squeeze3A_69, %mul3A_2 : i32
    %and3A_73 = arith.andi %le3A_71, %lt3A_72 : i1
    %select_n3A_74 = arith.select %and3A_73, %add3A_60, %select_n3A_58 : i32
    %add3A_75 = arith.constant 32 : i32
    %add3A_76 = arith.addi %select_n3A_74, %add3A_75 : i32
    %min3A_77 = arith.constant 625 : i32
    %min3A_78 = arith.minsi %add3A_76, %min3A_77 : i32
    %sub3A_79 = arith.constant 1 : i32
    %sub3A_80 = arith.subi %min3A_78, %sub3A_79 : i32
    %get3A_81 = arith.index_cast %sub3A_80 : i32 to index
    %get3A_82 = tpu.vector_load %arg7[%get3A_81] {strides = array<i32>} : memref<656xi32, #tpu.memory_space<vmem>>, vector<16xi32>,
    %get3A_83 = vector.shape_cast %get3A_82 : vector<16xi32> to vector<16xi32>
    %slice3A_84 = vector.extract_strided_slice %get3A_83 {offsets = [0], sizes = [1], strides = [1]} : vector<16xi32> to vector<1xi32>
    %squeeze3A_85 = vector.extract %slice3A_84[0] : i32 from vector<1xi32>
    %le3A_86 = arith.constant 625 : i32
    %le3A_87 = arith.cmpi sle, %add3A_76, %le3A_86 : i32
    %lt3A_88 = arith.cmpi slt, %squeeze3A_85, %mul3A_2 : i32
    %and3A_89 = arith.andi %le3A_87, %lt3A_88 : i1
    %select_n3A_90 = arith.select %and3A_89, %add3A_76, %select_n3A_74 : i32
    %add3A_91 = arith.constant 16 : i32
    %add3A_92 = arith.addi %select_n3A_90, %add3A_91 : i32
    %min3A_93 = arith.constant 625 : i32
    %min3A_94 = arith.minsi %add3A_92, %min3A_93 : i32
    %sub3A_95 = arith.constant 1 : i32
    %sub3A_96 = arith.subi %min3A_94, %sub3A_95 : i32
    %get3A_97 = arith.index_cast %sub3A_96 : i32 to index
    %get3A_98 = tpu.vector_load %arg7[%get3A_97] {strides = array<i32>} : memref<656xi32, #tpu.memory_space<vmem>>, vector<16xi32>,
    %get3A_99 = vector.shape_cast %get3A_98 : vector<16xi32> to vector<16xi32>
    %slice3A_100 = vector.extract_strided_slice %get3A_99 {offsets = [0], sizes = [1], strides = [1]} : vector<16xi32> to vector<1xi32>
    %squeeze3A_101 = vector.extract %slice3A_100[0] : i32 from vector<1xi32>
    %le3A_102 = arith.constant 625 : i32
    %le3A_103 = arith.cmpi sle, %add3A_92, %le3A_102 : i32
    %lt3A_104 = arith.cmpi slt, %squeeze3A_101, %mul3A_2 : i32
    %and3A_105 = arith.andi %le3A_103, %lt3A_104 : i1
    %select_n3A_106 = arith.select %and3A_105, %add3A_92, %select_n3A_90 : i32
    %add3A_107 = arith.constant 8 : i32
    %add3A_108 = arith.addi %select_n3A_106, %add3A_107 : i32
    %min3A_109 = arith.constant 625 : i32
    %min3A_110 = arith.minsi %add3A_108, %min3A_109 : i32
    %sub3A_111 = arith.constant 1 : i32
    %sub3A_112 = arith.subi %min3A_110, %sub3A_111 : i32
    %get3A_113 = arith.index_cast %sub3A_112 : i32 to index
    %get3A_114 = tpu.vector_load %arg7[%get3A_113] {strides = array<i32>} : memref<656xi32, #tpu.memory_space<vmem>>, vector<16xi32>,
    %get3A_115 = vector.shape_cast %get3A_114 : vector<16xi32> to vector<16xi32>
    %slice3A_116 = vector.extract_strided_slice %get3A_115 {offsets = [0], sizes = [1], strides = [1]} : vector<16xi32> to vector<1xi32>
    %squeeze3A_117 = vector.extract %slice3A_116[0] : i32 from vector<1xi32>
    %le3A_118 = arith.constant 625 : i32
    %le3A_119 = arith.cmpi sle, %add3A_108, %le3A_118 : i32
    %lt3A_120 = arith.cmpi slt, %squeeze3A_117, %mul3A_2 : i32
    %and3A_121 = arith.andi %le3A_119, %lt3A_120 : i1
    %select_n3A_122 = arith.select %and3A_121, %add3A_108, %select_n3A_106 : i32
    %add3A_123 = arith.constant 4 : i32
    %add3A_124 = arith.addi %select_n3A_122, %add3A_123 : i32
    %min3A_125 = arith.constant 625 : i32
    %min3A_126 = arith.minsi %add3A_124, %min3A_125 : i32
    %sub3A_127 = arith.constant 1 : i32
    %sub3A_128 = arith.subi %min3A_126, %sub3A_127 : i32
    %get3A_129 = arith.index_cast %sub3A_128 : i32 to index
    %get3A_130 = tpu.vector_load %arg7[%get3A_129] {strides = array<i32>} : memref<656xi32, #tpu.memory_space<vmem>>, vector<16xi32>,
    %get3A_131 = vector.shape_cast %get3A_130 : vector<16xi32> to vector<16xi32>
    %slice3A_132 = vector.extract_strided_slice %get3A_131 {offsets = [0], sizes = [1], strides = [1]} : vector<16xi32> to vector<1xi32>
    %squeeze3A_133 = vector.extract %slice3A_132[0] : i32 from vector<1xi32>
    %le3A_134 = arith.constant 625 : i32
    %le3A_135 = arith.cmpi sle, %add3A_124, %le3A_134 : i32
    %lt3A_136 = arith.cmpi slt, %squeeze3A_133, %mul3A_2 : i32
    %and3A_137 = arith.andi %le3A_135, %lt3A_136 : i1
    %select_n3A_138 = arith.select %and3A_137, %add3A_124, %select_n3A_122 : i32
    %add3A_139 = arith.constant 2 : i32
    %add3A_140 = arith.addi %select_n3A_138, %add3A_139 : i32
    %min3A_141 = arith.constant 625 : i32
    %min3A_142 = arith.minsi %add3A_140, %min3A_141 : i32
    %sub3A_143 = arith.constant 1 : i32
    %sub3A_144 = arith.subi %min3A_142, %sub3A_143 : i32
    %get3A_145 = arith.index_cast %sub3A_144 : i32 to index
    %get3A_146 = tpu.vector_load %arg7[%get3A_145] {strides = array<i32>} : memref<656xi32, #tpu.memory_space<vmem>>, vector<16xi32>,
    %get3A_147 = vector.shape_cast %get3A_146 : vector<16xi32> to vector<16xi32>
    %slice3A_148 = vector.extract_strided_slice %get3A_147 {offsets = [0], sizes = [1], strides = [1]} : vector<16xi32> to vector<1xi32>
    %squeeze3A_149 = vector.extract %slice3A_148[0] : i32 from vector<1xi32>
    %le3A_150 = arith.constant 625 : i32
    %le3A_151 = arith.cmpi sle, %add3A_140, %le3A_150 : i32
    %lt3A_152 = arith.cmpi slt, %squeeze3A_149, %mul3A_2 : i32
    %and3A_153 = arith.andi %le3A_151, %lt3A_152 : i1
    %select_n3A_154 = arith.select %and3A_153, %add3A_140, %select_n3A_138 : i32
    %add3A_155 = arith.constant 1 : i32
    %add3A_156 = arith.addi %select_n3A_154, %add3A_155 : i32
    %min3A_157 = arith.constant 625 : i32
    %min3A_158 = arith.minsi %add3A_156, %min3A_157 : i32
    %sub3A_159 = arith.constant 1 : i32
    %sub3A_160 = arith.subi %min3A_158, %sub3A_159 : i32
    %get3A_161 = arith.index_cast %sub3A_160 : i32 to index
    %get3A_162 = tpu.vector_load %arg7[%get3A_161] {strides = array<i32>} : memref<656xi32, #tpu.memory_space<vmem>>, vector<16xi32>,
    %get3A_163 = vector.shape_cast %get3A_162 : vector<16xi32> to vector<16xi32>
    %slice3A_164 = vector.extract_strided_slice %get3A_163 {offsets = [0], sizes = [1], strides = [1]} : vector<16xi32> to vector<1xi32>
    %squeeze3A_165 = vector.extract %slice3A_164[0] : i32 from vector<1xi32>
    %le3A_166 = arith.constant 625 : i32
    %le3A_167 = arith.cmpi sle, %add3A_156, %le3A_166 : i32
    %lt3A_168 = arith.cmpi slt, %squeeze3A_165, %mul3A_2 : i32
    %and3A_169 = arith.andi %le3A_167, %lt3A_168 : i1
    %select_n3A_170 = arith.select %and3A_169, %add3A_156, %select_n3A_154 : i32
    %sub3A_171 = arith.constant 1 : i32
    %sub3A_172 = arith.subi %select_n3A_170, %sub3A_171 : i32
    %max3A = arith.constant 0 : i32
    %max3A_173 = arith.maxsi %sub3A_172, %max3A : i32
    %mul3A_174 = arith.constant 16 : i32
    %mul3A_175 = arith.muli %max3A_173, %mul3A_174 : i32
    %add3A_176 = arith.constant 8 : i32
    %add3A_177 = arith.addi %mul3A_2, %add3A_176 : i32
    %add3A_178 = arith.constant 0 : i32
    %add3A_179 = arith.constant 1024 : i32
    %add3A_180 = arith.addi %add3A_178, %add3A_179 : i32
    %min3A_181 = arith.constant 625 : i32
    %min3A_182 = arith.minsi %add3A_180, %min3A_181 : i32
    %sub3A_183 = arith.constant 1 : i32
    %sub3A_184 = arith.subi %min3A_182, %sub3A_183 : i32
    %get3A_185 = arith.index_cast %sub3A_184 : i32 to index
    %get3A_186 = tpu.vector_load %arg7[%get3A_185] {strides = array<i32>} : memref<656xi32, #tpu.memory_space<vmem>>, vector<16xi32>,
    %get3A_187 = vector.shape_cast %get3A_186 : vector<16xi32> to vector<16xi32>
    %slice3A_188 = vector.extract_strided_slice %get3A_187 {offsets = [0], sizes = [1], strides = [1]} : vector<16xi32> to vector<1xi32>
    %squeeze3A_189 = vector.extract %slice3A_188[0] : i32 from vector<1xi32>
    %le3A_190 = arith.constant 625 : i32
    %le3A_191 = arith.cmpi sle, %add3A_180, %le3A_190 : i32
    %lt3A_192 = arith.cmpi slt, %squeeze3A_189, %add3A_177 : i32
    %and3A_193 = arith.andi %le3A_191, %lt3A_192 : i1
    %jit3A_194 = arith.constant 0 : i32
    %select_n3A_195 = arith.select %and3A_193, %add3A_180, %jit3A_194 : i32
    %add3A_196 = arith.constant 512 : i32
    %add3A_197 = arith.addi %select_n3A_195, %add3A_196 : i32
    %min3A_198 = arith.constant 625 : i32
    %min3A_199 = arith.minsi %add3A_197, %min3A_198 : i32
    %sub3A_200 = arith.constant 1 : i32
    %sub3A_201 = arith.subi %min3A_199, %sub3A_200 : i32
    %get3A_202 = arith.index_cast %sub3A_201 : i32 to index
    %get3A_203 = tpu.vector_load %arg7[%get3A_202] {strides = array<i32>} : memref<656xi32, #tpu.memory_space<vmem>>, vector<16xi32>,
    %get3A_204 = vector.shape_cast %get3A_203 : vector<16xi32> to vector<16xi32>
    %slice3A_205 = vector.extract_strided_slice %get3A_204 {offsets = [0], sizes = [1], strides = [1]} : vector<16xi32> to vector<1xi32>
    %squeeze3A_206 = vector.extract %slice3A_205[0] : i32 from vector<1xi32>
    %le3A_207 = arith.constant 625 : i32
    %le3A_208 = arith.cmpi sle, %add3A_197, %le3A_207 : i32
    %lt3A_209 = arith.cmpi slt, %squeeze3A_206, %add3A_177 : i32
    %and3A_210 = arith.andi %le3A_208, %lt3A_209 : i1
    %select_n3A_211 = arith.select %and3A_210, %add3A_197, %select_n3A_195 : i32
    %add3A_212 = arith.constant 256 : i32
    %add3A_213 = arith.addi %select_n3A_211, %add3A_212 : i32
    %min3A_214 = arith.constant 625 : i32
    %min3A_215 = arith.minsi %add3A_213, %min3A_214 : i32
    %sub3A_216 = arith.constant 1 : i32
    %sub3A_217 = arith.subi %min3A_215, %sub3A_216 : i32
    %get3A_218 = arith.index_cast %sub3A_217 : i32 to index
    %get3A_219 = tpu.vector_load %arg7[%get3A_218] {strides = array<i32>} : memref<656xi32, #tpu.memory_space<vmem>>, vector<16xi32>,
    %get3A_220 = vector.shape_cast %get3A_219 : vector<16xi32> to vector<16xi32>
    %slice3A_221 = vector.extract_strided_slice %get3A_220 {offsets = [0], sizes = [1], strides = [1]} : vector<16xi32> to vector<1xi32>
    %squeeze3A_222 = vector.extract %slice3A_221[0] : i32 from vector<1xi32>
    %le3A_223 = arith.constant 625 : i32
    %le3A_224 = arith.cmpi sle, %add3A_213, %le3A_223 : i32
    %lt3A_225 = arith.cmpi slt, %squeeze3A_222, %add3A_177 : i32
    %and3A_226 = arith.andi %le3A_224, %lt3A_225 : i1
    %select_n3A_227 = arith.select %and3A_226, %add3A_213, %select_n3A_211 : i32
    %add3A_228 = arith.constant 128 : i32
    %add3A_229 = arith.addi %select_n3A_227, %add3A_228 : i32
    %min3A_230 = arith.constant 625 : i32
    %min3A_231 = arith.minsi %add3A_229, %min3A_230 : i32
    %sub3A_232 = arith.constant 1 : i32
    %sub3A_233 = arith.subi %min3A_231, %sub3A_232 : i32
    %get3A_234 = arith.index_cast %sub3A_233 : i32 to index
    %get3A_235 = tpu.vector_load %arg7[%get3A_234] {strides = array<i32>} : memref<656xi32, #tpu.memory_space<vmem>>, vector<16xi32>,
    %get3A_236 = vector.shape_cast %get3A_235 : vector<16xi32> to vector<16xi32>
    %slice3A_237 = vector.extract_strided_slice %get3A_236 {offsets = [0], sizes = [1], strides = [1]} : vector<16xi32> to vector<1xi32>
    %squeeze3A_238 = vector.extract %slice3A_237[0] : i32 from vector<1xi32>
    %le3A_239 = arith.constant 625 : i32
    %le3A_240 = arith.cmpi sle, %add3A_229, %le3A_239 : i32
    %lt3A_241 = arith.cmpi slt, %squeeze3A_238, %add3A_177 : i32
    %and3A_242 = arith.andi %le3A_240, %lt3A_241 : i1
    %select_n3A_243 = arith.select %and3A_242, %add3A_229, %select_n3A_227 : i32
    %add3A_244 = arith.constant 64 : i32
    %add3A_245 = arith.addi %select_n3A_243, %add3A_244 : i32
    %min3A_246 = arith.constant 625 : i32
    %min3A_247 = arith.minsi %add3A_245, %min3A_246 : i32
    %sub3A_248 = arith.constant 1 : i32
    %sub3A_249 = arith.subi %min3A_247, %sub3A_248 : i32
    %get3A_250 = arith.index_cast %sub3A_249 : i32 to index
    %get3A_251 = tpu.vector_load %arg7[%get3A_250] {strides = array<i32>} : memref<656xi32, #tpu.memory_space<vmem>>, vector<16xi32>,
    %get3A_252 = vector.shape_cast %get3A_251 : vector<16xi32> to vector<16xi32>
    %slice3A_253 = vector.extract_strided_slice %get3A_252 {offsets = [0], sizes = [1], strides = [1]} : vector<16xi32> to vector<1xi32>
    %squeeze3A_254 = vector.extract %slice3A_253[0] : i32 from vector<1xi32>
    %le3A_255 = arith.constant 625 : i32
    %le3A_256 = arith.cmpi sle, %add3A_245, %le3A_255 : i32
    %lt3A_257 = arith.cmpi slt, %squeeze3A_254, %add3A_177 : i32
    %and3A_258 = arith.andi %le3A_256, %lt3A_257 : i1
    %select_n3A_259 = arith.select %and3A_258, %add3A_245, %select_n3A_243 : i32
    %add3A_260 = arith.constant 32 : i32
    %add3A_261 = arith.addi %select_n3A_259, %add3A_260 : i32
    %min3A_262 = arith.constant 625 : i32
    %min3A_263 = arith.minsi %add3A_261, %min3A_262 : i32
    %sub3A_264 = arith.constant 1 : i32
    %sub3A_265 = arith.subi %min3A_263, %sub3A_264 : i32
    %get3A_266 = arith.index_cast %sub3A_265 : i32 to index
    %get3A_267 = tpu.vector_load %arg7[%get3A_266] {strides = array<i32>} : memref<656xi32, #tpu.memory_space<vmem>>, vector<16xi32>,
    %get3A_268 = vector.shape_cast %get3A_267 : vector<16xi32> to vector<16xi32>
    %slice3A_269 = vector.extract_strided_slice %get3A_268 {offsets = [0], sizes = [1], strides = [1]} : vector<16xi32> to vector<1xi32>
    %squeeze3A_270 = vector.extract %slice3A_269[0] : i32 from vector<1xi32>
    %le3A_271 = arith.constant 625 : i32
    %le3A_272 = arith.cmpi sle, %add3A_261, %le3A_271 : i32
    %lt3A_273 = arith.cmpi slt, %squeeze3A_270, %add3A_177 : i32
    %and3A_274 = arith.andi %le3A_272, %lt3A_273 : i1
    %select_n3A_275 = arith.select %and3A_274, %add3A_261, %select_n3A_259 : i32
    %add3A_276 = arith.constant 16 : i32
    %add3A_277 = arith.addi %select_n3A_275, %add3A_276 : i32
    %min3A_278 = arith.constant 625 : i32
    %min3A_279 = arith.minsi %add3A_277, %min3A_278 : i32
    %sub3A_280 = arith.constant 1 : i32
    %sub3A_281 = arith.subi %min3A_279, %sub3A_280 : i32
    %get3A_282 = arith.index_cast %sub3A_281 : i32 to index
    %get3A_283 = tpu.vector_load %arg7[%get3A_282] {strides = array<i32>} : memref<656xi32, #tpu.memory_space<vmem>>, vector<16xi32>,
    %get3A_284 = vector.shape_cast %get3A_283 : vector<16xi32> to vector<16xi32>
    %slice3A_285 = vector.extract_strided_slice %get3A_284 {offsets = [0], sizes = [1], strides = [1]} : vector<16xi32> to vector<1xi32>
    %squeeze3A_286 = vector.extract %slice3A_285[0] : i32 from vector<1xi32>
    %le3A_287 = arith.constant 625 : i32
    %le3A_288 = arith.cmpi sle, %add3A_277, %le3A_287 : i32
    %lt3A_289 = arith.cmpi slt, %squeeze3A_286, %add3A_177 : i32
    %and3A_290 = arith.andi %le3A_288, %lt3A_289 : i1
    %select_n3A_291 = arith.select %and3A_290, %add3A_277, %select_n3A_275 : i32
    %add3A_292 = arith.constant 8 : i32
    %add3A_293 = arith.addi %select_n3A_291, %add3A_292 : i32
    %min3A_294 = arith.constant 625 : i32
    %min3A_295 = arith.minsi %add3A_293, %min3A_294 : i32
    %sub3A_296 = arith.constant 1 : i32
    %sub3A_297 = arith.subi %min3A_295, %sub3A_296 : i32
    %get3A_298 = arith.index_cast %sub3A_297 : i32 to index
    %get3A_299 = tpu.vector_load %arg7[%get3A_298] {strides = array<i32>} : memref<656xi32, #tpu.memory_space<vmem>>, vector<16xi32>,
    %get3A_300 = vector.shape_cast %get3A_299 : vector<16xi32> to vector<16xi32>
    %slice3A_301 = vector.extract_strided_slice %get3A_300 {offsets = [0], sizes = [1], strides = [1]} : vector<16xi32> to vector<1xi32>
    %squeeze3A_302 = vector.extract %slice3A_301[0] : i32 from vector<1xi32>
    %le3A_303 = arith.constant 625 : i32
    %le3A_304 = arith.cmpi sle, %add3A_293, %le3A_303 : i32
    %lt3A_305 = arith.cmpi slt, %squeeze3A_302, %add3A_177 : i32
    %and3A_306 = arith.andi %le3A_304, %lt3A_305 : i1
    %select_n3A_307 = arith.select %and3A_306, %add3A_293, %select_n3A_291 : i32
    %add3A_308 = arith.constant 4 : i32
    %add3A_309 = arith.addi %select_n3A_307, %add3A_308 : i32
    %min3A_310 = arith.constant 625 : i32
    %min3A_311 = arith.minsi %add3A_309, %min3A_310 : i32
    %sub3A_312 = arith.constant 1 : i32
    %sub3A_313 = arith.subi %min3A_311, %sub3A_312 : i32
    %get3A_314 = arith.index_cast %sub3A_313 : i32 to index
    %get3A_315 = tpu.vector_load %arg7[%get3A_314] {strides = array<i32>} : memref<656xi32, #tpu.memory_space<vmem>>, vector<16xi32>,
    %get3A_316 = vector.shape_cast %get3A_315 : vector<16xi32> to vector<16xi32>
    %slice3A_317 = vector.extract_strided_slice %get3A_316 {offsets = [0], sizes = [1], strides = [1]} : vector<16xi32> to vector<1xi32>
    %squeeze3A_318 = vector.extract %slice3A_317[0] : i32 from vector<1xi32>
    %le3A_319 = arith.constant 625 : i32
    %le3A_320 = arith.cmpi sle, %add3A_309, %le3A_319 : i32
    %lt3A_321 = arith.cmpi slt, %squeeze3A_318, %add3A_177 : i32
    %and3A_322 = arith.andi %le3A_320, %lt3A_321 : i1
    %select_n3A_323 = arith.select %and3A_322, %add3A_309, %select_n3A_307 : i32
    %add3A_324 = arith.constant 2 : i32
    %add3A_325 = arith.addi %select_n3A_323, %add3A_324 : i32
    %min3A_326 = arith.constant 625 : i32
    %min3A_327 = arith.minsi %add3A_325, %min3A_326 : i32
    %sub3A_328 = arith.constant 1 : i32
    %sub3A_329 = arith.subi %min3A_327, %sub3A_328 : i32
    %get3A_330 = arith.index_cast %sub3A_329 : i32 to index
    %get3A_331 = tpu.vector_load %arg7[%get3A_330] {strides = array<i32>} : memref<656xi32, #tpu.memory_space<vmem>>, vector<16xi32>,
    %get3A_332 = vector.shape_cast %get3A_331 : vector<16xi32> to vector<16xi32>
    %slice3A_333 = vector.extract_strided_slice %get3A_332 {offsets = [0], sizes = [1], strides = [1]} : vector<16xi32> to vector<1xi32>
    %squeeze3A_334 = vector.extract %slice3A_333[0] : i32 from vector<1xi32>
    %le3A_335 = arith.constant 625 : i32
    %le3A_336 = arith.cmpi sle, %add3A_325, %le3A_335 : i32
    %lt3A_337 = arith.cmpi slt, %squeeze3A_334, %add3A_177 : i32
    %and3A_338 = arith.andi %le3A_336, %lt3A_337 : i1
    %select_n3A_339 = arith.select %and3A_338, %add3A_325, %select_n3A_323 : i32
    %add3A_340 = arith.constant 1 : i32
    %add3A_341 = arith.addi %select_n3A_339, %add3A_340 : i32
    %min3A_342 = arith.constant 625 : i32
    %min3A_343 = arith.minsi %add3A_341, %min3A_342 : i32
    %sub3A_344 = arith.constant 1 : i32
    %sub3A_345 = arith.subi %min3A_343, %sub3A_344 : i32
    %get3A_346 = arith.index_cast %sub3A_345 : i32 to index
    %get3A_347 = tpu.vector_load %arg7[%get3A_346] {strides = array<i32>} : memref<656xi32, #tpu.memory_space<vmem>>, vector<16xi32>,
    %get3A_348 = vector.shape_cast %get3A_347 : vector<16xi32> to vector<16xi32>
    %slice3A_349 = vector.extract_strided_slice %get3A_348 {offsets = [0], sizes = [1], strides = [1]} : vector<16xi32> to vector<1xi32>
    %squeeze3A_350 = vector.extract %slice3A_349[0] : i32 from vector<1xi32>
    %le3A_351 = arith.constant 625 : i32
    %le3A_352 = arith.cmpi sle, %add3A_341, %le3A_351 : i32
    %lt3A_353 = arith.cmpi slt, %squeeze3A_350, %add3A_177 : i32
    %and3A_354 = arith.andi %le3A_352, %lt3A_353 : i1
    %select_n3A_355 = arith.select %and3A_354, %add3A_341, %select_n3A_339 : i32
    %mul3A_356 = arith.constant 16 : i32
    %mul3A_357 = arith.muli %select_n3A_355, %mul3A_356 : i32
    %min3A_358 = arith.constant 10000 : i32
    %min3A_359 = arith.minsi %mul3A_357, %min3A_358 : i32
    %sub3A_360 = arith.subi %min3A_359, %mul3A_175 : i32
    %add3A_361 = arith.constant 128 : i32
    %add3A_362 = arith.addi %sub3A_360, %add3A_361 : i32
    %sub3A_363 = arith.constant 1 : i32
    %sub3A_364 = arith.subi %add3A_362, %sub3A_363 : i32
    %jit3A_365 = arith.constant 128 : i32
    %div3A = arith.divsi %sub3A_364, %jit3A_365 : i32
    %sign3A = arith.constant 0 : i32
    %sign3A_366 = arith.cmpi sgt, %sub3A_364, %sign3A : i32
    %sign3A_367 = arith.extui %sign3A_366 : i1 to i32
    %sign3A_368 = arith.constant 0 : i32
    %sign3A_369 = arith.cmpi slt, %sub3A_364, %sign3A_368 : i32
    %sign3A_370 = arith.extui %sign3A_369 : i1 to i32
    %sign3A_371 = arith.subi %sign3A_367, %sign3A_370 : i32
    %sign3A_372 = arith.constant 0 : i32
    %sign3A_373 = arith.cmpi sgt, %jit3A_365, %sign3A_372 : i32
    %sign3A_374 = arith.extui %sign3A_373 : i1 to i32
    %sign3A_375 = arith.constant 0 : i32
    %sign3A_376 = arith.cmpi slt, %jit3A_365, %sign3A_375 : i32
    %sign3A_377 = arith.extui %sign3A_376 : i1 to i32
    %sign3A_378 = arith.subi %sign3A_374, %sign3A_377 : i32
    %ne3A = arith.cmpi ne, %sign3A_371, %sign3A_378 : i32
    %rem3A = arith.remsi %sub3A_364, %jit3A_365 : i32
    %ne3A_379 = arith.constant 0 : i32
    %ne3A_380 = arith.cmpi ne, %rem3A, %ne3A_379 : i32
    %and3A_381 = arith.andi %ne3A, %ne3A_380 : i1
    %sub3A_382 = arith.constant 1 : i32
    %sub3A_383 = arith.subi %div3A, %sub3A_382 : i32
    %select_n3A_384 = arith.select %and3A_381, %sub3A_383, %div3A : i32
    %while3A = arith.constant 0 : i32
    %while3A_385 = arith.constant 0 : i32
    %while3A_386 = arith.subi %select_n3A_384, %while3A : i32
    %while3A_387 = arith.addi %while3A, %while3A_386 : i32
    %while3A_388 = arith.constant 1 : i32
    %while3A_389 = arith.divsi %while3A_386, %while3A_388 : i32
    %while3A_390 = arith.muli %while3A_389, %while3A_388 : i32
    %while3A_391 = arith.addi %while3A, %while3A_390 : i32
    %while3A_392 = arith.constant 1 : i32
    %while3A_393 = scf.for %while3A_396 = %while3A to %while3A_391 step %while3A_392 iter_args(%while3A_397 = %while3A_385) -> (i32)  : i32 {
      %mul3A_398 = arith.constant 128 : i32
      %mul3A_399 = arith.muli %while3A_396, %mul3A_398 : i32
      %add3A_400 = arith.addi %mul3A_175, %mul3A_399 : i32
      %min3A_401 = arith.constant 9872 : i32
      %min3A_402 = arith.minsi %add3A_400, %min3A_401 : i32
      %multiple_of3A = tpu.assume_multiple %min3A_402, 8 : i32
      "tpu.region"() ({
        %run_scoped3A = tpu.sem_alloc : memref<!tpu.dma_semaphore, #tpu.memory_space<semaphore_mem>>
        %dma_start3A = arith.constant 0 : i32
        %dma_start3A_410 = tpu.memref_slice %arg2[%multiple_of3A, %dma_start3A] : memref<10000x128xf32, #tpu.memory_space<hbm>> -> memref<128x128xf32, #tpu.memory_space<hbm>>
        %dma_start3A_411 = arith.constant 0 : i32
        %dma_start3A_412 = tpu.memref_slice %arg2[%multiple_of3A, %dma_start3A_411] : memref<10000x128xf32, #tpu.memory_space<hbm>> -> memref<128x128xf32, #tpu.memory_space<hbm>>
        tpu.enqueue_dma source(%dma_start3A_412 : memref<128x128xf32, #tpu.memory_space<hbm>>) target(%arg9 : memref<128x128xf32, #tpu.memory_space<vmem>>) target_semaphore(%run_scoped3A : memref<!tpu.dma_semaphore, #tpu.memory_space<semaphore_mem>>)
        %dma_wait3A = arith.constant 0 : i32
        %dma_wait3A_413 = tpu.memref_slice %arg2[%multiple_of3A, %dma_wait3A] : memref<10000x128xf32, #tpu.memory_space<hbm>> -> memref<128x128xf32, #tpu.memory_space<hbm>>
        %dma_wait3A_414 = arith.constant 0 : i32
        %dma_wait3A_415 = tpu.memref_slice %arg2[%multiple_of3A, %dma_wait3A_414] : memref<10000x128xf32, #tpu.memory_space<hbm>> -> memref<128x128xf32, #tpu.memory_space<hbm>>
        tpu.wait_dma2 semaphore(%run_scoped3A : memref<!tpu.dma_semaphore, #tpu.memory_space<semaphore_mem>>) src(%dma_wait3A_415 : memref<128x128xf32, #tpu.memory_space<hbm>>) dst(%arg9 : memref<128x128xf32, #tpu.memory_space<vmem>>)
        tpu.yield
      }) : () -> ()
      "tpu.region"() ({
        %run_scoped3A = tpu.sem_alloc : memref<!tpu.dma_semaphore, #tpu.memory_space<semaphore_mem>>
        %dma_start3A = arith.constant 0 : i32
        %dma_start3A_410 = tpu.memref_slice %arg8[%dma_start3A] : memref<144xi32, #tpu.memory_space<vmem>> -> memref<128xi32, #tpu.memory_space<vmem>>
        %dma_start3A_411 = tpu.memref_slice %arg3[%multiple_of3A] : memref<10000xi32, #tpu.memory_space<hbm>> -> memref<128xi32, #tpu.memory_space<hbm>>
        %dma_start3A_412 = arith.constant 0 : i32
        %dma_start3A_413 = tpu.memref_slice %arg8[%dma_start3A_412] : memref<144xi32, #tpu.memory_space<vmem>> -> memref<128xi32, #tpu.memory_space<vmem>>
        %dma_start3A_414 = tpu.memref_slice %arg3[%multiple_of3A] : memref<10000xi32, #tpu.memory_space<hbm>> -> memref<128xi32, #tpu.memory_space<hbm>>
        tpu.enqueue_dma source(%dma_start3A_414 : memref<128xi32, #tpu.memory_space<hbm>>) target(%dma_start3A_413 : memref<128xi32, #tpu.memory_space<vmem>>) target_semaphore(%run_scoped3A : memref<!tpu.dma_semaphore, #tpu.memory_space<semaphore_mem>>)
        %dma_wait3A = arith.constant 0 : i32
        %dma_wait3A_415 = tpu.memref_slice %arg8[%dma_wait3A] : memref<144xi32, #tpu.memory_space<vmem>> -> memref<128xi32, #tpu.memory_space<vmem>>
        %dma_wait3A_416 = tpu.memref_slice %arg3[%multiple_of3A] : memref<10000xi32, #tpu.memory_space<hbm>> -> memref<128xi32, #tpu.memory_space<hbm>>
        %dma_wait3A_417 = arith.constant 0 : i32
        %dma_wait3A_418 = tpu.memref_slice %arg8[%dma_wait3A_417] : memref<144xi32, #tpu.memory_space<vmem>> -> memref<128xi32, #tpu.memory_space<vmem>>
        %dma_wait3A_419 = tpu.memref_slice %arg3[%multiple_of3A] : memref<10000xi32, #tpu.memory_space<hbm>> -> memref<128xi32, #tpu.memory_space<hbm>>
        tpu.wait_dma2 semaphore(%run_scoped3A : memref<!tpu.dma_semaphore, #tpu.memory_space<semaphore_mem>>) src(%dma_wait3A_419 : memref<128xi32, #tpu.memory_space<hbm>>) dst(%dma_wait3A_418 : memref<128xi32, #tpu.memory_space<vmem>>)
        tpu.yield
      }) : () -> ()
      %scan3A = arith.constant 0 : i32
      %scan3A_403 = arith.constant 0 : i32
      %scan3A_404 = arith.constant 128 : i32
      %scan3A_405 = arith.addi %scan3A_403, %scan3A_404 : i32
      %scan3A_406 = arith.constant 1 : i32
      %scan3A_407 = scf.for %scan3A_410 = %scan3A_403 to %scan3A_405 step %scan3A_406 iter_args(%scan3A_411 = %scan3A) -> (i32)  : i32 {
        %get3A_412 = arith.index_cast %scan3A_410 : i32 to index
        %get3A_413 = tpu.vector_load %arg8[%get3A_412] {strides = array<i32>} : memref<144xi32, #tpu.memory_space<vmem>>, vector<16xi32>,
        %get3A_414 = vector.shape_cast %get3A_413 : vector<16xi32> to vector<16xi32>
        %slice3A_415 = vector.extract_strided_slice %get3A_414 {offsets = [0], sizes = [1], strides = [1]} : vector<16xi32> to vector<1xi32>
        %squeeze3A_416 = vector.extract %slice3A_415[0] : i32 from vector<1xi32>
        %sub3A_417 = arith.subi %squeeze3A_416, %mul3A_2 : i32
        %ge3A = arith.constant 0 : i32
        %ge3A_418 = arith.cmpi sge, %sub3A_417, %ge3A : i32
        %lt3A_419 = arith.constant 8 : i32
        %lt3A_420 = arith.cmpi slt, %sub3A_417, %lt3A_419 : i32
        %and3A_421 = arith.andi %ge3A_418, %lt3A_420 : i1
        %jit3A_422 = arith.constant 8 : i32
        %select_n3A_423 = arith.select %and3A_421, %sub3A_417, %jit3A_422 : i32
        %get3A_424 = arith.index_cast %select_n3A_423 : i32 to index
        %get3A_425 = arith.constant 0 : index
        %get3A_426 = tpu.vector_load %arg10[%get3A_424, %get3A_425] {strides = array<i32>} : memref<9x128xf32, #tpu.memory_space<vmem>>, vector<1x16xf32>,
        %get3A_427 = vector.shape_cast %get3A_426 : vector<1x16xf32> to vector<16xf32>
        %get3A_428 = arith.index_cast %scan3A_410 : i32 to index
        %get3A_429 = arith.constant 0 : index
        %get3A_430 = tpu.vector_load %arg9[%get3A_428, %get3A_429] {strides = array<i32>} : memref<128x128xf32, #tpu.memory_space<vmem>>, vector<1x16xf32>,
        %get3A_431 = vector.shape_cast %get3A_430 : vector<1x16xf32> to vector<16xf32>
        %max3A_432 = arith.maximumf %get3A_427, %get3A_431 : vector<16xf32>
        %swap3A = arith.index_cast %select_n3A_423 : i32 to index
        %swap3A_433 = arith.constant 0 : index
        %swap3A_434 = tpu.vector_load %arg10[%swap3A, %swap3A_433] {strides = array<i32>} : memref<9x128xf32, #tpu.memory_space<vmem>>, vector<1x16xf32>,
        %swap3A_435 = vector.shape_cast %swap3A_434 : vector<1x16xf32> to vector<16xf32>
        %swap3A_436 = vector.shape_cast %max3A_432 : vector<16xf32> to vector<1x16xf32>
        tpu.vector_store %arg10[%swap3A, %swap3A_433], %swap3A_436 {strides = array<i32>} : memref<9x128xf32, #tpu.memory_space<vmem>>, vector<1x16xf32>,
        %get3A_437 = arith.index_cast %select_n3A_423 : i32 to index
        %get3A_438 = arith.constant 16 : index
        %get3A_439 = tpu.vector_load %arg10[%get3A_437, %get3A_438] {strides = array<i32>} : memref<9x128xf32, #tpu.memory_space<vmem>>, vector<1x16xf32>,
        %get3A_440 = vector.shape_cast %get3A_439 : vector<1x16xf32> to vector<16xf32>
        %get3A_441 = arith.index_cast %scan3A_410 : i32 to index
        %get3A_442 = arith.constant 16 : index
        %get3A_443 = tpu.vector_load %arg9[%get3A_441, %get3A_442] {strides = array<i32>} : memref<128x128xf32, #tpu.memory_space<vmem>>, vector<1x16xf32>,
        %get3A_444 = vector.shape_cast %get3A_443 : vector<1x16xf32> to vector<16xf32>
        %max3A_445 = arith.maximumf %get3A_440, %get3A_444 : vector<16xf32>
        %swap3A_446 = arith.index_cast %select_n3A_423 : i32 to index
        %swap3A_447 = arith.constant 16 : index
        %swap3A_448 = tpu.vector_load %arg10[%swap3A_446, %swap3A_447] {strides = array<i32>} : memref<9x128xf32, #tpu.memory_space<vmem>>, vector<1x16xf32>,
        %swap3A_449 = vector.shape_cast %swap3A_448 : vector<1x16xf32> to vector<16xf32>
        %swap3A_450 = vector.shape_cast %max3A_445 : vector<16xf32> to vector<1x16xf32>
        tpu.vector_store %arg10[%swap3A_446, %swap3A_447], %swap3A_450 {strides = array<i32>} : memref<9x128xf32, #tpu.memory_space<vmem>>, vector<1x16xf32>,
        %get3A_451 = arith.index_cast %select_n3A_423 : i32 to index
        %get3A_452 = arith.constant 32 : index
        %get3A_453 = tpu.vector_load %arg10[%get3A_451, %get3A_452] {strides = array<i32>} : memref<9x128xf32, #tpu.memory_space<vmem>>, vector<1x16xf32>,
        %get3A_454 = vector.shape_cast %get3A_453 : vector<1x16xf32> to vector<16xf32>
        %get3A_455 = arith.index_cast %scan3A_410 : i32 to index
        %get3A_456 = arith.constant 32 : index
        %get3A_457 = tpu.vector_load %arg9[%get3A_455, %get3A_456] {strides = array<i32>} : memref<128x128xf32, #tpu.memory_space<vmem>>, vector<1x16xf32>,
        %get3A_458 = vector.shape_cast %get3A_457 : vector<1x16xf32> to vector<16xf32>
        %max3A_459 = arith.maximumf %get3A_454, %get3A_458 : vector<16xf32>
        %swap3A_460 = arith.index_cast %select_n3A_423 : i32 to index
        %swap3A_461 = arith.constant 32 : index
        %swap3A_462 = tpu.vector_load %arg10[%swap3A_460, %swap3A_461] {strides = array<i32>} : memref<9x128xf32, #tpu.memory_space<vmem>>, vector<1x16xf32>,
        %swap3A_463 = vector.shape_cast %swap3A_462 : vector<1x16xf32> to vector<16xf32>
        %swap3A_464 = vector.shape_cast %max3A_459 : vector<16xf32> to vector<1x16xf32>
        tpu.vector_store %arg10[%swap3A_460, %swap3A_461], %swap3A_464 {strides = array<i32>} : memref<9x128xf32, #tpu.memory_space<vmem>>, vector<1x16xf32>,
        %get3A_465 = arith.index_cast %select_n3A_423 : i32 to index
        %get3A_466 = arith.constant 48 : index
        %get3A_467 = tpu.vector_load %arg10[%get3A_465, %get3A_466] {strides = array<i32>} : memref<9x128xf32, #tpu.memory_space<vmem>>, vector<1x16xf32>,
        %get3A_468 = vector.shape_cast %get3A_467 : vector<1x16xf32> to vector<16xf32>
        %get3A_469 = arith.index_cast %scan3A_410 : i32 to index
        %get3A_470 = arith.constant 48 : index
        %get3A_471 = tpu.vector_load %arg9[%get3A_469, %get3A_470] {strides = array<i32>} : memref<128x128xf32, #tpu.memory_space<vmem>>, vector<1x16xf32>,
        %get3A_472 = vector.shape_cast %get3A_471 : vector<1x16xf32> to vector<16xf32>
        %max3A_473 = arith.maximumf %get3A_468, %get3A_472 : vector<16xf32>
        %swap3A_474 = arith.index_cast %select_n3A_423 : i32 to index
        %swap3A_475 = arith.constant 48 : index
        %swap3A_476 = tpu.vector_load %arg10[%swap3A_474, %swap3A_475] {strides = array<i32>} : memref<9x128xf32, #tpu.memory_space<vmem>>, vector<1x16xf32>,
        %swap3A_477 = vector.shape_cast %swap3A_476 : vector<1x16xf32> to vector<16xf32>
        %swap3A_478 = vector.shape_cast %max3A_473 : vector<16xf32> to vector<1x16xf32>
        tpu.vector_store %arg10[%swap3A_474, %swap3A_475], %swap3A_478 {strides = array<i32>} : memref<9x128xf32, #tpu.memory_space<vmem>>, vector<1x16xf32>,
        %get3A_479 = arith.index_cast %select_n3A_423 : i32 to index
        %get3A_480 = arith.constant 64 : index
        %get3A_481 = tpu.vector_load %arg10[%get3A_479, %get3A_480] {strides = array<i32>} : memref<9x128xf32, #tpu.memory_space<vmem>>, vector<1x16xf32>,
        %get3A_482 = vector.shape_cast %get3A_481 : vector<1x16xf32> to vector<16xf32>
        %get3A_483 = arith.index_cast %scan3A_410 : i32 to index
        %get3A_484 = arith.constant 64 : index
        %get3A_485 = tpu.vector_load %arg9[%get3A_483, %get3A_484] {strides = array<i32>} : memref<128x128xf32, #tpu.memory_space<vmem>>, vector<1x16xf32>,
        %get3A_486 = vector.shape_cast %get3A_485 : vector<1x16xf32> to vector<16xf32>
        %max3A_487 = arith.maximumf %get3A_482, %get3A_486 : vector<16xf32>
        %swap3A_488 = arith.index_cast %select_n3A_423 : i32 to index
        %swap3A_489 = arith.constant 64 : index
        %swap3A_490 = tpu.vector_load %arg10[%swap3A_488, %swap3A_489] {strides = array<i32>} : memref<9x128xf32, #tpu.memory_space<vmem>>, vector<1x16xf32>,
        %swap3A_491 = vector.shape_cast %swap3A_490 : vector<1x16xf32> to vector<16xf32>
        %swap3A_492 = vector.shape_cast %max3A_487 : vector<16xf32> to vector<1x16xf32>
        tpu.vector_store %arg10[%swap3A_488, %swap3A_489], %swap3A_492 {strides = array<i32>} : memref<9x128xf32, #tpu.memory_space<vmem>>, vector<1x16xf32>,
        %get3A_493 = arith.index_cast %select_n3A_423 : i32 to index
        %get3A_494 = arith.constant 80 : index
        %get3A_495 = tpu.vector_load %arg10[%get3A_493, %get3A_494] {strides = array<i32>} : memref<9x128xf32, #tpu.memory_space<vmem>>, vector<1x16xf32>,
        %get3A_496 = vector.shape_cast %get3A_495 : vector<1x16xf32> to vector<16xf32>
        %get3A_497 = arith.index_cast %scan3A_410 : i32 to index
        %get3A_498 = arith.constant 80 : index
        %get3A_499 = tpu.vector_load %arg9[%get3A_497, %get3A_498] {strides = array<i32>} : memref<128x128xf32, #tpu.memory_space<vmem>>, vector<1x16xf32>,
        %get3A_500 = vector.shape_cast %get3A_499 : vector<1x16xf32> to vector<16xf32>
        %max3A_501 = arith.maximumf %get3A_496, %get3A_500 : vector<16xf32>
        %swap3A_502 = arith.index_cast %select_n3A_423 : i32 to index
        %swap3A_503 = arith.constant 80 : index
        %swap3A_504 = tpu.vector_load %arg10[%swap3A_502, %swap3A_503] {strides = array<i32>} : memref<9x128xf32, #tpu.memory_space<vmem>>, vector<1x16xf32>,
        %swap3A_505 = vector.shape_cast %swap3A_504 : vector<1x16xf32> to vector<16xf32>
        %swap3A_506 = vector.shape_cast %max3A_501 : vector<16xf32> to vector<1x16xf32>
        tpu.vector_store %arg10[%swap3A_502, %swap3A_503], %swap3A_506 {strides = array<i32>} : memref<9x128xf32, #tpu.memory_space<vmem>>, vector<1x16xf32>,
        %get3A_507 = arith.index_cast %select_n3A_423 : i32 to index
        %get3A_508 = arith.constant 96 : index
        %get3A_509 = tpu.vector_load %arg10[%get3A_507, %get3A_508] {strides = array<i32>} : memref<9x128xf32, #tpu.memory_space<vmem>>, vector<1x16xf32>,
        %get3A_510 = vector.shape_cast %get3A_509 : vector<1x16xf32> to vector<16xf32>
        %get3A_511 = arith.index_cast %scan3A_410 : i32 to index
        %get3A_512 = arith.constant 96 : index
        %get3A_513 = tpu.vector_load %arg9[%get3A_511, %get3A_512] {strides = array<i32>} : memref<128x128xf32, #tpu.memory_space<vmem>>, vector<1x16xf32>,
        %get3A_514 = vector.shape_cast %get3A_513 : vector<1x16xf32> to vector<16xf32>
        %max3A_515 = arith.maximumf %get3A_510, %get3A_514 : vector<16xf32>
        %swap3A_516 = arith.index_cast %select_n3A_423 : i32 to index
        %swap3A_517 = arith.constant 96 : index
        %swap3A_518 = tpu.vector_load %arg10[%swap3A_516, %swap3A_517] {strides = array<i32>} : memref<9x128xf32, #tpu.memory_space<vmem>>, vector<1x16xf32>,
        %swap3A_519 = vector.shape_cast %swap3A_518 : vector<1x16xf32> to vector<16xf32>
        %swap3A_520 = vector.shape_cast %max3A_515 : vector<16xf32> to vector<1x16xf32>
        tpu.vector_store %arg10[%swap3A_516, %swap3A_517], %swap3A_520 {strides = array<i32>} : memref<9x128xf32, #tpu.memory_space<vmem>>, vector<1x16xf32>,
        %get3A_521 = arith.index_cast %select_n3A_423 : i32 to index
        %get3A_522 = arith.constant 112 : index
        %get3A_523 = tpu.vector_load %arg10[%get3A_521, %get3A_522] {strides = array<i32>} : memref<9x128xf32, #tpu.memory_space<vmem>>, vector<1x16xf32>,
        %get3A_524 = vector.shape_cast %get3A_523 : vector<1x16xf32> to vector<16xf32>
        %get3A_525 = arith.index_cast %scan3A_410 : i32 to index
        %get3A_526 = arith.constant 112 : index
        %get3A_527 = tpu.vector_load %arg9[%get3A_525, %get3A_526] {strides = array<i32>} : memref<128x128xf32, #tpu.memory_space<vmem>>, vector<1x16xf32>,
        %get3A_528 = vector.shape_cast %get3A_527 : vector<1x16xf32> to vector<16xf32>
        %max3A_529 = arith.maximumf %get3A_524, %get3A_528 : vector<16xf32>
        %swap3A_530 = arith.index_cast %select_n3A_423 : i32 to index
        %swap3A_531 = arith.constant 112 : index
        %swap3A_532 = tpu.vector_load %arg10[%swap3A_530, %swap3A_531] {strides = array<i32>} : memref<9x128xf32, #tpu.memory_space<vmem>>, vector<1x16xf32>,
        %swap3A_533 = vector.shape_cast %swap3A_532 : vector<1x16xf32> to vector<16xf32>
        %swap3A_534 = vector.shape_cast %max3A_529 : vector<16xf32> to vector<1x16xf32>
        tpu.vector_store %arg10[%swap3A_530, %swap3A_531], %swap3A_534 {strides = array<i32>} : memref<9x128xf32, #tpu.memory_space<vmem>>, vector<1x16xf32>,
        %scan3A_535 = arith.constant 0 : i32
        scf.yield %scan3A_535 : i32
      }
      %scan3A_408 = arith.constant 128 : i32
      %while3A_409 = arith.constant 0 : i32
      scf.yield %while3A_409 : i32
    }
    %while3A_394 = arith.constant 1 : i32
    %while3A_395 = scf.for %while3A_396 = %while3A_391 to %while3A_387 step %while3A_394 iter_args(%while3A_397 = %while3A_393) -> (i32)  : i32 {
      %mul3A_398 = arith.constant 128 : i32
      %mul3A_399 = arith.muli %while3A_396, %mul3A_398 : i32
      %add3A_400 = arith.addi %mul3A_175, %mul3A_399 : i32
      %min3A_401 = arith.constant 9872 : i32
      %min3A_402 = arith.minsi %add3A_400, %min3A_401 : i32
      %multiple_of3A = tpu.assume_multiple %min3A_402, 8 : i32
      "tpu.region"() ({
        %run_scoped3A = tpu.sem_alloc : memref<!tpu.dma_semaphore, #tpu.memory_space<semaphore_mem>>
        %dma_start3A = arith.constant 0 : i32
        %dma_start3A_410 = tpu.memref_slice %arg2[%multiple_of3A, %dma_start3A] : memref<10000x128xf32, #tpu.memory_space<hbm>> -> memref<128x128xf32, #tpu.memory_space<hbm>>
        %dma_start3A_411 = arith.constant 0 : i32
        %dma_start3A_412 = tpu.memref_slice %arg2[%multiple_of3A, %dma_start3A_411] : memref<10000x128xf32, #tpu.memory_space<hbm>> -> memref<128x128xf32, #tpu.memory_space<hbm>>
        tpu.enqueue_dma source(%dma_start3A_412 : memref<128x128xf32, #tpu.memory_space<hbm>>) target(%arg9 : memref<128x128xf32, #tpu.memory_space<vmem>>) target_semaphore(%run_scoped3A : memref<!tpu.dma_semaphore, #tpu.memory_space<semaphore_mem>>)
        %dma_wait3A = arith.constant 0 : i32
        %dma_wait3A_413 = tpu.memref_slice %arg2[%multiple_of3A, %dma_wait3A] : memref<10000x128xf32, #tpu.memory_space<hbm>> -> memref<128x128xf32, #tpu.memory_space<hbm>>
        %dma_wait3A_414 = arith.constant 0 : i32
        %dma_wait3A_415 = tpu.memref_slice %arg2[%multiple_of3A, %dma_wait3A_414] : memref<10000x128xf32, #tpu.memory_space<hbm>> -> memref<128x128xf32, #tpu.memory_space<hbm>>
        tpu.wait_dma2 semaphore(%run_scoped3A : memref<!tpu.dma_semaphore, #tpu.memory_space<semaphore_mem>>) src(%dma_wait3A_415 : memref<128x128xf32, #tpu.memory_space<hbm>>) dst(%arg9 : memref<128x128xf32, #tpu.memory_space<vmem>>)
        tpu.yield
      }) : () -> ()
      "tpu.region"() ({
        %run_scoped3A = tpu.sem_alloc : memref<!tpu.dma_semaphore, #tpu.memory_space<semaphore_mem>>
        %dma_start3A = arith.constant 0 : i32
        %dma_start3A_410 = tpu.memref_slice %arg8[%dma_start3A] : memref<144xi32, #tpu.memory_space<vmem>> -> memref<128xi32, #tpu.memory_space<vmem>>
        %dma_start3A_411 = tpu.memref_slice %arg3[%multiple_of3A] : memref<10000xi32, #tpu.memory_space<hbm>> -> memref<128xi32, #tpu.memory_space<hbm>>
        %dma_start3A_412 = arith.constant 0 : i32
        %dma_start3A_413 = tpu.memref_slice %arg8[%dma_start3A_412] : memref<144xi32, #tpu.memory_space<vmem>> -> memref<128xi32, #tpu.memory_space<vmem>>
        %dma_start3A_414 = tpu.memref_slice %arg3[%multiple_of3A] : memref<10000xi32, #tpu.memory_space<hbm>> -> memref<128xi32, #tpu.memory_space<hbm>>
        tpu.enqueue_dma source(%dma_start3A_414 : memref<128xi32, #tpu.memory_space<hbm>>) target(%dma_start3A_413 : memref<128xi32, #tpu.memory_space<vmem>>) target_semaphore(%run_scoped3A : memref<!tpu.dma_semaphore, #tpu.memory_space<semaphore_mem>>)
        %dma_wait3A = arith.constant 0 : i32
        %dma_wait3A_415 = tpu.memref_slice %arg8[%dma_wait3A] : memref<144xi32, #tpu.memory_space<vmem>> -> memref<128xi32, #tpu.memory_space<vmem>>
        %dma_wait3A_416 = tpu.memref_slice %arg3[%multiple_of3A] : memref<10000xi32, #tpu.memory_space<hbm>> -> memref<128xi32, #tpu.memory_space<hbm>>
        %dma_wait3A_417 = arith.constant 0 : i32
        %dma_wait3A_418 = tpu.memref_slice %arg8[%dma_wait3A_417] : memref<144xi32, #tpu.memory_space<vmem>> -> memref<128xi32, #tpu.memory_space<vmem>>
        %dma_wait3A_419 = tpu.memref_slice %arg3[%multiple_of3A] : memref<10000xi32, #tpu.memory_space<hbm>> -> memref<128xi32, #tpu.memory_space<hbm>>
        tpu.wait_dma2 semaphore(%run_scoped3A : memref<!tpu.dma_semaphore, #tpu.memory_space<semaphore_mem>>) src(%dma_wait3A_419 : memref<128xi32, #tpu.memory_space<hbm>>) dst(%dma_wait3A_418 : memref<128xi32, #tpu.memory_space<vmem>>)
        tpu.yield
      }) : () -> ()
      %scan3A = arith.constant 0 : i32
      %scan3A_403 = arith.constant 0 : i32
      %scan3A_404 = arith.constant 128 : i32
      %scan3A_405 = arith.addi %scan3A_403, %scan3A_404 : i32
      %scan3A_406 = arith.constant 1 : i32
      %scan3A_407 = scf.for %scan3A_410 = %scan3A_403 to %scan3A_405 step %scan3A_406 iter_args(%scan3A_411 = %scan3A) -> (i32)  : i32 {
        %get3A_412 = arith.index_cast %scan3A_410 : i32 to index
        %get3A_413 = tpu.vector_load %arg8[%get3A_412] {strides = array<i32>} : memref<144xi32, #tpu.memory_space<vmem>>, vector<16xi32>,
        %get3A_414 = vector.shape_cast %get3A_413 : vector<16xi32> to vector<16xi32>
        %slice3A_415 = vector.extract_strided_slice %get3A_414 {offsets = [0], sizes = [1], strides = [1]} : vector<16xi32> to vector<1xi32>
        %squeeze3A_416 = vector.extract %slice3A_415[0] : i32 from vector<1xi32>
        %sub3A_417 = arith.subi %squeeze3A_416, %mul3A_2 : i32
        %ge3A = arith.constant 0 : i32
        %ge3A_418 = arith.cmpi sge, %sub3A_417, %ge3A : i32
        %lt3A_419 = arith.constant 8 : i32
        %lt3A_420 = arith.cmpi slt, %sub3A_417, %lt3A_419 : i32
        %and3A_421 = arith.andi %ge3A_418, %lt3A_420 : i1
        %jit3A_422 = arith.constant 8 : i32
        %select_n3A_423 = arith.select %and3A_421, %sub3A_417, %jit3A_422 : i32
        %get3A_424 = arith.index_cast %select_n3A_423 : i32 to index
        %get3A_425 = arith.constant 0 : index
        %get3A_426 = tpu.vector_load %arg10[%get3A_424, %get3A_425] {strides = array<i32>} : memref<9x128xf32, #tpu.memory_space<vmem>>, vector<1x16xf32>,
        %get3A_427 = vector.shape_cast %get3A_426 : vector<1x16xf32> to vector<16xf32>
        %get3A_428 = arith.index_cast %scan3A_410 : i32 to index
        %get3A_429 = arith.constant 0 : index
        %get3A_430 = tpu.vector_load %arg9[%get3A_428, %get3A_429] {strides = array<i32>} : memref<128x128xf32, #tpu.memory_space<vmem>>, vector<1x16xf32>,
        %get3A_431 = vector.shape_cast %get3A_430 : vector<1x16xf32> to vector<16xf32>
        %max3A_432 = arith.maximumf %get3A_427, %get3A_431 : vector<16xf32>
        %swap3A = arith.index_cast %select_n3A_423 : i32 to index
        %swap3A_433 = arith.constant 0 : index
        %swap3A_434 = tpu.vector_load %arg10[%swap3A, %swap3A_433] {strides = array<i32>} : memref<9x128xf32, #tpu.memory_space<vmem>>, vector<1x16xf32>,
        %swap3A_435 = vector.shape_cast %swap3A_434 : vector<1x16xf32> to vector<16xf32>
        %swap3A_436 = vector.shape_cast %max3A_432 : vector<16xf32> to vector<1x16xf32>
        tpu.vector_store %arg10[%swap3A, %swap3A_433], %swap3A_436 {strides = array<i32>} : memref<9x128xf32, #tpu.memory_space<vmem>>, vector<1x16xf32>,
        %get3A_437 = arith.index_cast %select_n3A_423 : i32 to index
        %get3A_438 = arith.constant 16 : index
        %get3A_439 = tpu.vector_load %arg10[%get3A_437, %get3A_438] {strides = array<i32>} : memref<9x128xf32, #tpu.memory_space<vmem>>, vector<1x16xf32>,
        %get3A_440 = vector.shape_cast %get3A_439 : vector<1x16xf32> to vector<16xf32>
        %get3A_441 = arith.index_cast %scan3A_410 : i32 to index
        %get3A_442 = arith.constant 16 : index
        %get3A_443 = tpu.vector_load %arg9[%get3A_441, %get3A_442] {strides = array<i32>} : memref<128x128xf32, #tpu.memory_space<vmem>>, vector<1x16xf32>,
        %get3A_444 = vector.shape_cast %get3A_443 : vector<1x16xf32> to vector<16xf32>
        %max3A_445 = arith.maximumf %get3A_440, %get3A_444 : vector<16xf32>
        %swap3A_446 = arith.index_cast %select_n3A_423 : i32 to index
        %swap3A_447 = arith.constant 16 : index
        %swap3A_448 = tpu.vector_load %arg10[%swap3A_446, %swap3A_447] {strides = array<i32>} : memref<9x128xf32, #tpu.memory_space<vmem>>, vector<1x16xf32>,
        %swap3A_449 = vector.shape_cast %swap3A_448 : vector<1x16xf32> to vector<16xf32>
        %swap3A_450 = vector.shape_cast %max3A_445 : vector<16xf32> to vector<1x16xf32>
        tpu.vector_store %arg10[%swap3A_446, %swap3A_447], %swap3A_450 {strides = array<i32>} : memref<9x128xf32, #tpu.memory_space<vmem>>, vector<1x16xf32>,
        %get3A_451 = arith.index_cast %select_n3A_423 : i32 to index
        %get3A_452 = arith.constant 32 : index
        %get3A_453 = tpu.vector_load %arg10[%get3A_451, %get3A_452] {strides = array<i32>} : memref<9x128xf32, #tpu.memory_space<vmem>>, vector<1x16xf32>,
        %get3A_454 = vector.shape_cast %get3A_453 : vector<1x16xf32> to vector<16xf32>
        %get3A_455 = arith.index_cast %scan3A_410 : i32 to index
        %get3A_456 = arith.constant 32 : index
        %get3A_457 = tpu.vector_load %arg9[%get3A_455, %get3A_456] {strides = array<i32>} : memref<128x128xf32, #tpu.memory_space<vmem>>, vector<1x16xf32>,
        %get3A_458 = vector.shape_cast %get3A_457 : vector<1x16xf32> to vector<16xf32>
        %max3A_459 = arith.maximumf %get3A_454, %get3A_458 : vector<16xf32>
        %swap3A_460 = arith.index_cast %select_n3A_423 : i32 to index
        %swap3A_461 = arith.constant 32 : index
        %swap3A_462 = tpu.vector_load %arg10[%swap3A_460, %swap3A_461] {strides = array<i32>} : memref<9x128xf32, #tpu.memory_space<vmem>>, vector<1x16xf32>,
        %swap3A_463 = vector.shape_cast %swap3A_462 : vector<1x16xf32> to vector<16xf32>
        %swap3A_464 = vector.shape_cast %max3A_459 : vector<16xf32> to vector<1x16xf32>
        tpu.vector_store %arg10[%swap3A_460, %swap3A_461], %swap3A_464 {strides = array<i32>} : memref<9x128xf32, #tpu.memory_space<vmem>>, vector<1x16xf32>,
        %get3A_465 = arith.index_cast %select_n3A_423 : i32 to index
        %get3A_466 = arith.constant 48 : index
        %get3A_467 = tpu.vector_load %arg10[%get3A_465, %get3A_466] {strides = array<i32>} : memref<9x128xf32, #tpu.memory_space<vmem>>, vector<1x16xf32>,
        %get3A_468 = vector.shape_cast %get3A_467 : vector<1x16xf32> to vector<16xf32>
        %get3A_469 = arith.index_cast %scan3A_410 : i32 to index
        %get3A_470 = arith.constant 48 : index
        %get3A_471 = tpu.vector_load %arg9[%get3A_469, %get3A_470] {strides = array<i32>} : memref<128x128xf32, #tpu.memory_space<vmem>>, vector<1x16xf32>,
        %get3A_472 = vector.shape_cast %get3A_471 : vector<1x16xf32> to vector<16xf32>
        %max3A_473 = arith.maximumf %get3A_468, %get3A_472 : vector<16xf32>
        %swap3A_474 = arith.index_cast %select_n3A_423 : i32 to index
        %swap3A_475 = arith.constant 48 : index
        %swap3A_476 = tpu.vector_load %arg10[%swap3A_474, %swap3A_475] {strides = array<i32>} : memref<9x128xf32, #tpu.memory_space<vmem>>, vector<1x16xf32>,
        %swap3A_477 = vector.shape_cast %swap3A_476 : vector<1x16xf32> to vector<16xf32>
        %swap3A_478 = vector.shape_cast %max3A_473 : vector<16xf32> to vector<1x16xf32>
        tpu.vector_store %arg10[%swap3A_474, %swap3A_475], %swap3A_478 {strides = array<i32>} : memref<9x128xf32, #tpu.memory_space<vmem>>, vector<1x16xf32>,
        %get3A_479 = arith.index_cast %select_n3A_423 : i32 to index
        %get3A_480 = arith.constant 64 : index
        %get3A_481 = tpu.vector_load %arg10[%get3A_479, %get3A_480] {strides = array<i32>} : memref<9x128xf32, #tpu.memory_space<vmem>>, vector<1x16xf32>,
        %get3A_482 = vector.shape_cast %get3A_481 : vector<1x16xf32> to vector<16xf32>
        %get3A_483 = arith.index_cast %scan3A_410 : i32 to index
        %get3A_484 = arith.constant 64 : index
        %get3A_485 = tpu.vector_load %arg9[%get3A_483, %get3A_484] {strides = array<i32>} : memref<128x128xf32, #tpu.memory_space<vmem>>, vector<1x16xf32>,
        %get3A_486 = vector.shape_cast %get3A_485 : vector<1x16xf32> to vector<16xf32>
        %max3A_487 = arith.maximumf %get3A_482, %get3A_486 : vector<16xf32>
        %swap3A_488 = arith.index_cast %select_n3A_423 : i32 to index
        %swap3A_489 = arith.constant 64 : index
        %swap3A_490 = tpu.vector_load %arg10[%swap3A_488, %swap3A_489] {strides = array<i32>} : memref<9x128xf32, #tpu.memory_space<vmem>>, vector<1x16xf32>,
        %swap3A_491 = vector.shape_cast %swap3A_490 : vector<1x16xf32> to vector<16xf32>
        %swap3A_492 = vector.shape_cast %max3A_487 : vector<16xf32> to vector<1x16xf32>
        tpu.vector_store %arg10[%swap3A_488, %swap3A_489], %swap3A_492 {strides = array<i32>} : memref<9x128xf32, #tpu.memory_space<vmem>>, vector<1x16xf32>,
        %get3A_493 = arith.index_cast %select_n3A_423 : i32 to index
        %get3A_494 = arith.constant 80 : index
        %get3A_495 = tpu.vector_load %arg10[%get3A_493, %get3A_494] {strides = array<i32>} : memref<9x128xf32, #tpu.memory_space<vmem>>, vector<1x16xf32>,
        %get3A_496 = vector.shape_cast %get3A_495 : vector<1x16xf32> to vector<16xf32>
        %get3A_497 = arith.index_cast %scan3A_410 : i32 to index
        %get3A_498 = arith.constant 80 : index
        %get3A_499 = tpu.vector_load %arg9[%get3A_497, %get3A_498] {strides = array<i32>} : memref<128x128xf32, #tpu.memory_space<vmem>>, vector<1x16xf32>,
        %get3A_500 = vector.shape_cast %get3A_499 : vector<1x16xf32> to vector<16xf32>
        %max3A_501 = arith.maximumf %get3A_496, %get3A_500 : vector<16xf32>
        %swap3A_502 = arith.index_cast %select_n3A_423 : i32 to index
        %swap3A_503 = arith.constant 80 : index
        %swap3A_504 = tpu.vector_load %arg10[%swap3A_502, %swap3A_503] {strides = array<i32>} : memref<9x128xf32, #tpu.memory_space<vmem>>, vector<1x16xf32>,
        %swap3A_505 = vector.shape_cast %swap3A_504 : vector<1x16xf32> to vector<16xf32>
        %swap3A_506 = vector.shape_cast %max3A_501 : vector<16xf32> to vector<1x16xf32>
        tpu.vector_store %arg10[%swap3A_502, %swap3A_503], %swap3A_506 {strides = array<i32>} : memref<9x128xf32, #tpu.memory_space<vmem>>, vector<1x16xf32>,
        %get3A_507 = arith.index_cast %select_n3A_423 : i32 to index
        %get3A_508 = arith.constant 96 : index
        %get3A_509 = tpu.vector_load %arg10[%get3A_507, %get3A_508] {strides = array<i32>} : memref<9x128xf32, #tpu.memory_space<vmem>>, vector<1x16xf32>,
        %get3A_510 = vector.shape_cast %get3A_509 : vector<1x16xf32> to vector<16xf32>
        %get3A_511 = arith.index_cast %scan3A_410 : i32 to index
        %get3A_512 = arith.constant 96 : index
        %get3A_513 = tpu.vector_load %arg9[%get3A_511, %get3A_512] {strides = array<i32>} : memref<128x128xf32, #tpu.memory_space<vmem>>, vector<1x16xf32>,
        %get3A_514 = vector.shape_cast %get3A_513 : vector<1x16xf32> to vector<16xf32>
        %max3A_515 = arith.maximumf %get3A_510, %get3A_514 : vector<16xf32>
        %swap3A_516 = arith.index_cast %select_n3A_423 : i32 to index
        %swap3A_517 = arith.constant 96 : index
        %swap3A_518 = tpu.vector_load %arg10[%swap3A_516, %swap3A_517] {strides = array<i32>} : memref<9x128xf32, #tpu.memory_space<vmem>>, vector<1x16xf32>,
        %swap3A_519 = vector.shape_cast %swap3A_518 : vector<1x16xf32> to vector<16xf32>
        %swap3A_520 = vector.shape_cast %max3A_515 : vector<16xf32> to vector<1x16xf32>
        tpu.vector_store %arg10[%swap3A_516, %swap3A_517], %swap3A_520 {strides = array<i32>} : memref<9x128xf32, #tpu.memory_space<vmem>>, vector<1x16xf32>,
        %get3A_521 = arith.index_cast %select_n3A_423 : i32 to index
        %get3A_522 = arith.constant 112 : index
        %get3A_523 = tpu.vector_load %arg10[%get3A_521, %get3A_522] {strides = array<i32>} : memref<9x128xf32, #tpu.memory_space<vmem>>, vector<1x16xf32>,
        %get3A_524 = vector.shape_cast %get3A_523 : vector<1x16xf32> to vector<16xf32>
        %get3A_525 = arith.index_cast %scan3A_410 : i32 to index
        %get3A_526 = arith.constant 112 : index
        %get3A_527 = tpu.vector_load %arg9[%get3A_525, %get3A_526] {strides = array<i32>} : memref<128x128xf32, #tpu.memory_space<vmem>>, vector<1x16xf32>,
        %get3A_528 = vector.shape_cast %get3A_527 : vector<1x16xf32> to vector<16xf32>
        %max3A_529 = arith.maximumf %get3A_524, %get3A_528 : vector<16xf32>
        %swap3A_530 = arith.index_cast %select_n3A_423 : i32 to index
        %swap3A_531 = arith.constant 112 : index
        %swap3A_532 = tpu.vector_load %arg10[%swap3A_530, %swap3A_531] {strides = array<i32>} : memref<9x128xf32, #tpu.memory_space<vmem>>, vector<1x16xf32>,
        %swap3A_533 = vector.shape_cast %swap3A_532 : vector<1x16xf32> to vector<16xf32>
        %swap3A_534 = vector.shape_cast %max3A_529 : vector<16xf32> to vector<1x16xf32>
        tpu.vector_store %arg10[%swap3A_530, %swap3A_531], %swap3A_534 {strides = array<i32>} : memref<9x128xf32, #tpu.memory_space<vmem>>, vector<1x16xf32>,
        %scan3A_535 = arith.constant 0 : i32
        scf.yield %scan3A_535 : i32
      }
      %scan3A_408 = arith.constant 128 : i32
      %while3A_409 = arith.constant 0 : i32
      scf.yield %while3A_409 : i32
    }
    "tpu.region"() ({
      %run_scoped3A = tpu.sem_alloc : memref<!tpu.dma_semaphore, #tpu.memory_space<semaphore_mem>>
      %dma_start3A = arith.constant 0 : i32
      %dma_start3A_396 = arith.constant 0 : i32
      %dma_start3A_397 = tpu.memref_slice %arg10[%dma_start3A, %dma_start3A_396] : memref<9x128xf32, #tpu.memory_space<vmem>> -> memref<8x128xf32, #tpu.memory_space<vmem>>
      %dma_start3A_398 = arith.constant 0 : i32
      %dma_start3A_399 = tpu.memref_slice %arg6[%mul3A_2, %dma_start3A_398] : memref<256x128xf32, #tpu.memory_space<hbm>> -> memref<8x128xf32, #tpu.memory_space<hbm>>
      %dma_start3A_400 = arith.constant 0 : i32
      %dma_start3A_401 = tpu.memref_slice %arg6[%mul3A_2, %dma_start3A_400] : memref<256x128xf32, #tpu.memory_space<hbm>> -> memref<8x128xf32, #tpu.memory_space<hbm>>
      %dma_start3A_402 = arith.constant 0 : i32
      %dma_start3A_403 = arith.constant 0 : i32
      %dma_start3A_404 = tpu.memref_slice %arg10[%dma_start3A_402, %dma_start3A_403] : memref<9x128xf32, #tpu.memory_space<vmem>> -> memref<8x128xf32, #tpu.memory_space<vmem>>
      tpu.enqueue_dma source(%dma_start3A_404 : memref<8x128xf32, #tpu.memory_space<vmem>>) target(%dma_start3A_401 : memref<8x128xf32, #tpu.memory_space<hbm>>) target_semaphore(%run_scoped3A : memref<!tpu.dma_semaphore, #tpu.memory_space<semaphore_mem>>)
      %dma_wait3A = arith.constant 0 : i32
      %dma_wait3A_405 = arith.constant 0 : i32
      %dma_wait3A_406 = tpu.memref_slice %arg10[%dma_wait3A, %dma_wait3A_405] : memref<9x128xf32, #tpu.memory_space<vmem>> -> memref<8x128xf32, #tpu.memory_space<vmem>>
      %dma_wait3A_407 = arith.constant 0 : i32
      %dma_wait3A_408 = tpu.memref_slice %arg6[%mul3A_2, %dma_wait3A_407] : memref<256x128xf32, #tpu.memory_space<hbm>> -> memref<8x128xf32, #tpu.memory_space<hbm>>
      %dma_wait3A_409 = arith.constant 0 : i32
      %dma_wait3A_410 = tpu.memref_slice %arg6[%mul3A_2, %dma_wait3A_409] : memref<256x128xf32, #tpu.memory_space<hbm>> -> memref<8x128xf32, #tpu.memory_space<hbm>>
      %dma_wait3A_411 = arith.constant 0 : i32
      %dma_wait3A_412 = arith.constant 0 : i32
      %dma_wait3A_413 = tpu.memref_slice %arg10[%dma_wait3A_411, %dma_wait3A_412] : memref<9x128xf32, #tpu.memory_space<vmem>> -> memref<8x128xf32, #tpu.memory_space<vmem>>
      tpu.wait_dma2 semaphore(%run_scoped3A : memref<!tpu.dma_semaphore, #tpu.memory_space<semaphore_mem>>) src(%dma_wait3A_413 : memref<8x128xf32, #tpu.memory_space<vmem>>) dst(%dma_wait3A_410 : memref<8x128xf32, #tpu.memory_space<hbm>>)
      tpu.yield
    }) : () -> ()
    return
  }
}

#map = affine_map<(d0, d1) -> (0, 0)>
#map1 = affine_map<(d0, d1) -> (0)>
module attributes {stable_mosaic.version = 14 : i64} {
  func.func @_agg_body(%arg0: i32, %arg1: i32, %arg2: memref<10000x128xf32, #tpu.memory_space<hbm>>, %arg3: memref<2560x125xi32, #tpu.memory_space<hbm>>, %arg4: memref<2560x125xi32, #tpu.memory_space<hbm>>, %arg5: memref<10112x128xf32, #tpu.memory_space<hbm>>, %arg6: memref<10240xf32, #tpu.memory_space<hbm>>, %arg7: memref<125xf32, #tpu.memory_space<hbm>>, %arg8: memref<20224x128xf32, #tpu.memory_space<hbm>>, %arg9: memref<20480xf32, #tpu.memory_space<hbm>>, %arg10: memref<10112x128xf32, #tpu.memory_space<vmem_shared>>, %arg11: memref<10240xf32, #tpu.memory_space<vmem_shared>>, %arg12: memref<2x8x125xi32, #tpu.memory_space<vmem>>, %arg13: memref<2x8x125xi32, #tpu.memory_space<vmem>>, %arg14: memref<125x128xf32, #tpu.memory_space<vmem>>, %arg15: memref<125x128xf32, #tpu.memory_space<vmem>>, %arg16: memref<125xf32, #tpu.memory_space<vmem>>, %arg17: memref<!tpu.dma_semaphore, #tpu.memory_space<semaphore_mem>>, %arg18: memref<!tpu.dma_semaphore, #tpu.memory_space<semaphore_mem>>, %arg19: memref<!tpu.dma_semaphore, #tpu.memory_space<semaphore_mem>>, %arg20: memref<!tpu.dma_semaphore, #tpu.memory_space<semaphore_mem>>, %arg21: memref<!tpu.dma_semaphore, #tpu.memory_space<semaphore_mem>>, %arg22: memref<!tpu.dma_semaphore, #tpu.memory_space<semaphore_mem>>) attributes {dimension_semantics = [#tpu.dimension_semantics<core_parallel>, #tpu.dimension_semantics<subcore_parallel>], iteration_bounds = array<i64: 2, 16>, scalar_prefetch = 0 : i64, scratch_operands = 13 : i64, tpu.core_type = #tpu.core_type<sc_vector_subcore>, window_params = [{transform_indices = #map}, {transform_indices = #map}, {transform_indices = #map}, {transform_indices = #map}, {transform_indices = #map1}, {transform_indices = #map1}, {transform_indices = #map}, {transform_indices = #map1}]} {
    %mul3A = arith.constant 16 : i32
    %mul3A_0 = arith.muli %arg0, %mul3A : i32
    %add3A = arith.addi %mul3A_0, %arg1 : i32
    %mul3A_1 = arith.constant 632 : i32
    %mul3A_2 = arith.muli %arg1, %mul3A_1 : i32
    %mul3A_3 = arith.constant 632 : i32
    %mul3A_4 = arith.muli %arg1, %mul3A_3 : i32
    "tpu.region"() ({
      %run_scoped3A_54 = tpu.sem_alloc : memref<!tpu.dma_semaphore, #tpu.memory_space<semaphore_mem>>
      %dma_start3A_55 = arith.constant 0 : i32
      %dma_start3A_56 = tpu.memref_slice %arg10[%mul3A_4, %dma_start3A_55] : memref<10112x128xf32, #tpu.memory_space<vmem_shared>> -> memref<632x128xf32, #tpu.memory_space<vmem_shared>>
      %dma_start3A_57 = arith.constant 0 : i32
      %dma_start3A_58 = tpu.memref_slice %arg5[%mul3A_2, %dma_start3A_57] : memref<10112x128xf32, #tpu.memory_space<hbm>> -> memref<632x128xf32, #tpu.memory_space<hbm>>
      tpu.enqueue_dma source(%dma_start3A_58 : memref<632x128xf32, #tpu.memory_space<hbm>>) target(%dma_start3A_56 : memref<632x128xf32, #tpu.memory_space<vmem_shared>>) target_semaphore(%run_scoped3A_54 : memref<!tpu.dma_semaphore, #tpu.memory_space<semaphore_mem>>)
      %dma_wait3A_59 = arith.constant 0 : i32
      %dma_wait3A_60 = tpu.memref_slice %arg10[%mul3A_4, %dma_wait3A_59] : memref<10112x128xf32, #tpu.memory_space<vmem_shared>> -> memref<632x128xf32, #tpu.memory_space<vmem_shared>>
      %dma_wait3A_61 = arith.constant 0 : i32
      %dma_wait3A_62 = tpu.memref_slice %arg5[%mul3A_2, %dma_wait3A_61] : memref<10112x128xf32, #tpu.memory_space<hbm>> -> memref<632x128xf32, #tpu.memory_space<hbm>>
      tpu.wait_dma2 semaphore(%run_scoped3A_54 : memref<!tpu.dma_semaphore, #tpu.memory_space<semaphore_mem>>) src(%dma_wait3A_62 : memref<632x128xf32, #tpu.memory_space<hbm>>) dst(%dma_wait3A_60 : memref<632x128xf32, #tpu.memory_space<vmem_shared>>)
      tpu.yield
    }) : () -> ()
    %mul3A_5 = arith.constant 640 : i32
    %mul3A_6 = arith.muli %arg1, %mul3A_5 : i32
    %mul3A_7 = arith.constant 640 : i32
    %mul3A_8 = arith.muli %arg1, %mul3A_7 : i32
    "tpu.region"() ({
      %run_scoped3A_54 = tpu.sem_alloc : memref<!tpu.dma_semaphore, #tpu.memory_space<semaphore_mem>>
      %dma_start3A_55 = tpu.memref_slice %arg11[%mul3A_8] : memref<10240xf32, #tpu.memory_space<vmem_shared>> -> memref<640xf32, #tpu.memory_space<vmem_shared>>
      %dma_start3A_56 = tpu.memref_slice %arg6[%mul3A_6] : memref<10240xf32, #tpu.memory_space<hbm>> -> memref<640xf32, #tpu.memory_space<hbm>>
      tpu.enqueue_dma source(%dma_start3A_56 : memref<640xf32, #tpu.memory_space<hbm>>) target(%dma_start3A_55 : memref<640xf32, #tpu.memory_space<vmem_shared>>) target_semaphore(%run_scoped3A_54 : memref<!tpu.dma_semaphore, #tpu.memory_space<semaphore_mem>>)
      %dma_wait3A_57 = tpu.memref_slice %arg11[%mul3A_8] : memref<10240xf32, #tpu.memory_space<vmem_shared>> -> memref<640xf32, #tpu.memory_space<vmem_shared>>
      %dma_wait3A_58 = tpu.memref_slice %arg6[%mul3A_6] : memref<10240xf32, #tpu.memory_space<hbm>> -> memref<640xf32, #tpu.memory_space<hbm>>
      tpu.wait_dma2 semaphore(%run_scoped3A_54 : memref<!tpu.dma_semaphore, #tpu.memory_space<semaphore_mem>>) src(%dma_wait3A_58 : memref<640xf32, #tpu.memory_space<hbm>>) dst(%dma_wait3A_57 : memref<640xf32, #tpu.memory_space<vmem_shared>>)
      tpu.yield
    }) : () -> ()
    "tpu.region"() ({
      %run_scoped3A_54 = tpu.sem_alloc : memref<!tpu.dma_semaphore, #tpu.memory_space<semaphore_mem>>
      tpu.enqueue_dma source(%arg7 : memref<125xf32, #tpu.memory_space<hbm>>) target(%arg16 : memref<125xf32, #tpu.memory_space<vmem>>) target_semaphore(%run_scoped3A_54 : memref<!tpu.dma_semaphore, #tpu.memory_space<semaphore_mem>>)
      tpu.wait_dma2 semaphore(%run_scoped3A_54 : memref<!tpu.dma_semaphore, #tpu.memory_space<semaphore_mem>>) src(%arg7 : memref<125xf32, #tpu.memory_space<hbm>>) dst(%arg16 : memref<125xf32, #tpu.memory_space<vmem>>)
      tpu.yield
    }) : () -> ()
    %barrier3A = arith.constant 0 : index
    tpu.barrier barrier_id(%barrier3A)
    %mul3A_9 = arith.constant 80 : i32
    %mul3A_10 = arith.muli %add3A, %mul3A_9 : i32
    %run_scoped3A = arith.constant 0 : i32
    "tpu.region"() ({
      %run_scoped3A_54 = tpu.sem_alloc : memref<!tpu.dma_semaphore, #tpu.memory_space<semaphore_mem>>
      %dma_start3A_55 = arith.constant 0 : i32
      %dma_start3A_56 = arith.constant 0 : i32
      %dma_start3A_57 = tpu.memref_slice %arg12[%run_scoped3A, %dma_start3A_55, %dma_start3A_56] : memref<2x8x125xi32, #tpu.memory_space<vmem>> -> memref<1x8x125xi32, #tpu.memory_space<vmem>>
      %dma_start3A_58 = tpu.memref_squeeze %dma_start3A_57 : memref<1x8x125xi32, #tpu.memory_space<vmem>> -> memref<8x125xi32, #tpu.memory_space<vmem>>
      %dma_start3A_59 = arith.constant 0 : i32
      %dma_start3A_60 = tpu.memref_slice %arg3[%mul3A_10, %dma_start3A_59] : memref<2560x125xi32, #tpu.memory_space<hbm>> -> memref<8x125xi32, #tpu.memory_space<hbm>>
      %dma_start3A_61 = arith.constant 0 : i32
      %dma_start3A_62 = arith.constant 0 : i32
      %dma_start3A_63 = tpu.memref_slice %arg12[%run_scoped3A, %dma_start3A_61, %dma_start3A_62] : memref<2x8x125xi32, #tpu.memory_space<vmem>> -> memref<1x8x125xi32, #tpu.memory_space<vmem>>
      %dma_start3A_64 = tpu.memref_squeeze %dma_start3A_63 : memref<1x8x125xi32, #tpu.memory_space<vmem>> -> memref<8x125xi32, #tpu.memory_space<vmem>>
      %dma_start3A_65 = arith.constant 0 : i32
      %dma_start3A_66 = tpu.memref_slice %arg3[%mul3A_10, %dma_start3A_65] : memref<2560x125xi32, #tpu.memory_space<hbm>> -> memref<8x125xi32, #tpu.memory_space<hbm>>
      tpu.enqueue_dma source(%dma_start3A_66 : memref<8x125xi32, #tpu.memory_space<hbm>>) target(%dma_start3A_64 : memref<8x125xi32, #tpu.memory_space<vmem>>) target_semaphore(%run_scoped3A_54 : memref<!tpu.dma_semaphore, #tpu.memory_space<semaphore_mem>>)
      %dma_wait3A_67 = arith.constant 0 : i32
      %dma_wait3A_68 = arith.constant 0 : i32
      %dma_wait3A_69 = tpu.memref_slice %arg12[%run_scoped3A, %dma_wait3A_67, %dma_wait3A_68] : memref<2x8x125xi32, #tpu.memory_space<vmem>> -> memref<1x8x125xi32, #tpu.memory_space<vmem>>
      %dma_wait3A_70 = tpu.memref_squeeze %dma_wait3A_69 : memref<1x8x125xi32, #tpu.memory_space<vmem>> -> memref<8x125xi32, #tpu.memory_space<vmem>>
      %dma_wait3A_71 = arith.constant 0 : i32
      %dma_wait3A_72 = tpu.memref_slice %arg3[%mul3A_10, %dma_wait3A_71] : memref<2560x125xi32, #tpu.memory_space<hbm>> -> memref<8x125xi32, #tpu.memory_space<hbm>>
      %dma_wait3A_73 = arith.constant 0 : i32
      %dma_wait3A_74 = arith.constant 0 : i32
      %dma_wait3A_75 = tpu.memref_slice %arg12[%run_scoped3A, %dma_wait3A_73, %dma_wait3A_74] : memref<2x8x125xi32, #tpu.memory_space<vmem>> -> memref<1x8x125xi32, #tpu.memory_space<vmem>>
      %dma_wait3A_76 = tpu.memref_squeeze %dma_wait3A_75 : memref<1x8x125xi32, #tpu.memory_space<vmem>> -> memref<8x125xi32, #tpu.memory_space<vmem>>
      %dma_wait3A_77 = arith.constant 0 : i32
      %dma_wait3A_78 = tpu.memref_slice %arg3[%mul3A_10, %dma_wait3A_77] : memref<2560x125xi32, #tpu.memory_space<hbm>> -> memref<8x125xi32, #tpu.memory_space<hbm>>
      tpu.wait_dma2 semaphore(%run_scoped3A_54 : memref<!tpu.dma_semaphore, #tpu.memory_space<semaphore_mem>>) src(%dma_wait3A_78 : memref<8x125xi32, #tpu.memory_space<hbm>>) dst(%dma_wait3A_76 : memref<8x125xi32, #tpu.memory_space<vmem>>)
      tpu.yield
    }) : () -> ()
    %mul3A_11 = arith.constant 80 : i32
    %mul3A_12 = arith.muli %add3A, %mul3A_11 : i32
    %run_scoped3A_13 = arith.constant 0 : i32
    "tpu.region"() ({
      %run_scoped3A_54 = tpu.sem_alloc : memref<!tpu.dma_semaphore, #tpu.memory_space<semaphore_mem>>
      %dma_start3A_55 = arith.constant 0 : i32
      %dma_start3A_56 = arith.constant 0 : i32
      %dma_start3A_57 = tpu.memref_slice %arg13[%run_scoped3A_13, %dma_start3A_55, %dma_start3A_56] : memref<2x8x125xi32, #tpu.memory_space<vmem>> -> memref<1x8x125xi32, #tpu.memory_space<vmem>>
      %dma_start3A_58 = tpu.memref_squeeze %dma_start3A_57 : memref<1x8x125xi32, #tpu.memory_space<vmem>> -> memref<8x125xi32, #tpu.memory_space<vmem>>
      %dma_start3A_59 = arith.constant 0 : i32
      %dma_start3A_60 = tpu.memref_slice %arg4[%mul3A_12, %dma_start3A_59] : memref<2560x125xi32, #tpu.memory_space<hbm>> -> memref<8x125xi32, #tpu.memory_space<hbm>>
      %dma_start3A_61 = arith.constant 0 : i32
      %dma_start3A_62 = arith.constant 0 : i32
      %dma_start3A_63 = tpu.memref_slice %arg13[%run_scoped3A_13, %dma_start3A_61, %dma_start3A_62] : memref<2x8x125xi32, #tpu.memory_space<vmem>> -> memref<1x8x125xi32, #tpu.memory_space<vmem>>
      %dma_start3A_64 = tpu.memref_squeeze %dma_start3A_63 : memref<1x8x125xi32, #tpu.memory_space<vmem>> -> memref<8x125xi32, #tpu.memory_space<vmem>>
      %dma_start3A_65 = arith.constant 0 : i32
      %dma_start3A_66 = tpu.memref_slice %arg4[%mul3A_12, %dma_start3A_65] : memref<2560x125xi32, #tpu.memory_space<hbm>> -> memref<8x125xi32, #tpu.memory_space<hbm>>
      tpu.enqueue_dma source(%dma_start3A_66 : memref<8x125xi32, #tpu.memory_space<hbm>>) target(%dma_start3A_64 : memref<8x125xi32, #tpu.memory_space<vmem>>) target_semaphore(%run_scoped3A_54 : memref<!tpu.dma_semaphore, #tpu.memory_space<semaphore_mem>>)
      %dma_wait3A_67 = arith.constant 0 : i32
      %dma_wait3A_68 = arith.constant 0 : i32
      %dma_wait3A_69 = tpu.memref_slice %arg13[%run_scoped3A_13, %dma_wait3A_67, %dma_wait3A_68] : memref<2x8x125xi32, #tpu.memory_space<vmem>> -> memref<1x8x125xi32, #tpu.memory_space<vmem>>
      %dma_wait3A_70 = tpu.memref_squeeze %dma_wait3A_69 : memref<1x8x125xi32, #tpu.memory_space<vmem>> -> memref<8x125xi32, #tpu.memory_space<vmem>>
      %dma_wait3A_71 = arith.constant 0 : i32
      %dma_wait3A_72 = tpu.memref_slice %arg4[%mul3A_12, %dma_wait3A_71] : memref<2560x125xi32, #tpu.memory_space<hbm>> -> memref<8x125xi32, #tpu.memory_space<hbm>>
      %dma_wait3A_73 = arith.constant 0 : i32
      %dma_wait3A_74 = arith.constant 0 : i32
      %dma_wait3A_75 = tpu.memref_slice %arg13[%run_scoped3A_13, %dma_wait3A_73, %dma_wait3A_74] : memref<2x8x125xi32, #tpu.memory_space<vmem>> -> memref<1x8x125xi32, #tpu.memory_space<vmem>>
      %dma_wait3A_76 = tpu.memref_squeeze %dma_wait3A_75 : memref<1x8x125xi32, #tpu.memory_space<vmem>> -> memref<8x125xi32, #tpu.memory_space<vmem>>
      %dma_wait3A_77 = arith.constant 0 : i32
      %dma_wait3A_78 = tpu.memref_slice %arg4[%mul3A_12, %dma_wait3A_77] : memref<2560x125xi32, #tpu.memory_space<hbm>> -> memref<8x125xi32, #tpu.memory_space<hbm>>
      tpu.wait_dma2 semaphore(%run_scoped3A_54 : memref<!tpu.dma_semaphore, #tpu.memory_space<semaphore_mem>>) src(%dma_wait3A_78 : memref<8x125xi32, #tpu.memory_space<hbm>>) dst(%dma_wait3A_76 : memref<8x125xi32, #tpu.memory_space<vmem>>)
      tpu.yield
    }) : () -> ()
    %dma_start3A = arith.constant 0 : i32
    %dma_start3A_14 = arith.constant 0 : i32
    %dma_start3A_15 = arith.constant 0 : i32
    %dma_start3A_16 = tpu.memref_slice %arg12[%dma_start3A, %dma_start3A_14, %dma_start3A_15] : memref<2x8x125xi32, #tpu.memory_space<vmem>> -> memref<1x1x125xi32, #tpu.memory_space<vmem>>
    %dma_start3A_17 = tpu.memref_squeeze %dma_start3A_16 : memref<1x1x125xi32, #tpu.memory_space<vmem>> -> memref<125xi32, #tpu.memory_space<vmem>>
    %dma_start3A_18 = arith.constant 0 : i32
    %dma_start3A_19 = arith.constant 0 : i32
    %dma_start3A_20 = tpu.memref_slice %arg2[%dma_start3A_18, %dma_start3A_19] : memref<10000x128xf32, #tpu.memory_space<hbm>> -> memref<10000x128xf32, #tpu.memory_space<hbm>>
    tpu.enqueue_indirect_dma source(%dma_start3A_20 : memref<10000x128xf32, #tpu.memory_space<hbm>>) target(%arg14 : memref<125x128xf32, #tpu.memory_space<vmem>>) offsets(%dma_start3A_17 : memref<125xi32, #tpu.memory_space<vmem>>) semaphore(%arg17 : memref<!tpu.dma_semaphore, #tpu.memory_space<semaphore_mem>>)
    %scan3A = arith.constant 0 : i32
    %scan3A_21 = arith.constant 0 : i32
    %scan3A_22 = arith.constant 10 : i32
    %scan3A_23 = arith.addi %scan3A_21, %scan3A_22 : i32
    %scan3A_24 = arith.constant 1 : i32
    %scan3A_25 = scf.for %scan3A_54 = %scan3A_21 to %scan3A_23 step %scan3A_24 iter_args(%scan3A_55 = %scan3A) -> (i32)  : i32 {
      %jit3A = arith.constant 2 : i32
      %eq3A = arith.constant 0 : i32
      %eq3A_56 = arith.cmpi eq, %jit3A, %eq3A : i32
      %jit3A_57 = arith.constant 1 : i32
      %select_n3A = arith.select %eq3A_56, %jit3A_57, %jit3A : i32
      %rem3A = arith.remsi %scan3A_54, %select_n3A : i32
      %ne3A = arith.constant 0 : i32
      %ne3A_58 = arith.cmpi ne, %rem3A, %ne3A : i32
      %lt3A = arith.constant 0 : i32
      %lt3A_59 = arith.cmpi slt, %rem3A, %lt3A : i32
      %lt3A_60 = arith.constant 0 : i32
      %lt3A_61 = arith.cmpi slt, %select_n3A, %lt3A_60 : i32
      %ne3A_62 = arith.xori %lt3A_59, %lt3A_61 : i1
      %and3A = arith.andi %ne3A_62, %ne3A_58 : i1
      %add3A_63 = arith.addi %rem3A, %select_n3A : i32
      %select_n3A_64 = arith.select %and3A, %add3A_63, %rem3A : i32
      %add3A_65 = arith.constant 1 : i32
      %add3A_66 = arith.addi %scan3A_54, %add3A_65 : i32
      %min3A = arith.constant 9 : i32
      %min3A_67 = arith.minsi %add3A_66, %min3A : i32
      %mul3A_68 = arith.constant 80 : i32
      %mul3A_69 = arith.muli %add3A, %mul3A_68 : i32
      %mul3A_70 = arith.constant 8 : i32
      %mul3A_71 = arith.muli %min3A_67, %mul3A_70 : i32
      %add3A_72 = arith.addi %mul3A_69, %mul3A_71 : i32
      %sub3A = arith.constant 1 : i32
      %sub3A_73 = arith.subi %sub3A, %select_n3A_64 : i32
      %dma_start3A_74 = arith.constant 0 : i32
      %dma_start3A_75 = arith.constant 0 : i32
      %dma_start3A_76 = tpu.memref_slice %arg12[%sub3A_73, %dma_start3A_74, %dma_start3A_75] : memref<2x8x125xi32, #tpu.memory_space<vmem>> -> memref<1x8x125xi32, #tpu.memory_space<vmem>>
      %dma_start3A_77 = tpu.memref_squeeze %dma_start3A_76 : memref<1x8x125xi32, #tpu.memory_space<vmem>> -> memref<8x125xi32, #tpu.memory_space<vmem>>
      %dma_start3A_78 = arith.constant 0 : i32
      %dma_start3A_79 = tpu.memref_slice %arg3[%add3A_72, %dma_start3A_78] : memref<2560x125xi32, #tpu.memory_space<hbm>> -> memref<8x125xi32, #tpu.memory_space<hbm>>
      %dma_start3A_80 = arith.constant 0 : i32
      %dma_start3A_81 = arith.constant 0 : i32
      %dma_start3A_82 = tpu.memref_slice %arg12[%sub3A_73, %dma_start3A_80, %dma_start3A_81] : memref<2x8x125xi32, #tpu.memory_space<vmem>> -> memref<1x8x125xi32, #tpu.memory_space<vmem>>
      %dma_start3A_83 = tpu.memref_squeeze %dma_start3A_82 : memref<1x8x125xi32, #tpu.memory_space<vmem>> -> memref<8x125xi32, #tpu.memory_space<vmem>>
      %dma_start3A_84 = arith.constant 0 : i32
      %dma_start3A_85 = tpu.memref_slice %arg3[%add3A_72, %dma_start3A_84] : memref<2560x125xi32, #tpu.memory_space<hbm>> -> memref<8x125xi32, #tpu.memory_space<hbm>>
      tpu.enqueue_dma source(%dma_start3A_85 : memref<8x125xi32, #tpu.memory_space<hbm>>) target(%dma_start3A_83 : memref<8x125xi32, #tpu.memory_space<vmem>>) target_semaphore(%arg19 : memref<!tpu.dma_semaphore, #tpu.memory_space<semaphore_mem>>)
      %sub3A_86 = arith.constant 1 : i32
      %sub3A_87 = arith.subi %sub3A_86, %select_n3A_64 : i32
      %dma_start3A_88 = arith.constant 0 : i32
      %dma_start3A_89 = arith.constant 0 : i32
      %dma_start3A_90 = tpu.memref_slice %arg13[%sub3A_87, %dma_start3A_88, %dma_start3A_89] : memref<2x8x125xi32, #tpu.memory_space<vmem>> -> memref<1x8x125xi32, #tpu.memory_space<vmem>>
      %dma_start3A_91 = tpu.memref_squeeze %dma_start3A_90 : memref<1x8x125xi32, #tpu.memory_space<vmem>> -> memref<8x125xi32, #tpu.memory_space<vmem>>
      %dma_start3A_92 = arith.constant 0 : i32
      %dma_start3A_93 = tpu.memref_slice %arg4[%add3A_72, %dma_start3A_92] : memref<2560x125xi32, #tpu.memory_space<hbm>> -> memref<8x125xi32, #tpu.memory_space<hbm>>
      %dma_start3A_94 = arith.constant 0 : i32
      %dma_start3A_95 = arith.constant 0 : i32
      %dma_start3A_96 = tpu.memref_slice %arg13[%sub3A_87, %dma_start3A_94, %dma_start3A_95] : memref<2x8x125xi32, #tpu.memory_space<vmem>> -> memref<1x8x125xi32, #tpu.memory_space<vmem>>
      %dma_start3A_97 = tpu.memref_squeeze %dma_start3A_96 : memref<1x8x125xi32, #tpu.memory_space<vmem>> -> memref<8x125xi32, #tpu.memory_space<vmem>>
      %dma_start3A_98 = arith.constant 0 : i32
      %dma_start3A_99 = tpu.memref_slice %arg4[%add3A_72, %dma_start3A_98] : memref<2560x125xi32, #tpu.memory_space<hbm>> -> memref<8x125xi32, #tpu.memory_space<hbm>>
      tpu.enqueue_dma source(%dma_start3A_99 : memref<8x125xi32, #tpu.memory_space<hbm>>) target(%dma_start3A_97 : memref<8x125xi32, #tpu.memory_space<vmem>>) target_semaphore(%arg19 : memref<!tpu.dma_semaphore, #tpu.memory_space<semaphore_mem>>)
      %dma_wait3A_100 = arith.constant 0 : i32
      %dma_wait3A_101 = arith.constant 0 : i32
      %dma_wait3A_102 = tpu.memref_slice %arg12[%select_n3A_64, %dma_wait3A_100, %dma_wait3A_101] : memref<2x8x125xi32, #tpu.memory_space<vmem>> -> memref<1x1x125xi32, #tpu.memory_space<vmem>>
      %dma_wait3A_103 = tpu.memref_squeeze %dma_wait3A_102 : memref<1x1x125xi32, #tpu.memory_space<vmem>> -> memref<125xi32, #tpu.memory_space<vmem>>
      %dma_wait3A_104 = arith.constant 0 : i32
      %dma_wait3A_105 = arith.constant 0 : i32
      %dma_wait3A_106 = tpu.memref_slice %arg2[%dma_wait3A_104, %dma_wait3A_105] : memref<10000x128xf32, #tpu.memory_space<hbm>> -> memref<10000x128xf32, #tpu.memory_space<hbm>>
      tpu.wait_indirect_dma semaphore(%arg17 : memref<!tpu.dma_semaphore, #tpu.memory_space<semaphore_mem>>) src(%dma_wait3A_106 : memref<10000x128xf32, #tpu.memory_space<hbm>>) dst(%arg14 : memref<125x128xf32, #tpu.memory_space<vmem>>)
      %dma_start3A_107 = arith.constant 1 : i32
      %dma_start3A_108 = arith.constant 0 : i32
      %dma_start3A_109 = tpu.memref_slice %arg12[%select_n3A_64, %dma_start3A_107, %dma_start3A_108] : memref<2x8x125xi32, #tpu.memory_space<vmem>> -> memref<1x1x125xi32, #tpu.memory_space<vmem>>
      %dma_start3A_110 = tpu.memref_squeeze %dma_start3A_109 : memref<1x1x125xi32, #tpu.memory_space<vmem>> -> memref<125xi32, #tpu.memory_space<vmem>>
      %dma_start3A_111 = arith.constant 0 : i32
      %dma_start3A_112 = arith.constant 0 : i32
      %dma_start3A_113 = tpu.memref_slice %arg2[%dma_start3A_111, %dma_start3A_112] : memref<10000x128xf32, #tpu.memory_space<hbm>> -> memref<10000x128xf32, #tpu.memory_space<hbm>>
      tpu.enqueue_indirect_dma source(%dma_start3A_113 : memref<10000x128xf32, #tpu.memory_space<hbm>>) target(%arg15 : memref<125x128xf32, #tpu.memory_space<vmem>>) offsets(%dma_start3A_110 : memref<125xi32, #tpu.memory_space<vmem>>) semaphore(%arg18 : memref<!tpu.dma_semaphore, #tpu.memory_space<semaphore_mem>>)
      %run_scoped3A_114 = arith.constant 0 : i32
      "tpu.region"() ({
        %run_scoped3A_299 = tpu.sem_alloc : memref<!tpu.dma_semaphore, #tpu.memory_space<semaphore_mem>>
        %dma_start3A_300 = arith.constant 0 : i32
        %dma_start3A_301 = tpu.memref_slice %arg13[%select_n3A_64, %run_scoped3A_114, %dma_start3A_300] : memref<2x8x125xi32, #tpu.memory_space<vmem>> -> memref<1x1x125xi32, #tpu.memory_space<vmem>>
        %dma_start3A_302 = tpu.memref_squeeze %dma_start3A_301 : memref<1x1x125xi32, #tpu.memory_space<vmem>> -> memref<125xi32, #tpu.memory_space<vmem>>
        %dma_start3A_303 = arith.constant 0 : i32
        %dma_start3A_304 = arith.constant 0 : i32
        %dma_start3A_305 = tpu.memref_slice %arg10[%dma_start3A_303, %dma_start3A_304] : memref<10112x128xf32, #tpu.memory_space<vmem_shared>> -> memref<10112x128xf32, #tpu.memory_space<vmem_shared>>
        tpu.enqueue_indirect_dma source(%arg14 : memref<125x128xf32, #tpu.memory_space<vmem>>) target(%dma_start3A_305 : memref<10112x128xf32, #tpu.memory_space<vmem_shared>>) offsets(%dma_start3A_302 : memref<125xi32, #tpu.memory_space<vmem>>) semaphore(%run_scoped3A_299 : memref<!tpu.dma_semaphore, #tpu.memory_space<semaphore_mem>>) {add = true}
        %dma_wait3A_306 = arith.constant 0 : i32
        %dma_wait3A_307 = tpu.memref_slice %arg13[%select_n3A_64, %run_scoped3A_114, %dma_wait3A_306] : memref<2x8x125xi32, #tpu.memory_space<vmem>> -> memref<1x1x125xi32, #tpu.memory_space<vmem>>
        %dma_wait3A_308 = tpu.memref_squeeze %dma_wait3A_307 : memref<1x1x125xi32, #tpu.memory_space<vmem>> -> memref<125xi32, #tpu.memory_space<vmem>>
        %dma_wait3A_309 = arith.constant 0 : i32
        %dma_wait3A_310 = arith.constant 0 : i32
        %dma_wait3A_311 = tpu.memref_slice %arg10[%dma_wait3A_309, %dma_wait3A_310] : memref<10112x128xf32, #tpu.memory_space<vmem_shared>> -> memref<10112x128xf32, #tpu.memory_space<vmem_shared>>
        tpu.wait_indirect_dma semaphore(%run_scoped3A_299 : memref<!tpu.dma_semaphore, #tpu.memory_space<semaphore_mem>>) src(%arg14 : memref<125x128xf32, #tpu.memory_space<vmem>>) dst(%dma_wait3A_311 : memref<10112x128xf32, #tpu.memory_space<vmem_shared>>)
        tpu.yield
      }) : () -> ()
      %dma_start3A_115 = arith.constant 0 : i32
      %dma_start3A_116 = arith.constant 0 : i32
      %dma_start3A_117 = tpu.memref_slice %arg13[%select_n3A_64, %dma_start3A_115, %dma_start3A_116] : memref<2x8x125xi32, #tpu.memory_space<vmem>> -> memref<1x1x125xi32, #tpu.memory_space<vmem>>
      %dma_start3A_118 = tpu.memref_squeeze %dma_start3A_117 : memref<1x1x125xi32, #tpu.memory_space<vmem>> -> memref<125xi32, #tpu.memory_space<vmem>>
      %dma_start3A_119 = arith.constant 0 : i32
      %dma_start3A_120 = tpu.memref_slice %arg11[%dma_start3A_119] : memref<10240xf32, #tpu.memory_space<vmem_shared>> -> memref<10240xf32, #tpu.memory_space<vmem_shared>>
      tpu.enqueue_indirect_dma source(%arg16 : memref<125xf32, #tpu.memory_space<vmem>>) target(%dma_start3A_120 : memref<10240xf32, #tpu.memory_space<vmem_shared>>) offsets(%dma_start3A_118 : memref<125xi32, #tpu.memory_space<vmem>>) semaphore(%arg22 : memref<!tpu.dma_semaphore, #tpu.memory_space<semaphore_mem>>) {add = true}
      %dma_wait3A_121 = arith.constant 1 : i32
      %dma_wait3A_122 = arith.constant 0 : i32
      %dma_wait3A_123 = tpu.memref_slice %arg12[%select_n3A_64, %dma_wait3A_121, %dma_wait3A_122] : memref<2x8x125xi32, #tpu.memory_space<vmem>> -> memref<1x1x125xi32, #tpu.memory_space<vmem>>
      %dma_wait3A_124 = tpu.memref_squeeze %dma_wait3A_123 : memref<1x1x125xi32, #tpu.memory_space<vmem>> -> memref<125xi32, #tpu.memory_space<vmem>>
      %dma_wait3A_125 = arith.constant 0 : i32
      %dma_wait3A_126 = arith.constant 0 : i32
      %dma_wait3A_127 = tpu.memref_slice %arg2[%dma_wait3A_125, %dma_wait3A_126] : memref<10000x128xf32, #tpu.memory_space<hbm>> -> memref<10000x128xf32, #tpu.memory_space<hbm>>
      tpu.wait_indirect_dma semaphore(%arg18 : memref<!tpu.dma_semaphore, #tpu.memory_space<semaphore_mem>>) src(%dma_wait3A_127 : memref<10000x128xf32, #tpu.memory_space<hbm>>) dst(%arg15 : memref<125x128xf32, #tpu.memory_space<vmem>>)
      %dma_start3A_128 = arith.constant 2 : i32
      %dma_start3A_129 = arith.constant 0 : i32
      %dma_start3A_130 = tpu.memref_slice %arg12[%select_n3A_64, %dma_start3A_128, %dma_start3A_129] : memref<2x8x125xi32, #tpu.memory_space<vmem>> -> memref<1x1x125xi32, #tpu.memory_space<vmem>>
      %dma_start3A_131 = tpu.memref_squeeze %dma_start3A_130 : memref<1x1x125xi32, #tpu.memory_space<vmem>> -> memref<125xi32, #tpu.memory_space<vmem>>
      %dma_start3A_132 = arith.constant 0 : i32
      %dma_start3A_133 = arith.constant 0 : i32
      %dma_start3A_134 = tpu.memref_slice %arg2[%dma_start3A_132, %dma_start3A_133] : memref<10000x128xf32, #tpu.memory_space<hbm>> -> memref<10000x128xf32, #tpu.memory_space<hbm>>
      tpu.enqueue_indirect_dma source(%dma_start3A_134 : memref<10000x128xf32, #tpu.memory_space<hbm>>) target(%arg14 : memref<125x128xf32, #tpu.memory_space<vmem>>) offsets(%dma_start3A_131 : memref<125xi32, #tpu.memory_space<vmem>>) semaphore(%arg17 : memref<!tpu.dma_semaphore, #tpu.memory_space<semaphore_mem>>)
      %run_scoped3A_135 = arith.constant 1 : i32
      "tpu.region"() ({
        %run_scoped3A_299 = tpu.sem_alloc : memref<!tpu.dma_semaphore, #tpu.memory_space<semaphore_mem>>
        %dma_start3A_300 = arith.constant 0 : i32
        %dma_start3A_301 = tpu.memref_slice %arg13[%select_n3A_64, %run_scoped3A_135, %dma_start3A_300] : memref<2x8x125xi32, #tpu.memory_space<vmem>> -> memref<1x1x125xi32, #tpu.memory_space<vmem>>
        %dma_start3A_302 = tpu.memref_squeeze %dma_start3A_301 : memref<1x1x125xi32, #tpu.memory_space<vmem>> -> memref<125xi32, #tpu.memory_space<vmem>>
        %dma_start3A_303 = arith.constant 0 : i32
        %dma_start3A_304 = arith.constant 0 : i32
        %dma_start3A_305 = tpu.memref_slice %arg10[%dma_start3A_303, %dma_start3A_304] : memref<10112x128xf32, #tpu.memory_space<vmem_shared>> -> memref<10112x128xf32, #tpu.memory_space<vmem_shared>>
        tpu.enqueue_indirect_dma source(%arg15 : memref<125x128xf32, #tpu.memory_space<vmem>>) target(%dma_start3A_305 : memref<10112x128xf32, #tpu.memory_space<vmem_shared>>) offsets(%dma_start3A_302 : memref<125xi32, #tpu.memory_space<vmem>>) semaphore(%run_scoped3A_299 : memref<!tpu.dma_semaphore, #tpu.memory_space<semaphore_mem>>) {add = true}
        %dma_wait3A_306 = arith.constant 0 : i32
        %dma_wait3A_307 = tpu.memref_slice %arg13[%select_n3A_64, %run_scoped3A_135, %dma_wait3A_306] : memref<2x8x125xi32, #tpu.memory_space<vmem>> -> memref<1x1x125xi32, #tpu.memory_space<vmem>>
        %dma_wait3A_308 = tpu.memref_squeeze %dma_wait3A_307 : memref<1x1x125xi32, #tpu.memory_space<vmem>> -> memref<125xi32, #tpu.memory_space<vmem>>
        %dma_wait3A_309 = arith.constant 0 : i32
        %dma_wait3A_310 = arith.constant 0 : i32
        %dma_wait3A_311 = tpu.memref_slice %arg10[%dma_wait3A_309, %dma_wait3A_310] : memref<10112x128xf32, #tpu.memory_space<vmem_shared>> -> memref<10112x128xf32, #tpu.memory_space<vmem_shared>>
        tpu.wait_indirect_dma semaphore(%run_scoped3A_299 : memref<!tpu.dma_semaphore, #tpu.memory_space<semaphore_mem>>) src(%arg15 : memref<125x128xf32, #tpu.memory_space<vmem>>) dst(%dma_wait3A_311 : memref<10112x128xf32, #tpu.memory_space<vmem_shared>>)
        tpu.yield
      }) : () -> ()
      %dma_start3A_136 = arith.constant 1 : i32
      %dma_start3A_137 = arith.constant 0 : i32
      %dma_start3A_138 = tpu.memref_slice %arg13[%select_n3A_64, %dma_start3A_136, %dma_start3A_137] : memref<2x8x125xi32, #tpu.memory_space<vmem>> -> memref<1x1x125xi32, #tpu.memory_space<vmem>>
      %dma_start3A_139 = tpu.memref_squeeze %dma_start3A_138 : memref<1x1x125xi32, #tpu.memory_space<vmem>> -> memref<125xi32, #tpu.memory_space<vmem>>
      %dma_start3A_140 = arith.constant 0 : i32
      %dma_start3A_141 = tpu.memref_slice %arg11[%dma_start3A_140] : memref<10240xf32, #tpu.memory_space<vmem_shared>> -> memref<10240xf32, #tpu.memory_space<vmem_shared>>
      tpu.enqueue_indirect_dma source(%arg16 : memref<125xf32, #tpu.memory_space<vmem>>) target(%dma_start3A_141 : memref<10240xf32, #tpu.memory_space<vmem_shared>>) offsets(%dma_start3A_139 : memref<125xi32, #tpu.memory_space<vmem>>) semaphore(%arg22 : memref<!tpu.dma_semaphore, #tpu.memory_space<semaphore_mem>>) {add = true}
      %dma_wait3A_142 = arith.constant 2 : i32
      %dma_wait3A_143 = arith.constant 0 : i32
      %dma_wait3A_144 = tpu.memref_slice %arg12[%select_n3A_64, %dma_wait3A_142, %dma_wait3A_143] : memref<2x8x125xi32, #tpu.memory_space<vmem>> -> memref<1x1x125xi32, #tpu.memory_space<vmem>>
      %dma_wait3A_145 = tpu.memref_squeeze %dma_wait3A_144 : memref<1x1x125xi32, #tpu.memory_space<vmem>> -> memref<125xi32, #tpu.memory_space<vmem>>
      %dma_wait3A_146 = arith.constant 0 : i32
      %dma_wait3A_147 = arith.constant 0 : i32
      %dma_wait3A_148 = tpu.memref_slice %arg2[%dma_wait3A_146, %dma_wait3A_147] : memref<10000x128xf32, #tpu.memory_space<hbm>> -> memref<10000x128xf32, #tpu.memory_space<hbm>>
      tpu.wait_indirect_dma semaphore(%arg17 : memref<!tpu.dma_semaphore, #tpu.memory_space<semaphore_mem>>) src(%dma_wait3A_148 : memref<10000x128xf32, #tpu.memory_space<hbm>>) dst(%arg14 : memref<125x128xf32, #tpu.memory_space<vmem>>)
      %dma_start3A_149 = arith.constant 3 : i32
      %dma_start3A_150 = arith.constant 0 : i32
      %dma_start3A_151 = tpu.memref_slice %arg12[%select_n3A_64, %dma_start3A_149, %dma_start3A_150] : memref<2x8x125xi32, #tpu.memory_space<vmem>> -> memref<1x1x125xi32, #tpu.memory_space<vmem>>
      %dma_start3A_152 = tpu.memref_squeeze %dma_start3A_151 : memref<1x1x125xi32, #tpu.memory_space<vmem>> -> memref<125xi32, #tpu.memory_space<vmem>>
      %dma_start3A_153 = arith.constant 0 : i32
      %dma_start3A_154 = arith.constant 0 : i32
      %dma_start3A_155 = tpu.memref_slice %arg2[%dma_start3A_153, %dma_start3A_154] : memref<10000x128xf32, #tpu.memory_space<hbm>> -> memref<10000x128xf32, #tpu.memory_space<hbm>>
      tpu.enqueue_indirect_dma source(%dma_start3A_155 : memref<10000x128xf32, #tpu.memory_space<hbm>>) target(%arg15 : memref<125x128xf32, #tpu.memory_space<vmem>>) offsets(%dma_start3A_152 : memref<125xi32, #tpu.memory_space<vmem>>) semaphore(%arg18 : memref<!tpu.dma_semaphore, #tpu.memory_space<semaphore_mem>>)
      %run_scoped3A_156 = arith.constant 2 : i32
      "tpu.region"() ({
        %run_scoped3A_299 = tpu.sem_alloc : memref<!tpu.dma_semaphore, #tpu.memory_space<semaphore_mem>>
        %dma_start3A_300 = arith.constant 0 : i32
        %dma_start3A_301 = tpu.memref_slice %arg13[%select_n3A_64, %run_scoped3A_156, %dma_start3A_300] : memref<2x8x125xi32, #tpu.memory_space<vmem>> -> memref<1x1x125xi32, #tpu.memory_space<vmem>>
        %dma_start3A_302 = tpu.memref_squeeze %dma_start3A_301 : memref<1x1x125xi32, #tpu.memory_space<vmem>> -> memref<125xi32, #tpu.memory_space<vmem>>
        %dma_start3A_303 = arith.constant 0 : i32
        %dma_start3A_304 = arith.constant 0 : i32
        %dma_start3A_305 = tpu.memref_slice %arg10[%dma_start3A_303, %dma_start3A_304] : memref<10112x128xf32, #tpu.memory_space<vmem_shared>> -> memref<10112x128xf32, #tpu.memory_space<vmem_shared>>
        tpu.enqueue_indirect_dma source(%arg14 : memref<125x128xf32, #tpu.memory_space<vmem>>) target(%dma_start3A_305 : memref<10112x128xf32, #tpu.memory_space<vmem_shared>>) offsets(%dma_start3A_302 : memref<125xi32, #tpu.memory_space<vmem>>) semaphore(%run_scoped3A_299 : memref<!tpu.dma_semaphore, #tpu.memory_space<semaphore_mem>>) {add = true}
        %dma_wait3A_306 = arith.constant 0 : i32
        %dma_wait3A_307 = tpu.memref_slice %arg13[%select_n3A_64, %run_scoped3A_156, %dma_wait3A_306] : memref<2x8x125xi32, #tpu.memory_space<vmem>> -> memref<1x1x125xi32, #tpu.memory_space<vmem>>
        %dma_wait3A_308 = tpu.memref_squeeze %dma_wait3A_307 : memref<1x1x125xi32, #tpu.memory_space<vmem>> -> memref<125xi32, #tpu.memory_space<vmem>>
        %dma_wait3A_309 = arith.constant 0 : i32
        %dma_wait3A_310 = arith.constant 0 : i32
        %dma_wait3A_311 = tpu.memref_slice %arg10[%dma_wait3A_309, %dma_wait3A_310] : memref<10112x128xf32, #tpu.memory_space<vmem_shared>> -> memref<10112x128xf32, #tpu.memory_space<vmem_shared>>
        tpu.wait_indirect_dma semaphore(%run_scoped3A_299 : memref<!tpu.dma_semaphore, #tpu.memory_space<semaphore_mem>>) src(%arg14 : memref<125x128xf32, #tpu.memory_space<vmem>>) dst(%dma_wait3A_311 : memref<10112x128xf32, #tpu.memory_space<vmem_shared>>)
        tpu.yield
      }) : () -> ()
      %dma_start3A_157 = arith.constant 2 : i32
      %dma_start3A_158 = arith.constant 0 : i32
      %dma_start3A_159 = tpu.memref_slice %arg13[%select_n3A_64, %dma_start3A_157, %dma_start3A_158] : memref<2x8x125xi32, #tpu.memory_space<vmem>> -> memref<1x1x125xi32, #tpu.memory_space<vmem>>
      %dma_start3A_160 = tpu.memref_squeeze %dma_start3A_159 : memref<1x1x125xi32, #tpu.memory_space<vmem>> -> memref<125xi32, #tpu.memory_space<vmem>>
      %dma_start3A_161 = arith.constant 0 : i32
      %dma_start3A_162 = tpu.memref_slice %arg11[%dma_start3A_161] : memref<10240xf32, #tpu.memory_space<vmem_shared>> -> memref<10240xf32, #tpu.memory_space<vmem_shared>>
      tpu.enqueue_indirect_dma source(%arg16 : memref<125xf32, #tpu.memory_space<vmem>>) target(%dma_start3A_162 : memref<10240xf32, #tpu.memory_space<vmem_shared>>) offsets(%dma_start3A_160 : memref<125xi32, #tpu.memory_space<vmem>>) semaphore(%arg22 : memref<!tpu.dma_semaphore, #tpu.memory_space<semaphore_mem>>) {add = true}
      %dma_wait3A_163 = arith.constant 3 : i32
      %dma_wait3A_164 = arith.constant 0 : i32
      %dma_wait3A_165 = tpu.memref_slice %arg12[%select_n3A_64, %dma_wait3A_163, %dma_wait3A_164] : memref<2x8x125xi32, #tpu.memory_space<vmem>> -> memref<1x1x125xi32, #tpu.memory_space<vmem>>
      %dma_wait3A_166 = tpu.memref_squeeze %dma_wait3A_165 : memref<1x1x125xi32, #tpu.memory_space<vmem>> -> memref<125xi32, #tpu.memory_space<vmem>>
      %dma_wait3A_167 = arith.constant 0 : i32
      %dma_wait3A_168 = arith.constant 0 : i32
      %dma_wait3A_169 = tpu.memref_slice %arg2[%dma_wait3A_167, %dma_wait3A_168] : memref<10000x128xf32, #tpu.memory_space<hbm>> -> memref<10000x128xf32, #tpu.memory_space<hbm>>
      tpu.wait_indirect_dma semaphore(%arg18 : memref<!tpu.dma_semaphore, #tpu.memory_space<semaphore_mem>>) src(%dma_wait3A_169 : memref<10000x128xf32, #tpu.memory_space<hbm>>) dst(%arg15 : memref<125x128xf32, #tpu.memory_space<vmem>>)
      %dma_start3A_170 = arith.constant 4 : i32
      %dma_start3A_171 = arith.constant 0 : i32
      %dma_start3A_172 = tpu.memref_slice %arg12[%select_n3A_64, %dma_start3A_170, %dma_start3A_171] : memref<2x8x125xi32, #tpu.memory_space<vmem>> -> memref<1x1x125xi32, #tpu.memory_space<vmem>>
      %dma_start3A_173 = tpu.memref_squeeze %dma_start3A_172 : memref<1x1x125xi32, #tpu.memory_space<vmem>> -> memref<125xi32, #tpu.memory_space<vmem>>
      %dma_start3A_174 = arith.constant 0 : i32
      %dma_start3A_175 = arith.constant 0 : i32
      %dma_start3A_176 = tpu.memref_slice %arg2[%dma_start3A_174, %dma_start3A_175] : memref<10000x128xf32, #tpu.memory_space<hbm>> -> memref<10000x128xf32, #tpu.memory_space<hbm>>
      tpu.enqueue_indirect_dma source(%dma_start3A_176 : memref<10000x128xf32, #tpu.memory_space<hbm>>) target(%arg14 : memref<125x128xf32, #tpu.memory_space<vmem>>) offsets(%dma_start3A_173 : memref<125xi32, #tpu.memory_space<vmem>>) semaphore(%arg17 : memref<!tpu.dma_semaphore, #tpu.memory_space<semaphore_mem>>)
      %run_scoped3A_177 = arith.constant 3 : i32
      "tpu.region"() ({
        %run_scoped3A_299 = tpu.sem_alloc : memref<!tpu.dma_semaphore, #tpu.memory_space<semaphore_mem>>
        %dma_start3A_300 = arith.constant 0 : i32
        %dma_start3A_301 = tpu.memref_slice %arg13[%select_n3A_64, %run_scoped3A_177, %dma_start3A_300] : memref<2x8x125xi32, #tpu.memory_space<vmem>> -> memref<1x1x125xi32, #tpu.memory_space<vmem>>
        %dma_start3A_302 = tpu.memref_squeeze %dma_start3A_301 : memref<1x1x125xi32, #tpu.memory_space<vmem>> -> memref<125xi32, #tpu.memory_space<vmem>>
        %dma_start3A_303 = arith.constant 0 : i32
        %dma_start3A_304 = arith.constant 0 : i32
        %dma_start3A_305 = tpu.memref_slice %arg10[%dma_start3A_303, %dma_start3A_304] : memref<10112x128xf32, #tpu.memory_space<vmem_shared>> -> memref<10112x128xf32, #tpu.memory_space<vmem_shared>>
        tpu.enqueue_indirect_dma source(%arg15 : memref<125x128xf32, #tpu.memory_space<vmem>>) target(%dma_start3A_305 : memref<10112x128xf32, #tpu.memory_space<vmem_shared>>) offsets(%dma_start3A_302 : memref<125xi32, #tpu.memory_space<vmem>>) semaphore(%run_scoped3A_299 : memref<!tpu.dma_semaphore, #tpu.memory_space<semaphore_mem>>) {add = true}
        %dma_wait3A_306 = arith.constant 0 : i32
        %dma_wait3A_307 = tpu.memref_slice %arg13[%select_n3A_64, %run_scoped3A_177, %dma_wait3A_306] : memref<2x8x125xi32, #tpu.memory_space<vmem>> -> memref<1x1x125xi32, #tpu.memory_space<vmem>>
        %dma_wait3A_308 = tpu.memref_squeeze %dma_wait3A_307 : memref<1x1x125xi32, #tpu.memory_space<vmem>> -> memref<125xi32, #tpu.memory_space<vmem>>
        %dma_wait3A_309 = arith.constant 0 : i32
        %dma_wait3A_310 = arith.constant 0 : i32
        %dma_wait3A_311 = tpu.memref_slice %arg10[%dma_wait3A_309, %dma_wait3A_310] : memref<10112x128xf32, #tpu.memory_space<vmem_shared>> -> memref<10112x128xf32, #tpu.memory_space<vmem_shared>>
        tpu.wait_indirect_dma semaphore(%run_scoped3A_299 : memref<!tpu.dma_semaphore, #tpu.memory_space<semaphore_mem>>) src(%arg15 : memref<125x128xf32, #tpu.memory_space<vmem>>) dst(%dma_wait3A_311 : memref<10112x128xf32, #tpu.memory_space<vmem_shared>>)
        tpu.yield
      }) : () -> ()
      %dma_start3A_178 = arith.constant 3 : i32
      %dma_start3A_179 = arith.constant 0 : i32
      %dma_start3A_180 = tpu.memref_slice %arg13[%select_n3A_64, %dma_start3A_178, %dma_start3A_179] : memref<2x8x125xi32, #tpu.memory_space<vmem>> -> memref<1x1x125xi32, #tpu.memory_space<vmem>>
      %dma_start3A_181 = tpu.memref_squeeze %dma_start3A_180 : memref<1x1x125xi32, #tpu.memory_space<vmem>> -> memref<125xi32, #tpu.memory_space<vmem>>
      %dma_start3A_182 = arith.constant 0 : i32
      %dma_start3A_183 = tpu.memref_slice %arg11[%dma_start3A_182] : memref<10240xf32, #tpu.memory_space<vmem_shared>> -> memref<10240xf32, #tpu.memory_space<vmem_shared>>
      tpu.enqueue_indirect_dma source(%arg16 : memref<125xf32, #tpu.memory_space<vmem>>) target(%dma_start3A_183 : memref<10240xf32, #tpu.memory_space<vmem_shared>>) offsets(%dma_start3A_181 : memref<125xi32, #tpu.memory_space<vmem>>) semaphore(%arg22 : memref<!tpu.dma_semaphore, #tpu.memory_space<semaphore_mem>>) {add = true}
      %dma_wait3A_184 = arith.constant 4 : i32
      %dma_wait3A_185 = arith.constant 0 : i32
      %dma_wait3A_186 = tpu.memref_slice %arg12[%select_n3A_64, %dma_wait3A_184, %dma_wait3A_185] : memref<2x8x125xi32, #tpu.memory_space<vmem>> -> memref<1x1x125xi32, #tpu.memory_space<vmem>>
      %dma_wait3A_187 = tpu.memref_squeeze %dma_wait3A_186 : memref<1x1x125xi32, #tpu.memory_space<vmem>> -> memref<125xi32, #tpu.memory_space<vmem>>
      %dma_wait3A_188 = arith.constant 0 : i32
      %dma_wait3A_189 = arith.constant 0 : i32
      %dma_wait3A_190 = tpu.memref_slice %arg2[%dma_wait3A_188, %dma_wait3A_189] : memref<10000x128xf32, #tpu.memory_space<hbm>> -> memref<10000x128xf32, #tpu.memory_space<hbm>>
      tpu.wait_indirect_dma semaphore(%arg17 : memref<!tpu.dma_semaphore, #tpu.memory_space<semaphore_mem>>) src(%dma_wait3A_190 : memref<10000x128xf32, #tpu.memory_space<hbm>>) dst(%arg14 : memref<125x128xf32, #tpu.memory_space<vmem>>)
      %dma_start3A_191 = arith.constant 5 : i32
      %dma_start3A_192 = arith.constant 0 : i32
      %dma_start3A_193 = tpu.memref_slice %arg12[%select_n3A_64, %dma_start3A_191, %dma_start3A_192] : memref<2x8x125xi32, #tpu.memory_space<vmem>> -> memref<1x1x125xi32, #tpu.memory_space<vmem>>
      %dma_start3A_194 = tpu.memref_squeeze %dma_start3A_193 : memref<1x1x125xi32, #tpu.memory_space<vmem>> -> memref<125xi32, #tpu.memory_space<vmem>>
      %dma_start3A_195 = arith.constant 0 : i32
      %dma_start3A_196 = arith.constant 0 : i32
      %dma_start3A_197 = tpu.memref_slice %arg2[%dma_start3A_195, %dma_start3A_196] : memref<10000x128xf32, #tpu.memory_space<hbm>> -> memref<10000x128xf32, #tpu.memory_space<hbm>>
      tpu.enqueue_indirect_dma source(%dma_start3A_197 : memref<10000x128xf32, #tpu.memory_space<hbm>>) target(%arg15 : memref<125x128xf32, #tpu.memory_space<vmem>>) offsets(%dma_start3A_194 : memref<125xi32, #tpu.memory_space<vmem>>) semaphore(%arg18 : memref<!tpu.dma_semaphore, #tpu.memory_space<semaphore_mem>>)
      %run_scoped3A_198 = arith.constant 4 : i32
      "tpu.region"() ({
        %run_scoped3A_299 = tpu.sem_alloc : memref<!tpu.dma_semaphore, #tpu.memory_space<semaphore_mem>>
        %dma_start3A_300 = arith.constant 0 : i32
        %dma_start3A_301 = tpu.memref_slice %arg13[%select_n3A_64, %run_scoped3A_198, %dma_start3A_300] : memref<2x8x125xi32, #tpu.memory_space<vmem>> -> memref<1x1x125xi32, #tpu.memory_space<vmem>>
        %dma_start3A_302 = tpu.memref_squeeze %dma_start3A_301 : memref<1x1x125xi32, #tpu.memory_space<vmem>> -> memref<125xi32, #tpu.memory_space<vmem>>
        %dma_start3A_303 = arith.constant 0 : i32
        %dma_start3A_304 = arith.constant 0 : i32
        %dma_start3A_305 = tpu.memref_slice %arg10[%dma_start3A_303, %dma_start3A_304] : memref<10112x128xf32, #tpu.memory_space<vmem_shared>> -> memref<10112x128xf32, #tpu.memory_space<vmem_shared>>
        tpu.enqueue_indirect_dma source(%arg14 : memref<125x128xf32, #tpu.memory_space<vmem>>) target(%dma_start3A_305 : memref<10112x128xf32, #tpu.memory_space<vmem_shared>>) offsets(%dma_start3A_302 : memref<125xi32, #tpu.memory_space<vmem>>) semaphore(%run_scoped3A_299 : memref<!tpu.dma_semaphore, #tpu.memory_space<semaphore_mem>>) {add = true}
        %dma_wait3A_306 = arith.constant 0 : i32
        %dma_wait3A_307 = tpu.memref_slice %arg13[%select_n3A_64, %run_scoped3A_198, %dma_wait3A_306] : memref<2x8x125xi32, #tpu.memory_space<vmem>> -> memref<1x1x125xi32, #tpu.memory_space<vmem>>
        %dma_wait3A_308 = tpu.memref_squeeze %dma_wait3A_307 : memref<1x1x125xi32, #tpu.memory_space<vmem>> -> memref<125xi32, #tpu.memory_space<vmem>>
        %dma_wait3A_309 = arith.constant 0 : i32
        %dma_wait3A_310 = arith.constant 0 : i32
        %dma_wait3A_311 = tpu.memref_slice %arg10[%dma_wait3A_309, %dma_wait3A_310] : memref<10112x128xf32, #tpu.memory_space<vmem_shared>> -> memref<10112x128xf32, #tpu.memory_space<vmem_shared>>
        tpu.wait_indirect_dma semaphore(%run_scoped3A_299 : memref<!tpu.dma_semaphore, #tpu.memory_space<semaphore_mem>>) src(%arg14 : memref<125x128xf32, #tpu.memory_space<vmem>>) dst(%dma_wait3A_311 : memref<10112x128xf32, #tpu.memory_space<vmem_shared>>)
        tpu.yield
      }) : () -> ()
      %dma_start3A_199 = arith.constant 4 : i32
      %dma_start3A_200 = arith.constant 0 : i32
      %dma_start3A_201 = tpu.memref_slice %arg13[%select_n3A_64, %dma_start3A_199, %dma_start3A_200] : memref<2x8x125xi32, #tpu.memory_space<vmem>> -> memref<1x1x125xi32, #tpu.memory_space<vmem>>
      %dma_start3A_202 = tpu.memref_squeeze %dma_start3A_201 : memref<1x1x125xi32, #tpu.memory_space<vmem>> -> memref<125xi32, #tpu.memory_space<vmem>>
      %dma_start3A_203 = arith.constant 0 : i32
      %dma_start3A_204 = tpu.memref_slice %arg11[%dma_start3A_203] : memref<10240xf32, #tpu.memory_space<vmem_shared>> -> memref<10240xf32, #tpu.memory_space<vmem_shared>>
      tpu.enqueue_indirect_dma source(%arg16 : memref<125xf32, #tpu.memory_space<vmem>>) target(%dma_start3A_204 : memref<10240xf32, #tpu.memory_space<vmem_shared>>) offsets(%dma_start3A_202 : memref<125xi32, #tpu.memory_space<vmem>>) semaphore(%arg22 : memref<!tpu.dma_semaphore, #tpu.memory_space<semaphore_mem>>) {add = true}
      %dma_wait3A_205 = arith.constant 5 : i32
      %dma_wait3A_206 = arith.constant 0 : i32
      %dma_wait3A_207 = tpu.memref_slice %arg12[%select_n3A_64, %dma_wait3A_205, %dma_wait3A_206] : memref<2x8x125xi32, #tpu.memory_space<vmem>> -> memref<1x1x125xi32, #tpu.memory_space<vmem>>
      %dma_wait3A_208 = tpu.memref_squeeze %dma_wait3A_207 : memref<1x1x125xi32, #tpu.memory_space<vmem>> -> memref<125xi32, #tpu.memory_space<vmem>>
      %dma_wait3A_209 = arith.constant 0 : i32
      %dma_wait3A_210 = arith.constant 0 : i32
      %dma_wait3A_211 = tpu.memref_slice %arg2[%dma_wait3A_209, %dma_wait3A_210] : memref<10000x128xf32, #tpu.memory_space<hbm>> -> memref<10000x128xf32, #tpu.memory_space<hbm>>
      tpu.wait_indirect_dma semaphore(%arg18 : memref<!tpu.dma_semaphore, #tpu.memory_space<semaphore_mem>>) src(%dma_wait3A_211 : memref<10000x128xf32, #tpu.memory_space<hbm>>) dst(%arg15 : memref<125x128xf32, #tpu.memory_space<vmem>>)
      %dma_start3A_212 = arith.constant 6 : i32
      %dma_start3A_213 = arith.constant 0 : i32
      %dma_start3A_214 = tpu.memref_slice %arg12[%select_n3A_64, %dma_start3A_212, %dma_start3A_213] : memref<2x8x125xi32, #tpu.memory_space<vmem>> -> memref<1x1x125xi32, #tpu.memory_space<vmem>>
      %dma_start3A_215 = tpu.memref_squeeze %dma_start3A_214 : memref<1x1x125xi32, #tpu.memory_space<vmem>> -> memref<125xi32, #tpu.memory_space<vmem>>
      %dma_start3A_216 = arith.constant 0 : i32
      %dma_start3A_217 = arith.constant 0 : i32
      %dma_start3A_218 = tpu.memref_slice %arg2[%dma_start3A_216, %dma_start3A_217] : memref<10000x128xf32, #tpu.memory_space<hbm>> -> memref<10000x128xf32, #tpu.memory_space<hbm>>
      tpu.enqueue_indirect_dma source(%dma_start3A_218 : memref<10000x128xf32, #tpu.memory_space<hbm>>) target(%arg14 : memref<125x128xf32, #tpu.memory_space<vmem>>) offsets(%dma_start3A_215 : memref<125xi32, #tpu.memory_space<vmem>>) semaphore(%arg17 : memref<!tpu.dma_semaphore, #tpu.memory_space<semaphore_mem>>)
      %run_scoped3A_219 = arith.constant 5 : i32
      "tpu.region"() ({
        %run_scoped3A_299 = tpu.sem_alloc : memref<!tpu.dma_semaphore, #tpu.memory_space<semaphore_mem>>
        %dma_start3A_300 = arith.constant 0 : i32
        %dma_start3A_301 = tpu.memref_slice %arg13[%select_n3A_64, %run_scoped3A_219, %dma_start3A_300] : memref<2x8x125xi32, #tpu.memory_space<vmem>> -> memref<1x1x125xi32, #tpu.memory_space<vmem>>
        %dma_start3A_302 = tpu.memref_squeeze %dma_start3A_301 : memref<1x1x125xi32, #tpu.memory_space<vmem>> -> memref<125xi32, #tpu.memory_space<vmem>>
        %dma_start3A_303 = arith.constant 0 : i32
        %dma_start3A_304 = arith.constant 0 : i32
        %dma_start3A_305 = tpu.memref_slice %arg10[%dma_start3A_303, %dma_start3A_304] : memref<10112x128xf32, #tpu.memory_space<vmem_shared>> -> memref<10112x128xf32, #tpu.memory_space<vmem_shared>>
        tpu.enqueue_indirect_dma source(%arg15 : memref<125x128xf32, #tpu.memory_space<vmem>>) target(%dma_start3A_305 : memref<10112x128xf32, #tpu.memory_space<vmem_shared>>) offsets(%dma_start3A_302 : memref<125xi32, #tpu.memory_space<vmem>>) semaphore(%run_scoped3A_299 : memref<!tpu.dma_semaphore, #tpu.memory_space<semaphore_mem>>) {add = true}
        %dma_wait3A_306 = arith.constant 0 : i32
        %dma_wait3A_307 = tpu.memref_slice %arg13[%select_n3A_64, %run_scoped3A_219, %dma_wait3A_306] : memref<2x8x125xi32, #tpu.memory_space<vmem>> -> memref<1x1x125xi32, #tpu.memory_space<vmem>>
        %dma_wait3A_308 = tpu.memref_squeeze %dma_wait3A_307 : memref<1x1x125xi32, #tpu.memory_space<vmem>> -> memref<125xi32, #tpu.memory_space<vmem>>
        %dma_wait3A_309 = arith.constant 0 : i32
        %dma_wait3A_310 = arith.constant 0 : i32
        %dma_wait3A_311 = tpu.memref_slice %arg10[%dma_wait3A_309, %dma_wait3A_310] : memref<10112x128xf32, #tpu.memory_space<vmem_shared>> -> memref<10112x128xf32, #tpu.memory_space<vmem_shared>>
        tpu.wait_indirect_dma semaphore(%run_scoped3A_299 : memref<!tpu.dma_semaphore, #tpu.memory_space<semaphore_mem>>) src(%arg15 : memref<125x128xf32, #tpu.memory_space<vmem>>) dst(%dma_wait3A_311 : memref<10112x128xf32, #tpu.memory_space<vmem_shared>>)
        tpu.yield
      }) : () -> ()
      %dma_start3A_220 = arith.constant 5 : i32
      %dma_start3A_221 = arith.constant 0 : i32
      %dma_start3A_222 = tpu.memref_slice %arg13[%select_n3A_64, %dma_start3A_220, %dma_start3A_221] : memref<2x8x125xi32, #tpu.memory_space<vmem>> -> memref<1x1x125xi32, #tpu.memory_space<vmem>>
      %dma_start3A_223 = tpu.memref_squeeze %dma_start3A_222 : memref<1x1x125xi32, #tpu.memory_space<vmem>> -> memref<125xi32, #tpu.memory_space<vmem>>
      %dma_start3A_224 = arith.constant 0 : i32
      %dma_start3A_225 = tpu.memref_slice %arg11[%dma_start3A_224] : memref<10240xf32, #tpu.memory_space<vmem_shared>> -> memref<10240xf32, #tpu.memory_space<vmem_shared>>
      tpu.enqueue_indirect_dma source(%arg16 : memref<125xf32, #tpu.memory_space<vmem>>) target(%dma_start3A_225 : memref<10240xf32, #tpu.memory_space<vmem_shared>>) offsets(%dma_start3A_223 : memref<125xi32, #tpu.memory_space<vmem>>) semaphore(%arg22 : memref<!tpu.dma_semaphore, #tpu.memory_space<semaphore_mem>>) {add = true}
      %dma_wait3A_226 = arith.constant 6 : i32
      %dma_wait3A_227 = arith.constant 0 : i32
      %dma_wait3A_228 = tpu.memref_slice %arg12[%select_n3A_64, %dma_wait3A_226, %dma_wait3A_227] : memref<2x8x125xi32, #tpu.memory_space<vmem>> -> memref<1x1x125xi32, #tpu.memory_space<vmem>>
      %dma_wait3A_229 = tpu.memref_squeeze %dma_wait3A_228 : memref<1x1x125xi32, #tpu.memory_space<vmem>> -> memref<125xi32, #tpu.memory_space<vmem>>
      %dma_wait3A_230 = arith.constant 0 : i32
      %dma_wait3A_231 = arith.constant 0 : i32
      %dma_wait3A_232 = tpu.memref_slice %arg2[%dma_wait3A_230, %dma_wait3A_231] : memref<10000x128xf32, #tpu.memory_space<hbm>> -> memref<10000x128xf32, #tpu.memory_space<hbm>>
      tpu.wait_indirect_dma semaphore(%arg17 : memref<!tpu.dma_semaphore, #tpu.memory_space<semaphore_mem>>) src(%dma_wait3A_232 : memref<10000x128xf32, #tpu.memory_space<hbm>>) dst(%arg14 : memref<125x128xf32, #tpu.memory_space<vmem>>)
      %dma_start3A_233 = arith.constant 7 : i32
      %dma_start3A_234 = arith.constant 0 : i32
      %dma_start3A_235 = tpu.memref_slice %arg12[%select_n3A_64, %dma_start3A_233, %dma_start3A_234] : memref<2x8x125xi32, #tpu.memory_space<vmem>> -> memref<1x1x125xi32, #tpu.memory_space<vmem>>
      %dma_start3A_236 = tpu.memref_squeeze %dma_start3A_235 : memref<1x1x125xi32, #tpu.memory_space<vmem>> -> memref<125xi32, #tpu.memory_space<vmem>>
      %dma_start3A_237 = arith.constant 0 : i32
      %dma_start3A_238 = arith.constant 0 : i32
      %dma_start3A_239 = tpu.memref_slice %arg2[%dma_start3A_237, %dma_start3A_238] : memref<10000x128xf32, #tpu.memory_space<hbm>> -> memref<10000x128xf32, #tpu.memory_space<hbm>>
      tpu.enqueue_indirect_dma source(%dma_start3A_239 : memref<10000x128xf32, #tpu.memory_space<hbm>>) target(%arg15 : memref<125x128xf32, #tpu.memory_space<vmem>>) offsets(%dma_start3A_236 : memref<125xi32, #tpu.memory_space<vmem>>) semaphore(%arg18 : memref<!tpu.dma_semaphore, #tpu.memory_space<semaphore_mem>>)
      %run_scoped3A_240 = arith.constant 6 : i32
      "tpu.region"() ({
        %run_scoped3A_299 = tpu.sem_alloc : memref<!tpu.dma_semaphore, #tpu.memory_space<semaphore_mem>>
        %dma_start3A_300 = arith.constant 0 : i32
        %dma_start3A_301 = tpu.memref_slice %arg13[%select_n3A_64, %run_scoped3A_240, %dma_start3A_300] : memref<2x8x125xi32, #tpu.memory_space<vmem>> -> memref<1x1x125xi32, #tpu.memory_space<vmem>>
        %dma_start3A_302 = tpu.memref_squeeze %dma_start3A_301 : memref<1x1x125xi32, #tpu.memory_space<vmem>> -> memref<125xi32, #tpu.memory_space<vmem>>
        %dma_start3A_303 = arith.constant 0 : i32
        %dma_start3A_304 = arith.constant 0 : i32
        %dma_start3A_305 = tpu.memref_slice %arg10[%dma_start3A_303, %dma_start3A_304] : memref<10112x128xf32, #tpu.memory_space<vmem_shared>> -> memref<10112x128xf32, #tpu.memory_space<vmem_shared>>
        tpu.enqueue_indirect_dma source(%arg14 : memref<125x128xf32, #tpu.memory_space<vmem>>) target(%dma_start3A_305 : memref<10112x128xf32, #tpu.memory_space<vmem_shared>>) offsets(%dma_start3A_302 : memref<125xi32, #tpu.memory_space<vmem>>) semaphore(%run_scoped3A_299 : memref<!tpu.dma_semaphore, #tpu.memory_space<semaphore_mem>>) {add = true}
        %dma_wait3A_306 = arith.constant 0 : i32
        %dma_wait3A_307 = tpu.memref_slice %arg13[%select_n3A_64, %run_scoped3A_240, %dma_wait3A_306] : memref<2x8x125xi32, #tpu.memory_space<vmem>> -> memref<1x1x125xi32, #tpu.memory_space<vmem>>
        %dma_wait3A_308 = tpu.memref_squeeze %dma_wait3A_307 : memref<1x1x125xi32, #tpu.memory_space<vmem>> -> memref<125xi32, #tpu.memory_space<vmem>>
        %dma_wait3A_309 = arith.constant 0 : i32
        %dma_wait3A_310 = arith.constant 0 : i32
        %dma_wait3A_311 = tpu.memref_slice %arg10[%dma_wait3A_309, %dma_wait3A_310] : memref<10112x128xf32, #tpu.memory_space<vmem_shared>> -> memref<10112x128xf32, #tpu.memory_space<vmem_shared>>
        tpu.wait_indirect_dma semaphore(%run_scoped3A_299 : memref<!tpu.dma_semaphore, #tpu.memory_space<semaphore_mem>>) src(%arg14 : memref<125x128xf32, #tpu.memory_space<vmem>>) dst(%dma_wait3A_311 : memref<10112x128xf32, #tpu.memory_space<vmem_shared>>)
        tpu.yield
      }) : () -> ()
      %dma_start3A_241 = arith.constant 6 : i32
      %dma_start3A_242 = arith.constant 0 : i32
      %dma_start3A_243 = tpu.memref_slice %arg13[%select_n3A_64, %dma_start3A_241, %dma_start3A_242] : memref<2x8x125xi32, #tpu.memory_space<vmem>> -> memref<1x1x125xi32, #tpu.memory_space<vmem>>
      %dma_start3A_244 = tpu.memref_squeeze %dma_start3A_243 : memref<1x1x125xi32, #tpu.memory_space<vmem>> -> memref<125xi32, #tpu.memory_space<vmem>>
      %dma_start3A_245 = arith.constant 0 : i32
      %dma_start3A_246 = tpu.memref_slice %arg11[%dma_start3A_245] : memref<10240xf32, #tpu.memory_space<vmem_shared>> -> memref<10240xf32, #tpu.memory_space<vmem_shared>>
      tpu.enqueue_indirect_dma source(%arg16 : memref<125xf32, #tpu.memory_space<vmem>>) target(%dma_start3A_246 : memref<10240xf32, #tpu.memory_space<vmem_shared>>) offsets(%dma_start3A_244 : memref<125xi32, #tpu.memory_space<vmem>>) semaphore(%arg22 : memref<!tpu.dma_semaphore, #tpu.memory_space<semaphore_mem>>) {add = true}
      %dma_wait3A_247 = arith.constant 7 : i32
      %dma_wait3A_248 = arith.constant 0 : i32
      %dma_wait3A_249 = tpu.memref_slice %arg12[%select_n3A_64, %dma_wait3A_247, %dma_wait3A_248] : memref<2x8x125xi32, #tpu.memory_space<vmem>> -> memref<1x1x125xi32, #tpu.memory_space<vmem>>
      %dma_wait3A_250 = tpu.memref_squeeze %dma_wait3A_249 : memref<1x1x125xi32, #tpu.memory_space<vmem>> -> memref<125xi32, #tpu.memory_space<vmem>>
      %dma_wait3A_251 = arith.constant 0 : i32
      %dma_wait3A_252 = arith.constant 0 : i32
      %dma_wait3A_253 = tpu.memref_slice %arg2[%dma_wait3A_251, %dma_wait3A_252] : memref<10000x128xf32, #tpu.memory_space<hbm>> -> memref<10000x128xf32, #tpu.memory_space<hbm>>
      tpu.wait_indirect_dma semaphore(%arg18 : memref<!tpu.dma_semaphore, #tpu.memory_space<semaphore_mem>>) src(%dma_wait3A_253 : memref<10000x128xf32, #tpu.memory_space<hbm>>) dst(%arg15 : memref<125x128xf32, #tpu.memory_space<vmem>>)
      %sub3A_254 = arith.constant 1 : i32
      %sub3A_255 = arith.subi %sub3A_254, %select_n3A_64 : i32
      %dma_wait3A_256 = arith.constant 0 : i32
      %dma_wait3A_257 = arith.constant 0 : i32
      %dma_wait3A_258 = tpu.memref_slice %arg12[%sub3A_255, %dma_wait3A_256, %dma_wait3A_257] : memref<2x8x125xi32, #tpu.memory_space<vmem>> -> memref<1x8x125xi32, #tpu.memory_space<vmem>>
      %dma_wait3A_259 = tpu.memref_squeeze %dma_wait3A_258 : memref<1x8x125xi32, #tpu.memory_space<vmem>> -> memref<8x125xi32, #tpu.memory_space<vmem>>
      %dma_wait3A_260 = arith.constant 0 : i32
      %dma_wait3A_261 = tpu.memref_slice %arg3[%add3A_72, %dma_wait3A_260] : memref<2560x125xi32, #tpu.memory_space<hbm>> -> memref<8x125xi32, #tpu.memory_space<hbm>>
      %dma_wait3A_262 = arith.constant 0 : i32
      %dma_wait3A_263 = arith.constant 0 : i32
      %dma_wait3A_264 = tpu.memref_slice %arg12[%sub3A_255, %dma_wait3A_262, %dma_wait3A_263] : memref<2x8x125xi32, #tpu.memory_space<vmem>> -> memref<1x8x125xi32, #tpu.memory_space<vmem>>
      %dma_wait3A_265 = tpu.memref_squeeze %dma_wait3A_264 : memref<1x8x125xi32, #tpu.memory_space<vmem>> -> memref<8x125xi32, #tpu.memory_space<vmem>>
      %dma_wait3A_266 = arith.constant 0 : i32
      %dma_wait3A_267 = tpu.memref_slice %arg3[%add3A_72, %dma_wait3A_266] : memref<2560x125xi32, #tpu.memory_space<hbm>> -> memref<8x125xi32, #tpu.memory_space<hbm>>
      tpu.wait_dma2 semaphore(%arg19 : memref<!tpu.dma_semaphore, #tpu.memory_space<semaphore_mem>>) src(%dma_wait3A_267 : memref<8x125xi32, #tpu.memory_space<hbm>>) dst(%dma_wait3A_265 : memref<8x125xi32, #tpu.memory_space<vmem>>)
      %sub3A_268 = arith.constant 1 : i32
      %sub3A_269 = arith.subi %sub3A_268, %select_n3A_64 : i32
      %dma_wait3A_270 = arith.constant 0 : i32
      %dma_wait3A_271 = arith.constant 0 : i32
      %dma_wait3A_272 = tpu.memref_slice %arg13[%sub3A_269, %dma_wait3A_270, %dma_wait3A_271] : memref<2x8x125xi32, #tpu.memory_space<vmem>> -> memref<1x8x125xi32, #tpu.memory_space<vmem>>
      %dma_wait3A_273 = tpu.memref_squeeze %dma_wait3A_272 : memref<1x8x125xi32, #tpu.memory_space<vmem>> -> memref<8x125xi32, #tpu.memory_space<vmem>>
      %dma_wait3A_274 = arith.constant 0 : i32
      %dma_wait3A_275 = tpu.memref_slice %arg4[%add3A_72, %dma_wait3A_274] : memref<2560x125xi32, #tpu.memory_space<hbm>> -> memref<8x125xi32, #tpu.memory_space<hbm>>
      %dma_wait3A_276 = arith.constant 0 : i32
      %dma_wait3A_277 = arith.constant 0 : i32
      %dma_wait3A_278 = tpu.memref_slice %arg13[%sub3A_269, %dma_wait3A_276, %dma_wait3A_277] : memref<2x8x125xi32, #tpu.memory_space<vmem>> -> memref<1x8x125xi32, #tpu.memory_space<vmem>>
      %dma_wait3A_279 = tpu.memref_squeeze %dma_wait3A_278 : memref<1x8x125xi32, #tpu.memory_space<vmem>> -> memref<8x125xi32, #tpu.memory_space<vmem>>
      %dma_wait3A_280 = arith.constant 0 : i32
      %dma_wait3A_281 = tpu.memref_slice %arg4[%add3A_72, %dma_wait3A_280] : memref<2560x125xi32, #tpu.memory_space<hbm>> -> memref<8x125xi32, #tpu.memory_space<hbm>>
      tpu.wait_dma2 semaphore(%arg19 : memref<!tpu.dma_semaphore, #tpu.memory_space<semaphore_mem>>) src(%dma_wait3A_281 : memref<8x125xi32, #tpu.memory_space<hbm>>) dst(%dma_wait3A_279 : memref<8x125xi32, #tpu.memory_space<vmem>>)
      %sub3A_282 = arith.constant 1 : i32
      %sub3A_283 = arith.subi %sub3A_282, %select_n3A_64 : i32
      %dma_start3A_284 = arith.constant 0 : i32
      %dma_start3A_285 = arith.constant 0 : i32
      %dma_start3A_286 = tpu.memref_slice %arg12[%sub3A_283, %dma_start3A_284, %dma_start3A_285] : memref<2x8x125xi32, #tpu.memory_space<vmem>> -> memref<1x1x125xi32, #tpu.memory_space<vmem>>
      %dma_start3A_287 = tpu.memref_squeeze %dma_start3A_286 : memref<1x1x125xi32, #tpu.memory_space<vmem>> -> memref<125xi32, #tpu.memory_space<vmem>>
      %dma_start3A_288 = arith.constant 0 : i32
      %dma_start3A_289 = arith.constant 0 : i32
      %dma_start3A_290 = tpu.memref_slice %arg2[%dma_start3A_288, %dma_start3A_289] : memref<10000x128xf32, #tpu.memory_space<hbm>> -> memref<10000x128xf32, #tpu.memory_space<hbm>>
      tpu.enqueue_indirect_dma source(%dma_start3A_290 : memref<10000x128xf32, #tpu.memory_space<hbm>>) target(%arg14 : memref<125x128xf32, #tpu.memory_space<vmem>>) offsets(%dma_start3A_287 : memref<125xi32, #tpu.memory_space<vmem>>) semaphore(%arg17 : memref<!tpu.dma_semaphore, #tpu.memory_space<semaphore_mem>>)
      %run_scoped3A_291 = arith.constant 7 : i32
      "tpu.region"() ({
        %run_scoped3A_299 = tpu.sem_alloc : memref<!tpu.dma_semaphore, #tpu.memory_space<semaphore_mem>>
        %dma_start3A_300 = arith.constant 0 : i32
        %dma_start3A_301 = tpu.memref_slice %arg13[%select_n3A_64, %run_scoped3A_291, %dma_start3A_300] : memref<2x8x125xi32, #tpu.memory_space<vmem>> -> memref<1x1x125xi32, #tpu.memory_space<vmem>>
        %dma_start3A_302 = tpu.memref_squeeze %dma_start3A_301 : memref<1x1x125xi32, #tpu.memory_space<vmem>> -> memref<125xi32, #tpu.memory_space<vmem>>
        %dma_start3A_303 = arith.constant 0 : i32
        %dma_start3A_304 = arith.constant 0 : i32
        %dma_start3A_305 = tpu.memref_slice %arg10[%dma_start3A_303, %dma_start3A_304] : memref<10112x128xf32, #tpu.memory_space<vmem_shared>> -> memref<10112x128xf32, #tpu.memory_space<vmem_shared>>
        tpu.enqueue_indirect_dma source(%arg15 : memref<125x128xf32, #tpu.memory_space<vmem>>) target(%dma_start3A_305 : memref<10112x128xf32, #tpu.memory_space<vmem_shared>>) offsets(%dma_start3A_302 : memref<125xi32, #tpu.memory_space<vmem>>) semaphore(%run_scoped3A_299 : memref<!tpu.dma_semaphore, #tpu.memory_space<semaphore_mem>>) {add = true}
        %dma_wait3A_306 = arith.constant 0 : i32
        %dma_wait3A_307 = tpu.memref_slice %arg13[%select_n3A_64, %run_scoped3A_291, %dma_wait3A_306] : memref<2x8x125xi32, #tpu.memory_space<vmem>> -> memref<1x1x125xi32, #tpu.memory_space<vmem>>
        %dma_wait3A_308 = tpu.memref_squeeze %dma_wait3A_307 : memref<1x1x125xi32, #tpu.memory_space<vmem>> -> memref<125xi32, #tpu.memory_space<vmem>>
        %dma_wait3A_309 = arith.constant 0 : i32
        %dma_wait3A_310 = arith.constant 0 : i32
        %dma_wait3A_311 = tpu.memref_slice %arg10[%dma_wait3A_309, %dma_wait3A_310] : memref<10112x128xf32, #tpu.memory_space<vmem_shared>> -> memref<10112x128xf32, #tpu.memory_space<vmem_shared>>
        tpu.wait_indirect_dma semaphore(%run_scoped3A_299 : memref<!tpu.dma_semaphore, #tpu.memory_space<semaphore_mem>>) src(%arg15 : memref<125x128xf32, #tpu.memory_space<vmem>>) dst(%dma_wait3A_311 : memref<10112x128xf32, #tpu.memory_space<vmem_shared>>)
        tpu.yield
      }) : () -> ()
      %dma_start3A_292 = arith.constant 7 : i32
      %dma_start3A_293 = arith.constant 0 : i32
      %dma_start3A_294 = tpu.memref_slice %arg13[%select_n3A_64, %dma_start3A_292, %dma_start3A_293] : memref<2x8x125xi32, #tpu.memory_space<vmem>> -> memref<1x1x125xi32, #tpu.memory_space<vmem>>
      %dma_start3A_295 = tpu.memref_squeeze %dma_start3A_294 : memref<1x1x125xi32, #tpu.memory_space<vmem>> -> memref<125xi32, #tpu.memory_space<vmem>>
      %dma_start3A_296 = arith.constant 0 : i32
      %dma_start3A_297 = tpu.memref_slice %arg11[%dma_start3A_296] : memref<10240xf32, #tpu.memory_space<vmem_shared>> -> memref<10240xf32, #tpu.memory_space<vmem_shared>>
      tpu.enqueue_indirect_dma source(%arg16 : memref<125xf32, #tpu.memory_space<vmem>>) target(%dma_start3A_297 : memref<10240xf32, #tpu.memory_space<vmem_shared>>) offsets(%dma_start3A_295 : memref<125xi32, #tpu.memory_space<vmem>>) semaphore(%arg22 : memref<!tpu.dma_semaphore, #tpu.memory_space<semaphore_mem>>) {add = true}
      %scan3A_298 = arith.constant 0 : i32
      scf.yield %scan3A_298 : i32
    }
    %scan3A_26 = arith.constant 10 : i32
    %dma_wait3A = arith.constant 0 : i32
    %dma_wait3A_27 = arith.constant 0 : i32
    %dma_wait3A_28 = arith.constant 0 : i32
    %dma_wait3A_29 = tpu.memref_slice %arg12[%dma_wait3A, %dma_wait3A_27, %dma_wait3A_28] : memref<2x8x125xi32, #tpu.memory_space<vmem>> -> memref<1x1x125xi32, #tpu.memory_space<vmem>>
    %dma_wait3A_30 = tpu.memref_squeeze %dma_wait3A_29 : memref<1x1x125xi32, #tpu.memory_space<vmem>> -> memref<125xi32, #tpu.memory_space<vmem>>
    %dma_wait3A_31 = arith.constant 0 : i32
    %dma_wait3A_32 = arith.constant 0 : i32
    %dma_wait3A_33 = tpu.memref_slice %arg2[%dma_wait3A_31, %dma_wait3A_32] : memref<10000x128xf32, #tpu.memory_space<hbm>> -> memref<10000x128xf32, #tpu.memory_space<hbm>>
    tpu.wait_indirect_dma semaphore(%arg17 : memref<!tpu.dma_semaphore, #tpu.memory_space<semaphore_mem>>) src(%dma_wait3A_33 : memref<10000x128xf32, #tpu.memory_space<hbm>>) dst(%arg14 : memref<125x128xf32, #tpu.memory_space<vmem>>)
    %scan3A_34 = arith.constant 0 : i32
    %scan3A_35 = arith.constant 0 : i32
    %scan3A_36 = arith.constant 80 : i32
    %scan3A_37 = arith.addi %scan3A_35, %scan3A_36 : i32
    %scan3A_38 = arith.constant 1 : i32
    %scan3A_39 = scf.for %scan3A_54 = %scan3A_35 to %scan3A_37 step %scan3A_38 iter_args(%scan3A_55 = %scan3A_34) -> (i32)  : i32 {
      %dma_wait3A_56 = arith.constant 0 : i32
      %dma_wait3A_57 = arith.constant 0 : i32
      %dma_wait3A_58 = arith.constant 0 : i32
      %dma_wait3A_59 = tpu.memref_slice %arg13[%dma_wait3A_56, %dma_wait3A_57, %dma_wait3A_58] : memref<2x8x125xi32, #tpu.memory_space<vmem>> -> memref<1x1x125xi32, #tpu.memory_space<vmem>>
      %dma_wait3A_60 = tpu.memref_squeeze %dma_wait3A_59 : memref<1x1x125xi32, #tpu.memory_space<vmem>> -> memref<125xi32, #tpu.memory_space<vmem>>
      %dma_wait3A_61 = arith.constant 0 : i32
      %dma_wait3A_62 = tpu.memref_slice %arg11[%dma_wait3A_61] : memref<10240xf32, #tpu.memory_space<vmem_shared>> -> memref<10240xf32, #tpu.memory_space<vmem_shared>>
      tpu.wait_indirect_dma semaphore(%arg22 : memref<!tpu.dma_semaphore, #tpu.memory_space<semaphore_mem>>) src(%arg16 : memref<125xf32, #tpu.memory_space<vmem>>) dst(%dma_wait3A_62 : memref<10240xf32, #tpu.memory_space<vmem_shared>>)
      %scan3A_63 = arith.constant 0 : i32
      scf.yield %scan3A_63 : i32
    }
    %scan3A_40 = arith.constant 80 : i32
    %barrier3A_41 = arith.constant 0 : index
    tpu.barrier barrier_id(%barrier3A_41)
    %mul3A_42 = arith.constant 632 : i32
    %mul3A_43 = arith.muli %arg1, %mul3A_42 : i32
    %mul3A_44 = arith.constant 10112 : i32
    %mul3A_45 = arith.muli %arg0, %mul3A_44 : i32
    %add3A_46 = arith.addi %mul3A_45, %mul3A_43 : i32
    "tpu.region"() ({
      %run_scoped3A_54 = tpu.sem_alloc : memref<!tpu.dma_semaphore, #tpu.memory_space<semaphore_mem>>
      %dma_start3A_55 = arith.constant 0 : i32
      %dma_start3A_56 = tpu.memref_slice %arg8[%add3A_46, %dma_start3A_55] : memref<20224x128xf32, #tpu.memory_space<hbm>> -> memref<632x128xf32, #tpu.memory_space<hbm>>
      %dma_start3A_57 = arith.constant 0 : i32
      %dma_start3A_58 = tpu.memref_slice %arg10[%mul3A_43, %dma_start3A_57] : memref<10112x128xf32, #tpu.memory_space<vmem_shared>> -> memref<632x128xf32, #tpu.memory_space<vmem_shared>>
      tpu.enqueue_dma source(%dma_start3A_58 : memref<632x128xf32, #tpu.memory_space<vmem_shared>>) target(%dma_start3A_56 : memref<632x128xf32, #tpu.memory_space<hbm>>) target_semaphore(%run_scoped3A_54 : memref<!tpu.dma_semaphore, #tpu.memory_space<semaphore_mem>>)
      %dma_wait3A_59 = arith.constant 0 : i32
      %dma_wait3A_60 = tpu.memref_slice %arg8[%add3A_46, %dma_wait3A_59] : memref<20224x128xf32, #tpu.memory_space<hbm>> -> memref<632x128xf32, #tpu.memory_space<hbm>>
      %dma_wait3A_61 = arith.constant 0 : i32
      %dma_wait3A_62 = tpu.memref_slice %arg10[%mul3A_43, %dma_wait3A_61] : memref<10112x128xf32, #tpu.memory_space<vmem_shared>> -> memref<632x128xf32, #tpu.memory_space<vmem_shared>>
      tpu.wait_dma2 semaphore(%run_scoped3A_54 : memref<!tpu.dma_semaphore, #tpu.memory_space<semaphore_mem>>) src(%dma_wait3A_62 : memref<632x128xf32, #tpu.memory_space<vmem_shared>>) dst(%dma_wait3A_60 : memref<632x128xf32, #tpu.memory_space<hbm>>)
      tpu.yield
    }) : () -> ()
    %mul3A_47 = arith.constant 640 : i32
    %mul3A_48 = arith.muli %arg1, %mul3A_47 : i32
    %mul3A_49 = arith.constant 10240 : i32
    %mul3A_50 = arith.muli %arg0, %mul3A_49 : i32
    %mul3A_51 = arith.constant 640 : i32
    %mul3A_52 = arith.muli %arg1, %mul3A_51 : i32
    %add3A_53 = arith.addi %mul3A_50, %mul3A_52 : i32
    "tpu.region"() ({
      %run_scoped3A_54 = tpu.sem_alloc : memref<!tpu.dma_semaphore, #tpu.memory_space<semaphore_mem>>
      %dma_start3A_55 = tpu.memref_slice %arg9[%add3A_53] : memref<20480xf32, #tpu.memory_space<hbm>> -> memref<640xf32, #tpu.memory_space<hbm>>
      %dma_start3A_56 = tpu.memref_slice %arg11[%mul3A_48] : memref<10240xf32, #tpu.memory_space<vmem_shared>> -> memref<640xf32, #tpu.memory_space<vmem_shared>>
      tpu.enqueue_dma source(%dma_start3A_56 : memref<640xf32, #tpu.memory_space<vmem_shared>>) target(%dma_start3A_55 : memref<640xf32, #tpu.memory_space<hbm>>) target_semaphore(%run_scoped3A_54 : memref<!tpu.dma_semaphore, #tpu.memory_space<semaphore_mem>>)
      %dma_wait3A_57 = tpu.memref_slice %arg9[%add3A_53] : memref<20480xf32, #tpu.memory_space<hbm>> -> memref<640xf32, #tpu.memory_space<hbm>>
      %dma_wait3A_58 = tpu.memref_slice %arg11[%mul3A_48] : memref<10240xf32, #tpu.memory_space<vmem_shared>> -> memref<640xf32, #tpu.memory_space<vmem_shared>>
      tpu.wait_dma2 semaphore(%run_scoped3A_54 : memref<!tpu.dma_semaphore, #tpu.memory_space<semaphore_mem>>) src(%dma_wait3A_58 : memref<640xf32, #tpu.memory_space<vmem_shared>>) dst(%dma_wait3A_57 : memref<640xf32, #tpu.memory_space<hbm>>)
      tpu.yield
    }) : () -> ()
    return
  }
}

module attributes {stable_mosaic.version = 14 : i64} {
  func.func @_dense_block(%arg0: i32, %arg1: memref<2x2000x128xf32, #tpu.memory_space<vmem>>, %arg2: memref<2x2000x1xf32, #tpu.memory_space<vmem>>, %arg3: memref<2000x128xf32, #tpu.memory_space<vmem>>, %arg4: memref<128x128xf32, #tpu.memory_space<vmem>>, %arg5: memref<128x128xf32, #tpu.memory_space<vmem>>, %arg6: memref<1x128xf32, #tpu.memory_space<vmem>>, %arg7: memref<1x128xf32, #tpu.memory_space<vmem>>, %arg8: memref<1x128xf32, #tpu.memory_space<vmem>>, %arg9: memref<2000x128xf32, #tpu.memory_space<vmem>>) attributes {dimension_semantics = [#tpu.dimension_semantics<arbitrary>], iteration_bounds = array<i64: 5>, scalar_prefetch = 0 : i64, scratch_operands = 0 : i64, tpu.core_type = #tpu.core_type<tc>, window_params = [{transform_indices = @transform_0, window_bounds = array<i64: 2, 2000, 128>}, {transform_indices = @transform_1, window_bounds = array<i64: 2, 2000, 1>}, {transform_indices = @transform_2, window_bounds = array<i64: 2000, 128>}, {pipeline_mode = #tpu.pipeline_mode<synchronous>, transform_indices = @transform_3, window_bounds = array<i64: 128, 128>}, {pipeline_mode = #tpu.pipeline_mode<synchronous>, transform_indices = @transform_4, window_bounds = array<i64: 128, 128>}, {pipeline_mode = #tpu.pipeline_mode<synchronous>, transform_indices = @transform_5, window_bounds = array<i64: 1, 128>}, {pipeline_mode = #tpu.pipeline_mode<synchronous>, transform_indices = @transform_6, window_bounds = array<i64: 1, 128>}, {pipeline_mode = #tpu.pipeline_mode<synchronous>, transform_indices = @transform_7, window_bounds = array<i64: 1, 128>}, {transform_indices = @transform_8, window_bounds = array<i64: 2000, 128>}]} {
    %get3A = arith.constant 0 : index
    %get3A_0 = arith.constant 0 : index
    %get3A_1 = arith.constant 0 : index
    %get3A_2 = vector.load %arg1[%get3A, %get3A_0, %get3A_1] : memref<2x2000x128xf32, #tpu.memory_space<vmem>>, vector<1x2000x128xf32>
    %get3A_3 = vector.shape_cast %get3A_2 : vector<1x2000x128xf32> to vector<2000x128xf32>
    %get3A_4 = arith.constant 1 : index
    %get3A_5 = arith.constant 0 : index
    %get3A_6 = arith.constant 0 : index
    %get3A_7 = vector.load %arg1[%get3A_4, %get3A_5, %get3A_6] : memref<2x2000x128xf32, #tpu.memory_space<vmem>>, vector<1x2000x128xf32>
    %get3A_8 = vector.shape_cast %get3A_7 : vector<1x2000x128xf32> to vector<2000x128xf32>
    %add3A = arith.addf %get3A_3, %get3A_8 : vector<2000x128xf32>
    %get3A_9 = arith.constant 0 : index
    %get3A_10 = arith.constant 0 : index
    %get3A_11 = arith.constant 0 : index
    %get3A_12 = vector.load %arg2[%get3A_9, %get3A_10, %get3A_11] : memref<2x2000x1xf32, #tpu.memory_space<vmem>>, vector<1x2000x1xf32>
    %get3A_13 = vector.shape_cast %get3A_12 : vector<1x2000x1xf32> to vector<2000x1xf32>
    %get3A_14 = arith.constant 1 : index
    %get3A_15 = arith.constant 0 : index
    %get3A_16 = arith.constant 0 : index
    %get3A_17 = vector.load %arg2[%get3A_14, %get3A_15, %get3A_16] : memref<2x2000x1xf32, #tpu.memory_space<vmem>>, vector<1x2000x1xf32>
    %get3A_18 = vector.shape_cast %get3A_17 : vector<1x2000x1xf32> to vector<2000x1xf32>
    %add3A_19 = arith.addf %get3A_13, %get3A_18 : vector<2000x1xf32>
    %max3A = arith.constant 1.000000e+00 : f32
    %max3A_20 = vector.broadcast %max3A : f32 to vector<2000x1xf32>
    %max3A_21 = arith.maximumf %add3A_19, %max3A_20 : vector<2000x1xf32>
    %div3A = vector.broadcast %max3A_21 : vector<2000x1xf32> to vector<2000x128xf32>
    %div3A_22 = arith.divf %add3A, %div3A : vector<2000x128xf32>
    %get3A_23 = arith.constant 0 : index
    %get3A_24 = arith.constant 0 : index
    %get3A_25 = vector.load %arg4[%get3A_23, %get3A_24] : memref<128x128xf32, #tpu.memory_space<vmem>>, vector<128x128xf32>
    %dot_general3A = arith.constant dense<0.000000e+00> : vector<2000x128xf32>
    %dot_general3A_26 = tpu.matmul %div3A_22, %get3A_25, %dot_general3A {dimension_numbers = #tpu.dot_dimension_numbers<[1], [1], [0], [0], [0, 0, 1, 0], [], []>, transpose_lhs_hint = false} : vector<2000x128xf32>, vector<128x128xf32>, vector<2000x128xf32> -> vector<2000x128xf32>
    %get3A_27 = arith.constant 0 : index
    %get3A_28 = arith.constant 0 : index
    %get3A_29 = vector.load %arg3[%get3A_27, %get3A_28] : memref<2000x128xf32, #tpu.memory_space<vmem>>, vector<2000x128xf32>
    %get3A_30 = arith.constant 0 : index
    %get3A_31 = arith.constant 0 : index
    %get3A_32 = vector.load %arg5[%get3A_30, %get3A_31] : memref<128x128xf32, #tpu.memory_space<vmem>>, vector<128x128xf32>
    %dot_general3A_33 = arith.constant dense<0.000000e+00> : vector<2000x128xf32>
    %dot_general3A_34 = tpu.matmul %get3A_29, %get3A_32, %dot_general3A_33 {dimension_numbers = #tpu.dot_dimension_numbers<[1], [1], [0], [0], [0, 0, 1, 0], [], []>, transpose_lhs_hint = false} : vector<2000x128xf32>, vector<128x128xf32>, vector<2000x128xf32> -> vector<2000x128xf32>
    %add3A_35 = arith.addf %dot_general3A_26, %dot_general3A_34 : vector<2000x128xf32>
    %get3A_36 = arith.constant 0 : index
    %get3A_37 = arith.constant 0 : index
    %get3A_38 = vector.load %arg6[%get3A_36, %get3A_37] : memref<1x128xf32, #tpu.memory_space<vmem>>, vector<1x128xf32>
    %add3A_39 = vector.broadcast %get3A_38 : vector<1x128xf32> to vector<2000x128xf32>
    %add3A_40 = arith.addf %add3A_35, %add3A_39 : vector<2000x128xf32>
    %reduce_sum3A = arith.constant dense<0.000000e+00> : vector<2000xf32>
    %reduce_sum3A_41 = vector.multi_reduction <add>, %add3A_40, %reduce_sum3A [1] : vector<2000x128xf32> to vector<2000xf32>
    %broadcast_in_dim3A = vector.shape_cast %reduce_sum3A_41 : vector<2000xf32> to vector<2000x1xf32>
    %div3A_42 = arith.constant 1.280000e+02 : f32
    %div3A_43 = vector.broadcast %div3A_42 : f32 to vector<2000x1xf32>
    %div3A_44 = arith.divf %broadcast_in_dim3A, %div3A_43 : vector<2000x1xf32>
    %sub3A = vector.broadcast %div3A_44 : vector<2000x1xf32> to vector<2000x128xf32>
    %sub3A_45 = arith.subf %add3A_40, %sub3A : vector<2000x128xf32>
    %integer_pow3A = arith.mulf %sub3A_45, %sub3A_45 : vector<2000x128xf32>
    %reduce_sum3A_46 = arith.constant dense<0.000000e+00> : vector<2000xf32>
    %reduce_sum3A_47 = vector.multi_reduction <add>, %integer_pow3A, %reduce_sum3A_46 [1] : vector<2000x128xf32> to vector<2000xf32>
    %broadcast_in_dim3A_48 = vector.shape_cast %reduce_sum3A_47 : vector<2000xf32> to vector<2000x1xf32>
    %div3A_49 = arith.constant 1.280000e+02 : f32
    %div3A_50 = vector.broadcast %div3A_49 : f32 to vector<2000x1xf32>
    %div3A_51 = arith.divf %broadcast_in_dim3A_48, %div3A_50 : vector<2000x1xf32>
    %sub3A_52 = vector.broadcast %div3A_44 : vector<2000x1xf32> to vector<2000x128xf32>
    %sub3A_53 = arith.subf %add3A_40, %sub3A_52 : vector<2000x128xf32>
    %add3A_54 = arith.constant 9.99999974E-6 : f32
    %add3A_55 = vector.broadcast %add3A_54 : f32 to vector<2000x1xf32>
    %add3A_56 = arith.addf %div3A_51, %add3A_55 : vector<2000x1xf32>
    %rsqrt3A = math.rsqrt %add3A_56 : vector<2000x1xf32>
    %mul3A = vector.broadcast %rsqrt3A : vector<2000x1xf32> to vector<2000x128xf32>
    %mul3A_57 = arith.mulf %sub3A_53, %mul3A : vector<2000x128xf32>
    %get3A_58 = arith.constant 0 : index
    %get3A_59 = arith.constant 0 : index
    %get3A_60 = vector.load %arg7[%get3A_58, %get3A_59] : memref<1x128xf32, #tpu.memory_space<vmem>>, vector<1x128xf32>
    %mul3A_61 = vector.broadcast %get3A_60 : vector<1x128xf32> to vector<2000x128xf32>
    %mul3A_62 = arith.mulf %mul3A_57, %mul3A_61 : vector<2000x128xf32>
    %get3A_63 = arith.constant 0 : index
    %get3A_64 = arith.constant 0 : index
    %get3A_65 = vector.load %arg8[%get3A_63, %get3A_64] : memref<1x128xf32, #tpu.memory_space<vmem>>, vector<1x128xf32>
    %add3A_66 = vector.broadcast %get3A_65 : vector<1x128xf32> to vector<2000x128xf32>
    %add3A_67 = arith.addf %mul3A_62, %add3A_66 : vector<2000x128xf32>
    %max3A_68 = arith.constant 0.000000e+00 : f32
    %max3A_69 = vector.broadcast %max3A_68 : f32 to vector<2000x128xf32>
    %max3A_70 = arith.maximumf %add3A_67, %max3A_69 : vector<2000x128xf32>
    %swap3A = arith.constant 0 : index
    %swap3A_71 = arith.constant 0 : index
    %swap3A_72 = vector.load %arg9[%swap3A, %swap3A_71] : memref<2000x128xf32, #tpu.memory_space<vmem>>, vector<2000x128xf32>
    tpu.vector_store %arg9[%swap3A, %swap3A_71], %max3A_70 {strides = array<i32>} : memref<2000x128xf32, #tpu.memory_space<vmem>>, vector<2000x128xf32>,
    return
  }
  func.func @transform_0(%arg0: i32) -> (i32, i32, i32) {
    %c0_i32 = arith.constant 0 : i32
    %c0_i32_0 = arith.constant 0 : i32
    %c0_i32_1 = arith.constant 0 : i32
    return %c0_i32, %arg0, %c0_i32_0 : i32, i32, i32
  }
  func.func @transform_1(%arg0: i32) -> (i32, i32, i32) {
    %c0_i32 = arith.constant 0 : i32
    %c0_i32_0 = arith.constant 0 : i32
    %c0_i32_1 = arith.constant 0 : i32
    return %c0_i32, %arg0, %c0_i32_0 : i32, i32, i32
  }
  func.func @transform_2(%arg0: i32) -> (i32, i32) {
    %c0_i32 = arith.constant 0 : i32
    %c0_i32_0 = arith.constant 0 : i32
    return %arg0, %c0_i32 : i32, i32
  }
  func.func @transform_3(%arg0: i32) -> (i32, i32) {
    %c0_i32 = arith.constant 0 : i32
    %c0_i32_0 = arith.constant 0 : i32
    %c0_i32_1 = arith.constant 0 : i32
    return %c0_i32, %c0_i32_0 : i32, i32
  }
  func.func @transform_4(%arg0: i32) -> (i32, i32) {
    %c0_i32 = arith.constant 0 : i32
    %c0_i32_0 = arith.constant 0 : i32
    %c0_i32_1 = arith.constant 0 : i32
    return %c0_i32, %c0_i32_0 : i32, i32
  }
  func.func @transform_5(%arg0: i32) -> (i32, i32) {
    %c0_i32 = arith.constant 0 : i32
    %c0_i32_0 = arith.constant 0 : i32
    %c0_i32_1 = arith.constant 0 : i32
    return %c0_i32, %c0_i32_0 : i32, i32
  }
  func.func @transform_6(%arg0: i32) -> (i32, i32) {
    %c0_i32 = arith.constant 0 : i32
    %c0_i32_0 = arith.constant 0 : i32
    %c0_i32_1 = arith.constant 0 : i32
    return %c0_i32, %c0_i32_0 : i32, i32
  }
  func.func @transform_7(%arg0: i32) -> (i32, i32) {
    %c0_i32 = arith.constant 0 : i32
    %c0_i32_0 = arith.constant 0 : i32
    %c0_i32_1 = arith.constant 0 : i32
    return %c0_i32, %c0_i32_0 : i32, i32
  }
  func.func @transform_8(%arg0: i32) -> (i32, i32) {
    %c0_i32 = arith.constant 0 : i32
    %c0_i32_0 = arith.constant 0 : i32
    return %arg0, %c0_i32 : i32, i32
  }
}

module attributes {stable_mosaic.version = 14 : i64} {
  func.func @_dense_block(%arg0: i32, %arg1: memref<2x2000x128xf32, #tpu.memory_space<vmem>>, %arg2: memref<2x2000x1xf32, #tpu.memory_space<vmem>>, %arg3: memref<2000x128xf32, #tpu.memory_space<vmem>>, %arg4: memref<128x128xf32, #tpu.memory_space<vmem>>, %arg5: memref<128x128xf32, #tpu.memory_space<vmem>>, %arg6: memref<1x128xf32, #tpu.memory_space<vmem>>, %arg7: memref<1x128xf32, #tpu.memory_space<vmem>>, %arg8: memref<1x128xf32, #tpu.memory_space<vmem>>, %arg9: memref<2000x128xf32, #tpu.memory_space<vmem>>) attributes {dimension_semantics = [#tpu.dimension_semantics<arbitrary>], iteration_bounds = array<i64: 5>, scalar_prefetch = 0 : i64, scratch_operands = 0 : i64, tpu.core_type = #tpu.core_type<tc>, window_params = [{transform_indices = @transform_0, window_bounds = array<i64: 2, 2000, 128>}, {transform_indices = @transform_1, window_bounds = array<i64: 2, 2000, 1>}, {transform_indices = @transform_2, window_bounds = array<i64: 2000, 128>}, {pipeline_mode = #tpu.pipeline_mode<synchronous>, transform_indices = @transform_3, window_bounds = array<i64: 128, 128>}, {pipeline_mode = #tpu.pipeline_mode<synchronous>, transform_indices = @transform_4, window_bounds = array<i64: 128, 128>}, {pipeline_mode = #tpu.pipeline_mode<synchronous>, transform_indices = @transform_5, window_bounds = array<i64: 1, 128>}, {pipeline_mode = #tpu.pipeline_mode<synchronous>, transform_indices = @transform_6, window_bounds = array<i64: 1, 128>}, {pipeline_mode = #tpu.pipeline_mode<synchronous>, transform_indices = @transform_7, window_bounds = array<i64: 1, 128>}, {transform_indices = @transform_8, window_bounds = array<i64: 2000, 128>}]} {
    %get3A = arith.constant 0 : index
    %get3A_0 = arith.constant 0 : index
    %get3A_1 = arith.constant 0 : index
    %get3A_2 = vector.load %arg1[%get3A, %get3A_0, %get3A_1] : memref<2x2000x128xf32, #tpu.memory_space<vmem>>, vector<1x2000x128xf32>
    %get3A_3 = vector.shape_cast %get3A_2 : vector<1x2000x128xf32> to vector<2000x128xf32>
    %get3A_4 = arith.constant 1 : index
    %get3A_5 = arith.constant 0 : index
    %get3A_6 = arith.constant 0 : index
    %get3A_7 = vector.load %arg1[%get3A_4, %get3A_5, %get3A_6] : memref<2x2000x128xf32, #tpu.memory_space<vmem>>, vector<1x2000x128xf32>
    %get3A_8 = vector.shape_cast %get3A_7 : vector<1x2000x128xf32> to vector<2000x128xf32>
    %add3A = arith.addf %get3A_3, %get3A_8 : vector<2000x128xf32>
    %get3A_9 = arith.constant 0 : index
    %get3A_10 = arith.constant 0 : index
    %get3A_11 = arith.constant 0 : index
    %get3A_12 = vector.load %arg2[%get3A_9, %get3A_10, %get3A_11] : memref<2x2000x1xf32, #tpu.memory_space<vmem>>, vector<1x2000x1xf32>
    %get3A_13 = vector.shape_cast %get3A_12 : vector<1x2000x1xf32> to vector<2000x1xf32>
    %get3A_14 = arith.constant 1 : index
    %get3A_15 = arith.constant 0 : index
    %get3A_16 = arith.constant 0 : index
    %get3A_17 = vector.load %arg2[%get3A_14, %get3A_15, %get3A_16] : memref<2x2000x1xf32, #tpu.memory_space<vmem>>, vector<1x2000x1xf32>
    %get3A_18 = vector.shape_cast %get3A_17 : vector<1x2000x1xf32> to vector<2000x1xf32>
    %add3A_19 = arith.addf %get3A_13, %get3A_18 : vector<2000x1xf32>
    %max3A = arith.constant 1.000000e+00 : f32
    %max3A_20 = vector.broadcast %max3A : f32 to vector<2000x1xf32>
    %max3A_21 = arith.maximumf %add3A_19, %max3A_20 : vector<2000x1xf32>
    %div3A = vector.broadcast %max3A_21 : vector<2000x1xf32> to vector<2000x128xf32>
    %div3A_22 = arith.divf %add3A, %div3A : vector<2000x128xf32>
    %get3A_23 = arith.constant 0 : index
    %get3A_24 = arith.constant 0 : index
    %get3A_25 = vector.load %arg4[%get3A_23, %get3A_24] : memref<128x128xf32, #tpu.memory_space<vmem>>, vector<128x128xf32>
    %dot_general3A = arith.constant dense<0.000000e+00> : vector<2000x128xf32>
    %dot_general3A_26 = tpu.matmul %div3A_22, %get3A_25, %dot_general3A {dimension_numbers = #tpu.dot_dimension_numbers<[1], [1], [0], [0], [0, 0, 1, 0], [], []>, transpose_lhs_hint = false} : vector<2000x128xf32>, vector<128x128xf32>, vector<2000x128xf32> -> vector<2000x128xf32>
    %get3A_27 = arith.constant 0 : index
    %get3A_28 = arith.constant 0 : index
    %get3A_29 = vector.load %arg3[%get3A_27, %get3A_28] : memref<2000x128xf32, #tpu.memory_space<vmem>>, vector<2000x128xf32>
    %get3A_30 = arith.constant 0 : index
    %get3A_31 = arith.constant 0 : index
    %get3A_32 = vector.load %arg5[%get3A_30, %get3A_31] : memref<128x128xf32, #tpu.memory_space<vmem>>, vector<128x128xf32>
    %dot_general3A_33 = arith.constant dense<0.000000e+00> : vector<2000x128xf32>
    %dot_general3A_34 = tpu.matmul %get3A_29, %get3A_32, %dot_general3A_33 {dimension_numbers = #tpu.dot_dimension_numbers<[1], [1], [0], [0], [0, 0, 1, 0], [], []>, transpose_lhs_hint = false} : vector<2000x128xf32>, vector<128x128xf32>, vector<2000x128xf32> -> vector<2000x128xf32>
    %add3A_35 = arith.addf %dot_general3A_26, %dot_general3A_34 : vector<2000x128xf32>
    %get3A_36 = arith.constant 0 : index
    %get3A_37 = arith.constant 0 : index
    %get3A_38 = vector.load %arg6[%get3A_36, %get3A_37] : memref<1x128xf32, #tpu.memory_space<vmem>>, vector<1x128xf32>
    %add3A_39 = vector.broadcast %get3A_38 : vector<1x128xf32> to vector<2000x128xf32>
    %add3A_40 = arith.addf %add3A_35, %add3A_39 : vector<2000x128xf32>
    %swap3A = arith.constant 0 : index
    %swap3A_41 = arith.constant 0 : index
    %swap3A_42 = vector.load %arg9[%swap3A, %swap3A_41] : memref<2000x128xf32, #tpu.memory_space<vmem>>, vector<2000x128xf32>
    tpu.vector_store %arg9[%swap3A, %swap3A_41], %add3A_40 {strides = array<i32>} : memref<2000x128xf32, #tpu.memory_space<vmem>>, vector<2000x128xf32>,
    return
  }
  func.func @transform_0(%arg0: i32) -> (i32, i32, i32) {
    %c0_i32 = arith.constant 0 : i32
    %c0_i32_0 = arith.constant 0 : i32
    %c0_i32_1 = arith.constant 0 : i32
    return %c0_i32, %arg0, %c0_i32_0 : i32, i32, i32
  }
  func.func @transform_1(%arg0: i32) -> (i32, i32, i32) {
    %c0_i32 = arith.constant 0 : i32
    %c0_i32_0 = arith.constant 0 : i32
    %c0_i32_1 = arith.constant 0 : i32
    return %c0_i32, %arg0, %c0_i32_0 : i32, i32, i32
  }
  func.func @transform_2(%arg0: i32) -> (i32, i32) {
    %c0_i32 = arith.constant 0 : i32
    %c0_i32_0 = arith.constant 0 : i32
    return %arg0, %c0_i32 : i32, i32
  }
  func.func @transform_3(%arg0: i32) -> (i32, i32) {
    %c0_i32 = arith.constant 0 : i32
    %c0_i32_0 = arith.constant 0 : i32
    %c0_i32_1 = arith.constant 0 : i32
    return %c0_i32, %c0_i32_0 : i32, i32
  }
  func.func @transform_4(%arg0: i32) -> (i32, i32) {
    %c0_i32 = arith.constant 0 : i32
    %c0_i32_0 = arith.constant 0 : i32
    %c0_i32_1 = arith.constant 0 : i32
    return %c0_i32, %c0_i32_0 : i32, i32
  }
  func.func @transform_5(%arg0: i32) -> (i32, i32) {
    %c0_i32 = arith.constant 0 : i32
    %c0_i32_0 = arith.constant 0 : i32
    %c0_i32_1 = arith.constant 0 : i32
    return %c0_i32, %c0_i32_0 : i32, i32
  }
  func.func @transform_6(%arg0: i32) -> (i32, i32) {
    %c0_i32 = arith.constant 0 : i32
    %c0_i32_0 = arith.constant 0 : i32
    %c0_i32_1 = arith.constant 0 : i32
    return %c0_i32, %c0_i32_0 : i32, i32
  }
  func.func @transform_7(%arg0: i32) -> (i32, i32) {
    %c0_i32 = arith.constant 0 : i32
    %c0_i32_0 = arith.constant 0 : i32
    %c0_i32_1 = arith.constant 0 : i32
    return %c0_i32, %c0_i32_0 : i32, i32
  }
  func.func @transform_8(%arg0: i32) -> (i32, i32) {
    %c0_i32 = arith.constant 0 : i32
    %c0_i32_0 = arith.constant 0 : i32
    return %arg0, %c0_i32 : i32, i32
  }
}

module attributes {stable_mosaic.version = 14 : i64} {
  func.func @_head_block(%arg0: memref<256x128xf32, #tpu.memory_space<vmem>>, %arg1: memref<128x128xf32, #tpu.memory_space<vmem>>, %arg2: memref<1x128xf32, #tpu.memory_space<vmem>>, %arg3: memref<1x128xf32, #tpu.memory_space<vmem>>, %arg4: memref<1x128xf32, #tpu.memory_space<vmem>>, %arg5: memref<256x128xf32, #tpu.memory_space<vmem>>) attributes {dimension_semantics = [], scalar_prefetch = 0 : i64, scratch_operands = 0 : i64, tpu.core_type = #tpu.core_type<tc>} {
    %get3A = arith.constant 0 : index
    %get3A_0 = arith.constant 0 : index
    %get3A_1 = vector.load %arg0[%get3A, %get3A_0] : memref<256x128xf32, #tpu.memory_space<vmem>>, vector<256x128xf32>
    %get3A_2 = arith.constant 0 : index
    %get3A_3 = arith.constant 0 : index
    %get3A_4 = vector.load %arg1[%get3A_2, %get3A_3] : memref<128x128xf32, #tpu.memory_space<vmem>>, vector<128x128xf32>
    %dot_general3A = arith.constant dense<0.000000e+00> : vector<256x128xf32>
    %dot_general3A_5 = tpu.matmul %get3A_1, %get3A_4, %dot_general3A {dimension_numbers = #tpu.dot_dimension_numbers<[1], [1], [0], [0], [0, 0, 1, 0], [], []>, transpose_lhs_hint = false} : vector<256x128xf32>, vector<128x128xf32>, vector<256x128xf32> -> vector<256x128xf32>
    %get3A_6 = arith.constant 0 : index
    %get3A_7 = arith.constant 0 : index
    %get3A_8 = vector.load %arg2[%get3A_6, %get3A_7] : memref<1x128xf32, #tpu.memory_space<vmem>>, vector<1x128xf32>
    %add3A = vector.broadcast %get3A_8 : vector<1x128xf32> to vector<256x128xf32>
    %add3A_9 = arith.addf %dot_general3A_5, %add3A : vector<256x128xf32>
    %max3A = arith.constant 0.000000e+00 : f32
    %max3A_10 = vector.broadcast %max3A : f32 to vector<256x128xf32>
    %max3A_11 = arith.maximumf %add3A_9, %max3A_10 : vector<256x128xf32>
    %reduce_sum3A = arith.constant dense<0.000000e+00> : vector<256xf32>
    %reduce_sum3A_12 = vector.multi_reduction <add>, %max3A_11, %reduce_sum3A [1] : vector<256x128xf32> to vector<256xf32>
    %broadcast_in_dim3A = vector.shape_cast %reduce_sum3A_12 : vector<256xf32> to vector<256x1xf32>
    %div3A = arith.constant 1.280000e+02 : f32
    %div3A_13 = vector.broadcast %div3A : f32 to vector<256x1xf32>
    %div3A_14 = arith.divf %broadcast_in_dim3A, %div3A_13 : vector<256x1xf32>
    %sub3A = vector.broadcast %div3A_14 : vector<256x1xf32> to vector<256x128xf32>
    %sub3A_15 = arith.subf %max3A_11, %sub3A : vector<256x128xf32>
    %integer_pow3A = arith.mulf %sub3A_15, %sub3A_15 : vector<256x128xf32>
    %reduce_sum3A_16 = arith.constant dense<0.000000e+00> : vector<256xf32>
    %reduce_sum3A_17 = vector.multi_reduction <add>, %integer_pow3A, %reduce_sum3A_16 [1] : vector<256x128xf32> to vector<256xf32>
    %broadcast_in_dim3A_18 = vector.shape_cast %reduce_sum3A_17 : vector<256xf32> to vector<256x1xf32>
    %div3A_19 = arith.constant 1.280000e+02 : f32
    %div3A_20 = vector.broadcast %div3A_19 : f32 to vector<256x1xf32>
    %div3A_21 = arith.divf %broadcast_in_dim3A_18, %div3A_20 : vector<256x1xf32>
    %sub3A_22 = vector.broadcast %div3A_14 : vector<256x1xf32> to vector<256x128xf32>
    %sub3A_23 = arith.subf %max3A_11, %sub3A_22 : vector<256x128xf32>
    %add3A_24 = arith.constant 9.99999974E-6 : f32
    %add3A_25 = vector.broadcast %add3A_24 : f32 to vector<256x1xf32>
    %add3A_26 = arith.addf %div3A_21, %add3A_25 : vector<256x1xf32>
    %rsqrt3A = math.rsqrt %add3A_26 : vector<256x1xf32>
    %mul3A = vector.broadcast %rsqrt3A : vector<256x1xf32> to vector<256x128xf32>
    %mul3A_27 = arith.mulf %sub3A_23, %mul3A : vector<256x128xf32>
    %get3A_28 = arith.constant 0 : index
    %get3A_29 = arith.constant 0 : index
    %get3A_30 = vector.load %arg3[%get3A_28, %get3A_29] : memref<1x128xf32, #tpu.memory_space<vmem>>, vector<1x128xf32>
    %mul3A_31 = vector.broadcast %get3A_30 : vector<1x128xf32> to vector<256x128xf32>
    %mul3A_32 = arith.mulf %mul3A_27, %mul3A_31 : vector<256x128xf32>
    %get3A_33 = arith.constant 0 : index
    %get3A_34 = arith.constant 0 : index
    %get3A_35 = vector.load %arg4[%get3A_33, %get3A_34] : memref<1x128xf32, #tpu.memory_space<vmem>>, vector<1x128xf32>
    %add3A_36 = vector.broadcast %get3A_35 : vector<1x128xf32> to vector<256x128xf32>
    %add3A_37 = arith.addf %mul3A_32, %add3A_36 : vector<256x128xf32>
    %swap3A = arith.constant 0 : index
    %swap3A_38 = arith.constant 0 : index
    %swap3A_39 = vector.load %arg5[%swap3A, %swap3A_38] : memref<256x128xf32, #tpu.memory_space<vmem>>, vector<256x128xf32>
    tpu.vector_store %arg5[%swap3A, %swap3A_38], %add3A_37 {strides = array<i32>} : memref<256x128xf32, #tpu.memory_space<vmem>>, vector<256x128xf32>,
    return
  }
}

</mosaic_0001>

<sc_bundles>
// kernel: kernel.11.cloned.1.call-start
scs
__scs_entry_jumppad:
0x0: {  	(pc) =	sbr.rel $0x88, $3  }
0x1: {  	(tag) =	ssettag $0x0;
	lr =	simm.s32 $0x1  }
0x2: {  	[smem:$0x3F92] =	sst lr;
	_ =	strace $0xD0000000  }
0x3: {  	_ = 	snop  }
0x4: {  	_ = 	snop  }
0x5: {  	_ = 	snop  }
0x6: {  	_ = 	snop  }
0x7: {  	_ = 	snop  }
__scs_overlays_trampoline_lowered:
0x8: {  	[smem:$0x3FA1] =	sst s0  }
0x9: {  	[smem:$0x3FA2] =	sst s1  }
0xa: {  	[smem:$0x3FA3] =	sst s2  }
0xb: {  	[smem:$0x3FA4] =	sst s3  }
0xc: {  	[smem:$0x3FA5] =	sst s4  }
0xd: {  	[smem:$0x3FA6] =	sst s5  }
0xe: {  	[smem:$0x3FA7] =	sst s6  }
0xf: {  	[smem:$0x3FA8] =	sst s7  }
0x10: {  	[smem:$0x3FA9] =	sst s8  }
0x11: {  	[smem:$0x3FAA] =	sst s9;
	s0 =	simm.s32 @!p0 $0x0  }
0x12: {  	s1 =	sld [smem:$0x3F90];
	s0 =	simm.s32 @p0 $0x1  }
0x13: {  	[smem:$0x3FAB] =	sst s0;
	s0 =	simm.s32 @!p1 $0x0  }
0x14: {  	s2 =	sld [smem:$0x3F8F];
	s0 =	simm.s32 @p1 $0x1  }
0x15: {  	[smem:$0x3FAC] =	sst s0;
	s0 =	simm.s32 @!p2 $0x0  }
0x16: {  	s3 =	sld [smem:$0x3FDB];
	s0 =	simm.s32 @p2 $0x1  }
0x17: {  	s4 =	simm.s32 $0x1BF5;
	[smem:$0x3FAE] =	sst s0  }
0x18: {  	s0 =	sld [smem:$0x3F91];
	_ =	swait.ge [sflag:s4], $0x0  }
0x19: {  	s7 =	sld [smem:$0x3F92]  }
0x1a: {  	s8 =	sadd.s32 $0xFFFFE003, lr  }
0x1b: {  	s9 =	sadd.s32 $0xFFFFFEF7, lr;
	s5 =	simm.s32 $0xFFFFFFFF;
	p2 =	slt.u32 s8, $0xFFFFF086  }
0x1c: {  	p1 =	slt.u32 s9, $0xF7A;
	s5 =	simm.s32 @!p2 $0x0  }
0x1d: {  	s5 =	simm.s32 @p1 $0x1;
	p0 =	seq.s32 s7, s2  }
0x1e: {  	s7 =	smul.u32 @!p0 $0xF7A, s2;
	p2 =	seq.s32 @!p0 s5, $0x0  }
0x1f: {  	s9 =	smul.u32 $0xF7A, s1;
	s8 =	simm.s32 @!p0 $0x1BF5;
	p2 =	por !p2, p0  }
0x20: {  	[sflag:s8] =	ssyncset.s32 @!p0 $0xFFFFF086;
	s6 =	sadd.s32 @!p0 s3, s7;
	s7 =	simm.s32 @!p0 $0x108  }
0x21: {  	s3 =	sadd.s32 s3, s9;
	s6 =	sadd.s32 @!p0 $0x88, s6;
	s7 =	simm.s32 @p2 $0x1082  }
0x22: {  	[simem:s7], [sflag:s8] =	dma.local @!p0 [hbm:s6], $0xF7A  }
0x23: {  	s9 =	sor.u32 $0xD0000000, s2;
	s6 =	simm.s32 $0x108;
	_ =	swait.ge @!p0 [sflag:s8], $0x0  }
0x24: {  	s3 =	sadd.s32 $0x88, s3;
	s6 =	simm.s32 @!p1 $0x1082;
	[sflag:s4] =	ssyncset.s32 $0xFFFFF086  }
0x25: {  	[simem:s6], [sflag:s4] =	dma.local [hbm:s3], $0xF7A  }
0x26: {  	[smem:$0x3F92] =	sst s1;
	(tag) =	ssettag s2;
	_ =	strace s9  }
0x27: {  	s1 =	sld [smem:$0x3FA2]  }
0x28: {  	s2 =	sld [smem:$0x3FA3]  }
0x29: {  	s4 =	sld [smem:$0x3FA5]  }
0x2a: {  	p0 =	seq.s32 s5, $0x0;
	s5 =	sld [smem:$0x3FA6]  }
0x2b: {  	s6 =	sld [smem:$0x3FA7]  }
0x2c: {  	s7 =	sld [smem:$0x3FA8]  }
0x2d: {  	s3 =	simm.s32 $0x108;
	s8 =	sld [smem:$0x3FA9]  }
0x2e: {  	s3 =	simm.s32 @!p0 $0x1082;
	s9 =	sld [smem:$0x3FAA]  }
0x2f: {  	lr =	sadd.s32 s0, s3;
	s0 =	sld [smem:$0x3FA1]  }
0x30: {  	s3 =	sld [smem:$0x3FA4]  }
0x31: {  	[smem:$0x3FAD] =	sst s10  }
0x32: {  	s10 =	sld [smem:$0x3FAB];
	_ =	sdelay $0x3  }
0x33: {  	p0 =	seq.s32 s10, $0x1;
	s10 =	sld [smem:$0x3FAD];
	_ =	sdelay $0x3  }
0x34: {  	[smem:$0x3FAD] =	sst s10  }
0x35: {  	s10 =	sld [smem:$0x3FAC];
	_ =	sdelay $0x3  }
0x36: {  	p1 =	seq.s32 s10, $0x1;
	s10 =	sld [smem:$0x3FAD];
	_ =	sdelay $0x3  }
0x37: {  	[smem:$0x3FAD] =	sst s10  }
0x38: {  	s10 =	sld [smem:$0x3FAE]  }
0x39: {  	_ = 	snop;
	(pc) =	sbr.ind lr, $3  }
0x3a: {  	_ = 	snop  }
0x3b: {  	_ = 	snop  }
0x3c: {  	p2 =	seq.s32 s10, $0x1;
	s10 =	sld [smem:$0x3FAD]  }
0x3d: {  	_ =	shalt  }
0x3e: {  	_ =	shalt  }
0x3f: {  	_ =	shalt  }
0x40: {  	_ =	shalt  }
0x41: {  	_ =	shalt  }
0x42: {  	_ =	shalt  }
0x43: {  	_ =	shalt  }
0x44: {  	_ =	shalt  }
0x45: {  	_ =	shalt  }
0x46: {  	_ =	shalt  }
0x47: {  	_ =	shalt  }
0x48: {  	_ =	shalt  }
0x49: {  	_ =	shalt  }
0x4a: {  	_ =	shalt  }
0x4b: {  	_ =	shalt  }
0x4c: {  	_ =	shalt  }
0x4d: {  	_ =	shalt  }
0x4e: {  	_ =	shalt  }
0x4f: {  	_ =	shalt  }
0x50: {  	_ =	shalt  }
0x51: {  	_ =	shalt  }
0x52: {  	_ =	shalt  }
0x53: {  	_ =	shalt  }
0x54: {  	_ =	shalt  }
0x55: {  	_ =	shalt  }
0x56: {  	_ =	shalt  }
0x57: {  	_ =	shalt  }
0x58: {  	_ =	shalt  }
0x59: {  	_ =	shalt  }
0x5a: {  	_ =	shalt  }
0x5b: {  	_ =	shalt  }
0x5c: {  	_ =	shalt  }
0x5d: {  	_ =	shalt  }
0x5e: {  	_ =	shalt  }
0x5f: {  	_ =	shalt  }
0x60: {  	_ =	shalt  }
0x61: {  	_ =	shalt  }
0x62: {  	_ =	shalt  }
0x63: {  	_ =	shalt  }
0x64: {  	_ =	shalt  }
0x65: {  	_ =	shalt  }
0x66: {  	_ =	shalt  }
0x67: {  	_ =	shalt  }
0x68: {  	_ =	shalt  }
0x69: {  	_ =	shalt  }
0x6a: {  	_ =	shalt  }
0x6b: {  	_ =	shalt  }
0x6c: {  	_ =	shalt  }
0x6d: {  	_ =	shalt  }
0x6e: {  	_ =	shalt  }
0x6f: {  	_ =	shalt  }
0x70: {  	_ =	shalt  }
0x71: {  	_ =	shalt  }
0x72: {  	_ =	shalt  }
0x73: {  	_ =	shalt  }
0x74: {  	_ =	shalt  }
0x75: {  	_ =	shalt  }
0x76: {  	_ =	shalt  }
0x77: {  	_ =	shalt  }
0x78: {  	_ =	shalt  }
0x79: {  	_ =	shalt  }
0x7a: {  	_ =	shalt  }
0x7b: {  	_ =	shalt  }
0x7c: {  	_ =	shalt  }
0x7d: {  	_ =	shalt  }
0x7e: {  	_ =	shalt  }
0x7f: {  	_ =	shalt  }
0x80: {  	_ =	shalt  }
0x81: {  	_ =	shalt  }
0x82: {  	_ =	shalt  }
0x83: {  	_ =	shalt  }
0x84: {  	_ =	shalt  }
0x85: {  	_ =	shalt  }
0x86: {  	_ =	shalt  }
0x87: {  	_ =	shalt  }
.Lfunc_end0:
.L_simem_size_0:
called_computation.1_lowered:
.L_overlay_start_0:
0x88: {  	s2 =	sld [smem:$0x3FD9]  }
0x89: {  	s3 =	sld [smem:$0x3FFE];
	_ =	sdelay $0x1  }
0x8a: {  	s1 =	srdreg.scid  }
0x8b: {  	s0 =	sand.u32 $0x1, s1  }
0x8c: {  	s16 =	sshll.u32 s0, $0xA;
	s2 =	sadd.s32 s3, s2  }
0x8d: {  	s2 =	sadd.s32 s2, s16  }
0x8e: {  	[smem:$0x3FB9] =	sst s2  }
0x8f: {  	_ = 	snop  }
0x90: {  	(tm) =	ssettm $0x1  }
0x91: {  	s17 =	sld [smem:$0x3FFB];
	_ =	sdelay $0x3  }
0x92: {  	_ =	strace s17  }
0x93: {  	s2 =	sld [smem:$0x3FFC];
	_ =	sdelay $0x3  }
0x94: {  	_ =	strace s2  }
0x95: {  	s2 =	sld [smem:$0x3FFD];
	_ =	sdelay $0x3  }
0x96: {  	_ =	strace s2  }
0x97: {  	_ =	strace $0x8FFFFFFF  }
0x98: {  	s18 =	sld [smem:$0x3FDB];
	_ =	sdelay $0x1  }
0x99: {  	s19 =	simm.s32 $_scs_section_size  }
0x9a: {  	s4 =	simm.s32 $_size__tile_overlayer_lowered;
	s5 =	simm.s32 $_tile_overlayer_lowered  }
0x9b: {  	s22 =	simm.s32 $0x1BFF;
	s21 =	sshll.u32 s5, $0x1;
	s2 =	sadd.s32 s19, s18  }
0x9c: {  	s6 =	simm.s32 $0x0;
	s20 =	sshll.u32 s4, $0x1;
	s4 =	sadd.s32 s21, s2  }
0x9d: {  	[timem:s6], [sflag:s22] =	dma.local [hbm:s4], s20  }
0x9e: {  	_ =	swait.ge [sflag:s22], s20  }
0x9f: {  	s3 =	ssub.s32 $0x0, s20;
	[sflag:s22] =	ssyncset.done $0x0  }
0xa0: {  	[sflag:s22] =	ssyncadd.s32 s3;
	_ =	sdelay $0x1  }
0xa1: {  	s23 =	simm.s32 $0x1B8B  }
0xa2: {  	_ =	swait.ge [sflag:s23], $0x1  }
0xa3: {  	[sflag:s23] =	ssyncset.done $0x0  }
0xa4: {  	s25 =	simm.s32 $0x1B8E;
	s24 =	sld [smem:$0x3FFE];
	[sflag:s23] =	ssyncadd.s32 $0xFFFFFFFF  }
0xa5: {  	s26 =	simm.s32 $execute0_lowered;
	[smem:$0x3FD2] =	sst s25  }
0xa6: {  	s4 =	sshll.u32 s26, $0x1;
	_ =	strace $0x80000049;
	[dreg:$0x1] =	wrdreg $0xFFFFFFFF  }
0xa7: {  	s28 =	simm.s32 $_size_execute0_lowered;
	s2 =	sadd.s32 s2, s4;
	[dreg:$0x0] =	wrdreg $0x0  }
0xa8: {  	s4 =	sshll.u32 s28, $0x1;
	[dreg:$0x2] =	wrdreg s2  }
0xa9: {  	[dreg:$0x3] =	wrdreg s4  }
0xaa: {  	[dreg:$0x4] =	wrdreg $0xC0  }
0xab: {  	_ =	task [dreg:s6], $0x5FFFF  }
0xac: {  	[dreg:$0x1] =	wrdreg $0xFFFFFFFF  }
0xad: {  	[dreg:$0x0] =	wrdreg $0x60  }
0xae: {  	[dreg:$0x2] =	wrdreg s24  }
0xaf: {  	[dreg:$0x3] =	wrdreg $0x0  }
0xb0: {  	[dreg:$0x4] =	wrdreg $0x9  }
0xb1: {  	_ =	task.clear_ibuf [dreg:s6], $0x5FFFF;
	_ =	strace $0x90000049  }
0xb2: {  	s29 =	simm.s32 $0x9;
	_ =	strace $0x8000004B  }
0xb3: {  	_ =	swait.ge [sflag:s29], $0x1  }
0xb4: {  	[sflag:s29] =	ssyncadd.s32 $0xFFFFFFFF  }
0xb5: {  	_ =	strace $0x9000004B  }
0xb6: {  	_ =	sfence  }
0xb7: {  	s30 =	sld [smem:$0x0];
	_ =	sdelay $0x2  }
0xb8: {  	s31 =	sshll.u32 s1, $0xD;
	s1 =	sshrl.u32 s1, $0x2  }
0xb9: {  	s3 =	sand.u32 $0x4000, s31;
	s1 =	sadd.s32 s1, s30  }
0xba: {  	s0 =	sor.u32 s3, s0;
	s1 =	sshll.u32 s1, $0x11  }
0xbb: {  	s0 =	sor.u32 s1, s0  }
0xbc: {  	s0 =	sadd.s32 $0x8F2B, s0  }
0xbd: {  	[sflag:s0] =	ssyncadd.remote.s32 $0x1  }
0xbe: {  	_ =	sfence.sel $0xFFFF  }
0xbf: {  	[dreg:$0x0] =	wrdreg $0xFFFFFFFF;
	(pc) =	sbr.abs _section_cstart, $3  }
0xc0: {  	[dreg:$0x1] =	wrdreg $0xFFFFFFFF  }
0xc1: {  	_ =	task.clear_ibuf [dreg:s6], $0x2FFFF;
	_ =	strace $0x9FFFFFFF  }
0xc2: {  	(tm) =	ssettm $0x7FFFFFFF  }
0xc3: {  	_ =	shalt  }
tec
execute0_lowered:
.L_overlay_start_1:
0x0: {  	(tag) =	ssettag $0x1  }
0x1: {  	s7 =	rddreg [dreg:$0x0]  }
0x2: {  	s2 =	rddreg [dreg:$0x1];
	s1 =	stileid.u32  }
0x3: {  	s4 =	srdreg.scid;
	s3 =	simm.s32 $0x0;
	s16 =	simm.s32 $0x14400  }
0x4: {  	s17 =	simm.s32 $0x7D;
	s18 =	simm.s32 $0x14C00;
	s19 =	simm.s32 $0x1  }
0x5: {  	s20 =	simm.s32 $0x18C00;
	s21 =	simm.s32 $0x2;
	s22 =	simm.s32 $0x3  }
0x6: {  	s23 =	simm.s32 $0x0;
	s8 =	smul.u32 $0x2780, s1;
	s9 =	sand.u32 $0x1, s4  }
0x7: {  	[smem:$0x7FF] =	sst s3;
	s4 =	sadd.s32 $0x3EC00, s7;
	s5 =	sadd.s32 $0x3400, s7  }
0x8: {  	s6 =	sadd.s32 $0xD400, s7;
	s12 =	smul.u32 $0x4F000, s1;
	s30 =	sshll.u32 s1, $0x6  }
0x9: {  	s10 =	smul.u32 $0x27800, s9;
	_ =	strace $0x8000004A;
	s24 =	ssub.s32 $0x2, s9  }
0xa: {  	s9 =	sshll.u32 s9, $0x4;
	s11 =	sadd.s32 s8, s7;
	s25 =	sshrl.u32 s24, $0x1  }
0xb: {  	s26 =	sor.u32 s1, s9;
	s28 =	sshrl.u32 s12, $0x2;
	s8 =	sadd.s32 s8, s10  }
0xc: {  	s14 =	ssub.s32 s24, s25;
	s29 =	smul.u32 $0x500, s26;
	s15 =	sadd.s32 s28, s2  }
0xd: {  	s31 =	smul.u32 $0xA, s26;
	s13 =	sadd.s32 s8, s7;
	s7 =	sadd.s32 $0x17400, s11  }
0xe: {  	s8 =	sor.u32 $0x1C04, s30;
	s12 =	smax.u32 s14, $0x1;
	s14 =	simm.s32 $0x4  }
0xf: {  	s9 =	sadd.s32 s5, s29;
	s10 =	sadd.s32 s6, s29;
	[dreg:$0x3] =	wrdreg s31  }
0x10: {  	s11 =	sadd.s32 $0xDE400, s13;
	s13 =	sshrl.u32 s15, $0x3;
	s15 =	simm.s32 $0x13C00  }
.LBB2_1:
0x11: {  	[spmem:s13], [sflag:s8] =	dma.local [hbm:s7], $0x2780  }
0x12: {  	_ =	swait.ge [sflag:s14], $0x2780  }
0x13: {  	[sflag:s14] =	ssyncset.done $0x0  }
0x14: {  	[sflag:s14] =	ssyncadd.s32 $0xFFFFD880  }
0x15: {  	[bflag:$0x0] =	sbarrier.arrive $0xFFFF  }
0x16: {  	[tilespmem:s15], [sflag:$0x4] =	stream.linear.gather [hbm4b:s9+s3], $0x400, $0x38;
	[tilespmem:$0x1CC00] =	vst v63  }
0x17: {  	_ =	swait.ge [sflag:s14], $0x400  }
0x18: {  	[sflag:s14] =	ssyncset.done $0x0  }
0x19: {  	[sflag:s14] =	ssyncadd.s32 $0xFFFFFC00  }
0x1a: {  	[tilespmem:s16], [sflag:$0x4] =	stream.linear.gather [hbm4b:s10+s3], $0x400, $0x38;
	[tilespmem:$0x1CC00] =	vst v63  }
0x1b: {  	_ =	swait.ge [sflag:s14], $0x400  }
0x1c: {  	s26 =	smin.u32 s19, $0x9;
	[sflag:s14] =	ssyncset.done $0x0;
	s25 =	rddreg [dreg:$0x3]  }
0x1d: {  	s24 =	sand.u32 $0x400, s3;
	[sflag:s14] =	ssyncadd.s32 $0xFFFFFC00;
	s25 =	sadd.s32 s25, s26  }
0x1e: {  	[tilespmem:s18], [sflag:$0x1] =	stream.indirect.gather [hbm4b:s4+s17], $0x80, s15, s17, $0xb8;
	[tilespmem:$0x1CC00] =	vst v63  }
0x1f: {  	s0 =	sxor.u32 $0x400, s24;
	s28 =	sshll.u32 s25, $0x7  }
0x20: {  	s25 =	sadd.s32 $0x13C00, s0;
	s29 =	sadd.s32 s5, s28  }
0x21: {  	[tilespmem:s25], [sflag:$0x3] =	stream.linear.gather [hbm4b:s29+s3], $0x400, $0x38;
	[tilespmem:$0x1CC00] =	vst v63  }
0x22: {  	s26 =	sadd.s32 $0x14400, s0;
	s28 =	sadd.s32 s6, s28  }
0x23: {  	[tilespmem:s26], [sflag:$0x3] =	stream.linear.gather [hbm4b:s28+s3], $0x400, $0x38;
	[tilespmem:$0x1CC00] =	vst v63  }
0x24: {  	_ =	swait.ge [sflag:s19], $0x3E80  }
0x25: {  	[sflag:s19] =	ssyncset.done $0x0  }
0x26: {  	s28 =	sadd.s32 $0x13C80, s24;
	[sflag:s19] =	ssyncadd.s32 $0xFFFFC180  }
0x27: {  	[tilespmem:s20], [sflag:$0x2] =	stream.indirect.gather [hbm4b:s4+s17], $0x80, s28, s17, $0xb8;
	[tilespmem:$0x1CC00] =	vst v63  }
0x28: {  	s29 =	sadd.s32 $0x14400, s24  }
0x29: {  	[spmem:s2] =	stream.indirect.scatter.add.f32 [tilespmem:s18], [sflag:$0x4], $0x80, s29, s17, $0xb8;
	[tilespmem:$0x1CC00] =	vst v63  }
0x2a: {  	_ =	swait.ge [sflag:s14], $0x3E80  }
0x2b: {  	[sflag:s14] =	ssyncset.done $0x0  }
0x2c: {  	[sflag:s14] =	ssyncadd.s32 $0xFFFFC180  }
0x2d: {  	_ =	swait.ge [sflag:s21], $0x3E80  }
0x2e: {  	[sflag:s21] =	ssyncset.done $0x0  }
0x2f: {  	s30 =	sadd.s32 $0x13D00, s24;
	[sflag:s21] =	ssyncadd.s32 $0xFFFFC180  }
0x30: {  	[tilespmem:s18], [sflag:$0x1] =	stream.indirect.gather [hbm4b:s4+s17], $0x80, s30, s17, $0xb8;
	[tilespmem:$0x1CC00] =	vst v63  }
0x31: {  	s31 =	sadd.s32 $0x14480, s24  }
0x32: {  	[spmem:s2] =	stream.indirect.scatter.add.f32 [tilespmem:s20], [sflag:$0x4], $0x80, s31, s17, $0xb8;
	[tilespmem:$0x1CC00] =	vst v63  }
0x33: {  	_ =	swait.ge [sflag:s14], $0x3E80  }
0x34: {  	[sflag:s14] =	ssyncset.done $0x0  }
0x35: {  	[sflag:s14] =	ssyncadd.s32 $0xFFFFC180  }
0x36: {  	_ =	swait.ge [sflag:s19], $0x3E80  }
0x37: {  	[sflag:s19] =	ssyncset.done $0x0  }
0x38: {  	s0 =	sadd.s32 $0x13D80, s24;
	[sflag:s19] =	ssyncadd.s32 $0xFFFFC180  }
0x39: {  	[tilespmem:s20], [sflag:$0x2] =	stream.indirect.gather [hbm4b:s4+s17], $0x80, s0, s17, $0xb8;
	[tilespmem:$0x1CC00] =	vst v63  }
0x3a: {  	s28 =	sadd.s32 $0x14500, s24  }
0x3b: {  	[spmem:s2] =	stream.indirect.scatter.add.f32 [tilespmem:s18], [sflag:$0x4], $0x80, s28, s17, $0xb8;
	[tilespmem:$0x1CC00] =	vst v63  }
0x3c: {  	_ =	swait.ge [sflag:s14], $0x3E80  }
0x3d: {  	[sflag:s14] =	ssyncset.done $0x0  }
0x3e: {  	[sflag:s14] =	ssyncadd.s32 $0xFFFFC180  }
0x3f: {  	_ =	swait.ge [sflag:s21], $0x3E80  }
0x40: {  	[sflag:s21] =	ssyncset.done $0x0  }
0x41: {  	s29 =	sadd.s32 $0x13E00, s24;
	[sflag:s21] =	ssyncadd.s32 $0xFFFFC180  }
0x42: {  	[tilespmem:s18], [sflag:$0x1] =	stream.indirect.gather [hbm4b:s4+s17], $0x80, s29, s17, $0xb8;
	[tilespmem:$0x1CC00] =	vst v63  }
0x43: {  	s30 =	sadd.s32 $0x14580, s24  }
0x44: {  	[spmem:s2] =	stream.indirect.scatter.add.f32 [tilespmem:s20], [sflag:$0x4], $0x80, s30, s17, $0xb8;
	[tilespmem:$0x1CC00] =	vst v63  }
0x45: {  	_ =	swait.ge [sflag:s14], $0x3E80  }
0x46: {  	[sflag:s14] =	ssyncset.done $0x0  }
0x47: {  	[sflag:s14] =	ssyncadd.s32 $0xFFFFC180  }
0x48: {  	_ =	swait.ge [sflag:s19], $0x3E80  }
0x49: {  	[sflag:s19] =	ssyncset.done $0x0  }
0x4a: {  	s31 =	sadd.s32 $0x13E80, s24;
	[sflag:s19] =	ssyncadd.s32 $0xFFFFC180  }
0x4b: {  	[tilespmem:s20], [sflag:$0x2] =	stream.indirect.gather [hbm4b:s4+s17], $0x80, s31, s17, $0xb8;
	[tilespmem:$0x1CC00] =	vst v63  }
0x4c: {  	s0 =	sadd.s32 $0x14600, s24  }
0x4d: {  	[spmem:s2] =	stream.indirect.scatter.add.f32 [tilespmem:s18], [sflag:$0x4], $0x80, s0, s17, $0xb8;
	[tilespmem:$0x1CC00] =	vst v63  }
0x4e: {  	_ =	swait.ge [sflag:s14], $0x3E80  }
0x4f: {  	[sflag:s14] =	ssyncset.done $0x0  }
0x50: {  	[sflag:s14] =	ssyncadd.s32 $0xFFFFC180  }
0x51: {  	_ =	swait.ge [sflag:s21], $0x3E80  }
0x52: {  	[sflag:s21] =	ssyncset.done $0x0  }
0x53: {  	s28 =	sadd.s32 $0x13F00, s24;
	[sflag:s21] =	ssyncadd.s32 $0xFFFFC180  }
0x54: {  	[tilespmem:s18], [sflag:$0x1] =	stream.indirect.gather [hbm4b:s4+s17], $0x80, s28, s17, $0xb8;
	[tilespmem:$0x1CC00] =	vst v63  }
0x55: {  	s29 =	sadd.s32 $0x14680, s24  }
0x56: {  	[spmem:s2] =	stream.indirect.scatter.add.f32 [tilespmem:s20], [sflag:$0x4], $0x80, s29, s17, $0xb8;
	[tilespmem:$0x1CC00] =	vst v63  }
0x57: {  	_ =	swait.ge [sflag:s14], $0x3E80  }
0x58: {  	[sflag:s14] =	ssyncset.done $0x0  }
0x59: {  	[sflag:s14] =	ssyncadd.s32 $0xFFFFC180  }
0x5a: {  	_ =	swait.ge [sflag:s19], $0x3E80  }
0x5b: {  	[sflag:s19] =	ssyncset.done $0x0  }
0x5c: {  	s30 =	sadd.s32 $0x13F80, s24;
	[sflag:s19] =	ssyncadd.s32 $0xFFFFC180  }
0x5d: {  	[tilespmem:s20], [sflag:$0x2] =	stream.indirect.gather [hbm4b:s4+s17], $0x80, s30, s17, $0xb8;
	[tilespmem:$0x1CC00] =	vst v63  }
0x5e: {  	s31 =	sadd.s32 $0x14700, s24  }
0x5f: {  	[spmem:s2] =	stream.indirect.scatter.add.f32 [tilespmem:s18], [sflag:$0x4], $0x80, s31, s17, $0xb8;
	[tilespmem:$0x1CC00] =	vst v63  }
0x60: {  	_ =	swait.ge [sflag:s14], $0x3E80  }
0x61: {  	[sflag:s14] =	ssyncset.done $0x0  }
0x62: {  	[sflag:s14] =	ssyncadd.s32 $0xFFFFC180  }
0x63: {  	_ =	swait.ge [sflag:s21], $0x3E80  }
0x64: {  	[sflag:s21] =	ssyncset.done $0x0  }
0x65: {  	[sflag:s21] =	ssyncadd.s32 $0xFFFFC180  }
0x66: {  	_ =	swait.ge [sflag:s22], $0x400  }
0x67: {  	[sflag:s22] =	ssyncset.done $0x0  }
0x68: {  	[sflag:s22] =	ssyncadd.s32 $0xFFFFFC00  }
0x69: {  	_ =	swait.ge [sflag:s22], $0x400  }
0x6a: {  	[sflag:s22] =	ssyncset.done $0x0  }
0x6b: {  	[sflag:s22] =	ssyncadd.s32 $0xFFFFFC00  }
0x6c: {  	[tilespmem:s18], [sflag:$0x1] =	stream.indirect.gather [hbm4b:s4+s17], $0x80, s25, s17, $0xb8;
	[tilespmem:$0x1CC00] =	vst v63  }
0x6d: {  	s24 =	sadd.s32 $0x14780, s24  }
0x6e: {  	[spmem:s2] =	stream.indirect.scatter.add.f32 [tilespmem:s20], [sflag:$0x4], $0x80, s24, s17, $0xb8;
	[tilespmem:$0x1CC00] =	vst v63  }
0x6f: {  	s26 =	simm.s32 $0x3;
	_ =	swait.ge [sflag:s14], $0x3E80  }
0x70: {  	s25 =	simm.s32 $0x0;
	s24 =	simm.s32 $0x2;
	[sflag:s14] =	ssyncset.done $0x0  }
.LBB2_2:
0x71: {  	s29 =	rddreg [dreg:$0x3]  }
0x72: {  	s25 =	sadd.s32 $0x400, s25;
	s28 =	smov.u32 s26;
	s30 =	smin.u32 s24, $0x9  }
0x73: {  	s24 =	smov.u32 s28;
	s28 =	sand.u32 $0x400, s25;
	s29 =	sadd.s32 s29, s30  }
0x74: {  	s30 =	sxor.u32 $0x400, s28;
	s31 =	sshll.u32 s29, $0x7  }
0x75: {  	[sflag:s14] =	ssyncadd.s32 $0xFFFFC180;
	s29 =	sadd.s32 $0x13C00, s30;
	s0 =	sadd.s32 s5, s31  }
0x76: {  	[tilespmem:s29], [sflag:$0x3] =	stream.linear.gather [hbm4b:s0+s3], $0x400, $0x38;
	[tilespmem:$0x1CC00] =	vst v63  }
0x77: {  	s31 =	sadd.s32 s6, s31;
	s0 =	sadd.s32 $0x14400, s30  }
0x78: {  	[tilespmem:s0], [sflag:$0x3] =	stream.linear.gather [hbm4b:s31+s3], $0x400, $0x38;
	[tilespmem:$0x1CC00] =	vst v63  }
0x79: {  	_ =	swait.ge [sflag:s19], $0x3E80  }
0x7a: {  	[sflag:s19] =	ssyncset.done $0x0  }
0x7b: {  	s31 =	sadd.s32 $0x13C80, s28;
	[sflag:s19] =	ssyncadd.s32 $0xFFFFC180  }
0x7c: {  	[tilespmem:s20], [sflag:$0x2] =	stream.indirect.gather [hbm4b:s4+s17], $0x80, s31, s17, $0xb8;
	[tilespmem:$0x1CC00] =	vst v63  }
0x7d: {  	s30 =	sadd.s32 $0x14400, s28  }
0x7e: {  	[spmem:s2] =	stream.indirect.scatter.add.f32 [tilespmem:s18], [sflag:$0x4], $0x80, s30, s17, $0xb8;
	[tilespmem:$0x1CC00] =	vst v63  }
0x7f: {  	_ =	swait.ge [sflag:s14], $0x3E80  }
0x80: {  	[sflag:s14] =	ssyncset.done $0x0  }
0x81: {  	[sflag:s14] =	ssyncadd.s32 $0xFFFFC180  }
0x82: {  	_ =	swait.ge [sflag:s21], $0x3E80  }
0x83: {  	[sflag:s21] =	ssyncset.done $0x0  }
0x84: {  	s31 =	sadd.s32 $0x13D00, s28;
	[sflag:s21] =	ssyncadd.s32 $0xFFFFC180  }
0x85: {  	[tilespmem:s18], [sflag:$0x1] =	stream.indirect.gather [hbm4b:s4+s17], $0x80, s31, s17, $0xb8;
	[tilespmem:$0x1CC00] =	vst v63  }
0x86: {  	s30 =	sadd.s32 $0x14480, s28  }
0x87: {  	[spmem:s2] =	stream.indirect.scatter.add.f32 [tilespmem:s20], [sflag:$0x4], $0x80, s30, s17, $0xb8;
	[tilespmem:$0x1CC00] =	vst v63  }
0x88: {  	_ =	swait.ge [sflag:s14], $0x3E80  }
0x89: {  	[sflag:s14] =	ssyncset.done $0x0  }
0x8a: {  	[sflag:s14] =	ssyncadd.s32 $0xFFFFC180  }
0x8b: {  	_ =	swait.ge [sflag:s19], $0x3E80  }
0x8c: {  	[sflag:s19] =	ssyncset.done $0x0  }
0x8d: {  	s31 =	sadd.s32 $0x13D80, s28;
	[sflag:s19] =	ssyncadd.s32 $0xFFFFC180  }
0x8e: {  	[tilespmem:s20], [sflag:$0x2] =	stream.indirect.gather [hbm4b:s4+s17], $0x80, s31, s17, $0xb8;
	[tilespmem:$0x1CC00] =	vst v63  }
0x8f: {  	s30 =	sadd.s32 $0x14500, s28  }
0x90: {  	[spmem:s2] =	stream.indirect.scatter.add.f32 [tilespmem:s18], [sflag:$0x4], $0x80, s30, s17, $0xb8;
	[tilespmem:$0x1CC00] =	vst v63  }
0x91: {  	_ =	swait.ge [sflag:s14], $0x3E80  }
0x92: {  	[sflag:s14] =	ssyncset.done $0x0  }
0x93: {  	[sflag:s14] =	ssyncadd.s32 $0xFFFFC180  }
0x94: {  	_ =	swait.ge [sflag:s21], $0x3E80  }
0x95: {  	[sflag:s21] =	ssyncset.done $0x0  }
0x96: {  	s31 =	sadd.s32 $0x13E00, s28;
	[sflag:s21] =	ssyncadd.s32 $0xFFFFC180  }
0x97: {  	[tilespmem:s18], [sflag:$0x1] =	stream.indirect.gather [hbm4b:s4+s17], $0x80, s31, s17, $0xb8;
	[tilespmem:$0x1CC00] =	vst v63  }
0x98: {  	s30 =	sadd.s32 $0x14580, s28  }
0x99: {  	[spmem:s2] =	stream.indirect.scatter.add.f32 [tilespmem:s20], [sflag:$0x4], $0x80, s30, s17, $0xb8;
	[tilespmem:$0x1CC00] =	vst v63  }
0x9a: {  	_ =	swait.ge [sflag:s14], $0x3E80  }
0x9b: {  	[sflag:s14] =	ssyncset.done $0x0  }
0x9c: {  	[sflag:s14] =	ssyncadd.s32 $0xFFFFC180  }
0x9d: {  	_ =	swait.ge [sflag:s19], $0x3E80  }
0x9e: {  	[sflag:s19] =	ssyncset.done $0x0  }
0x9f: {  	s31 =	sadd.s32 $0x13E80, s28;
	[sflag:s19] =	ssyncadd.s32 $0xFFFFC180  }
0xa0: {  	[tilespmem:s20], [sflag:$0x2] =	stream.indirect.gather [hbm4b:s4+s17], $0x80, s31, s17, $0xb8;
	[tilespmem:$0x1CC00] =	vst v63  }
0xa1: {  	s30 =	sadd.s32 $0x14600, s28  }
0xa2: {  	[spmem:s2] =	stream.indirect.scatter.add.f32 [tilespmem:s18], [sflag:$0x4], $0x80, s30, s17, $0xb8;
	[tilespmem:$0x1CC00] =	vst v63  }
0xa3: {  	_ =	swait.ge [sflag:s14], $0x3E80  }
0xa4: {  	[sflag:s14] =	ssyncset.done $0x0  }
0xa5: {  	[sflag:s14] =	ssyncadd.s32 $0xFFFFC180  }
0xa6: {  	_ =	swait.ge [sflag:s21], $0x3E80  }
0xa7: {  	[sflag:s21] =	ssyncset.done $0x0  }
0xa8: {  	s31 =	sadd.s32 $0x13F00, s28;
	[sflag:s21] =	ssyncadd.s32 $0xFFFFC180  }
0xa9: {  	[tilespmem:s18], [sflag:$0x1] =	stream.indirect.gather [hbm4b:s4+s17], $0x80, s31, s17, $0xb8;
	[tilespmem:$0x1CC00] =	vst v63  }
0xaa: {  	s30 =	sadd.s32 $0x14680, s28  }
0xab: {  	[spmem:s2] =	stream.indirect.scatter.add.f32 [tilespmem:s20], [sflag:$0x4], $0x80, s30, s17, $0xb8;
	[tilespmem:$0x1CC00] =	vst v63  }
0xac: {  	_ =	swait.ge [sflag:s14], $0x3E80  }
0xad: {  	[sflag:s14] =	ssyncset.done $0x0  }
0xae: {  	[sflag:s14] =	ssyncadd.s32 $0xFFFFC180  }
0xaf: {  	_ =	swait.ge [sflag:s19], $0x3E80  }
0xb0: {  	[sflag:s19] =	ssyncset.done $0x0  }
0xb1: {  	s31 =	sadd.s32 $0x13F80, s28;
	[sflag:s19] =	ssyncadd.s32 $0xFFFFC180  }
0xb2: {  	[tilespmem:s20], [sflag:$0x2] =	stream.indirect.gather [hbm4b:s4+s17], $0x80, s31, s17, $0xb8;
	[tilespmem:$0x1CC00] =	vst v63  }
0xb3: {  	s30 =	sadd.s32 $0x14700, s28  }
0xb4: {  	[spmem:s2] =	stream.indirect.scatter.add.f32 [tilespmem:s18], [sflag:$0x4], $0x80, s30, s17, $0xb8;
	[tilespmem:$0x1CC00] =	vst v63  }
0xb5: {  	_ =	swait.ge [sflag:s14], $0x3E80  }
0xb6: {  	[sflag:s14] =	ssyncset.done $0x0  }
0xb7: {  	[sflag:s14] =	ssyncadd.s32 $0xFFFFC180  }
0xb8: {  	_ =	swait.ge [sflag:s21], $0x3E80  }
0xb9: {  	[sflag:s21] =	ssyncset.done $0x0  }
0xba: {  	[sflag:s21] =	ssyncadd.s32 $0xFFFFC180  }
0xbb: {  	_ =	swait.ge [sflag:s22], $0x400  }
0xbc: {  	[sflag:s22] =	ssyncset.done $0x0  }
0xbd: {  	[sflag:s22] =	ssyncadd.s32 $0xFFFFFC00  }
0xbe: {  	_ =	swait.ge [sflag:s22], $0x400  }
0xbf: {  	[sflag:s22] =	ssyncset.done $0x0  }
0xc0: {  	p0 =	sne.s32 s26, $0xA;
	[sflag:s22] =	ssyncadd.s32 $0xFFFFFC00  }
0xc1: {  	[tilespmem:s18], [sflag:$0x1] =	stream.indirect.gather [hbm4b:s4+s17], $0x80, s29, s17, $0xb8;
	[tilespmem:$0x1CC00] =	vst v63  }
.Ltmp0:
0xc2: {  	_ = 	snop;
	(pc) =	sbr.rel @p0 .LBB2_2-.Ltmp0, $4  }
0xc3: {  	s31 =	sadd.s32 $0x14780, s28  }
0xc4: {  	[spmem:s2] =	stream.indirect.scatter.add.f32 [tilespmem:s20], [sflag:$0x4], $0x80, s31, s17, $0xb8;
	[tilespmem:$0x1CC00] =	vst v63  }
0xc5: {  	_ =	swait.ge [sflag:s14], $0x3E80  }
0xc6: {  	s26 =	sadd.s32 $0x1, s26;
	[sflag:s14] =	ssyncset.done $0x0  }
0xc7: {  	s0 =	rddreg [dreg:$0x3];
	s25 =	sadd.s32 $0x400, s25;
	s26 =	smin.u32 s24, $0x9  }
0xc8: {  	s24 =	sand.u32 $0x400, s25;
	s0 =	sadd.s32 s0, s26  }
0xc9: {  	s31 =	sxor.u32 $0x400, s24;
	s0 =	sshll.u32 s0, $0x7  }
0xca: {  	[sflag:s14] =	ssyncadd.s32 $0xFFFFC180;
	s25 =	sadd.s32 $0x13C00, s31;
	s28 =	sadd.s32 s5, s0  }
0xcb: {  	[tilespmem:s25], [sflag:$0x3] =	stream.linear.gather [hbm4b:s28+s3], $0x400, $0x38;
	[tilespmem:$0x1CC00] =	vst v63  }
0xcc: {  	s26 =	sadd.s32 $0x14400, s31;
	s0 =	sadd.s32 s6, s0  }
0xcd: {  	[tilespmem:s26], [sflag:$0x3] =	stream.linear.gather [hbm4b:s0+s3], $0x400, $0x38;
	[tilespmem:$0x1CC00] =	vst v63  }
0xce: {  	_ =	swait.ge [sflag:s19], $0x3E80  }
0xcf: {  	[sflag:s19] =	ssyncset.done $0x0  }
0xd0: {  	s26 =	sadd.s32 $0x13C80, s24;
	[sflag:s19] =	ssyncadd.s32 $0xFFFFC180  }
0xd1: {  	[tilespmem:s20], [sflag:$0x2] =	stream.indirect.gather [hbm4b:s4+s17], $0x80, s26, s17, $0xb8;
	[tilespmem:$0x1CC00] =	vst v63  }
0xd2: {  	s28 =	sadd.s32 $0x14400, s24  }
0xd3: {  	[spmem:s2] =	stream.indirect.scatter.add.f32 [tilespmem:s18], [sflag:$0x4], $0x80, s28, s17, $0xb8;
	[tilespmem:$0x1CC00] =	vst v63  }
0xd4: {  	_ =	swait.ge [sflag:s14], $0x3E80  }
0xd5: {  	[sflag:s14] =	ssyncset.done $0x0  }
0xd6: {  	[sflag:s14] =	ssyncadd.s32 $0xFFFFC180  }
0xd7: {  	_ =	swait.ge [sflag:s21], $0x3E80  }
0xd8: {  	[sflag:s21] =	ssyncset.done $0x0  }
0xd9: {  	s29 =	sadd.s32 $0x13D00, s24;
	[sflag:s21] =	ssyncadd.s32 $0xFFFFC180  }
0xda: {  	[tilespmem:s18], [sflag:$0x1] =	stream.indirect.gather [hbm4b:s4+s17], $0x80, s29, s17, $0xb8;
	[tilespmem:$0x1CC00] =	vst v63  }
0xdb: {  	s30 =	sadd.s32 $0x14480, s24  }
0xdc: {  	[spmem:s2] =	stream.indirect.scatter.add.f32 [tilespmem:s20], [sflag:$0x4], $0x80, s30, s17, $0xb8;
	[tilespmem:$0x1CC00] =	vst v63  }
0xdd: {  	_ =	swait.ge [sflag:s14], $0x3E80  }
0xde: {  	[sflag:s14] =	ssyncset.done $0x0  }
0xdf: {  	[sflag:s14] =	ssyncadd.s32 $0xFFFFC180  }
0xe0: {  	_ =	swait.ge [sflag:s19], $0x3E80  }
0xe1: {  	[sflag:s19] =	ssyncset.done $0x0  }
0xe2: {  	s31 =	sadd.s32 $0x13D80, s24;
	[sflag:s19] =	ssyncadd.s32 $0xFFFFC180  }
0xe3: {  	[tilespmem:s20], [sflag:$0x2] =	stream.indirect.gather [hbm4b:s4+s17], $0x80, s31, s17, $0xb8;
	[tilespmem:$0x1CC00] =	vst v63  }
0xe4: {  	s26 =	sadd.s32 $0x14500, s24  }
0xe5: {  	[spmem:s2] =	stream.indirect.scatter.add.f32 [tilespmem:s18], [sflag:$0x4], $0x80, s26, s17, $0xb8;
	[tilespmem:$0x1CC00] =	vst v63  }
0xe6: {  	_ =	swait.ge [sflag:s14], $0x3E80  }
0xe7: {  	[sflag:s14] =	ssyncset.done $0x0  }
0xe8: {  	[sflag:s14] =	ssyncadd.s32 $0xFFFFC180  }
0xe9: {  	_ =	swait.ge [sflag:s21], $0x3E80  }
0xea: {  	[sflag:s21] =	ssyncset.done $0x0  }
0xeb: {  	s28 =	sadd.s32 $0x13E00, s24;
	[sflag:s21] =	ssyncadd.s32 $0xFFFFC180  }
0xec: {  	[tilespmem:s18], [sflag:$0x1] =	stream.indirect.gather [hbm4b:s4+s17], $0x80, s28, s17, $0xb8;
	[tilespmem:$0x1CC00] =	vst v63  }
0xed: {  	s29 =	sadd.s32 $0x14580, s24  }
0xee: {  	[spmem:s2] =	stream.indirect.scatter.add.f32 [tilespmem:s20], [sflag:$0x4], $0x80, s29, s17, $0xb8;
	[tilespmem:$0x1CC00] =	vst v63  }
0xef: {  	_ =	swait.ge [sflag:s14], $0x3E80  }
0xf0: {  	[sflag:s14] =	ssyncset.done $0x0  }
0xf1: {  	[sflag:s14] =	ssyncadd.s32 $0xFFFFC180  }
0xf2: {  	_ =	swait.ge [sflag:s19], $0x3E80  }
0xf3: {  	[sflag:s19] =	ssyncset.done $0x0  }
0xf4: {  	s30 =	sadd.s32 $0x13E80, s24;
	[sflag:s19] =	ssyncadd.s32 $0xFFFFC180  }
0xf5: {  	[tilespmem:s20], [sflag:$0x2] =	stream.indirect.gather [hbm4b:s4+s17], $0x80, s30, s17, $0xb8;
	[tilespmem:$0x1CC00] =	vst v63  }
0xf6: {  	s31 =	sadd.s32 $0x14600, s24  }
0xf7: {  	[spmem:s2] =	stream.indirect.scatter.add.f32 [tilespmem:s18], [sflag:$0x4], $0x80, s31, s17, $0xb8;
	[tilespmem:$0x1CC00] =	vst v63  }
0xf8: {  	_ =	swait.ge [sflag:s14], $0x3E80  }
0xf9: {  	[sflag:s14] =	ssyncset.done $0x0  }
0xfa: {  	[sflag:s14] =	ssyncadd.s32 $0xFFFFC180  }
0xfb: {  	_ =	swait.ge [sflag:s21], $0x3E80  }
0xfc: {  	[sflag:s21] =	ssyncset.done $0x0  }
0xfd: {  	s26 =	sadd.s32 $0x13F00, s24;
	[sflag:s21] =	ssyncadd.s32 $0xFFFFC180  }
0xfe: {  	[tilespmem:s18], [sflag:$0x1] =	stream.indirect.gather [hbm4b:s4+s17], $0x80, s26, s17, $0xb8;
	[tilespmem:$0x1CC00] =	vst v63  }
0xff: {  	s28 =	sadd.s32 $0x14680, s24  }
0x100: {  	[spmem:s2] =	stream.indirect.scatter.add.f32 [tilespmem:s20], [sflag:$0x4], $0x80, s28, s17, $0xb8;
	[tilespmem:$0x1CC00] =	vst v63  }
0x101: {  	_ =	swait.ge [sflag:s14], $0x3E80  }
0x102: {  	[sflag:s14] =	ssyncset.done $0x0  }
0x103: {  	[sflag:s14] =	ssyncadd.s32 $0xFFFFC180  }
0x104: {  	_ =	swait.ge [sflag:s19], $0x3E80  }
0x105: {  	[sflag:s19] =	ssyncset.done $0x0  }
0x106: {  	s29 =	sadd.s32 $0x13F80, s24;
	[sflag:s19] =	ssyncadd.s32 $0xFFFFC180  }
0x107: {  	[tilespmem:s20], [sflag:$0x2] =	stream.indirect.gather [hbm4b:s4+s17], $0x80, s29, s17, $0xb8;
	[tilespmem:$0x1CC00] =	vst v63  }
0x108: {  	s30 =	sadd.s32 $0x14700, s24  }
0x109: {  	[spmem:s2] =	stream.indirect.scatter.add.f32 [tilespmem:s18], [sflag:$0x4], $0x80, s30, s17, $0xb8;
	[tilespmem:$0x1CC00] =	vst v63  }
0x10a: {  	_ =	swait.ge [sflag:s14], $0x3E80  }
0x10b: {  	[sflag:s14] =	ssyncset.done $0x0  }
0x10c: {  	[sflag:s14] =	ssyncadd.s32 $0xFFFFC180  }
0x10d: {  	_ =	swait.ge [sflag:s21], $0x3E80  }
0x10e: {  	[sflag:s21] =	ssyncset.done $0x0  }
0x10f: {  	[sflag:s21] =	ssyncadd.s32 $0xFFFFC180  }
0x110: {  	_ =	swait.ge [sflag:s22], $0x400  }
0x111: {  	[sflag:s22] =	ssyncset.done $0x0  }
0x112: {  	[sflag:s22] =	ssyncadd.s32 $0xFFFFFC00  }
0x113: {  	_ =	swait.ge [sflag:s22], $0x400  }
0x114: {  	[sflag:s22] =	ssyncset.done $0x0  }
0x115: {  	[sflag:s22] =	ssyncadd.s32 $0xFFFFFC00  }
0x116: {  	[tilespmem:s18], [sflag:$0x1] =	stream.indirect.gather [hbm4b:s4+s17], $0x80, s25, s17, $0xb8;
	[tilespmem:$0x1CC00] =	vst v63  }
0x117: {  	s31 =	sadd.s32 $0x14780, s24  }
0x118: {  	[spmem:s2] =	stream.indirect.scatter.add.f32 [tilespmem:s20], [sflag:$0x4], $0x80, s31, s17, $0xb8;
	[tilespmem:$0x1CC00] =	vst v63  }
0x119: {  	_ =	swait.ge [sflag:s14], $0x3E80  }
0x11a: {  	[sflag:s14] =	ssyncset.done $0x0  }
0x11b: {  	[sflag:s14] =	ssyncadd.s32 $0xFFFFC180  }
0x11c: {  	_ =	swait.ge [sflag:s19], $0x3E80  }
0x11d: {  	s23 =	sadd.s32 $0x1, s23;
	[sflag:s19] =	ssyncset.done $0x0  }
0x11e: {  	p0 =	sne.s32 s23, s12;
	[sflag:s19] =	ssyncadd.s32 $0xFFFFC180  }
.Ltmp1:
0x11f: {  	[bflag:$0x0] =	sbarrier.arrive $0xFFFF;
	(pc) =	sbr.rel @p0 .LBB2_1-.Ltmp1, $4  }
0x120: {  	[hbm:s11], [sflag:s8] =	dma.local [spmem:s13], $0x2780  }
0x121: {  	_ =	swait.ge [sflag:s14], $0x2780  }
0x122: {  	[sflag:s14] =	ssyncset.done $0x0  }
0x123: {  	[sflag:s14] =	ssyncadd.s32 $0xFFFFD880  }
0x124: {  	_ =	sfence.sel $0x180000  }
0x125: {  	[bflag:$0x0] =	sbarrier.arrive $0xFFFF  }
0x126: {  	_ =	strace $0x9000004A  }
0x127: {  	[bflag:$0x2] =	sbarrier.arrive $0xFFFF  }
0x128: {  	p0 =	sne.s32 s1, $0x0;
	s0 =	rddreg [dreg:$0x2]  }
0x129: {  	s0 =	sadd.s32 @!p0 $0x100000, s0  }
0x12a: {  	[sflag:s0] =	ssyncadd.tile.s32 @!p0 $0x1;
	_ =	shalt  }
.Lfunc_end2:
_tile_overlayer_lowered:
.L_overlay_start_2:
0x12b: {  	(tag) =	ssettag $0x2  }
0x12c: {  	s0 =	rddreg [dreg:$0x0];
	s2 =	stileid.u32  }
0x12d: {  	s1 =	rddreg [dreg:$0x1];
	p0 =	sne.s32 s2, $0x0  }
0x12e: {  	s3 =	rddreg [dreg:$0x2];
	[bflag:$0x3] =	sbarrier.arrive $0xFFFF;
	s2 =	simm.s32 @!p0 $0x1C04  }
0x12f: {  	[timem:s3], [sflag:s2] =	dma.local @!p0 [hbm:s0], s1  }
0x130: {  	s0 =	simm.s32 @!p0 $0x4  }
0x131: {  	_ =	swait.ge @!p0 [sflag:s0], s1  }
0x132: {  	s1 =	ssub.s32 @!p0 $0x0, s1;
	[sflag:s0] =	ssyncset.done @!p0 $0x0  }
0x133: {  	[sflag:s0] =	ssyncadd.s32 @!p0 s1  }
0x134: {  	[bflag:$0x3] =	sbarrier.arrive $0xFFFF  }
0x135: {  	_ =	shalt  }

// kernel: kernel.14.cloned.1.call-start
scs
__scs_entry_jumppad:
0x0: {  	(pc) =	sbr.rel $0x88, $3  }
0x1: {  	(tag) =	ssettag $0x0;
	lr =	simm.s32 $0x1  }
0x2: {  	[smem:$0x3F92] =	sst lr;
	_ =	strace $0xD0000000  }
0x3: {  	_ = 	snop  }
0x4: {  	_ = 	snop  }
0x5: {  	_ = 	snop  }
0x6: {  	_ = 	snop  }
0x7: {  	_ = 	snop  }
__scs_overlays_trampoline_lowered:
0x8: {  	[smem:$0x3FA1] =	sst s0  }
0x9: {  	[smem:$0x3FA2] =	sst s1  }
0xa: {  	[smem:$0x3FA3] =	sst s2  }
0xb: {  	[smem:$0x3FA4] =	sst s3  }
0xc: {  	[smem:$0x3FA5] =	sst s4  }
0xd: {  	[smem:$0x3FA6] =	sst s5  }
0xe: {  	[smem:$0x3FA7] =	sst s6  }
0xf: {  	[smem:$0x3FA8] =	sst s7  }
0x10: {  	[smem:$0x3FA9] =	sst s8  }
0x11: {  	[smem:$0x3FAA] =	sst s9;
	s0 =	simm.s32 @!p0 $0x0  }
0x12: {  	s1 =	sld [smem:$0x3F90];
	s0 =	simm.s32 @p0 $0x1  }
0x13: {  	[smem:$0x3FAB] =	sst s0;
	s0 =	simm.s32 @!p1 $0x0  }
0x14: {  	s2 =	sld [smem:$0x3F8F];
	s0 =	simm.s32 @p1 $0x1  }
0x15: {  	[smem:$0x3FAC] =	sst s0;
	s0 =	simm.s32 @!p2 $0x0  }
0x16: {  	s3 =	sld [smem:$0x3FDB];
	s0 =	simm.s32 @p2 $0x1  }
0x17: {  	s4 =	simm.s32 $0x1BF5;
	[smem:$0x3FAE] =	sst s0  }
0x18: {  	s0 =	sld [smem:$0x3F91];
	_ =	swait.ge [sflag:s4], $0x0  }
0x19: {  	s7 =	sld [smem:$0x3F92]  }
0x1a: {  	s8 =	sadd.s32 $0xFFFFE003, lr  }
0x1b: {  	s9 =	sadd.s32 $0xFFFFFEF7, lr;
	s5 =	simm.s32 $0xFFFFFFFF;
	p2 =	slt.u32 s8, $0xFFFFF086  }
0x1c: {  	p1 =	slt.u32 s9, $0xF7A;
	s5 =	simm.s32 @!p2 $0x0  }
0x1d: {  	s5 =	simm.s32 @p1 $0x1;
	p0 =	seq.s32 s7, s2  }
0x1e: {  	s7 =	smul.u32 @!p0 $0xF7A, s2;
	p2 =	seq.s32 @!p0 s5, $0x0  }
0x1f: {  	s9 =	smul.u32 $0xF7A, s1;
	s8 =	simm.s32 @!p0 $0x1BF5;
	p2 =	por !p2, p0  }
0x20: {  	[sflag:s8] =	ssyncset.s32 @!p0 $0xFFFFF086;
	s6 =	sadd.s32 @!p0 s3, s7;
	s7 =	simm.s32 @!p0 $0x108  }
0x21: {  	s3 =	sadd.s32 s3, s9;
	s6 =	sadd.s32 @!p0 $0x88, s6;
	s7 =	simm.s32 @p2 $0x1082  }
0x22: {  	[simem:s7], [sflag:s8] =	dma.local @!p0 [hbm:s6], $0xF7A  }
0x23: {  	s9 =	sor.u32 $0xD0000000, s2;
	s6 =	simm.s32 $0x108;
	_ =	swait.ge @!p0 [sflag:s8], $0x0  }
0x24: {  	s3 =	sadd.s32 $0x88, s3;
	s6 =	simm.s32 @!p1 $0x1082;
	[sflag:s4] =	ssyncset.s32 $0xFFFFF086  }
0x25: {  	[simem:s6], [sflag:s4] =	dma.local [hbm:s3], $0xF7A  }
0x26: {  	[smem:$0x3F92] =	sst s1;
	(tag) =	ssettag s2;
	_ =	strace s9  }
0x27: {  	s1 =	sld [smem:$0x3FA2]  }
0x28: {  	s2 =	sld [smem:$0x3FA3]  }
0x29: {  	s4 =	sld [smem:$0x3FA5]  }
0x2a: {  	p0 =	seq.s32 s5, $0x0;
	s5 =	sld [smem:$0x3FA6]  }
0x2b: {  	s6 =	sld [smem:$0x3FA7]  }
0x2c: {  	s7 =	sld [smem:$0x3FA8]  }
0x2d: {  	s3 =	simm.s32 $0x108;
	s8 =	sld [smem:$0x3FA9]  }
0x2e: {  	s3 =	simm.s32 @!p0 $0x1082;
	s9 =	sld [smem:$0x3FAA]  }
0x2f: {  	lr =	sadd.s32 s0, s3;
	s0 =	sld [smem:$0x3FA1]  }
0x30: {  	s3 =	sld [smem:$0x3FA4]  }
0x31: {  	[smem:$0x3FAD] =	sst s10  }
0x32: {  	s10 =	sld [smem:$0x3FAB];
	_ =	sdelay $0x3  }
0x33: {  	p0 =	seq.s32 s10, $0x1;
	s10 =	sld [smem:$0x3FAD];
	_ =	sdelay $0x3  }
0x34: {  	[smem:$0x3FAD] =	sst s10  }
0x35: {  	s10 =	sld [smem:$0x3FAC];
	_ =	sdelay $0x3  }
0x36: {  	p1 =	seq.s32 s10, $0x1;
	s10 =	sld [smem:$0x3FAD];
	_ =	sdelay $0x3  }
0x37: {  	[smem:$0x3FAD] =	sst s10  }
0x38: {  	s10 =	sld [smem:$0x3FAE]  }
0x39: {  	_ = 	snop;
	(pc) =	sbr.ind lr, $3  }
0x3a: {  	_ = 	snop  }
0x3b: {  	_ = 	snop  }
0x3c: {  	p2 =	seq.s32 s10, $0x1;
	s10 =	sld [smem:$0x3FAD]  }
0x3d: {  	_ =	shalt  }
0x3e: {  	_ =	shalt  }
0x3f: {  	_ =	shalt  }
0x40: {  	_ =	shalt  }
0x41: {  	_ =	shalt  }
0x42: {  	_ =	shalt  }
0x43: {  	_ =	shalt  }
0x44: {  	_ =	shalt  }
0x45: {  	_ =	shalt  }
0x46: {  	_ =	shalt  }
0x47: {  	_ =	shalt  }
0x48: {  	_ =	shalt  }
0x49: {  	_ =	shalt  }
0x4a: {  	_ =	shalt  }
0x4b: {  	_ =	shalt  }
0x4c: {  	_ =	shalt  }
0x4d: {  	_ =	shalt  }
0x4e: {  	_ =	shalt  }
0x4f: {  	_ =	shalt  }
0x50: {  	_ =	shalt  }
0x51: {  	_ =	shalt  }
0x52: {  	_ =	shalt  }
0x53: {  	_ =	shalt  }
0x54: {  	_ =	shalt  }
0x55: {  	_ =	shalt  }
0x56: {  	_ =	shalt  }
0x57: {  	_ =	shalt  }
0x58: {  	_ =	shalt  }
0x59: {  	_ =	shalt  }
0x5a: {  	_ =	shalt  }
0x5b: {  	_ =	shalt  }
0x5c: {  	_ =	shalt  }
0x5d: {  	_ =	shalt  }
0x5e: {  	_ =	shalt  }
0x5f: {  	_ =	shalt  }
0x60: {  	_ =	shalt  }
0x61: {  	_ =	shalt  }
0x62: {  	_ =	shalt  }
0x63: {  	_ =	shalt  }
0x64: {  	_ =	shalt  }
0x65: {  	_ =	shalt  }
0x66: {  	_ =	shalt  }
0x67: {  	_ =	shalt  }
0x68: {  	_ =	shalt  }
0x69: {  	_ =	shalt  }
0x6a: {  	_ =	shalt  }
0x6b: {  	_ =	shalt  }
0x6c: {  	_ =	shalt  }
0x6d: {  	_ =	shalt  }
0x6e: {  	_ =	shalt  }
0x6f: {  	_ =	shalt  }
0x70: {  	_ =	shalt  }
0x71: {  	_ =	shalt  }
0x72: {  	_ =	shalt  }
0x73: {  	_ =	shalt  }
0x74: {  	_ =	shalt  }
0x75: {  	_ =	shalt  }
0x76: {  	_ =	shalt  }
0x77: {  	_ =	shalt  }
0x78: {  	_ =	shalt  }
0x79: {  	_ =	shalt  }
0x7a: {  	_ =	shalt  }
0x7b: {  	_ =	shalt  }
0x7c: {  	_ =	shalt  }
0x7d: {  	_ =	shalt  }
0x7e: {  	_ =	shalt  }
0x7f: {  	_ =	shalt  }
0x80: {  	_ =	shalt  }
0x81: {  	_ =	shalt  }
0x82: {  	_ =	shalt  }
0x83: {  	_ =	shalt  }
0x84: {  	_ =	shalt  }
0x85: {  	_ =	shalt  }
0x86: {  	_ =	shalt  }
0x87: {  	_ =	shalt  }
.Lfunc_end0:
.L_simem_size_0:
called_computation.2_lowered:
.L_overlay_start_0:
0x88: {  	s2 =	sld [smem:$0x3FD9]  }
0x89: {  	s3 =	sld [smem:$0x3FFE];
	_ =	sdelay $0x1  }
0x8a: {  	s1 =	srdreg.scid  }
0x8b: {  	s0 =	sand.u32 $0x1, s1  }
0x8c: {  	s17 =	sshll.u32 s0, $0xA;
	s2 =	sadd.s32 s3, s2  }
0x8d: {  	s2 =	sadd.s32 s2, s17  }
0x8e: {  	[smem:$0x3FB9] =	sst s2  }
0x8f: {  	_ = 	snop  }
0x90: {  	s2 =	sld [smem:$0x3FC7]  }
0x91: {  	s18 =	sld [smem:$0x3FD0];
	(tm) =	ssettm $0x1  }
0x92: {  	s4 =	sld [smem:$0x3FFB];
	_ =	sdelay $0x3  }
0x93: {  	_ =	strace s4  }
0x94: {  	s4 =	sld [smem:$0x3FFC];
	_ =	sdelay $0x3  }
0x95: {  	_ =	strace s4  }
0x96: {  	s4 =	sld [smem:$0x3FFD];
	_ =	sdelay $0x3  }
0x97: {  	_ =	strace s4  }
0x98: {  	_ =	strace $0x8FFFFFFF  }
0x99: {  	s19 =	sld [smem:$0x3FDB];
	_ =	sdelay $0x1  }
0x9a: {  	s5 =	simm.s32 $_scs_section_size  }
0x9b: {  	s6 =	simm.s32 $_size__tile_overlayer_lowered;
	s7 =	simm.s32 $_tile_overlayer_lowered  }
0x9c: {  	s22 =	simm.s32 $0x1BFF;
	s21 =	sshll.u32 s7, $0x1;
	s4 =	sadd.s32 s5, s19  }
0x9d: {  	s8 =	simm.s32 $0x0;
	s20 =	sshll.u32 s6, $0x1;
	s6 =	sadd.s32 s21, s4  }
0x9e: {  	[timem:s8], [sflag:s22] =	dma.local [hbm:s6], s20  }
0x9f: {  	_ =	swait.ge [sflag:s22], s20  }
0xa0: {  	s5 =	ssub.s32 $0x0, s20;
	[sflag:s22] =	ssyncset.done $0x0  }
0xa1: {  	[sflag:s22] =	ssyncadd.s32 s5;
	_ =	sdelay $0x1  }
0xa2: {  	s23 =	simm.s32 $0x1B8B  }
0xa3: {  	_ =	swait.ge [sflag:s23], $0x1  }
0xa4: {  	[sflag:s23] =	ssyncset.done $0x0  }
0xa5: {  	s25 =	simm.s32 $0x1B8E;
	s24 =	sld [smem:$0x3FFE];
	[sflag:s23] =	ssyncadd.s32 $0xFFFFFFFF  }
0xa6: {  	s26 =	simm.s32 $execute0_lowered;
	[smem:$0x3FD2] =	sst s25  }
0xa7: {  	s6 =	sshll.u32 s26, $0x1;
	_ =	strace $0x8000004C;
	[dreg:$0x1] =	wrdreg $0xFFFFFFFF  }
0xa8: {  	s28 =	simm.s32 $_size_execute0_lowered;
	s4 =	sadd.s32 s4, s6;
	[dreg:$0x0] =	wrdreg $0x0  }
0xa9: {  	s6 =	sshll.u32 s28, $0x1;
	[dreg:$0x2] =	wrdreg s4  }
0xaa: {  	[dreg:$0x3] =	wrdreg s6  }
0xab: {  	[dreg:$0x4] =	wrdreg $0xC0  }
0xac: {  	_ =	task [dreg:s8], $0x5FFFF  }
0xad: {  	[dreg:$0x1] =	wrdreg $0xFFFFFFFF  }
0xae: {  	[dreg:$0x0] =	wrdreg $0x60  }
0xaf: {  	[dreg:$0x2] =	wrdreg s24  }
0xb0: {  	[dreg:$0x3] =	wrdreg s2  }
0xb1: {  	[dreg:$0x4] =	wrdreg s18  }
0xb2: {  	[dreg:$0x5] =	wrdreg $0x9  }
0xb3: {  	_ =	task.clear_ibuf [dreg:s8], $0x6FFFF;
	_ =	strace $0x9000004C  }
0xb4: {  	s29 =	simm.s32 $0x9;
	_ =	strace $0x8000004E  }
0xb5: {  	_ =	swait.ge [sflag:s29], $0x1  }
0xb6: {  	[sflag:s29] =	ssyncadd.s32 $0xFFFFFFFF  }
0xb7: {  	_ =	strace $0x9000004E  }
0xb8: {  	_ =	sfence  }
0xb9: {  	s30 =	sld [smem:$0x0];
	_ =	sdelay $0x2  }
0xba: {  	s31 =	sshll.u32 s1, $0xD;
	s1 =	sshrl.u32 s1, $0x2  }
0xbb: {  	s3 =	sand.u32 $0x4000, s31;
	s1 =	sadd.s32 s1, s30  }
0xbc: {  	s0 =	sor.u32 s3, s0;
	s1 =	sshll.u32 s1, $0x11  }
0xbd: {  	s0 =	sor.u32 s1, s0  }
0xbe: {  	s0 =	sadd.s32 $0x8F2B, s0  }
0xbf: {  	[sflag:s0] =	ssyncadd.remote.s32 $0x1  }
0xc0: {  	_ =	sfence.sel $0xFFFF  }
0xc1: {  	[dreg:$0x0] =	wrdreg $0xFFFFFFFF;
	(pc) =	sbr.abs _section_cstart, $3  }
0xc2: {  	[dreg:$0x1] =	wrdreg $0xFFFFFFFF  }
0xc3: {  	_ =	task.clear_ibuf [dreg:s8], $0x2FFFF;
	_ =	strace $0x9FFFFFFF  }
0xc4: {  	(tm) =	ssettm $0x7FFFFFFF  }
0xc5: {  	_ =	shalt  }
tec
execute0_lowered:
.L_overlay_start_1:
0x0: {  	(tag) =	ssettag $0x1  }
0x1: {  	s7 =	rddreg [dreg:$0x0]  }
0x2: {  	s1 =	rddreg [dreg:$0x1]  }
0x3: {  	s9 =	rddreg [dreg:$0x2]  }
0x4: {  	s0 =	rddreg [dreg:$0x3];
	s3 =	simm.s32 $0x0  }
0x5: {  	s4 =	srdreg.scid;
	s2 =	stileid.u32;
	s12 =	simm.s32 $0x4400  }
0x6: {  	s13 =	simm.s32 $0x400;
	s14 =	simm.s32 $0x300;
	s15 =	simm.s32 $0x0  }
0x7: {  	[smem:$0x7FF] =	sst s3;
	s6 =	sand.u32 $0x1, s4;
	s4 =	sadd.s32 $0x3400, s7  }
.Ltmp0:
0x8: {  	s10 =	sshll.u32 s2, $0x3;
	s5 =	sadd.s32 $0x65E00, s7;
	(pc) =	sbr.rel .LBB2_1-.Ltmp0, $4  }
0x9: {  	s7 =	sadd.s32 $0x2A600, s7;
	s8 =	sshll.u32 s6, $0x7;
	s11 =	ssub.s32 $0x2, s6  }
0xa: {  	_ =	strace $0x8000004D;
	s6 =	sor.u32 s10, s8;
	s31 =	sshrl.u32 s11, $0x1  }
0xb: {  	s10 =	sshll.u32 s6, $0x4;
	s11 =	ssub.s32 s11, s31;
	s8 =	sadd.s32 $0x8, s6  }
0xc: {  	s9 =	sadd.s32 s9, s10;
	s10 =	smax.u32 s11, $0x1;
	s11 =	simm.s32 $0x1  }
.LBB2_5:
0xd: {  	s15 =	sadd.s32 $0x1, s15  }
0xe: {  	p0 =	sne.s32 s15, s10  }
.Ltmp1:
0xf: {  	_ = 	snop;
	(pc) =	sbr.rel @!p0 .LBB2_6-.Ltmp1, $4  }
0x10: {  	[hbm4b:s9+s3] =	stream.linear.scatter [tilespmem:s12], [sflag:$0x1], $0x400, $0x38;
	[tilespmem:$0x4C00] =	vst v63  }
0x11: {  	_ =	swait.ge [sflag:s11], $0x400  }
0x12: {  	[sflag:s11] =	ssyncset.done $0x0  }
0x13: {  	[sflag:s11] =	ssyncadd.s32 $0xFFFFFC00  }
.LBB2_1:
0x14: {  	[tilespmem:s3], [sflag:$0x1] =	stream.linear.gather [hbm4b:s5+s3], $0x271, $0x38;
	[tilespmem:$0x4C00] =	vst v63  }
0x15: {  	_ =	swait.ge [sflag:s11], $0x271  }
0x16: {  	[sflag:s11] =	ssyncset.done $0x0  }
0x17: {  	[sflag:s11] =	ssyncadd.s32 $0xFFFFFD8F  }
0x18: {  	[tilespmem:s12], [sflag:$0x1] =	stream.linear.gather [hbm4b:s7+s3], $0x480, $0x38;
	[tilespmem:$0x4C00] =	vst v63  }
0x19: {  	_ =	swait.ge [sflag:s11], $0x480  }
0x1a: {  	[sflag:s11] =	ssyncset.done $0x0  }
0x1b: {  	[sflag:s11] =	ssyncadd.s32 $0xFFFFFB80  }
0x1c: {  	v0 =	vld [tilespmem:$0x1FF];
	_ =	sdelay $0x4  }
0x1d: {  	(v2sf) =	vpush v0, $0x0;
	_ =	sdelay $0xe  }
0x1e: {  	s17 =	spop (v2sf)  }
0x1f: {  	s16 =	simm.s32 $0x200;
	p0 =	slt.s32 s17, s6  }
0x20: {  	s16 =	simm.s32 @!p0 $0x0  }
0x21: {  	s18 =	sor.u32 $0x100, s16  }
0x22: {  	s19 =	smin.u32 s18, $0x271  }
0x23: {  	v47 =	vld [tilespmem:s19+$0xFFFFFFFF];
	_ =	sdelay $0x4  }
0x24: {  	(v2sf) =	vpush v47, $0x0;
	_ =	sdelay $0xe  }
0x25: {  	s20 =	smov.u32 s16;
	p0 =	slt.u32 s18, $0x272;
	s26 =	spop (v2sf)  }
0x26: {  	s20 =	smov.u32 @p0 s18;
	p1 =	slt.s32 s26, s6  }
0x27: {  	s16 =	smov.u32 @p1 s20  }
0x28: {  	s18 =	sor.u32 $0x80, s16  }
0x29: {  	s28 =	smin.u32 s18, $0x271  }
0x2a: {  	v48 =	vld [tilespmem:s28+$0xFFFFFFFF];
	_ =	sdelay $0x4  }
0x2b: {  	(v2sf) =	vpush v48, $0x0;
	_ =	sdelay $0xe  }
0x2c: {  	s20 =	smov.u32 s16;
	p0 =	slt.u32 s18, $0x272;
	s29 =	spop (v2sf)  }
0x2d: {  	s20 =	smov.u32 @p0 s18;
	p1 =	slt.s32 s29, s6  }
0x2e: {  	s16 =	smov.u32 @p1 s20  }
0x2f: {  	s18 =	sor.u32 $0x40, s16  }
0x30: {  	s30 =	smin.u32 s18, $0x271  }
0x31: {  	v49 =	vld [tilespmem:s30+$0xFFFFFFFF];
	_ =	sdelay $0x4  }
0x32: {  	(v2sf) =	vpush v49, $0x0;
	_ =	sdelay $0xe  }
0x33: {  	s20 =	smov.u32 s16;
	p0 =	slt.u32 s18, $0x272;
	s31 =	spop (v2sf)  }
0x34: {  	s20 =	smov.u32 @p0 s18;
	p1 =	slt.s32 s31, s6  }
0x35: {  	s16 =	smov.u32 @p1 s20  }
0x36: {  	s18 =	sadd.s32 $0x20, s16  }
0x37: {  	s21 =	smin.u32 s18, $0x271  }
0x38: {  	v50 =	vld [tilespmem:s21+$0xFFFFFFFF];
	_ =	sdelay $0x4  }
0x39: {  	(v2sf) =	vpush v50, $0x0;
	_ =	sdelay $0xe  }
0x3a: {  	p0 =	slt.u32 s16, $0x252;
	s20 =	smov.u32 s16;
	s22 =	spop (v2sf)  }
0x3b: {  	s20 =	smov.u32 @p0 s18;
	p1 =	slt.s32 s22, s6  }
0x3c: {  	s16 =	smov.u32 @p1 s20  }
0x3d: {  	s18 =	sadd.s32 $0x10, s16  }
0x3e: {  	s23 =	smin.u32 s18, $0x271  }
0x3f: {  	v51 =	vld [tilespmem:s23+$0xFFFFFFFF];
	_ =	sdelay $0x4  }
0x40: {  	(v2sf) =	vpush v51, $0x0;
	_ =	sdelay $0xe  }
0x41: {  	p0 =	slt.u32 s16, $0x262;
	s20 =	smov.u32 s16;
	s24 =	spop (v2sf)  }
0x42: {  	s20 =	smov.u32 @p0 s18;
	p1 =	slt.s32 s24, s6  }
0x43: {  	s16 =	smov.u32 @p1 s20  }
0x44: {  	s18 =	sadd.s32 $0x8, s16  }
0x45: {  	s25 =	smin.u32 s18, $0x271  }
0x46: {  	v52 =	vld [tilespmem:s25+$0xFFFFFFFF];
	_ =	sdelay $0x4  }
0x47: {  	(v2sf) =	vpush v52, $0x0;
	_ =	sdelay $0xe  }
0x48: {  	p0 =	slt.u32 s16, $0x26A;
	s20 =	smov.u32 s16;
	s26 =	spop (v2sf)  }
0x49: {  	s20 =	smov.u32 @p0 s18;
	p1 =	slt.s32 s26, s6  }
0x4a: {  	s16 =	smov.u32 @p1 s20  }
0x4b: {  	s18 =	sadd.s32 $0x4, s16  }
0x4c: {  	s28 =	smin.u32 s18, $0x271  }
0x4d: {  	v53 =	vld [tilespmem:s28+$0xFFFFFFFF];
	_ =	sdelay $0x4  }
0x4e: {  	(v2sf) =	vpush v53, $0x0;
	_ =	sdelay $0xe  }
0x4f: {  	p0 =	slt.u32 s16, $0x26E;
	s20 =	smov.u32 s16;
	s29 =	spop (v2sf)  }
0x50: {  	s20 =	smov.u32 @p0 s18;
	p1 =	slt.s32 s29, s6  }
0x51: {  	s16 =	smov.u32 @p1 s20  }
0x52: {  	s18 =	sadd.s32 $0x2, s16  }
0x53: {  	s30 =	smin.u32 s18, $0x271  }
0x54: {  	v54 =	vld [tilespmem:s30+$0xFFFFFFFF];
	_ =	sdelay $0x4  }
0x55: {  	(v2sf) =	vpush v54, $0x0;
	_ =	sdelay $0xd  }
0x56: {  	p0 =	slt.u32 s16, $0x270;
	s19 =	smov.u32 s16  }
0x57: {  	s19 =	smov.u32 @p0 s18;
	s31 =	spop (v2sf)  }
0x58: {  	p0 =	slt.s32 s17, s8;
	s17 =	simm.s32 $0x200;
	p1 =	slt.s32 s31, s6  }
0x59: {  	s17 =	simm.s32 @!p0 $0x0;
	s16 =	smov.u32 @p1 s19  }
0x5a: {  	s19 =	sor.u32 $0x100, s17;
	s20 =	smin.u32 s16, $0x270  }
0x5b: {  	s21 =	smin.u32 s19, $0x271;
	v55 =	vld [tilespmem:s20+$0x0]  }
0x5c: {  	v1 =	vld [tilespmem:s21+$0xFFFFFFFF];
	_ =	sdelay $0x3  }
0x5d: {  	(v2sf) =	vpush v55, $0x0  }
0x5e: {  	(v2sf) =	vpush v1, $0x0;
	_ =	sdelay $0xd  }
0x5f: {  	s18 =	spop (v2sf)  }
0x60: {  	s22 =	spop (v2sf)  }
0x61: {  	s20 =	smov.u32 s17;
	p0 =	slt.s32 s22, s8  }
0x62: {  	p1 =	slt.u32 s19, $0x272;
	s20 =	smov.u32 @p0 s19  }
0x63: {  	s17 =	smov.u32 @p1 s20  }
0x64: {  	s19 =	sor.u32 $0x80, s17  }
0x65: {  	s23 =	smin.u32 s19, $0x271  }
0x66: {  	v56 =	vld [tilespmem:s23+$0xFFFFFFFF];
	_ =	sdelay $0x4  }
0x67: {  	(v2sf) =	vpush v56, $0x0;
	_ =	sdelay $0xe  }
0x68: {  	s21 =	smov.u32 s17;
	p0 =	slt.u32 s19, $0x272;
	s24 =	spop (v2sf)  }
0x69: {  	s21 =	smov.u32 @p0 s19;
	p1 =	slt.s32 s24, s8  }
0x6a: {  	s17 =	smov.u32 @p1 s21  }
0x6b: {  	s19 =	sor.u32 $0x40, s17  }
0x6c: {  	s25 =	smin.u32 s19, $0x271  }
0x6d: {  	v57 =	vld [tilespmem:s25+$0xFFFFFFFF];
	_ =	sdelay $0x4  }
0x6e: {  	(v2sf) =	vpush v57, $0x0;
	_ =	sdelay $0xe  }
0x6f: {  	s21 =	smov.u32 s17;
	p0 =	slt.u32 s19, $0x272;
	s26 =	spop (v2sf)  }
0x70: {  	s21 =	smov.u32 @p0 s19;
	p1 =	slt.s32 s26, s8  }
0x71: {  	s17 =	smov.u32 @p1 s21  }
0x72: {  	s19 =	sadd.s32 $0x20, s17  }
0x73: {  	s28 =	smin.u32 s19, $0x271  }
0x74: {  	v58 =	vld [tilespmem:s28+$0xFFFFFFFF];
	_ =	sdelay $0x4  }
0x75: {  	(v2sf) =	vpush v58, $0x0;
	_ =	sdelay $0xe  }
0x76: {  	p0 =	slt.u32 s17, $0x252;
	s21 =	smov.u32 s17;
	s29 =	spop (v2sf)  }
0x77: {  	s21 =	smov.u32 @p0 s19;
	p1 =	slt.s32 s29, s8  }
0x78: {  	s17 =	smov.u32 @p1 s21  }
0x79: {  	s19 =	sadd.s32 $0x10, s17  }
0x7a: {  	s30 =	smin.u32 s19, $0x271  }
0x7b: {  	v59 =	vld [tilespmem:s30+$0xFFFFFFFF];
	_ =	sdelay $0x4  }
0x7c: {  	(v2sf) =	vpush v59, $0x0;
	_ =	sdelay $0xe  }
0x7d: {  	p0 =	slt.u32 s17, $0x262;
	s21 =	smov.u32 s17;
	s31 =	spop (v2sf)  }
0x7e: {  	s21 =	smov.u32 @p0 s19;
	p1 =	slt.s32 s31, s8  }
0x7f: {  	s17 =	smov.u32 @p1 s21  }
0x80: {  	s19 =	sadd.s32 $0x8, s17  }
0x81: {  	s22 =	smin.u32 s19, $0x271  }
0x82: {  	v60 =	vld [tilespmem:s22+$0xFFFFFFFF];
	_ =	sdelay $0x4  }
0x83: {  	(v2sf) =	vpush v60, $0x0;
	_ =	sdelay $0xe  }
0x84: {  	p0 =	slt.u32 s17, $0x26A;
	s21 =	smov.u32 s17;
	s23 =	spop (v2sf)  }
0x85: {  	s21 =	smov.u32 @p0 s19;
	p1 =	slt.s32 s23, s8  }
0x86: {  	s17 =	smov.u32 @p1 s21  }
0x87: {  	s19 =	sadd.s32 $0x4, s17  }
0x88: {  	s24 =	smin.u32 s19, $0x271  }
0x89: {  	v61 =	vld [tilespmem:s24+$0xFFFFFFFF];
	_ =	sdelay $0x4  }
0x8a: {  	(v2sf) =	vpush v61, $0x0;
	_ =	sdelay $0xe  }
0x8b: {  	p0 =	slt.u32 s17, $0x26E;
	s21 =	smov.u32 s17;
	s25 =	spop (v2sf)  }
0x8c: {  	s21 =	smov.u32 @p0 s19;
	p1 =	slt.s32 s25, s8  }
0x8d: {  	s17 =	smov.u32 @p1 s21  }
0x8e: {  	s19 =	sadd.s32 $0x2, s17  }
0x8f: {  	s26 =	smin.u32 s19, $0x271  }
0x90: {  	v62 =	vld [tilespmem:s26+$0xFFFFFFFF];
	_ =	sdelay $0x4  }
0x91: {  	(v2sf) =	vpush v62, $0x0;
	_ =	sdelay $0xe  }
0x92: {  	p0 =	slt.u32 s17, $0x270;
	s21 =	smov.u32 s17;
	s28 =	spop (v2sf)  }
0x93: {  	s21 =	smov.u32 @p0 s19;
	p1 =	slt.s32 s28, s8  }
0x94: {  	s17 =	smov.u32 @p1 s21  }
0x95: {  	s19 =	sadd.s32 $0x1, s17  }
0x96: {  	s29 =	smin.u32 s19, $0x271  }
0x97: {  	v63 =	vld [tilespmem:s29+$0xFFFFFFFF];
	_ =	sdelay $0x4  }
0x98: {  	(v2sf) =	vpush v63, $0x0;
	_ =	sdelay $0xb  }
0x99: {  	p5 =	sgt.u32 s16, $0x270;
	p6 =	sge.s32 s18, s6  }
0x9a: {  	s18 =	simm.s32 $0x1;
	p0 =	por p6, p5  }
0x9b: {  	s18 =	simm.s32 @!p0 $0x0  }
0x9c: {  	p0 =	slt.u32 s17, $0x271;
	s21 =	smov.u32 s17;
	s30 =	spop (v2sf)  }
0x9d: {  	s16 =	ssub.s32 s16, s18;
	s21 =	smov.u32 @p0 s19;
	p1 =	slt.s32 s30, s8  }
0x9e: {  	p0 =	sgt.s32 s16, $0x0;
	s17 =	smov.u32 @p1 s21  }
0x9f: {  	s16 =	simm.s32 @!p0 $0x0;
	s17 =	sshll.u32 s17, $0x4  }
0xa0: {  	s16 =	sshll.u32 s16, $0x4;
	s17 =	smin.u32 s17, $0x2710  }
0xa1: {  	s17 =	ssub.s32 s17, s16  }
0xa2: {  	s17 =	sadd.s32 $0x7F, s17  }
0xa3: {  	s31 =	sshll.u32 s17, $0x10  }
0xa4: {  	s18 =	sshra.s32 s31, $0x1F  }
0xa5: {  	s18 =	sand.u32 $0x7F, s18  }
0xa6: {  	s18 =	sadd.s32 s18, s17  }
0xa7: {  	s18 =	sshll.u32 s18, $0x10  }
0xa8: {  	s17 =	sshra.s32 s17, $0x1F;
	s18 =	sshra.s32 s18, $0x17  }
0xa9: {  	s17 =	sadd.s32 s18, s17  }
0xaa: {  	p0 =	slt.s32 s17, $0x1  }
.Ltmp2:
0xab: {  	_ = 	snop;
	(pc) =	sbr.rel @p0 .LBB2_5-.Ltmp2, $2  }
0xac: {  	_ =	sdelay $0x2  }
0xad: {  	s18 =	simm.s32 $0x0  }
.LBB2_2:
0xae: {  	s19 =	sshll.u32 s18, $0x7  }
0xaf: {  	s19 =	sadd.s32 s16, s19  }
0xb0: {  	p0 =	slt.s32 s19, $0x2690  }
0xb1: {  	s19 =	simm.s32 @!p0 $0x2690  }
0xb2: {  	s20 =	sshll.u32 s19, $0x4  }
0xb3: {  	s21 =	simm.s32 $0x0;
	s20 =	sadd.s32 s4, s20  }
0xb4: {  	[tilespmem:s13], [sflag:$0x1] =	stream.linear.gather [hbm4b:s20+s21], $0x4000, $0x38;
	[tilespmem:$0x4C00] =	vst v63  }
0xb5: {  	_ =	swait.ge [sflag:s11], $0x4000  }
0xb6: {  	s19 =	sshrl.u32 s19, $0x3;
	[sflag:s11] =	ssyncset.done $0x0  }
0xb7: {  	s19 =	sadd.s32 s1, s19;
	[sflag:s11] =	ssyncadd.s32 $0xFFFFC000  }
0xb8: {  	[tilespmem:s14], [sflag:$0x1] =	stream.linear.gather [hbm4b:s19+s21], $0x80, $0x38;
	[tilespmem:$0x4C00] =	vst v63  }
0xb9: {  	_ =	swait.ge [sflag:s11], $0x80  }
0xba: {  	[sflag:s11] =	ssyncset.done $0x0  }
0xbb: {  	s29 =	simm.s32 $0x0;
	[sflag:s11] =	ssyncadd.s32 $0xFFFFFF80  }
0xbc: {  	v0 =	vld [tilespmem:s29+$0x300];
	_ =	sdelay $0x4  }
0xbd: {  	(v2sf) =	vpush v0, $0x0;
	_ =	sdelay $0xe  }
0xbe: {  	s30 =	spop (v2sf)  }
0xbf: {  	s31 =	ssub.s32 s30, s6  }
0xc0: {  	s19 =	simm.s32 $0x440;
	s20 =	smin.u32 s31, $0x8  }
0xc1: {  	v0 =	vld [tilespmem:s19+$0xFFFFFFC0];
	s20 =	sshll.u32 s20, $0x7  }
0xc2: {  	v1 =	vld [tilespmem:s20+$0x4400];
	_ =	sdelay $0x4  }
0xc3: {  	v0 =	vmax.f32 v1, v0  }
0xc4: {  	[tilespmem:s20+$0x4400] =	vst v0;
	v0 =	vld [tilespmem:s20+$0x4410]  }
0xc5: {  	v1 =	vld [tilespmem:s19+$0xFFFFFFD0];
	_ =	sdelay $0x4  }
0xc6: {  	v0 =	vmax.f32 v0, v1  }
0xc7: {  	[tilespmem:s20+$0x4410] =	vst v0;
	v0 =	vld [tilespmem:s20+$0x4420]  }
0xc8: {  	v1 =	vld [tilespmem:s19+$0xFFFFFFE0];
	_ =	sdelay $0x4  }
0xc9: {  	v0 =	vmax.f32 v0, v1  }
0xca: {  	[tilespmem:s20+$0x4420] =	vst v0;
	v0 =	vld [tilespmem:s20+$0x4430]  }
0xcb: {  	v1 =	vld [tilespmem:s19+$0xFFFFFFF0];
	_ =	sdelay $0x4  }
0xcc: {  	v0 =	vmax.f32 v0, v1  }
0xcd: {  	[tilespmem:s20+$0x4430] =	vst v0;
	v0 =	vld [tilespmem:s20+$0x4440]  }
0xce: {  	v1 =	vld [tilespmem:s19+$0x0];
	_ =	sdelay $0x4  }
0xcf: {  	v0 =	vmax.f32 v0, v1  }
0xd0: {  	[tilespmem:s20+$0x4440] =	vst v0;
	v0 =	vld [tilespmem:s20+$0x4450]  }
0xd1: {  	v1 =	vld [tilespmem:s19+$0x10];
	_ =	sdelay $0x4  }
0xd2: {  	v0 =	vmax.f32 v0, v1  }
0xd3: {  	[tilespmem:s20+$0x4450] =	vst v0;
	v0 =	vld [tilespmem:s20+$0x4460]  }
0xd4: {  	v1 =	vld [tilespmem:s19+$0x20];
	_ =	sdelay $0x4  }
0xd5: {  	v0 =	vmax.f32 v0, v1  }
0xd6: {  	[tilespmem:s20+$0x4460] =	vst v0;
	v0 =	vld [tilespmem:s20+$0x4470]  }
0xd7: {  	v1 =	vld [tilespmem:s19+$0x30];
	_ =	sdelay $0x4  }
0xd8: {  	s23 =	simm.s32 $0x8;
	s21 =	simm.s32 $0x4;
	v0 =	vmax.f32 v0, v1  }
.LBB2_3:
0xd9: {  	s24 =	sshra.s32 s21, $0x2  }
0xda: {  	[tilespmem:s20+$0x4470] =	vst v0;
	s19 =	sadd.s32 $0x80, s19;
	s21 =	smov.u32 s23;
	s22 =	sadd.s32 $0x4, s23  }
0xdb: {  	p0 =	sne.s32 s23, $0x1FC;
	v0 =	vld [tilespmem:s24+$0x300];
	_ =	sdelay $0x4  }
0xdc: {  	(v2sf) =	vpush v0, $0x0;
	_ =	sdelay $0xe  }
0xdd: {  	s20 =	spop (v2sf)  }
0xde: {  	s20 =	ssub.s32 s20, s6  }
0xdf: {  	s20 =	smin.u32 s20, $0x8  }
0xe0: {  	s20 =	sshll.u32 s20, $0x7;
	v0 =	vld [tilespmem:s19+$0xFFFFFFC0]  }
0xe1: {  	v1 =	vld [tilespmem:s20+$0x4400];
	_ =	sdelay $0x4  }
0xe2: {  	v0 =	vmax.f32 v1, v0  }
0xe3: {  	[tilespmem:s20+$0x4400] =	vst v0;
	v0 =	vld [tilespmem:s20+$0x4410]  }
0xe4: {  	v1 =	vld [tilespmem:s19+$0xFFFFFFD0];
	_ =	sdelay $0x4  }
0xe5: {  	v0 =	vmax.f32 v0, v1  }
0xe6: {  	[tilespmem:s20+$0x4410] =	vst v0;
	v0 =	vld [tilespmem:s20+$0x4420]  }
0xe7: {  	v1 =	vld [tilespmem:s19+$0xFFFFFFE0];
	_ =	sdelay $0x4  }
0xe8: {  	v0 =	vmax.f32 v0, v1  }
0xe9: {  	[tilespmem:s20+$0x4420] =	vst v0;
	v0 =	vld [tilespmem:s20+$0x4430]  }
0xea: {  	v1 =	vld [tilespmem:s19+$0xFFFFFFF0];
	_ =	sdelay $0x4  }
0xeb: {  	v0 =	vmax.f32 v0, v1  }
0xec: {  	[tilespmem:s20+$0x4430] =	vst v0;
	v0 =	vld [tilespmem:s20+$0x4440]  }
0xed: {  	v1 =	vld [tilespmem:s19+$0x0];
	_ =	sdelay $0x4  }
0xee: {  	v0 =	vmax.f32 v0, v1  }
0xef: {  	[tilespmem:s20+$0x4440] =	vst v0;
	v0 =	vld [tilespmem:s20+$0x4450]  }
0xf0: {  	v1 =	vld [tilespmem:s19+$0x10];
	_ =	sdelay $0x4  }
0xf1: {  	v0 =	vmax.f32 v0, v1  }
0xf2: {  	[tilespmem:s20+$0x4450] =	vst v0;
	v0 =	vld [tilespmem:s20+$0x4460]  }
0xf3: {  	v1 =	vld [tilespmem:s19+$0x20];
	_ =	sdelay $0x4  }
0xf4: {  	v0 =	vmax.f32 v0, v1  }
0xf5: {  	[tilespmem:s20+$0x4460] =	vst v0;
	v0 =	vld [tilespmem:s20+$0x4470]  }
0xf6: {  	v1 =	vld [tilespmem:s19+$0x30]  }
.Ltmp3:
0xf7: {  	(pc) =	sbr.rel @p0 .LBB2_3-.Ltmp3, $2  }
0xf8: {  	_ =	sdelay $0x2  }
0xf9: {  	s23 =	smov.u32 s22;
	v0 =	vmax.f32 v0, v1  }
0xfa: {  	s21 =	sshra.s32 s21, $0x2;
	[tilespmem:s20+$0x4470] =	vst v0  }
0xfb: {  	v0 =	vld [tilespmem:s21+$0x300];
	_ =	sdelay $0x4  }
0xfc: {  	(v2sf) =	vpush v0, $0x0;
	_ =	sdelay $0xe  }
0xfd: {  	s31 =	spop (v2sf)  }
0xfe: {  	s20 =	ssub.s32 s31, s6  }
0xff: {  	s19 =	sadd.s32 $0x80, s19;
	s20 =	smin.u32 s20, $0x8  }
0x100: {  	v49 =	vld [tilespmem:s19+$0xFFFFFFC0];
	s20 =	sshll.u32 s20, $0x7  }
0x101: {  	v1 =	vld [tilespmem:s20+$0x4400];
	_ =	sdelay $0x4  }
0x102: {  	v0 =	vmax.f32 v1, v49  }
0x103: {  	v50 =	vld [tilespmem:s20+$0x4410];
	[tilespmem:s20+$0x4400] =	vst v0  }
0x104: {  	v51 =	vld [tilespmem:s19+$0xFFFFFFD0];
	_ =	sdelay $0x4  }
0x105: {  	v0 =	vmax.f32 v50, v51  }
0x106: {  	v52 =	vld [tilespmem:s20+$0x4420];
	[tilespmem:s20+$0x4410] =	vst v0  }
0x107: {  	v53 =	vld [tilespmem:s19+$0xFFFFFFE0];
	_ =	sdelay $0x4  }
0x108: {  	v0 =	vmax.f32 v52, v53  }
0x109: {  	v54 =	vld [tilespmem:s20+$0x4430];
	[tilespmem:s20+$0x4420] =	vst v0  }
0x10a: {  	v55 =	vld [tilespmem:s19+$0xFFFFFFF0];
	_ =	sdelay $0x4  }
0x10b: {  	v0 =	vmax.f32 v54, v55  }
0x10c: {  	v56 =	vld [tilespmem:s20+$0x4440];
	[tilespmem:s20+$0x4430] =	vst v0  }
0x10d: {  	v57 =	vld [tilespmem:s19+$0x0];
	_ =	sdelay $0x4  }
0x10e: {  	v0 =	vmax.f32 v56, v57  }
0x10f: {  	v58 =	vld [tilespmem:s20+$0x4450];
	[tilespmem:s20+$0x4440] =	vst v0  }
0x110: {  	v59 =	vld [tilespmem:s19+$0x10];
	_ =	sdelay $0x4  }
0x111: {  	v0 =	vmax.f32 v58, v59  }
0x112: {  	v60 =	vld [tilespmem:s20+$0x4460];
	[tilespmem:s20+$0x4450] =	vst v0  }
0x113: {  	v61 =	vld [tilespmem:s19+$0x20];
	_ =	sdelay $0x4  }
0x114: {  	v0 =	vmax.f32 v60, v61  }
0x115: {  	v62 =	vld [tilespmem:s20+$0x4470];
	[tilespmem:s20+$0x4460] =	vst v0  }
0x116: {  	s18 =	sadd.s32 $0x1, s18;
	v63 =	vld [tilespmem:s19+$0x30]  }
0x117: {  	p0 =	sne.s32 s18, s17  }
.Ltmp4:
0x118: {  	_ = 	snop;
	(pc) =	sbr.rel @p0 .LBB2_2-.Ltmp4, $4  }
.Ltmp5:
0x119: {  	_ = 	snop;
	(pc) =	sbr.rel @!p0 .LBB2_5-.Ltmp5, $4  }
0x11a: {  	_ = 	snop  }
0x11b: {  	v0 =	vmax.f32 v62, v63  }
0x11c: {  	[tilespmem:s20+$0x4470] =	vst v0  }
0x11d: {  	_ = 	snop  }
.LBB2_6:
0x11e: {  	_ =	sfence.sel $0x180000  }
0x11f: {  	[bflag:$0x0] =	sbarrier.arrive $0xFFFF  }
0x120: {  	p0 =	sne.s32 s2, $0x0;
	_ =	strace $0x9000004D  }
0x121: {  	s0 =	sadd.s32 @!p0 $0x100000, s0;
	[bflag:$0x2] =	sbarrier.arrive $0xFFFF  }
0x122: {  	[sflag:s0] =	ssyncadd.tile.s32 @!p0 $0x1;
	_ =	shalt  }
.Lfunc_end2:
_tile_overlayer_lowered:
.L_overlay_start_2:
0x123: {  	(tag) =	ssettag $0x2  }
0x124: {  	s0 =	rddreg [dreg:$0x0];
	s2 =	stileid.u32  }
0x125: {  	s1 =	rddreg [dreg:$0x1];
	p0 =	sne.s32 s2, $0x0  }
0x126: {  	s3 =	rddreg [dreg:$0x2];
	[bflag:$0x3] =	sbarrier.arrive $0xFFFF;
	s2 =	simm.s32 @!p0 $0x1C01  }
0x127: {  	[timem:s3], [sflag:s2] =	dma.local @!p0 [hbm:s0], s1  }
0x128: {  	s0 =	simm.s32 @!p0 $0x1  }
0x129: {  	_ =	swait.ge @!p0 [sflag:s0], s1  }
0x12a: {  	s1 =	ssub.s32 @!p0 $0x0, s1;
	[sflag:s0] =	ssyncset.done @!p0 $0x0  }
0x12b: {  	[sflag:s0] =	ssyncadd.s32 @!p0 s1  }
0x12c: {  	[bflag:$0x3] =	sbarrier.arrive $0xFFFF  }
0x12d: {  	_ =	shalt  }

// kernel: kernel.8.cloned.1.call-start
scs
__scs_entry_jumppad:
0x0: {  	(pc) =	sbr.rel $0x88, $3  }
0x1: {  	(tag) =	ssettag $0x0;
	lr =	simm.s32 $0x1  }
0x2: {  	[smem:$0x3F92] =	sst lr;
	_ =	strace $0xD0000000  }
0x3: {  	_ = 	snop  }
0x4: {  	_ = 	snop  }
0x5: {  	_ = 	snop  }
0x6: {  	_ = 	snop  }
0x7: {  	_ = 	snop  }
__scs_overlays_trampoline_lowered:
0x8: {  	[smem:$0x3FA1] =	sst s0  }
0x9: {  	[smem:$0x3FA2] =	sst s1  }
0xa: {  	[smem:$0x3FA3] =	sst s2  }
0xb: {  	[smem:$0x3FA4] =	sst s3  }
0xc: {  	[smem:$0x3FA5] =	sst s4  }
0xd: {  	[smem:$0x3FA6] =	sst s5  }
0xe: {  	[smem:$0x3FA7] =	sst s6  }
0xf: {  	[smem:$0x3FA8] =	sst s7  }
0x10: {  	[smem:$0x3FA9] =	sst s8  }
0x11: {  	[smem:$0x3FAA] =	sst s9;
	s0 =	simm.s32 @!p0 $0x0  }
0x12: {  	s1 =	sld [smem:$0x3F90];
	s0 =	simm.s32 @p0 $0x1  }
0x13: {  	[smem:$0x3FAB] =	sst s0;
	s0 =	simm.s32 @!p1 $0x0  }
0x14: {  	s2 =	sld [smem:$0x3F8F];
	s0 =	simm.s32 @p1 $0x1  }
0x15: {  	[smem:$0x3FAC] =	sst s0;
	s0 =	simm.s32 @!p2 $0x0  }
0x16: {  	s3 =	sld [smem:$0x3FDB];
	s0 =	simm.s32 @p2 $0x1  }
0x17: {  	s4 =	simm.s32 $0x1BF5;
	[smem:$0x3FAE] =	sst s0  }
0x18: {  	s0 =	sld [smem:$0x3F91];
	_ =	swait.ge [sflag:s4], $0x0  }
0x19: {  	s7 =	sld [smem:$0x3F92]  }
0x1a: {  	s8 =	sadd.s32 $0xFFFFE003, lr  }
0x1b: {  	s9 =	sadd.s32 $0xFFFFFEF7, lr;
	s5 =	simm.s32 $0xFFFFFFFF;
	p2 =	slt.u32 s8, $0xFFFFF086  }
0x1c: {  	p1 =	slt.u32 s9, $0xF7A;
	s5 =	simm.s32 @!p2 $0x0  }
0x1d: {  	s5 =	simm.s32 @p1 $0x1;
	p0 =	seq.s32 s7, s2  }
0x1e: {  	s7 =	smul.u32 @!p0 $0xF7A, s2;
	p2 =	seq.s32 @!p0 s5, $0x0  }
0x1f: {  	s9 =	smul.u32 $0xF7A, s1;
	s8 =	simm.s32 @!p0 $0x1BF5;
	p2 =	por !p2, p0  }
0x20: {  	[sflag:s8] =	ssyncset.s32 @!p0 $0xFFFFF086;
	s6 =	sadd.s32 @!p0 s3, s7;
	s7 =	simm.s32 @!p0 $0x108  }
0x21: {  	s3 =	sadd.s32 s3, s9;
	s6 =	sadd.s32 @!p0 $0x88, s6;
	s7 =	simm.s32 @p2 $0x1082  }
0x22: {  	[simem:s7], [sflag:s8] =	dma.local @!p0 [hbm:s6], $0xF7A  }
0x23: {  	s9 =	sor.u32 $0xD0000000, s2;
	s6 =	simm.s32 $0x108;
	_ =	swait.ge @!p0 [sflag:s8], $0x0  }
0x24: {  	s3 =	sadd.s32 $0x88, s3;
	s6 =	simm.s32 @!p1 $0x1082;
	[sflag:s4] =	ssyncset.s32 $0xFFFFF086  }
0x25: {  	[simem:s6], [sflag:s4] =	dma.local [hbm:s3], $0xF7A  }
0x26: {  	[smem:$0x3F92] =	sst s1;
	(tag) =	ssettag s2;
	_ =	strace s9  }
0x27: {  	s1 =	sld [smem:$0x3FA2]  }
0x28: {  	s2 =	sld [smem:$0x3FA3]  }
0x29: {  	s4 =	sld [smem:$0x3FA5]  }
0x2a: {  	p0 =	seq.s32 s5, $0x0;
	s5 =	sld [smem:$0x3FA6]  }
0x2b: {  	s6 =	sld [smem:$0x3FA7]  }
0x2c: {  	s7 =	sld [smem:$0x3FA8]  }
0x2d: {  	s3 =	simm.s32 $0x108;
	s8 =	sld [smem:$0x3FA9]  }
0x2e: {  	s3 =	simm.s32 @!p0 $0x1082;
	s9 =	sld [smem:$0x3FAA]  }
0x2f: {  	lr =	sadd.s32 s0, s3;
	s0 =	sld [smem:$0x3FA1]  }
0x30: {  	s3 =	sld [smem:$0x3FA4]  }
0x31: {  	[smem:$0x3FAD] =	sst s10  }
0x32: {  	s10 =	sld [smem:$0x3FAB];
	_ =	sdelay $0x3  }
0x33: {  	p0 =	seq.s32 s10, $0x1;
	s10 =	sld [smem:$0x3FAD];
	_ =	sdelay $0x3  }
0x34: {  	[smem:$0x3FAD] =	sst s10  }
0x35: {  	s10 =	sld [smem:$0x3FAC];
	_ =	sdelay $0x3  }
0x36: {  	p1 =	seq.s32 s10, $0x1;
	s10 =	sld [smem:$0x3FAD];
	_ =	sdelay $0x3  }
0x37: {  	[smem:$0x3FAD] =	sst s10  }
0x38: {  	s10 =	sld [smem:$0x3FAE]  }
0x39: {  	_ = 	snop;
	(pc) =	sbr.ind lr, $3  }
0x3a: {  	_ = 	snop  }
0x3b: {  	_ = 	snop  }
0x3c: {  	p2 =	seq.s32 s10, $0x1;
	s10 =	sld [smem:$0x3FAD]  }
0x3d: {  	_ =	shalt  }
0x3e: {  	_ =	shalt  }
0x3f: {  	_ =	shalt  }
0x40: {  	_ =	shalt  }
0x41: {  	_ =	shalt  }
0x42: {  	_ =	shalt  }
0x43: {  	_ =	shalt  }
0x44: {  	_ =	shalt  }
0x45: {  	_ =	shalt  }
0x46: {  	_ =	shalt  }
0x47: {  	_ =	shalt  }
0x48: {  	_ =	shalt  }
0x49: {  	_ =	shalt  }
0x4a: {  	_ =	shalt  }
0x4b: {  	_ =	shalt  }
0x4c: {  	_ =	shalt  }
0x4d: {  	_ =	shalt  }
0x4e: {  	_ =	shalt  }
0x4f: {  	_ =	shalt  }
0x50: {  	_ =	shalt  }
0x51: {  	_ =	shalt  }
0x52: {  	_ =	shalt  }
0x53: {  	_ =	shalt  }
0x54: {  	_ =	shalt  }
0x55: {  	_ =	shalt  }
0x56: {  	_ =	shalt  }
0x57: {  	_ =	shalt  }
0x58: {  	_ =	shalt  }
0x59: {  	_ =	shalt  }
0x5a: {  	_ =	shalt  }
0x5b: {  	_ =	shalt  }
0x5c: {  	_ =	shalt  }
0x5d: {  	_ =	shalt  }
0x5e: {  	_ =	shalt  }
0x5f: {  	_ =	shalt  }
0x60: {  	_ =	shalt  }
0x61: {  	_ =	shalt  }
0x62: {  	_ =	shalt  }
0x63: {  	_ =	shalt  }
0x64: {  	_ =	shalt  }
0x65: {  	_ =	shalt  }
0x66: {  	_ =	shalt  }
0x67: {  	_ =	shalt  }
0x68: {  	_ =	shalt  }
0x69: {  	_ =	shalt  }
0x6a: {  	_ =	shalt  }
0x6b: {  	_ =	shalt  }
0x6c: {  	_ =	shalt  }
0x6d: {  	_ =	shalt  }
0x6e: {  	_ =	shalt  }
0x6f: {  	_ =	shalt  }
0x70: {  	_ =	shalt  }
0x71: {  	_ =	shalt  }
0x72: {  	_ =	shalt  }
0x73: {  	_ =	shalt  }
0x74: {  	_ =	shalt  }
0x75: {  	_ =	shalt  }
0x76: {  	_ =	shalt  }
0x77: {  	_ =	shalt  }
0x78: {  	_ =	shalt  }
0x79: {  	_ =	shalt  }
0x7a: {  	_ =	shalt  }
0x7b: {  	_ =	shalt  }
0x7c: {  	_ =	shalt  }
0x7d: {  	_ =	shalt  }
0x7e: {  	_ =	shalt  }
0x7f: {  	_ =	shalt  }
0x80: {  	_ =	shalt  }
0x81: {  	_ =	shalt  }
0x82: {  	_ =	shalt  }
0x83: {  	_ =	shalt  }
0x84: {  	_ =	shalt  }
0x85: {  	_ =	shalt  }
0x86: {  	_ =	shalt  }
0x87: {  	_ =	shalt  }
.Lfunc_end0:
.L_simem_size_0:
called_computation_lowered:
.L_overlay_start_0:
0x88: {  	s2 =	sld [smem:$0x3FD9]  }
0x89: {  	s3 =	sld [smem:$0x3FFE];
	_ =	sdelay $0x1  }
0x8a: {  	s1 =	srdreg.scid  }
0x8b: {  	s0 =	sand.u32 $0x1, s1  }
0x8c: {  	s17 =	sshll.u32 s0, $0xA;
	s2 =	sadd.s32 s3, s2  }
0x8d: {  	s2 =	sadd.s32 s2, s17  }
0x8e: {  	[smem:$0x3FB9] =	sst s2  }
0x8f: {  	_ = 	snop  }
0x90: {  	s2 =	sld [smem:$0x3FC9]  }
0x91: {  	s18 =	sld [smem:$0x3FD0];
	(tm) =	ssettm $0x1  }
0x92: {  	s4 =	sld [smem:$0x3FFB];
	_ =	sdelay $0x3  }
0x93: {  	_ =	strace s4  }
0x94: {  	s4 =	sld [smem:$0x3FFC];
	_ =	sdelay $0x3  }
0x95: {  	_ =	strace s4  }
0x96: {  	s4 =	sld [smem:$0x3FFD];
	_ =	sdelay $0x3  }
0x97: {  	_ =	strace s4  }
0x98: {  	_ =	strace $0x8FFFFFFF  }
0x99: {  	s19 =	sld [smem:$0x3FDB];
	_ =	sdelay $0x1  }
0x9a: {  	s5 =	simm.s32 $_scs_section_size  }
0x9b: {  	s6 =	simm.s32 $_size__tile_overlayer_lowered;
	s7 =	simm.s32 $_tile_overlayer_lowered  }
0x9c: {  	s22 =	simm.s32 $0x1BFF;
	s21 =	sshll.u32 s7, $0x1;
	s4 =	sadd.s32 s5, s19  }
0x9d: {  	s8 =	simm.s32 $0x0;
	s20 =	sshll.u32 s6, $0x1;
	s6 =	sadd.s32 s21, s4  }
0x9e: {  	[timem:s8], [sflag:s22] =	dma.local [hbm:s6], s20  }
0x9f: {  	_ =	swait.ge [sflag:s22], s20  }
0xa0: {  	s5 =	ssub.s32 $0x0, s20;
	[sflag:s22] =	ssyncset.done $0x0  }
0xa1: {  	[sflag:s22] =	ssyncadd.s32 s5;
	_ =	sdelay $0x1  }
0xa2: {  	s23 =	simm.s32 $0x1B8B  }
0xa3: {  	_ =	swait.ge [sflag:s23], $0x1  }
0xa4: {  	[sflag:s23] =	ssyncset.done $0x0  }
0xa5: {  	s25 =	simm.s32 $0x1B8E;
	s24 =	sld [smem:$0x3FFE];
	[sflag:s23] =	ssyncadd.s32 $0xFFFFFFFF  }
0xa6: {  	s26 =	simm.s32 $execute0_lowered;
	[smem:$0x3FD2] =	sst s25  }
0xa7: {  	s6 =	sshll.u32 s26, $0x1;
	_ =	strace $0x80000046;
	[dreg:$0x1] =	wrdreg $0xFFFFFFFF  }
0xa8: {  	s28 =	simm.s32 $_size_execute0_lowered;
	s4 =	sadd.s32 s4, s6;
	[dreg:$0x0] =	wrdreg $0x0  }
0xa9: {  	s6 =	sshll.u32 s28, $0x1;
	[dreg:$0x2] =	wrdreg s4  }
0xaa: {  	[dreg:$0x3] =	wrdreg s6  }
0xab: {  	[dreg:$0x4] =	wrdreg $0xC0  }
0xac: {  	_ =	task [dreg:s8], $0x5FFFF  }
0xad: {  	[dreg:$0x1] =	wrdreg $0xFFFFFFFF  }
0xae: {  	[dreg:$0x0] =	wrdreg $0x60  }
0xaf: {  	[dreg:$0x2] =	wrdreg s2  }
0xb0: {  	[dreg:$0x3] =	wrdreg s24  }
0xb1: {  	[dreg:$0x4] =	wrdreg s18  }
0xb2: {  	[dreg:$0x5] =	wrdreg $0x0  }
0xb3: {  	[dreg:$0x6] =	wrdreg $0x13C000  }
0xb4: {  	[dreg:$0x7] =	wrdreg $0x9  }
0xb5: {  	_ =	task.clear_ibuf [dreg:s8], $0x8FFFF;
	_ =	strace $0x90000046  }
0xb6: {  	s29 =	simm.s32 $0x9;
	_ =	strace $0x80000048  }
0xb7: {  	_ =	swait.ge [sflag:s29], $0x1  }
0xb8: {  	[sflag:s29] =	ssyncadd.s32 $0xFFFFFFFF  }
0xb9: {  	_ =	strace $0x90000048  }
0xba: {  	_ =	sfence  }
0xbb: {  	s30 =	sld [smem:$0x0];
	_ =	sdelay $0x2  }
0xbc: {  	s31 =	sshll.u32 s1, $0xD;
	s1 =	sshrl.u32 s1, $0x2  }
0xbd: {  	s3 =	sand.u32 $0x4000, s31;
	s1 =	sadd.s32 s1, s30  }
0xbe: {  	s0 =	sor.u32 s3, s0;
	s1 =	sshll.u32 s1, $0x11  }
0xbf: {  	s0 =	sor.u32 s1, s0  }
0xc0: {  	s0 =	sadd.s32 $0x8F2B, s0  }
0xc1: {  	[sflag:s0] =	ssyncadd.remote.s32 $0x1  }
0xc2: {  	_ =	sfence.sel $0xFFFF  }
0xc3: {  	[dreg:$0x0] =	wrdreg $0xFFFFFFFF;
	(pc) =	sbr.abs _section_cstart, $3  }
0xc4: {  	[dreg:$0x1] =	wrdreg $0xFFFFFFFF  }
0xc5: {  	_ =	task.clear_ibuf [dreg:s8], $0x2FFFF;
	_ =	strace $0x9FFFFFFF  }
0xc6: {  	(tm) =	ssettm $0x7FFFFFFF  }
0xc7: {  	_ =	shalt  }
tec
execute0_lowered:
.L_overlay_start_1:
0x0: {  	(tag) =	ssettag $0x1  }
0x1: {  	s1 =	rddreg [dreg:$0x0]  }
0x2: {  	s0 =	rddreg [dreg:$0x1]  }
0x3: {  	s2 =	rddreg [dreg:$0x2]  }
0x4: {  	s3 =	rddreg [dreg:$0x3]  }
0x5: {  	s4 =	rddreg [dreg:$0x4];
	s16 =	stileid.u32;
	s5 =	simm.s32 $0x0  }
0x6: {  	s6 =	srdreg.scid;
	s28 =	simm.s32 $0x2;
	s29 =	simm.s32 $0x3  }
0x7: {  	s30 =	simm.s32 $0x4;
	s31 =	simm.s32 $0x0;
	s8 =	smul.u32 $0x2780, s16  }
0x8: {  	[smem:$0x7FF] =	sst s5;
	s9 =	smul.u32 $0x280, s16;
	s10 =	sand.u32 $0x1, s6  }
0x9: {  	s6 =	sadd.s32 $0x3400, s0;
	s7 =	sadd.s32 $0xD400, s0;
	s17 =	smul.u32 $0x4F000, s16  }
0xa: {  	s14 =	sadd.s32 $0x3F200, s0;
	s21 =	sshll.u32 s16, $0x6;
	_ =	strace $0x80000047  }
0xb: {  	s11 =	smul.u32 $0x27800, s10;
	[dreg:$0x7] =	wrdreg s14;
	s18 =	ssub.s32 $0x2, s10  }
0xc: {  	s15 =	sshll.u32 s10, $0x4;
	s22 =	smul.u32 $0x2800, s10;
	s10 =	sor.u32 $0x1C05, s21  }
0xd: {  	s21 =	simm.s32 $0x13E80;
	s12 =	sadd.s32 s8, s0;
	s13 =	sshrl.u32 s9, $0x3  }
0xe: {  	s19 =	sshrl.u32 s18, $0x1;
	s20 =	sor.u32 s16, s15;
	s13 =	sadd.s32 s13, s0  }
0xf: {  	s8 =	sadd.s32 s8, s11;
	s11 =	sshrl.u32 s17, $0x2;
	s23 =	smul.u32 $0x500, s20  }
0x10: {  	s12 =	sadd.s32 $0x17400, s12;
	s14 =	smul.u32 $0xA, s20;
	s20 =	simm.s32 $0x1CE80  }
0x11: {  	s0 =	sadd.s32 s8, s0;
	s8 =	ssub.s32 s18, s19;
	s11 =	sadd.s32 s11, s3  }
0x12: {  	[dreg:$0x8] =	wrdreg s12;
	s19 =	sadd.s32 s9, s4;
	s24 =	sadd.s32 $0x3EC00, s13  }
0x13: {  	s9 =	sadd.s32 s9, s22;
	s18 =	simm.s32 $0x5;
	[dreg:$0x9] =	wrdreg s24  }
0x14: {  	s25 =	sadd.s32 s6, s23;
	s26 =	sadd.s32 s7, s23;
	s9 =	sshrl.u32 s9, $0x3  }
0x15: {  	[dreg:$0x6] =	wrdreg s14;
	s14 =	sadd.s32 $0x3F400, s0;
	s16 =	smax.u32 s8, $0x1  }
0x16: {  	s17 =	sshrl.u32 s11, $0x3;
	s19 =	sshrl.u32 s19, $0x3;
	[dreg:$0xa] =	wrdreg s25  }
0x17: {  	s23 =	simm.s32 $0x7D;
	s24 =	simm.s32 $0x14E80;
	[dreg:$0xb] =	wrdreg s26  }
0x18: {  	s15 =	sadd.s32 s2, s9;
	s25 =	simm.s32 $0x1;
	s26 =	simm.s32 $0x18E80  }
.LBB2_1:
0x19: {  	s0 =	rddreg [dreg:$0x8]  }
0x1a: {  	[spmem:s17], [sflag:s10] =	dma.local [hbm:s0], $0x2780  }
0x1b: {  	_ =	swait.ge [sflag:s18], $0x2780  }
0x1c: {  	[sflag:s18] =	ssyncset.done $0x0  }
0x1d: {  	s8 =	rddreg [dreg:$0x9];
	[sflag:s18] =	ssyncadd.s32 $0xFFFFD880  }
0x1e: {  	[spmem:s19], [sflag:s10] =	dma.local [hbm:s8], $0x50  }
0x1f: {  	_ =	swait.ge [sflag:s18], $0x50  }
0x20: {  	[sflag:s18] =	ssyncset.done $0x0  }
0x21: {  	s9 =	rddreg [dreg:$0x7];
	[sflag:s18] =	ssyncadd.s32 $0xFFFFFFB0  }
0x22: {  	[tilespmem:s20], [sflag:$0x5] =	stream.linear.gather [hbm4b:s9+s5], $0x80, $0x38;
	[tilespmem:$0x1CF00] =	vst v63  }
0x23: {  	_ =	swait.ge [sflag:s18], $0x80  }
0x24: {  	[sflag:s18] =	ssyncset.done $0x0  }
0x25: {  	[sflag:s18] =	ssyncadd.s32 $0xFFFFFF80  }
0x26: {  	[bflag:$0x0] =	sbarrier.arrive $0xFFFF  }
0x27: {  	s11 =	rddreg [dreg:$0xa]  }
0x28: {  	[tilespmem:s21], [sflag:$0x5] =	stream.linear.gather [hbm4b:s11+s5], $0x400, $0x38;
	[tilespmem:$0x1CF00] =	vst v63  }
0x29: {  	_ =	swait.ge [sflag:s18], $0x400  }
0x2a: {  	[sflag:s18] =	ssyncset.done $0x0  }
0x2b: {  	s2 =	simm.s32 $0x14680;
	s12 =	rddreg [dreg:$0xb];
	[sflag:s18] =	ssyncadd.s32 $0xFFFFFC00  }
0x2c: {  	[tilespmem:s2], [sflag:$0x5] =	stream.linear.gather [hbm4b:s12+s5], $0x400, $0x38;
	[tilespmem:$0x1CF00] =	vst v63  }
0x2d: {  	_ =	swait.ge [sflag:s18], $0x400  }
0x2e: {  	s8 =	smin.u32 s25, $0x9;
	[sflag:s18] =	ssyncset.done $0x0;
	s13 =	rddreg [dreg:$0x6]  }
0x2f: {  	s0 =	sand.u32 $0x400, s5;
	[sflag:s18] =	ssyncadd.s32 $0xFFFFFC00;
	s2 =	sadd.s32 s13, s8  }
0x30: {  	[tilespmem:s24], [sflag:$0x1] =	stream.indirect.gather [hbm4b:s1+s23], $0x80, s21, s23, $0xb8;
	[tilespmem:$0x1CF00] =	vst v63  }
0x31: {  	s22 =	sxor.u32 $0x400, s0;
	s9 =	sshll.u32 s2, $0x7  }
0x32: {  	s2 =	sadd.s32 $0x13E80, s22;
	s11 =	sadd.s32 s6, s9  }
0x33: {  	[tilespmem:s2], [sflag:$0x3] =	stream.linear.gather [hbm4b:s11+s5], $0x400, $0x38;
	[tilespmem:$0x1CF00] =	vst v63  }
0x34: {  	s8 =	sadd.s32 $0x14680, s22;
	s9 =	sadd.s32 s7, s9  }
0x35: {  	[tilespmem:s8], [sflag:$0x3] =	stream.linear.gather [hbm4b:s9+s5], $0x400, $0x38;
	[tilespmem:$0x1CF00] =	vst v63  }
0x36: {  	_ =	swait.ge [sflag:s25], $0x3E80  }
0x37: {  	[sflag:s25] =	ssyncset.done $0x0  }
0x38: {  	s9 =	sadd.s32 $0x13F00, s0;
	[sflag:s25] =	ssyncadd.s32 $0xFFFFC180  }
0x39: {  	[tilespmem:s26], [sflag:$0x2] =	stream.indirect.gather [hbm4b:s1+s23], $0x80, s9, s23, $0xb8;
	[tilespmem:$0x1CF00] =	vst v63  }
0x3a: {  	s11 =	sadd.s32 $0x14680, s0  }
0x3b: {  	[spmem:s3] =	stream.indirect.scatter.add.f32 [tilespmem:s24], [sflag:$0x5], $0x80, s11, s23, $0xb8;
	[tilespmem:$0x1CF00] =	vst v63  }
0x3c: {  	_ =	swait.ge [sflag:s18], $0x3E80  }
0x3d: {  	[sflag:s18] =	ssyncset.done $0x0  }
0x3e: {  	[sflag:s18] =	ssyncadd.s32 $0xFFFFC180  }
0x3f: {  	[spmem:s4] =	stream.indirect.scatter.add.f32 [tilespmem:s20], [sflag:$0x4], $0x1, s11, s23, $0xb8;
	[tilespmem:$0x1CF00] =	vst v63  }
0x40: {  	_ =	swait.ge [sflag:s28], $0x3E80  }
0x41: {  	[sflag:s28] =	ssyncset.done $0x0  }
0x42: {  	s12 =	sadd.s32 $0x13F80, s0;
	[sflag:s28] =	ssyncadd.s32 $0xFFFFC180  }
0x43: {  	[tilespmem:s24], [sflag:$0x1] =	stream.indirect.gather [hbm4b:s1+s23], $0x80, s12, s23, $0xb8;
	[tilespmem:$0x1CF00] =	vst v63  }
0x44: {  	s13 =	sadd.s32 $0x14700, s0  }
0x45: {  	[spmem:s3] =	stream.indirect.scatter.add.f32 [tilespmem:s26], [sflag:$0x5], $0x80, s13, s23, $0xb8;
	[tilespmem:$0x1CF00] =	vst v63  }
0x46: {  	_ =	swait.ge [sflag:s18], $0x3E80  }
0x47: {  	[sflag:s18] =	ssyncset.done $0x0  }
0x48: {  	[sflag:s18] =	ssyncadd.s32 $0xFFFFC180  }
0x49: {  	[spmem:s4] =	stream.indirect.scatter.add.f32 [tilespmem:s20], [sflag:$0x4], $0x1, s13, s23, $0xb8;
	[tilespmem:$0x1CF00] =	vst v63  }
0x4a: {  	_ =	swait.ge [sflag:s25], $0x3E80  }
0x4b: {  	[sflag:s25] =	ssyncset.done $0x0  }
0x4c: {  	s22 =	sor.u32 $0x14000, s0;
	[sflag:s25] =	ssyncadd.s32 $0xFFFFC180  }
0x4d: {  	[tilespmem:s26], [sflag:$0x2] =	stream.indirect.gather [hbm4b:s1+s23], $0x80, s22, s23, $0xb8;
	[tilespmem:$0x1CF00] =	vst v63  }
0x4e: {  	s9 =	sadd.s32 $0x14780, s0  }
0x4f: {  	[spmem:s3] =	stream.indirect.scatter.add.f32 [tilespmem:s24], [sflag:$0x5], $0x80, s9, s23, $0xb8;
	[tilespmem:$0x1CF00] =	vst v63  }
0x50: {  	_ =	swait.ge [sflag:s18], $0x3E80  }
0x51: {  	[sflag:s18] =	ssyncset.done $0x0  }
0x52: {  	[sflag:s18] =	ssyncadd.s32 $0xFFFFC180  }
0x53: {  	[spmem:s4] =	stream.indirect.scatter.add.f32 [tilespmem:s20], [sflag:$0x4], $0x1, s9, s23, $0xb8;
	[tilespmem:$0x1CF00] =	vst v63  }
0x54: {  	_ =	swait.ge [sflag:s28], $0x3E80  }
0x55: {  	[sflag:s28] =	ssyncset.done $0x0  }
0x56: {  	s11 =	sor.u32 $0x14080, s0;
	[sflag:s28] =	ssyncadd.s32 $0xFFFFC180  }
0x57: {  	[tilespmem:s24], [sflag:$0x1] =	stream.indirect.gather [hbm4b:s1+s23], $0x80, s11, s23, $0xb8;
	[tilespmem:$0x1CF00] =	vst v63  }
0x58: {  	s12 =	sor.u32 $0x14800, s0  }
0x59: {  	[spmem:s3] =	stream.indirect.scatter.add.f32 [tilespmem:s26], [sflag:$0x5], $0x80, s12, s23, $0xb8;
	[tilespmem:$0x1CF00] =	vst v63  }
0x5a: {  	_ =	swait.ge [sflag:s18], $0x3E80  }
0x5b: {  	[sflag:s18] =	ssyncset.done $0x0  }
0x5c: {  	[sflag:s18] =	ssyncadd.s32 $0xFFFFC180  }
0x5d: {  	[spmem:s4] =	stream.indirect.scatter.add.f32 [tilespmem:s20], [sflag:$0x4], $0x1, s12, s23, $0xb8;
	[tilespmem:$0x1CF00] =	vst v63  }
0x5e: {  	_ =	swait.ge [sflag:s25], $0x3E80  }
0x5f: {  	[sflag:s25] =	ssyncset.done $0x0  }
0x60: {  	s13 =	sor.u32 $0x14100, s0;
	[sflag:s25] =	ssyncadd.s32 $0xFFFFC180  }
0x61: {  	[tilespmem:s26], [sflag:$0x2] =	stream.indirect.gather [hbm4b:s1+s23], $0x80, s13, s23, $0xb8;
	[tilespmem:$0x1CF00] =	vst v63  }
0x62: {  	s22 =	sor.u32 $0x14880, s0  }
0x63: {  	[spmem:s3] =	stream.indirect.scatter.add.f32 [tilespmem:s24], [sflag:$0x5], $0x80, s22, s23, $0xb8;
	[tilespmem:$0x1CF00] =	vst v63  }
0x64: {  	_ =	swait.ge [sflag:s18], $0x3E80  }
0x65: {  	[sflag:s18] =	ssyncset.done $0x0  }
0x66: {  	[sflag:s18] =	ssyncadd.s32 $0xFFFFC180  }
0x67: {  	[spmem:s4] =	stream.indirect.scatter.add.f32 [tilespmem:s20], [sflag:$0x4], $0x1, s22, s23, $0xb8;
	[tilespmem:$0x1CF00] =	vst v63  }
0x68: {  	_ =	swait.ge [sflag:s28], $0x3E80  }
0x69: {  	[sflag:s28] =	ssyncset.done $0x0  }
0x6a: {  	s9 =	sor.u32 $0x14180, s0;
	[sflag:s28] =	ssyncadd.s32 $0xFFFFC180  }
0x6b: {  	[tilespmem:s24], [sflag:$0x1] =	stream.indirect.gather [hbm4b:s1+s23], $0x80, s9, s23, $0xb8;
	[tilespmem:$0x1CF00] =	vst v63  }
0x6c: {  	s11 =	sor.u32 $0x14900, s0  }
0x6d: {  	[spmem:s3] =	stream.indirect.scatter.add.f32 [tilespmem:s26], [sflag:$0x5], $0x80, s11, s23, $0xb8;
	[tilespmem:$0x1CF00] =	vst v63  }
0x6e: {  	_ =	swait.ge [sflag:s18], $0x3E80  }
0x6f: {  	[sflag:s18] =	ssyncset.done $0x0  }
0x70: {  	[sflag:s18] =	ssyncadd.s32 $0xFFFFC180  }
0x71: {  	[spmem:s4] =	stream.indirect.scatter.add.f32 [tilespmem:s20], [sflag:$0x4], $0x1, s11, s23, $0xb8;
	[tilespmem:$0x1CF00] =	vst v63  }
0x72: {  	_ =	swait.ge [sflag:s25], $0x3E80  }
0x73: {  	[sflag:s25] =	ssyncset.done $0x0  }
0x74: {  	s12 =	sor.u32 $0x14200, s0;
	[sflag:s25] =	ssyncadd.s32 $0xFFFFC180  }
0x75: {  	[tilespmem:s26], [sflag:$0x2] =	stream.indirect.gather [hbm4b:s1+s23], $0x80, s12, s23, $0xb8;
	[tilespmem:$0x1CF00] =	vst v63  }
0x76: {  	s13 =	sor.u32 $0x14980, s0  }
0x77: {  	[spmem:s3] =	stream.indirect.scatter.add.f32 [tilespmem:s24], [sflag:$0x5], $0x80, s13, s23, $0xb8;
	[tilespmem:$0x1CF00] =	vst v63  }
0x78: {  	_ =	swait.ge [sflag:s18], $0x3E80  }
0x79: {  	[sflag:s18] =	ssyncset.done $0x0  }
0x7a: {  	[sflag:s18] =	ssyncadd.s32 $0xFFFFC180  }
0x7b: {  	[spmem:s4] =	stream.indirect.scatter.add.f32 [tilespmem:s20], [sflag:$0x4], $0x1, s13, s23, $0xb8;
	[tilespmem:$0x1CF00] =	vst v63  }
0x7c: {  	_ =	swait.ge [sflag:s28], $0x3E80  }
0x7d: {  	[sflag:s28] =	ssyncset.done $0x0  }
0x7e: {  	[sflag:s28] =	ssyncadd.s32 $0xFFFFC180  }
0x7f: {  	_ =	swait.ge [sflag:s29], $0x400  }
0x80: {  	[sflag:s29] =	ssyncset.done $0x0  }
0x81: {  	[sflag:s29] =	ssyncadd.s32 $0xFFFFFC00  }
0x82: {  	_ =	swait.ge [sflag:s29], $0x400  }
0x83: {  	[sflag:s29] =	ssyncset.done $0x0  }
0x84: {  	[sflag:s29] =	ssyncadd.s32 $0xFFFFFC00  }
0x85: {  	[tilespmem:s24], [sflag:$0x1] =	stream.indirect.gather [hbm4b:s1+s23], $0x80, s2, s23, $0xb8;
	[tilespmem:$0x1CF00] =	vst v63  }
0x86: {  	s8 =	sor.u32 $0x14A00, s0  }
0x87: {  	[spmem:s3] =	stream.indirect.scatter.add.f32 [tilespmem:s26], [sflag:$0x5], $0x80, s8, s23, $0xb8;
	[tilespmem:$0x1CF00] =	vst v63  }
0x88: {  	s22 =	simm.s32 $0x2;
	_ =	swait.ge [sflag:s18], $0x3E80  }
0x89: {  	s0 =	smin.u32 s22, $0x9;
	s9 =	simm.s32 $0x3;
	[sflag:s18] =	ssyncset.done $0x0  }
0x8a: {  	s2 =	simm.s32 $0x400;
	s11 =	rddreg [dreg:$0x6];
	[sflag:s18] =	ssyncadd.s32 $0xFFFFC180  }
.LBB2_2:
0x8b: {  	[spmem:s4] =	stream.indirect.scatter.add.f32 [tilespmem:s20], [sflag:$0x4], $0x1, s8, s23, $0xb8;
	[tilespmem:$0x1CF00] =	vst v63  }
0x8c: {  	s22 =	smov.u32 s9  }
0x8d: {  	s8 =	sand.u32 $0x400, s2;
	s11 =	sadd.s32 s11, s0;
	s0 =	smin.u32 s9, $0x9  }
0x8e: {  	p0 =	sne.s32 s9, $0xA;
	s12 =	sxor.u32 $0x400, s8;
	s11 =	sshll.u32 s11, $0x7  }
0x8f: {  	s22 =	sadd.s32 $0x1, s9;
	s9 =	sadd.s32 $0x13E80, s12;
	s13 =	sadd.s32 s6, s11  }
0x90: {  	[tilespmem:s9], [sflag:$0x3] =	stream.linear.gather [hbm4b:s13+s5], $0x400, $0x38;
	[tilespmem:$0x1CF00] =	vst v63  }
0x91: {  	s12 =	sadd.s32 $0x14680, s12;
	s11 =	sadd.s32 s7, s11  }
0x92: {  	[tilespmem:s12], [sflag:$0x3] =	stream.linear.gather [hbm4b:s11+s5], $0x400, $0x38;
	[tilespmem:$0x1CF00] =	vst v63  }
0x93: {  	_ =	swait.ge [sflag:s25], $0x3E80  }
0x94: {  	[sflag:s25] =	ssyncset.done $0x0  }
0x95: {  	s12 =	sadd.s32 $0x13F00, s8;
	[sflag:s25] =	ssyncadd.s32 $0xFFFFC180  }
0x96: {  	[tilespmem:s26], [sflag:$0x2] =	stream.indirect.gather [hbm4b:s1+s23], $0x80, s12, s23, $0xb8;
	[tilespmem:$0x1CF00] =	vst v63  }
0x97: {  	s13 =	sadd.s32 $0x14680, s8  }
0x98: {  	[spmem:s3] =	stream.indirect.scatter.add.f32 [tilespmem:s24], [sflag:$0x5], $0x80, s13, s23, $0xb8;
	[tilespmem:$0x1CF00] =	vst v63  }
0x99: {  	_ =	swait.ge [sflag:s18], $0x3E80  }
0x9a: {  	[sflag:s18] =	ssyncset.done $0x0  }
0x9b: {  	[sflag:s18] =	ssyncadd.s32 $0xFFFFC180  }
0x9c: {  	[spmem:s4] =	stream.indirect.scatter.add.f32 [tilespmem:s20], [sflag:$0x4], $0x1, s13, s23, $0xb8;
	[tilespmem:$0x1CF00] =	vst v63  }
0x9d: {  	_ =	swait.ge [sflag:s28], $0x3E80  }
0x9e: {  	[sflag:s28] =	ssyncset.done $0x0  }
0x9f: {  	s12 =	sadd.s32 $0x13F80, s8;
	[sflag:s28] =	ssyncadd.s32 $0xFFFFC180  }
0xa0: {  	[tilespmem:s24], [sflag:$0x1] =	stream.indirect.gather [hbm4b:s1+s23], $0x80, s12, s23, $0xb8;
	[tilespmem:$0x1CF00] =	vst v63  }
0xa1: {  	s13 =	sadd.s32 $0x14700, s8  }
0xa2: {  	[spmem:s3] =	stream.indirect.scatter.add.f32 [tilespmem:s26], [sflag:$0x5], $0x80, s13, s23, $0xb8;
	[tilespmem:$0x1CF00] =	vst v63  }
0xa3: {  	_ =	swait.ge [sflag:s18], $0x3E80  }
0xa4: {  	[sflag:s18] =	ssyncset.done $0x0  }
0xa5: {  	[sflag:s18] =	ssyncadd.s32 $0xFFFFC180  }
0xa6: {  	[spmem:s4] =	stream.indirect.scatter.add.f32 [tilespmem:s20], [sflag:$0x4], $0x1, s13, s23, $0xb8;
	[tilespmem:$0x1CF00] =	vst v63  }
0xa7: {  	_ =	swait.ge [sflag:s25], $0x3E80  }
0xa8: {  	[sflag:s25] =	ssyncset.done $0x0  }
0xa9: {  	s12 =	sor.u32 $0x14000, s8;
	[sflag:s25] =	ssyncadd.s32 $0xFFFFC180  }
0xaa: {  	[tilespmem:s26], [sflag:$0x2] =	stream.indirect.gather [hbm4b:s1+s23], $0x80, s12, s23, $0xb8;
	[tilespmem:$0x1CF00] =	vst v63  }
0xab: {  	s13 =	sadd.s32 $0x14780, s8  }
0xac: {  	[spmem:s3] =	stream.indirect.scatter.add.f32 [tilespmem:s24], [sflag:$0x5], $0x80, s13, s23, $0xb8;
	[tilespmem:$0x1CF00] =	vst v63  }
0xad: {  	_ =	swait.ge [sflag:s18], $0x3E80  }
0xae: {  	[sflag:s18] =	ssyncset.done $0x0  }
0xaf: {  	[sflag:s18] =	ssyncadd.s32 $0xFFFFC180  }
0xb0: {  	[spmem:s4] =	stream.indirect.scatter.add.f32 [tilespmem:s20], [sflag:$0x4], $0x1, s13, s23, $0xb8;
	[tilespmem:$0x1CF00] =	vst v63  }
0xb1: {  	_ =	swait.ge [sflag:s28], $0x3E80  }
0xb2: {  	[sflag:s28] =	ssyncset.done $0x0  }
0xb3: {  	s12 =	sor.u32 $0x14080, s8;
	[sflag:s28] =	ssyncadd.s32 $0xFFFFC180  }
0xb4: {  	[tilespmem:s24], [sflag:$0x1] =	stream.indirect.gather [hbm4b:s1+s23], $0x80, s12, s23, $0xb8;
	[tilespmem:$0x1CF00] =	vst v63  }
0xb5: {  	s13 =	sor.u32 $0x14800, s8  }
0xb6: {  	[spmem:s3] =	stream.indirect.scatter.add.f32 [tilespmem:s26], [sflag:$0x5], $0x80, s13, s23, $0xb8;
	[tilespmem:$0x1CF00] =	vst v63  }
0xb7: {  	_ =	swait.ge [sflag:s18], $0x3E80  }
0xb8: {  	[sflag:s18] =	ssyncset.done $0x0  }
0xb9: {  	[sflag:s18] =	ssyncadd.s32 $0xFFFFC180  }
0xba: {  	[spmem:s4] =	stream.indirect.scatter.add.f32 [tilespmem:s20], [sflag:$0x4], $0x1, s13, s23, $0xb8;
	[tilespmem:$0x1CF00] =	vst v63  }
0xbb: {  	_ =	swait.ge [sflag:s25], $0x3E80  }
0xbc: {  	[sflag:s25] =	ssyncset.done $0x0  }
0xbd: {  	s12 =	sor.u32 $0x14100, s8;
	[sflag:s25] =	ssyncadd.s32 $0xFFFFC180  }
0xbe: {  	[tilespmem:s26], [sflag:$0x2] =	stream.indirect.gather [hbm4b:s1+s23], $0x80, s12, s23, $0xb8;
	[tilespmem:$0x1CF00] =	vst v63  }
0xbf: {  	s13 =	sor.u32 $0x14880, s8  }
0xc0: {  	[spmem:s3] =	stream.indirect.scatter.add.f32 [tilespmem:s24], [sflag:$0x5], $0x80, s13, s23, $0xb8;
	[tilespmem:$0x1CF00] =	vst v63  }
0xc1: {  	_ =	swait.ge [sflag:s18], $0x3E80  }
0xc2: {  	[sflag:s18] =	ssyncset.done $0x0  }
0xc3: {  	[sflag:s18] =	ssyncadd.s32 $0xFFFFC180  }
0xc4: {  	[spmem:s4] =	stream.indirect.scatter.add.f32 [tilespmem:s20], [sflag:$0x4], $0x1, s13, s23, $0xb8;
	[tilespmem:$0x1CF00] =	vst v63  }
0xc5: {  	_ =	swait.ge [sflag:s28], $0x3E80  }
0xc6: {  	[sflag:s28] =	ssyncset.done $0x0  }
0xc7: {  	s12 =	sor.u32 $0x14180, s8;
	[sflag:s28] =	ssyncadd.s32 $0xFFFFC180  }
0xc8: {  	[tilespmem:s24], [sflag:$0x1] =	stream.indirect.gather [hbm4b:s1+s23], $0x80, s12, s23, $0xb8;
	[tilespmem:$0x1CF00] =	vst v63  }
0xc9: {  	s13 =	sor.u32 $0x14900, s8  }
0xca: {  	[spmem:s3] =	stream.indirect.scatter.add.f32 [tilespmem:s26], [sflag:$0x5], $0x80, s13, s23, $0xb8;
	[tilespmem:$0x1CF00] =	vst v63  }
0xcb: {  	_ =	swait.ge [sflag:s18], $0x3E80  }
0xcc: {  	[sflag:s18] =	ssyncset.done $0x0  }
0xcd: {  	[sflag:s18] =	ssyncadd.s32 $0xFFFFC180  }
0xce: {  	[spmem:s4] =	stream.indirect.scatter.add.f32 [tilespmem:s20], [sflag:$0x4], $0x1, s13, s23, $0xb8;
	[tilespmem:$0x1CF00] =	vst v63  }
0xcf: {  	_ =	swait.ge [sflag:s25], $0x3E80  }
0xd0: {  	[sflag:s25] =	ssyncset.done $0x0  }
0xd1: {  	s12 =	sor.u32 $0x14200, s8;
	[sflag:s25] =	ssyncadd.s32 $0xFFFFC180  }
0xd2: {  	[tilespmem:s26], [sflag:$0x2] =	stream.indirect.gather [hbm4b:s1+s23], $0x80, s12, s23, $0xb8;
	[tilespmem:$0x1CF00] =	vst v63  }
0xd3: {  	s13 =	sor.u32 $0x14980, s8  }
0xd4: {  	[spmem:s3] =	stream.indirect.scatter.add.f32 [tilespmem:s24], [sflag:$0x5], $0x80, s13, s23, $0xb8;
	[tilespmem:$0x1CF00] =	vst v63  }
0xd5: {  	_ =	swait.ge [sflag:s18], $0x3E80  }
0xd6: {  	[sflag:s18] =	ssyncset.done $0x0  }
0xd7: {  	[sflag:s18] =	ssyncadd.s32 $0xFFFFC180  }
0xd8: {  	[spmem:s4] =	stream.indirect.scatter.add.f32 [tilespmem:s20], [sflag:$0x4], $0x1, s13, s23, $0xb8;
	[tilespmem:$0x1CF00] =	vst v63  }
0xd9: {  	_ =	swait.ge [sflag:s28], $0x3E80  }
0xda: {  	[sflag:s28] =	ssyncset.done $0x0  }
0xdb: {  	[sflag:s28] =	ssyncadd.s32 $0xFFFFC180  }
0xdc: {  	_ =	swait.ge [sflag:s29], $0x400  }
0xdd: {  	[sflag:s29] =	ssyncset.done $0x0  }
0xde: {  	[sflag:s29] =	ssyncadd.s32 $0xFFFFFC00  }
0xdf: {  	_ =	swait.ge [sflag:s29], $0x400  }
0xe0: {  	[sflag:s29] =	ssyncset.done $0x0  }
0xe1: {  	[sflag:s29] =	ssyncadd.s32 $0xFFFFFC00  }
0xe2: {  	[tilespmem:s24], [sflag:$0x1] =	stream.indirect.gather [hbm4b:s1+s23], $0x80, s9, s23, $0xb8;
	[tilespmem:$0x1CF00] =	vst v63  }
.Ltmp0:
0xe3: {  	s8 =	sor.u32 $0x14A00, s8;
	(pc) =	sbr.rel @p0 .LBB2_2-.Ltmp0, $4  }
0xe4: {  	[spmem:s3] =	stream.indirect.scatter.add.f32 [tilespmem:s26], [sflag:$0x5], $0x80, s8, s23, $0xb8;
	[tilespmem:$0x1CF00] =	vst v63  }
0xe5: {  	_ =	swait.ge [sflag:s18], $0x3E80  }
0xe6: {  	s2 =	sadd.s32 $0x400, s2;
	[sflag:s18] =	ssyncset.done $0x0  }
0xe7: {  	s9 =	smov.u32 s22;
	s11 =	rddreg [dreg:$0x6];
	[sflag:s18] =	ssyncadd.s32 $0xFFFFC180  }
0xe8: {  	[spmem:s4] =	stream.indirect.scatter.add.f32 [tilespmem:s20], [sflag:$0x4], $0x1, s8, s23, $0xb8;
	[tilespmem:$0x1CF00] =	vst v63  }
0xe9: {  	s2 =	sand.u32 $0x400, s2;
	s0 =	sadd.s32 s11, s0  }
0xea: {  	s13 =	sxor.u32 $0x400, s2;
	s9 =	sshll.u32 s0, $0x7  }
0xeb: {  	s0 =	sadd.s32 $0x13E80, s13;
	s22 =	sadd.s32 s6, s9  }
0xec: {  	[tilespmem:s0], [sflag:$0x3] =	stream.linear.gather [hbm4b:s22+s5], $0x400, $0x38;
	[tilespmem:$0x1CF00] =	vst v63  }
0xed: {  	s8 =	sadd.s32 $0x14680, s13;
	s9 =	sadd.s32 s7, s9  }
0xee: {  	[tilespmem:s8], [sflag:$0x3] =	stream.linear.gather [hbm4b:s9+s5], $0x400, $0x38;
	[tilespmem:$0x1CF00] =	vst v63  }
0xef: {  	_ =	swait.ge [sflag:s25], $0x3E80  }
0xf0: {  	[sflag:s25] =	ssyncset.done $0x0  }
0xf1: {  	s9 =	sadd.s32 $0x13F00, s2;
	[sflag:s25] =	ssyncadd.s32 $0xFFFFC180  }
0xf2: {  	[tilespmem:s26], [sflag:$0x2] =	stream.indirect.gather [hbm4b:s1+s23], $0x80, s9, s23, $0xb8;
	[tilespmem:$0x1CF00] =	vst v63  }
0xf3: {  	s11 =	sadd.s32 $0x14680, s2  }
0xf4: {  	[spmem:s3] =	stream.indirect.scatter.add.f32 [tilespmem:s24], [sflag:$0x5], $0x80, s11, s23, $0xb8;
	[tilespmem:$0x1CF00] =	vst v63  }
0xf5: {  	_ =	swait.ge [sflag:s18], $0x3E80  }
0xf6: {  	[sflag:s18] =	ssyncset.done $0x0  }
0xf7: {  	[sflag:s18] =	ssyncadd.s32 $0xFFFFC180  }
0xf8: {  	[spmem:s4] =	stream.indirect.scatter.add.f32 [tilespmem:s20], [sflag:$0x4], $0x1, s11, s23, $0xb8;
	[tilespmem:$0x1CF00] =	vst v63  }
0xf9: {  	_ =	swait.ge [sflag:s28], $0x3E80  }
0xfa: {  	[sflag:s28] =	ssyncset.done $0x0  }
0xfb: {  	s12 =	sadd.s32 $0x13F80, s2;
	[sflag:s28] =	ssyncadd.s32 $0xFFFFC180  }
0xfc: {  	[tilespmem:s24], [sflag:$0x1] =	stream.indirect.gather [hbm4b:s1+s23], $0x80, s12, s23, $0xb8;
	[tilespmem:$0x1CF00] =	vst v63  }
0xfd: {  	s13 =	sadd.s32 $0x14700, s2  }
0xfe: {  	[spmem:s3] =	stream.indirect.scatter.add.f32 [tilespmem:s26], [sflag:$0x5], $0x80, s13, s23, $0xb8;
	[tilespmem:$0x1CF00] =	vst v63  }
0xff: {  	_ =	swait.ge [sflag:s18], $0x3E80  }
0x100: {  	[sflag:s18] =	ssyncset.done $0x0  }
0x101: {  	[sflag:s18] =	ssyncadd.s32 $0xFFFFC180  }
0x102: {  	[spmem:s4] =	stream.indirect.scatter.add.f32 [tilespmem:s20], [sflag:$0x4], $0x1, s13, s23, $0xb8;
	[tilespmem:$0x1CF00] =	vst v63  }
0x103: {  	_ =	swait.ge [sflag:s25], $0x3E80  }
0x104: {  	[sflag:s25] =	ssyncset.done $0x0  }
0x105: {  	s22 =	sor.u32 $0x14000, s2;
	[sflag:s25] =	ssyncadd.s32 $0xFFFFC180  }
0x106: {  	[tilespmem:s26], [sflag:$0x2] =	stream.indirect.gather [hbm4b:s1+s23], $0x80, s22, s23, $0xb8;
	[tilespmem:$0x1CF00] =	vst v63  }
0x107: {  	s9 =	sadd.s32 $0x14780, s2  }
0x108: {  	[spmem:s3] =	stream.indirect.scatter.add.f32 [tilespmem:s24], [sflag:$0x5], $0x80, s9, s23, $0xb8;
	[tilespmem:$0x1CF00] =	vst v63  }
0x109: {  	_ =	swait.ge [sflag:s18], $0x3E80  }
0x10a: {  	[sflag:s18] =	ssyncset.done $0x0  }
0x10b: {  	[sflag:s18] =	ssyncadd.s32 $0xFFFFC180  }
0x10c: {  	[spmem:s4] =	stream.indirect.scatter.add.f32 [tilespmem:s20], [sflag:$0x4], $0x1, s9, s23, $0xb8;
	[tilespmem:$0x1CF00] =	vst v63  }
0x10d: {  	_ =	swait.ge [sflag:s28], $0x3E80  }
0x10e: {  	[sflag:s28] =	ssyncset.done $0x0  }
0x10f: {  	s11 =	sor.u32 $0x14080, s2;
	[sflag:s28] =	ssyncadd.s32 $0xFFFFC180  }
0x110: {  	[tilespmem:s24], [sflag:$0x1] =	stream.indirect.gather [hbm4b:s1+s23], $0x80, s11, s23, $0xb8;
	[tilespmem:$0x1CF00] =	vst v63  }
0x111: {  	s12 =	sor.u32 $0x14800, s2  }
0x112: {  	[spmem:s3] =	stream.indirect.scatter.add.f32 [tilespmem:s26], [sflag:$0x5], $0x80, s12, s23, $0xb8;
	[tilespmem:$0x1CF00] =	vst v63  }
0x113: {  	_ =	swait.ge [sflag:s18], $0x3E80  }
0x114: {  	[sflag:s18] =	ssyncset.done $0x0  }
0x115: {  	[sflag:s18] =	ssyncadd.s32 $0xFFFFC180  }
0x116: {  	[spmem:s4] =	stream.indirect.scatter.add.f32 [tilespmem:s20], [sflag:$0x4], $0x1, s12, s23, $0xb8;
	[tilespmem:$0x1CF00] =	vst v63  }
0x117: {  	_ =	swait.ge [sflag:s25], $0x3E80  }
0x118: {  	[sflag:s25] =	ssyncset.done $0x0  }
0x119: {  	s13 =	sor.u32 $0x14100, s2;
	[sflag:s25] =	ssyncadd.s32 $0xFFFFC180  }
0x11a: {  	[tilespmem:s26], [sflag:$0x2] =	stream.indirect.gather [hbm4b:s1+s23], $0x80, s13, s23, $0xb8;
	[tilespmem:$0x1CF00] =	vst v63  }
0x11b: {  	s22 =	sor.u32 $0x14880, s2  }
0x11c: {  	[spmem:s3] =	stream.indirect.scatter.add.f32 [tilespmem:s24], [sflag:$0x5], $0x80, s22, s23, $0xb8;
	[tilespmem:$0x1CF00] =	vst v63  }
0x11d: {  	_ =	swait.ge [sflag:s18], $0x3E80  }
0x11e: {  	[sflag:s18] =	ssyncset.done $0x0  }
0x11f: {  	[sflag:s18] =	ssyncadd.s32 $0xFFFFC180  }
0x120: {  	[spmem:s4] =	stream.indirect.scatter.add.f32 [tilespmem:s20], [sflag:$0x4], $0x1, s22, s23, $0xb8;
	[tilespmem:$0x1CF00] =	vst v63  }
0x121: {  	_ =	swait.ge [sflag:s28], $0x3E80  }
0x122: {  	[sflag:s28] =	ssyncset.done $0x0  }
0x123: {  	s9 =	sor.u32 $0x14180, s2;
	[sflag:s28] =	ssyncadd.s32 $0xFFFFC180  }
0x124: {  	[tilespmem:s24], [sflag:$0x1] =	stream.indirect.gather [hbm4b:s1+s23], $0x80, s9, s23, $0xb8;
	[tilespmem:$0x1CF00] =	vst v63  }
0x125: {  	s11 =	sor.u32 $0x14900, s2  }
0x126: {  	[spmem:s3] =	stream.indirect.scatter.add.f32 [tilespmem:s26], [sflag:$0x5], $0x80, s11, s23, $0xb8;
	[tilespmem:$0x1CF00] =	vst v63  }
0x127: {  	_ =	swait.ge [sflag:s18], $0x3E80  }
0x128: {  	[sflag:s18] =	ssyncset.done $0x0  }
0x129: {  	[sflag:s18] =	ssyncadd.s32 $0xFFFFC180  }
0x12a: {  	[spmem:s4] =	stream.indirect.scatter.add.f32 [tilespmem:s20], [sflag:$0x4], $0x1, s11, s23, $0xb8;
	[tilespmem:$0x1CF00] =	vst v63  }
0x12b: {  	_ =	swait.ge [sflag:s25], $0x3E80  }
0x12c: {  	[sflag:s25] =	ssyncset.done $0x0  }
0x12d: {  	s12 =	sor.u32 $0x14200, s2;
	[sflag:s25] =	ssyncadd.s32 $0xFFFFC180  }
0x12e: {  	[tilespmem:s26], [sflag:$0x2] =	stream.indirect.gather [hbm4b:s1+s23], $0x80, s12, s23, $0xb8;
	[tilespmem:$0x1CF00] =	vst v63  }
0x12f: {  	s13 =	sor.u32 $0x14980, s2  }
0x130: {  	[spmem:s3] =	stream.indirect.scatter.add.f32 [tilespmem:s24], [sflag:$0x5], $0x80, s13, s23, $0xb8;
	[tilespmem:$0x1CF00] =	vst v63  }
0x131: {  	_ =	swait.ge [sflag:s18], $0x3E80  }
0x132: {  	[sflag:s18] =	ssyncset.done $0x0  }
0x133: {  	[sflag:s18] =	ssyncadd.s32 $0xFFFFC180  }
0x134: {  	[spmem:s4] =	stream.indirect.scatter.add.f32 [tilespmem:s20], [sflag:$0x4], $0x1, s13, s23, $0xb8;
	[tilespmem:$0x1CF00] =	vst v63  }
0x135: {  	_ =	swait.ge [sflag:s28], $0x3E80  }
0x136: {  	[sflag:s28] =	ssyncset.done $0x0  }
0x137: {  	[sflag:s28] =	ssyncadd.s32 $0xFFFFC180  }
0x138: {  	_ =	swait.ge [sflag:s29], $0x400  }
0x139: {  	[sflag:s29] =	ssyncset.done $0x0  }
0x13a: {  	[sflag:s29] =	ssyncadd.s32 $0xFFFFFC00  }
0x13b: {  	_ =	swait.ge [sflag:s29], $0x400  }
0x13c: {  	[sflag:s29] =	ssyncset.done $0x0  }
0x13d: {  	[sflag:s29] =	ssyncadd.s32 $0xFFFFFC00  }
0x13e: {  	[tilespmem:s24], [sflag:$0x1] =	stream.indirect.gather [hbm4b:s1+s23], $0x80, s0, s23, $0xb8;
	[tilespmem:$0x1CF00] =	vst v63  }
0x13f: {  	s22 =	sor.u32 $0x14A00, s2  }
0x140: {  	[spmem:s3] =	stream.indirect.scatter.add.f32 [tilespmem:s26], [sflag:$0x5], $0x80, s22, s23, $0xb8;
	[tilespmem:$0x1CF00] =	vst v63  }
0x141: {  	_ =	swait.ge [sflag:s18], $0x3E80  }
0x142: {  	[sflag:s18] =	ssyncset.done $0x0  }
0x143: {  	[sflag:s18] =	ssyncadd.s32 $0xFFFFC180  }
0x144: {  	[spmem:s4] =	stream.indirect.scatter.add.f32 [tilespmem:s20], [sflag:$0x4], $0x1, s22, s23, $0xb8;
	[tilespmem:$0x1CF00] =	vst v63  }
0x145: {  	_ =	swait.ge [sflag:s25], $0x3E80  }
0x146: {  	[sflag:s25] =	ssyncset.done $0x0  }
0x147: {  	[sflag:s25] =	ssyncadd.s32 $0xFFFFC180  }
0x148: {  	_ =	swait.ge [sflag:s30], $0x7D  }
0x149: {  	s0 =	simm.s32 $0x4F;
	[sflag:s30] =	ssyncset.done $0x0  }
.LBB2_4:
0x14a: {  	p0 =	sne.s32 s0, $0x1;
	s0 =	sadd.s32 $0xFFFFFFFF, s0;
	[sflag:s30] =	ssyncadd.s32 $0xFFFFFF83  }
.Ltmp1:
0x14b: {  	(pc) =	sbr.rel @p0 .LBB2_4-.Ltmp1, $3  }
0x14c: {  	_ =	sdelay $0x1  }
0x14d: {  	_ =	swait.ge [sflag:s30], $0x7D  }
0x14e: {  	[sflag:s30] =	ssyncset.done $0x0  }
0x14f: {  	[sflag:s30] =	ssyncadd.s32 $0xFFFFFF83  }
0x150: {  	[bflag:$0x0] =	sbarrier.arrive $0xFFFF  }
0x151: {  	[hbm:s14], [sflag:s10] =	dma.local [spmem:s17], $0x2780  }
0x152: {  	s31 =	sadd.s32 $0x1, s31;
	_ =	swait.ge [sflag:s18], $0x2780  }
0x153: {  	p0 =	sne.s32 s31, s16;
	[sflag:s18] =	ssyncset.done $0x0  }
.Ltmp2:
0x154: {  	[sflag:s18] =	ssyncadd.s32 $0xFFFFD880;
	(pc) =	sbr.rel @p0 .LBB2_1-.Ltmp2, $4  }
0x155: {  	[hbm:s15], [sflag:s10] =	dma.local [spmem:s19], $0x50  }
0x156: {  	_ =	swait.ge [sflag:s18], $0x50  }
0x157: {  	[sflag:s18] =	ssyncset.done $0x0  }
0x158: {  	[sflag:s18] =	ssyncadd.s32 $0xFFFFFFB0  }
0x159: {  	_ =	sfence.sel $0x180000  }
0x15a: {  	[bflag:$0x0] =	sbarrier.arrive $0xFFFF  }
0x15b: {  	_ =	strace $0x90000047  }
0x15c: {  	s0 =	stileid.u32;
	[bflag:$0x2] =	sbarrier.arrive $0xFFFF  }
0x15d: {  	p0 =	sne.s32 s0, $0x0;
	s0 =	rddreg [dreg:$0x5]  }
0x15e: {  	s0 =	sadd.s32 @!p0 $0x100000, s0  }
0x15f: {  	[sflag:s0] =	ssyncadd.tile.s32 @!p0 $0x1;
	_ =	shalt  }
.Lfunc_end2:
_tile_overlayer_lowered:
.L_overlay_start_2:
0x160: {  	(tag) =	ssettag $0x2  }
0x161: {  	s0 =	rddreg [dreg:$0x0];
	s2 =	stileid.u32  }
0x162: {  	s1 =	rddreg [dreg:$0x1];
	p0 =	sne.s32 s2, $0x0  }
0x163: {  	s3 =	rddreg [dreg:$0x2];
	[bflag:$0x3] =	sbarrier.arrive $0xFFFF;
	s2 =	simm.s32 @!p0 $0x1C05  }
0x164: {  	[timem:s3], [sflag:s2] =	dma.local @!p0 [hbm:s0], s1  }
0x165: {  	s0 =	simm.s32 @!p0 $0x5  }
0x166: {  	_ =	swait.ge @!p0 [sflag:s0], s1  }
0x167: {  	s1 =	ssub.s32 @!p0 $0x0, s1;
	[sflag:s0] =	ssyncset.done @!p0 $0x0  }
0x168: {  	[sflag:s0] =	ssyncadd.s32 @!p0 s1  }
0x169: {  	[bflag:$0x3] =	sbarrier.arrive $0xFFFF  }
0x16a: {  	_ =	shalt  }

</sc_bundles>
